<compile_context>
chip_gen: v7x
topology: tpu7x:2x2x1
jax: 0.10.2.dev20260603
libtpu: 0.0.44.dev20260713+nightly
codegen_flags: <defaults>
</compile_context>

<pallas_src>
import functools

import jax
import jax.numpy as jnp
from jax import lax
from jax.experimental import pallas as pl
from jax.experimental.pallas import tpu as pltpu
from jax.experimental.pallas import tpu_sc as plsc

KNN = 20
ROWS = 256
CROWS = 256


def _dist_topk_body(xr_ref, xf_ref, idx_ref, *, n_pts):
  b = pl.program_id(0)
  xr = xr_ref[0]
  xf = xf_ref[0]
  g = lax.dot_general(xr, xf, (((1,), (1,)), ((), ())))
  xxr = jnp.sum(xr * xr, axis=1)
  xxf = jnp.sum(xf * xf, axis=1)
  pd = 2.0 * g - xxr[:, None] - xxf[None, :]
  colid = lax.broadcasted_iota(jnp.int32, pd.shape, 1)
  boff = b * n_pts
  cols = []
  for _ in range(KNN):
    am = jnp.argmax(pd, axis=1).astype(jnp.int32)[:, None]
    cols.append(am + boff)
    pd = jnp.where(colid == am, -jnp.inf, pd)
  idx_ref[...] = jnp.transpose(jnp.concatenate(cols, axis=1))


def _dist_topk(x_nc):
  B, N, C = x_nc.shape
  NB = N // ROWS
  grid = (B, NB)
  return pl.pallas_call(
      functools.partial(_dist_topk_body, n_pts=N),
      grid=grid,
      in_specs=[
          pl.BlockSpec((1, ROWS, C), lambda b, i: (b, i, 0)),
          pl.BlockSpec((1, N, C), lambda b, i: (b, 0, 0)),
      ],
      out_specs=pl.BlockSpec((KNN, ROWS), lambda b, i: (0, b * (N // ROWS) + i)),
      out_shape=jax.ShapeDtypeStruct((KNN, B * N), jnp.int32),
  )(x_nc, x_nc)


def _sc_gather(tab, idx_flat):
  P, C = tab.shape
  M = idx_flat.shape[0]
  NW = 32
  rpw = M // NW
  CR = 256
  nch = rpw // CR
  ng = CR // 128
  mesh = plsc.VectorSubcoreMesh(core_axis_name="c", subcore_axis_name="s")

  @functools.partial(
      pl.kernel,
      out_type=jax.ShapeDtypeStruct((M, C), jnp.float32),
      mesh=mesh,
      scratch_types=[
          pltpu.VMEM((CR,), jnp.int32),
          pltpu.VMEM((CR,), jnp.int32),
          pltpu.VMEM((CR, C), jnp.float32),
          pltpu.VMEM((CR, C), jnp.float32),
          pltpu.SemaphoreType.DMA,
          pltpu.SemaphoreType.DMA,
          pltpu.SemaphoreType.DMA,
      ],
  )
  def sck(tab_hbm, idx_hbm, out_hbm, idx_a, idx_b, rows_a, rows_b,
          gsem, wsem_a, wsem_b):
    wid = lax.axis_index("s") * 2 + lax.axis_index("c")
    idxv = (idx_a, idx_b)
    rowsv = (rows_a, rows_b)
    wsem = (wsem_a, wsem_b)

    def pair_body(p, carry):
      for par in range(2):
        ch = 2 * p + par
        r0 = pl.multiple_of(wid * rpw + ch * CR, CR)

        @pl.when(p > 0)
        def _drain():
          pltpu.make_async_copy(rowsv[par], out_hbm.at[pl.ds(0, CR)],
                                wsem[par]).wait()

        pltpu.sync_copy(idx_hbm.at[pl.ds(r0, CR)], idxv[par])
        copies = [
            pltpu.async_copy(tab_hbm.at[idxv[par].at[pl.ds(j * 128, 128)]],
                             rowsv[par].at[pl.ds(j * 128, 128)], gsem)
            for j in range(ng)
        ]
        for c in copies:
          c.wait()
        cp = pltpu.make_async_copy(rowsv[par], out_hbm.at[pl.ds(r0, CR)],
                                   wsem[par])
        cp.start()
      return carry

    lax.fori_loop(0, nch // 2, pair_body, 0)
    for par in range(2):
      pltpu.make_async_copy(rowsv[par], out_hbm.at[pl.ds(0, CR)],
                            wsem[par]).wait()

  return sck(tab, idx_flat)


def _conv_reduce_body(nbr_ref, x_ref, wt_ref, hmax_ref, s1_ref, s2_ref, *, c_in):
  ctr = x_ref[0]
  rows = ctr.shape[0]
  nba = nbr_ref[...]
  nb = nba.reshape(KNN * rows, nba.shape[2])[:, :c_in]
  ctr_t = jnp.concatenate([ctr] * KNN, axis=0)
  f = jnp.concatenate([nb - ctr_t, ctr_t], axis=1)
  hh = jnp.dot(f, wt_ref[...])
  m = None
  s1 = None
  s2 = None
  for kk in range(KNN):
    hk = hh[kk * rows:(kk + 1) * rows]
    if kk == 0:
      m, s1, s2 = hk, hk, hk * hk
    else:
      m = jnp.maximum(m, hk)
      s1 = s1 + hk
      s2 = s2 + hk * hk
  hmax_ref[0] = m
  s1_ref[0, 0, 0] = jnp.sum(s1, axis=0)
  s2_ref[0, 0, 0] = jnp.sum(s2, axis=0)


def _conv_reduce(nbr3, x_nc, wt):
  B, N, C = x_nc.shape
  Cpad = nbr3.shape[2]
  Cout = wt.shape[1]
  NB = N // CROWS
  grid = (B, NB)
  return pl.pallas_call(
      functools.partial(_conv_reduce_body, c_in=C),
      grid=grid,
      in_specs=[
          pl.BlockSpec((KNN, CROWS, Cpad), lambda b, i: (0, b * (N // CROWS) + i, 0)),
          pl.BlockSpec((1, CROWS, C), lambda b, i: (b, i, 0)),
          pl.BlockSpec((2 * C, Cout), lambda b, i: (0, 0)),
      ],
      out_specs=[
          pl.BlockSpec((1, CROWS, Cout), lambda b, i: (b, i, 0)),
          pl.BlockSpec((1, 1, 1, Cout), lambda b, i: (b, i, 0, 0)),
          pl.BlockSpec((1, 1, 1, Cout), lambda b, i: (b, i, 0, 0)),
      ],
      out_shape=[
          jax.ShapeDtypeStruct((B, N, Cout), jnp.float32),
          jax.ShapeDtypeStruct((B, NB, 1, Cout), jnp.float32),
          jax.ShapeDtypeStruct((B, NB, 1, Cout), jnp.float32),
      ],
  )(nbr3, x_nc, wt)


def _finalize_body(hmax_ref, s1_ref, s2_ref, gam_ref, bet_ref, out_ref,
                   outt_ref, *, groups):
  hmax = hmax_ref[0]
  n, cout = hmax.shape
  s1c = jnp.sum(s1_ref[0, :, 0, :], axis=0)
  s2c = jnp.sum(s2_ref[0, :, 0, :], axis=0)
  h = cout // groups
  m_count = h * n * KNN
  outs = []
  for g in range(groups):
    sl = slice(g * h, (g + 1) * h)
    mean = jnp.sum(s1c[sl]) / m_count
    var = jnp.sum(s2c[sl]) / m_count - mean * mean
    inv = 1.0 / jnp.sqrt(var + 1e-5)
    outs.append((hmax[:, sl] - mean) * (inv * gam_ref[0, sl]) + bet_ref[0, sl])
  xb = jnp.concatenate(outs, axis=1)
  xb = jnp.where(xb >= 0, xb, 0.2 * xb)
  out_ref[0] = xb
  outt_ref[0] = jnp.transpose(xb)


def _finalize(hmax, s1p, s2p, gam, bet, groups):
  B, N, Cout = hmax.shape
  NB = s1p.shape[1]
  pspec = pl.BlockSpec((1, NB, 1, Cout), lambda b: (b, 0, 0, 0))
  gspec = pl.BlockSpec((1, Cout), lambda b: (0, 0))
  return pl.pallas_call(
      functools.partial(_finalize_body, groups=groups),
      grid=(B,),
      in_specs=[
          pl.BlockSpec((1, N, Cout), lambda b: (b, 0, 0)),
          pspec, pspec, gspec, gspec,
      ],
      out_specs=[
          pl.BlockSpec((1, N, Cout), lambda b: (b, 0, 0)),
          pl.BlockSpec((1, Cout, N), lambda b: (b, 0, 0)),
      ],
      out_shape=[
          jax.ShapeDtypeStruct((B, N, Cout), jnp.float32),
          jax.ShapeDtypeStruct((B, Cout, N), jnp.float32),
      ],
  )(hmax, s1p, s2p, gam.reshape(1, Cout), bet.reshape(1, Cout))


def _head_body(xf_ref, wm_ref, bm_ref, gm_ref, gb_ref, out_ref):
  xf = xf_ref[0]
  n = xf.shape[1]
  hh = jnp.dot(wm_ref[...], xf) + bm_ref[0][:, None]
  res = []
  for g in range(8):
    sl = slice(g * 64, (g + 1) * 64)
    hg = hh[sl, :]
    m_count = 64 * n
    mean = jnp.sum(hg) / m_count
    var = jnp.sum(hg * hg) / m_count - mean * mean
    inv = 1.0 / jnp.sqrt(var + 1e-5)
    xm = jnp.max(hg, axis=1)
    xb = (xm - mean) * (inv * gm_ref[0, sl]) + gb_ref[0, sl]
    res.append(jnp.maximum(xb, 0.0))
  out_ref[0, 0] = jnp.concatenate(res, axis=0)


def _head(xf_cn, wm, bm, gm, gb):
  B, Cf, N = xf_cn.shape
  Co = wm.shape[0]
  return pl.pallas_call(
      _head_body,
      grid=(B,),
      in_specs=[
          pl.BlockSpec((1, Cf, N), lambda b: (b, 0, 0)),
          pl.BlockSpec((Co, Cf), lambda b: (0, 0)),
          pl.BlockSpec((1, Co), lambda b: (0, 0)),
          pl.BlockSpec((1, Co), lambda b: (0, 0)),
          pl.BlockSpec((1, Co), lambda b: (0, 0)),
      ],
      out_specs=pl.BlockSpec((1, 1, Co), lambda b: (b, 0, 0)),
      out_shape=jax.ShapeDtypeStruct((B, 1, Co), jnp.float32),
  )(xf_cn, wm, bm.reshape(1, Co), gm.reshape(1, Co),
    gb.reshape(1, Co)).reshape(B, Co)


def _edge_layer(x_nc, W, gam, bet):
  B, N, C = x_nc.shape
  Cout = W.shape[0]
  idx_km = _dist_topk(x_nc).reshape(-1)
  cpad = 128
  tab = jnp.concatenate(
      [x_nc, jnp.zeros((B, N, cpad - C), jnp.float32)], axis=-1)
  nbr = _sc_gather(tab.reshape(B * N, cpad), idx_km)
  nbr3 = nbr.reshape(KNN, B * N, cpad)
  hmax, s1p, s2p = _conv_reduce(nbr3, x_nc, W.T)
  return _finalize(hmax, s1p, s2p, gam, bet, groups=2)


def kernel(x, W1, g1, b1, W2, g2, b2, W3, g3, b3, Wm, bm, gm, gb):
  x_nc = jnp.transpose(x, (0, 2, 1))
  B = x_nc.shape[0]
  hb = B // 2
  xfs = []
  x4s = []
  for x_h in (x_nc[:hb], x_nc[hb:]):
    x1, x1cn = _edge_layer(x_h, W1, g1, b1)
    x2, x2cn = _edge_layer(x1, W2, g2, b2)
    x3, x3cn = _edge_layer(x2, W3, g3, b3)
    xf_cn = jnp.concatenate([x1cn, x2cn, x3cn], axis=1)
    xfs.append(xf_cn)
    x4s.append(_head(xf_cn, Wm, bm, gm, gb))
  x4 = jnp.concatenate(x4s, axis=0)
  x_features = jnp.concatenate(xfs, axis=0)
  return (x4, x_features)

# --- scband reference (transcript-rebuilt; emitter-appended) ---
"""Pipeline reference for scband-dgcnnencoder-gn-10170482557139 (READ-ONLY COPY).

The authoritative reference and input builder live on the scoring server;
editing this copy changes nothing except your own understanding.
"""

import jax, jax.numpy as jnp
import numpy as np

K = 20

def knn(x, k):
    # mimic torch.no_grad() in the original knn
    x = jax.lax.stop_gradient(x)
    inner = -2.0 * jnp.einsum('bcn,bcm->bnm', x, x)
    xx = jnp.sum(x * x, axis=1)
    pd = -xx[:, :, None] - inner - xx[:, None, :]
    # k1 == k2 == k so indices = arange(0, k, 1) selects all topk columns
    return jax.lax.top_k(pd, k)[1]

def get_graph_feature(x, k):
    B, C, N = x.shape
    idx = knn(x, k)  # [B, N, k]
    xt = jnp.transpose(x, (0, 2, 1))  # [B, N, C]
    nbr = jax.vmap(lambda f, i: f[i])(xt, idx)  # [B, N, k, C] gather
    ctr = jnp.broadcast_to(xt[:, :, None, :], (B, N, k, C))
    feat = jnp.concatenate([nbr - ctr, ctr], axis=3)
    return jnp.transpose(feat, (0, 3, 1, 2))  # [B, 2C, N, k]

def group_norm(x, gamma, beta, groups, eps=1e-5):
    shp = x.shape
    B, C = shp[0], shp[1]
    xr = x.reshape(B, groups, -1)
    mean = xr.mean(axis=-1, keepdims=True)
    var = xr.var(axis=-1, keepdims=True)
    xr = (xr - mean) / jnp.sqrt(var + eps)
    x = xr.reshape(shp)
    bshape = (1, C) + (1,) * (len(shp) - 2)
    return x * gamma.reshape(bshape) + beta.reshape(bshape)

def setup_inputs(seed: int = 0):
    key = jax.random.key(seed)
    ks = jax.random.split(key, 8)
    B, Cin, N = 8, 3, 2048
    x = jax.random.normal(ks[0], (B, Cin, N), dtype=jnp.float32)
    W1 = jax.random.normal(ks[1], (64, 2 * Cin), dtype=jnp.float32) * 0.2
    g1 = jnp.ones((64,), jnp.float32); b1 = jnp.zeros((64,), jnp.float32)
    W2 = jax.random.normal(ks[2], (64, 128), dtype=jnp.float32) * 0.1
    g2 = jnp.ones((64,), jnp.float32); b2 = jnp.zeros((64,), jnp.float32)
    W3 = jax.random.normal(ks[3], (128, 128), dtype=jnp.float32) * 0.1
    g3 = jnp.ones((128,), jnp.float32); b3 = jnp.zeros((128,), jnp.float32)
    Wm = jax.random.normal(ks[4], (512, 256), dtype=jnp.float32) * 0.06
    bm = jnp.zeros((512,), jnp.float32)
    gm = jnp.ones((512,), jnp.float32); gb = jnp.zeros((512,), jnp.float32)
    return {'x': x, 'W1': W1, 'g1': g1, 'b1': b1, 'W2': W2, 'g2': g2, 'b2': b2,
            'W3': W3, 'g3': g3, 'b3': b3, 'Wm': Wm, 'bm': bm, 'gm': gm, 'gb': gb}

def reference(x, W1, g1, b1, W2, g2, b2, W3, g3, b3, Wm, bm, gm, gb):
    f = get_graph_feature(x, K)
    h = jnp.einsum('oc,bcnk->bonk', W1, f)
    h = jax.nn.leaky_relu(group_norm(h, g1, b1, 2), 0.2)
    x1 = jnp.max(h, axis=-1)
    f = get_graph_feature(x1, K)
    h = jnp.einsum('oc,bcnk->bonk', W2, f)
    h = jax.nn.leaky_relu(group_norm(h, g2, b2, 2), 0.2)
    x2 = jnp.max(h, axis=-1)
    f = get_graph_feature(x2, K)
    h = jnp.einsum('oc,bcnk->bonk', W3, f)
    h = jax.nn.leaky_relu(group_norm(h, g3, b3, 2), 0.2)
    x3 = jnp.max(h, axis=-1)
    x_features = jnp.concatenate([x1, x2, x3], axis=1)  # [B, 256, N]
    h = jnp.einsum('oc,bcn->bon', Wm, x_features) + bm[None, :, None]
    h = jax.nn.relu(group_norm(h, gm, gb, 8))
    x4 = jnp.max(h, axis=2)  # [B, 512]
    return (x4, x_features)

if __name__ == "__main__":
    import jax
    _d = setup_inputs()
    print(jax.jit(kernel)(*tuple(_d.values())))

</pallas_src>

<mosaic_0001>
#map = affine_map<(d0, d1) -> (0, 0)>
#map1 = affine_map<(d0, d1) -> (0)>
module attributes {stable_mosaic.version = 14 : i64} {
  func.func @sck(%arg0: i32, %arg1: i32, %arg2: memref<8192x128xf32, #tpu.memory_space<hbm>>, %arg3: memref<163840xi32, #tpu.memory_space<hbm>>, %arg4: memref<163840x128xf32, #tpu.memory_space<hbm>>, %arg5: memref<256xi32, #tpu.memory_space<vmem>>, %arg6: memref<256xi32, #tpu.memory_space<vmem>>, %arg7: memref<256x128xf32, #tpu.memory_space<vmem>>, %arg8: memref<256x128xf32, #tpu.memory_space<vmem>>, %arg9: memref<!tpu.dma_semaphore, #tpu.memory_space<semaphore_mem>>, %arg10: memref<!tpu.dma_semaphore, #tpu.memory_space<semaphore_mem>>, %arg11: memref<!tpu.dma_semaphore, #tpu.memory_space<semaphore_mem>>) attributes {dimension_semantics = [#tpu.dimension_semantics<core_parallel>, #tpu.dimension_semantics<subcore_parallel>], iteration_bounds = array<i64: 2, 16>, scalar_prefetch = 0 : i64, scratch_operands = 7 : i64, tpu.core_type = #tpu.core_type<sc_vector_subcore>, window_params = [{transform_indices = #map}, {transform_indices = #map1}, {transform_indices = #map}]} {
    %mul3A = arith.constant 2 : i32
    %mul3A_0 = arith.muli %arg1, %mul3A : i32
    %add3A = arith.addi %mul3A_0, %arg0 : i32
    %scan3A = arith.constant 0 : i32
    %scan3A_1 = arith.constant 0 : i32
    %scan3A_2 = arith.constant 10 : i32
    %scan3A_3 = arith.addi %scan3A_1, %scan3A_2 : i32
    %scan3A_4 = arith.constant 1 : i32
    scf.for %scan3A_17 = %scan3A_1 to %scan3A_3 step %scan3A_4  : i32 {
      %mul3A_18 = arith.constant 2 : i32
      %mul3A_19 = arith.muli %mul3A_18, %scan3A_17 : i32
      %add3A_20 = arith.constant 0 : i32
      %add3A_21 = arith.addi %mul3A_19, %add3A_20 : i32
      %mul3A_22 = arith.constant 5120 : i32
      %mul3A_23 = arith.muli %add3A, %mul3A_22 : i32
      %mul3A_24 = arith.constant 256 : i32
      %mul3A_25 = arith.muli %add3A_21, %mul3A_24 : i32
      %add3A_26 = arith.addi %mul3A_23, %mul3A_25 : i32
      %multiple_of3A = tpu.assume_multiple %add3A_26, 256 : i32
      %gt3A = arith.constant 0 : i32
      %gt3A_27 = arith.cmpi sgt, %scan3A_17, %gt3A : i32
      %convert_element_type3A = arith.extui %gt3A_27 : i1 to i32
      %cond3A = arith.constant 0 : i32
      %cond3A_28 = arith.cmpi ne, %convert_element_type3A, %cond3A : i32
      scf.if %cond3A_28 {
        %dma_wait3A_115 = arith.constant 0 : i32
        %dma_wait3A_116 = arith.constant 0 : i32
        %dma_wait3A_117 = tpu.memref_slice %arg4[%dma_wait3A_115, %dma_wait3A_116] : memref<163840x128xf32, #tpu.memory_space<hbm>> -> memref<256x128xf32, #tpu.memory_space<hbm>>
        %dma_wait3A_118 = arith.constant 0 : i32
        %dma_wait3A_119 = arith.constant 0 : i32
        %dma_wait3A_120 = tpu.memref_slice %arg4[%dma_wait3A_118, %dma_wait3A_119] : memref<163840x128xf32, #tpu.memory_space<hbm>> -> memref<256x128xf32, #tpu.memory_space<hbm>>
        tpu.wait_dma2 semaphore(%arg10 : memref<!tpu.dma_semaphore, #tpu.memory_space<semaphore_mem>>) src(%arg7 : memref<256x128xf32, #tpu.memory_space<vmem>>) dst(%dma_wait3A_120 : memref<256x128xf32, #tpu.memory_space<hbm>>)
      } else {
      }
      "tpu.region"() ({
        %run_scoped3A = tpu.sem_alloc : memref<!tpu.dma_semaphore, #tpu.memory_space<semaphore_mem>>
        %dma_start3A_115 = tpu.memref_slice %arg3[%multiple_of3A] : memref<163840xi32, #tpu.memory_space<hbm>> -> memref<256xi32, #tpu.memory_space<hbm>>
        %dma_start3A_116 = tpu.memref_slice %arg3[%multiple_of3A] : memref<163840xi32, #tpu.memory_space<hbm>> -> memref<256xi32, #tpu.memory_space<hbm>>
        tpu.enqueue_dma source(%dma_start3A_116 : memref<256xi32, #tpu.memory_space<hbm>>) target(%arg5 : memref<256xi32, #tpu.memory_space<vmem>>) target_semaphore(%run_scoped3A : memref<!tpu.dma_semaphore, #tpu.memory_space<semaphore_mem>>)
        %dma_wait3A_117 = tpu.memref_slice %arg3[%multiple_of3A] : memref<163840xi32, #tpu.memory_space<hbm>> -> memref<256xi32, #tpu.memory_space<hbm>>
        %dma_wait3A_118 = tpu.memref_slice %arg3[%multiple_of3A] : memref<163840xi32, #tpu.memory_space<hbm>> -> memref<256xi32, #tpu.memory_space<hbm>>
        tpu.wait_dma2 semaphore(%run_scoped3A : memref<!tpu.dma_semaphore, #tpu.memory_space<semaphore_mem>>) src(%dma_wait3A_118 : memref<256xi32, #tpu.memory_space<hbm>>) dst(%arg5 : memref<256xi32, #tpu.memory_space<vmem>>)
        tpu.yield
      }) : () -> ()
      %dma_start3A = arith.constant 0 : i32
      %dma_start3A_29 = arith.constant 0 : i32
      %dma_start3A_30 = tpu.memref_slice %arg7[%dma_start3A, %dma_start3A_29] : memref<256x128xf32, #tpu.memory_space<vmem>> -> memref<128x128xf32, #tpu.memory_space<vmem>>
      %dma_start3A_31 = arith.constant 0 : i32
      %dma_start3A_32 = tpu.memref_slice %arg5[%dma_start3A_31] : memref<256xi32, #tpu.memory_space<vmem>> -> memref<128xi32, #tpu.memory_space<vmem>>
      %dma_start3A_33 = arith.constant 0 : i32
      %dma_start3A_34 = arith.constant 0 : i32
      %dma_start3A_35 = tpu.memref_slice %arg2[%dma_start3A_33, %dma_start3A_34] : memref<8192x128xf32, #tpu.memory_space<hbm>> -> memref<8192x128xf32, #tpu.memory_space<hbm>>
      tpu.enqueue_indirect_dma source(%dma_start3A_35 : memref<8192x128xf32, #tpu.memory_space<hbm>>) target(%dma_start3A_30 : memref<128x128xf32, #tpu.memory_space<vmem>>) offsets(%dma_start3A_32 : memref<128xi32, #tpu.memory_space<vmem>>) semaphore(%arg9 : memref<!tpu.dma_semaphore, #tpu.memory_space<semaphore_mem>>)
      %dma_start3A_36 = arith.constant 128 : i32
      %dma_start3A_37 = arith.constant 0 : i32
      %dma_start3A_38 = tpu.memref_slice %arg7[%dma_start3A_36, %dma_start3A_37] : memref<256x128xf32, #tpu.memory_space<vmem>> -> memref<128x128xf32, #tpu.memory_space<vmem>>
      %dma_start3A_39 = arith.constant 128 : i32
      %dma_start3A_40 = tpu.memref_slice %arg5[%dma_start3A_39] : memref<256xi32, #tpu.memory_space<vmem>> -> memref<128xi32, #tpu.memory_space<vmem>>
      %dma_start3A_41 = arith.constant 0 : i32
      %dma_start3A_42 = arith.constant 0 : i32
      %dma_start3A_43 = tpu.memref_slice %arg2[%dma_start3A_41, %dma_start3A_42] : memref<8192x128xf32, #tpu.memory_space<hbm>> -> memref<8192x128xf32, #tpu.memory_space<hbm>>
      tpu.enqueue_indirect_dma source(%dma_start3A_43 : memref<8192x128xf32, #tpu.memory_space<hbm>>) target(%dma_start3A_38 : memref<128x128xf32, #tpu.memory_space<vmem>>) offsets(%dma_start3A_40 : memref<128xi32, #tpu.memory_space<vmem>>) semaphore(%arg9 : memref<!tpu.dma_semaphore, #tpu.memory_space<semaphore_mem>>)
      %dma_wait3A_44 = arith.constant 0 : i32
      %dma_wait3A_45 = arith.constant 0 : i32
      %dma_wait3A_46 = tpu.memref_slice %arg7[%dma_wait3A_44, %dma_wait3A_45] : memref<256x128xf32, #tpu.memory_space<vmem>> -> memref<128x128xf32, #tpu.memory_space<vmem>>
      %dma_wait3A_47 = arith.constant 0 : i32
      %dma_wait3A_48 = tpu.memref_slice %arg5[%dma_wait3A_47] : memref<256xi32, #tpu.memory_space<vmem>> -> memref<128xi32, #tpu.memory_space<vmem>>
      %dma_wait3A_49 = arith.constant 0 : i32
      %dma_wait3A_50 = arith.constant 0 : i32
      %dma_wait3A_51 = tpu.memref_slice %arg2[%dma_wait3A_49, %dma_wait3A_50] : memref<8192x128xf32, #tpu.memory_space<hbm>> -> memref<8192x128xf32, #tpu.memory_space<hbm>>
      tpu.wait_indirect_dma semaphore(%arg9 : memref<!tpu.dma_semaphore, #tpu.memory_space<semaphore_mem>>) src(%dma_wait3A_51 : memref<8192x128xf32, #tpu.memory_space<hbm>>) dst(%dma_wait3A_46 : memref<128x128xf32, #tpu.memory_space<vmem>>)
      %dma_wait3A_52 = arith.constant 128 : i32
      %dma_wait3A_53 = arith.constant 0 : i32
      %dma_wait3A_54 = tpu.memref_slice %arg7[%dma_wait3A_52, %dma_wait3A_53] : memref<256x128xf32, #tpu.memory_space<vmem>> -> memref<128x128xf32, #tpu.memory_space<vmem>>
      %dma_wait3A_55 = arith.constant 128 : i32
      %dma_wait3A_56 = tpu.memref_slice %arg5[%dma_wait3A_55] : memref<256xi32, #tpu.memory_space<vmem>> -> memref<128xi32, #tpu.memory_space<vmem>>
      %dma_wait3A_57 = arith.constant 0 : i32
      %dma_wait3A_58 = arith.constant 0 : i32
      %dma_wait3A_59 = tpu.memref_slice %arg2[%dma_wait3A_57, %dma_wait3A_58] : memref<8192x128xf32, #tpu.memory_space<hbm>> -> memref<8192x128xf32, #tpu.memory_space<hbm>>
      tpu.wait_indirect_dma semaphore(%arg9 : memref<!tpu.dma_semaphore, #tpu.memory_space<semaphore_mem>>) src(%dma_wait3A_59 : memref<8192x128xf32, #tpu.memory_space<hbm>>) dst(%dma_wait3A_54 : memref<128x128xf32, #tpu.memory_space<vmem>>)
      %dma_start3A_60 = arith.constant 0 : i32
      %dma_start3A_61 = tpu.memref_slice %arg4[%multiple_of3A, %dma_start3A_60] : memref<163840x128xf32, #tpu.memory_space<hbm>> -> memref<256x128xf32, #tpu.memory_space<hbm>>
      %dma_start3A_62 = arith.constant 0 : i32
      %dma_start3A_63 = tpu.memref_slice %arg4[%multiple_of3A, %dma_start3A_62] : memref<163840x128xf32, #tpu.memory_space<hbm>> -> memref<256x128xf32, #tpu.memory_space<hbm>>
      tpu.enqueue_dma source(%arg7 : memref<256x128xf32, #tpu.memory_space<vmem>>) target(%dma_start3A_63 : memref<256x128xf32, #tpu.memory_space<hbm>>) target_semaphore(%arg10 : memref<!tpu.dma_semaphore, #tpu.memory_space<semaphore_mem>>)
      %mul3A_64 = arith.constant 2 : i32
      %mul3A_65 = arith.muli %mul3A_64, %scan3A_17 : i32
      %add3A_66 = arith.constant 1 : i32
      %add3A_67 = arith.addi %mul3A_65, %add3A_66 : i32
      %mul3A_68 = arith.constant 5120 : i32
      %mul3A_69 = arith.muli %add3A, %mul3A_68 : i32
      %mul3A_70 = arith.constant 256 : i32
      %mul3A_71 = arith.muli %add3A_67, %mul3A_70 : i32
      %add3A_72 = arith.addi %mul3A_69, %mul3A_71 : i32
      %multiple_of3A_73 = tpu.assume_multiple %add3A_72, 256 : i32
      %gt3A_74 = arith.constant 0 : i32
      %gt3A_75 = arith.cmpi sgt, %scan3A_17, %gt3A_74 : i32
      %convert_element_type3A_76 = arith.extui %gt3A_75 : i1 to i32
      %cond3A_77 = arith.constant 0 : i32
      %cond3A_78 = arith.cmpi ne, %convert_element_type3A_76, %cond3A_77 : i32
      scf.if %cond3A_78 {
        %dma_wait3A_115 = arith.constant 0 : i32
        %dma_wait3A_116 = arith.constant 0 : i32
        %dma_wait3A_117 = tpu.memref_slice %arg4[%dma_wait3A_115, %dma_wait3A_116] : memref<163840x128xf32, #tpu.memory_space<hbm>> -> memref<256x128xf32, #tpu.memory_space<hbm>>
        %dma_wait3A_118 = arith.constant 0 : i32
        %dma_wait3A_119 = arith.constant 0 : i32
        %dma_wait3A_120 = tpu.memref_slice %arg4[%dma_wait3A_118, %dma_wait3A_119] : memref<163840x128xf32, #tpu.memory_space<hbm>> -> memref<256x128xf32, #tpu.memory_space<hbm>>
        tpu.wait_dma2 semaphore(%arg11 : memref<!tpu.dma_semaphore, #tpu.memory_space<semaphore_mem>>) src(%arg8 : memref<256x128xf32, #tpu.memory_space<vmem>>) dst(%dma_wait3A_120 : memref<256x128xf32, #tpu.memory_space<hbm>>)
      } else {
      }
      "tpu.region"() ({
        %run_scoped3A = tpu.sem_alloc : memref<!tpu.dma_semaphore, #tpu.memory_space<semaphore_mem>>
        %dma_start3A_115 = tpu.memref_slice %arg3[%multiple_of3A_73] : memref<163840xi32, #tpu.memory_space<hbm>> -> memref<256xi32, #tpu.memory_space<hbm>>
        %dma_start3A_116 = tpu.memref_slice %arg3[%multiple_of3A_73] : memref<163840xi32, #tpu.memory_space<hbm>> -> memref<256xi32, #tpu.memory_space<hbm>>
        tpu.enqueue_dma source(%dma_start3A_116 : memref<256xi32, #tpu.memory_space<hbm>>) target(%arg6 : memref<256xi32, #tpu.memory_space<vmem>>) target_semaphore(%run_scoped3A : memref<!tpu.dma_semaphore, #tpu.memory_space<semaphore_mem>>)
        %dma_wait3A_117 = tpu.memref_slice %arg3[%multiple_of3A_73] : memref<163840xi32, #tpu.memory_space<hbm>> -> memref<256xi32, #tpu.memory_space<hbm>>
        %dma_wait3A_118 = tpu.memref_slice %arg3[%multiple_of3A_73] : memref<163840xi32, #tpu.memory_space<hbm>> -> memref<256xi32, #tpu.memory_space<hbm>>
        tpu.wait_dma2 semaphore(%run_scoped3A : memref<!tpu.dma_semaphore, #tpu.memory_space<semaphore_mem>>) src(%dma_wait3A_118 : memref<256xi32, #tpu.memory_space<hbm>>) dst(%arg6 : memref<256xi32, #tpu.memory_space<vmem>>)
        tpu.yield
      }) : () -> ()
      %dma_start3A_79 = arith.constant 0 : i32
      %dma_start3A_80 = arith.constant 0 : i32
      %dma_start3A_81 = tpu.memref_slice %arg8[%dma_start3A_79, %dma_start3A_80] : memref<256x128xf32, #tpu.memory_space<vmem>> -> memref<128x128xf32, #tpu.memory_space<vmem>>
      %dma_start3A_82 = arith.constant 0 : i32
      %dma_start3A_83 = tpu.memref_slice %arg6[%dma_start3A_82] : memref<256xi32, #tpu.memory_space<vmem>> -> memref<128xi32, #tpu.memory_space<vmem>>
      %dma_start3A_84 = arith.constant 0 : i32
      %dma_start3A_85 = arith.constant 0 : i32
      %dma_start3A_86 = tpu.memref_slice %arg2[%dma_start3A_84, %dma_start3A_85] : memref<8192x128xf32, #tpu.memory_space<hbm>> -> memref<8192x128xf32, #tpu.memory_space<hbm>>
      tpu.enqueue_indirect_dma source(%dma_start3A_86 : memref<8192x128xf32, #tpu.memory_space<hbm>>) target(%dma_start3A_81 : memref<128x128xf32, #tpu.memory_space<vmem>>) offsets(%dma_start3A_83 : memref<128xi32, #tpu.memory_space<vmem>>) semaphore(%arg9 : memref<!tpu.dma_semaphore, #tpu.memory_space<semaphore_mem>>)
      %dma_start3A_87 = arith.constant 128 : i32
      %dma_start3A_88 = arith.constant 0 : i32
      %dma_start3A_89 = tpu.memref_slice %arg8[%dma_start3A_87, %dma_start3A_88] : memref<256x128xf32, #tpu.memory_space<vmem>> -> memref<128x128xf32, #tpu.memory_space<vmem>>
      %dma_start3A_90 = arith.constant 128 : i32
      %dma_start3A_91 = tpu.memref_slice %arg6[%dma_start3A_90] : memref<256xi32, #tpu.memory_space<vmem>> -> memref<128xi32, #tpu.memory_space<vmem>>
      %dma_start3A_92 = arith.constant 0 : i32
      %dma_start3A_93 = arith.constant 0 : i32
      %dma_start3A_94 = tpu.memref_slice %arg2[%dma_start3A_92, %dma_start3A_93] : memref<8192x128xf32, #tpu.memory_space<hbm>> -> memref<8192x128xf32, #tpu.memory_space<hbm>>
      tpu.enqueue_indirect_dma source(%dma_start3A_94 : memref<8192x128xf32, #tpu.memory_space<hbm>>) target(%dma_start3A_89 : memref<128x128xf32, #tpu.memory_space<vmem>>) offsets(%dma_start3A_91 : memref<128xi32, #tpu.memory_space<vmem>>) semaphore(%arg9 : memref<!tpu.dma_semaphore, #tpu.memory_space<semaphore_mem>>)
      %dma_wait3A_95 = arith.constant 0 : i32
      %dma_wait3A_96 = arith.constant 0 : i32
      %dma_wait3A_97 = tpu.memref_slice %arg8[%dma_wait3A_95, %dma_wait3A_96] : memref<256x128xf32, #tpu.memory_space<vmem>> -> memref<128x128xf32, #tpu.memory_space<vmem>>
      %dma_wait3A_98 = arith.constant 0 : i32
      %dma_wait3A_99 = tpu.memref_slice %arg6[%dma_wait3A_98] : memref<256xi32, #tpu.memory_space<vmem>> -> memref<128xi32, #tpu.memory_space<vmem>>
      %dma_wait3A_100 = arith.constant 0 : i32
      %dma_wait3A_101 = arith.constant 0 : i32
      %dma_wait3A_102 = tpu.memref_slice %arg2[%dma_wait3A_100, %dma_wait3A_101] : memref<8192x128xf32, #tpu.memory_space<hbm>> -> memref<8192x128xf32, #tpu.memory_space<hbm>>
      tpu.wait_indirect_dma semaphore(%arg9 : memref<!tpu.dma_semaphore, #tpu.memory_space<semaphore_mem>>) src(%dma_wait3A_102 : memref<8192x128xf32, #tpu.memory_space<hbm>>) dst(%dma_wait3A_97 : memref<128x128xf32, #tpu.memory_space<vmem>>)
      %dma_wait3A_103 = arith.constant 128 : i32
      %dma_wait3A_104 = arith.constant 0 : i32
      %dma_wait3A_105 = tpu.memref_slice %arg8[%dma_wait3A_103, %dma_wait3A_104] : memref<256x128xf32, #tpu.memory_space<vmem>> -> memref<128x128xf32, #tpu.memory_space<vmem>>
      %dma_wait3A_106 = arith.constant 128 : i32
      %dma_wait3A_107 = tpu.memref_slice %arg6[%dma_wait3A_106] : memref<256xi32, #tpu.memory_space<vmem>> -> memref<128xi32, #tpu.memory_space<vmem>>
      %dma_wait3A_108 = arith.constant 0 : i32
      %dma_wait3A_109 = arith.constant 0 : i32
      %dma_wait3A_110 = tpu.memref_slice %arg2[%dma_wait3A_108, %dma_wait3A_109] : memref<8192x128xf32, #tpu.memory_space<hbm>> -> memref<8192x128xf32, #tpu.memory_space<hbm>>
      tpu.wait_indirect_dma semaphore(%arg9 : memref<!tpu.dma_semaphore, #tpu.memory_space<semaphore_mem>>) src(%dma_wait3A_110 : memref<8192x128xf32, #tpu.memory_space<hbm>>) dst(%dma_wait3A_105 : memref<128x128xf32, #tpu.memory_space<vmem>>)
      %dma_start3A_111 = arith.constant 0 : i32
      %dma_start3A_112 = tpu.memref_slice %arg4[%multiple_of3A_73, %dma_start3A_111] : memref<163840x128xf32, #tpu.memory_space<hbm>> -> memref<256x128xf32, #tpu.memory_space<hbm>>
      %dma_start3A_113 = arith.constant 0 : i32
      %dma_start3A_114 = tpu.memref_slice %arg4[%multiple_of3A_73, %dma_start3A_113] : memref<163840x128xf32, #tpu.memory_space<hbm>> -> memref<256x128xf32, #tpu.memory_space<hbm>>
      tpu.enqueue_dma source(%arg8 : memref<256x128xf32, #tpu.memory_space<vmem>>) target(%dma_start3A_114 : memref<256x128xf32, #tpu.memory_space<hbm>>) target_semaphore(%arg11 : memref<!tpu.dma_semaphore, #tpu.memory_space<semaphore_mem>>)
    }
    %scan3A_5 = arith.constant 10 : i32
    %dma_wait3A = arith.constant 0 : i32
    %dma_wait3A_6 = arith.constant 0 : i32
    %dma_wait3A_7 = tpu.memref_slice %arg4[%dma_wait3A, %dma_wait3A_6] : memref<163840x128xf32, #tpu.memory_space<hbm>> -> memref<256x128xf32, #tpu.memory_space<hbm>>
    %dma_wait3A_8 = arith.constant 0 : i32
    %dma_wait3A_9 = arith.constant 0 : i32
    %dma_wait3A_10 = tpu.memref_slice %arg4[%dma_wait3A_8, %dma_wait3A_9] : memref<163840x128xf32, #tpu.memory_space<hbm>> -> memref<256x128xf32, #tpu.memory_space<hbm>>
    tpu.wait_dma2 semaphore(%arg10 : memref<!tpu.dma_semaphore, #tpu.memory_space<semaphore_mem>>) src(%arg7 : memref<256x128xf32, #tpu.memory_space<vmem>>) dst(%dma_wait3A_10 : memref<256x128xf32, #tpu.memory_space<hbm>>)
    %dma_wait3A_11 = arith.constant 0 : i32
    %dma_wait3A_12 = arith.constant 0 : i32
    %dma_wait3A_13 = tpu.memref_slice %arg4[%dma_wait3A_11, %dma_wait3A_12] : memref<163840x128xf32, #tpu.memory_space<hbm>> -> memref<256x128xf32, #tpu.memory_space<hbm>>
    %dma_wait3A_14 = arith.constant 0 : i32
    %dma_wait3A_15 = arith.constant 0 : i32
    %dma_wait3A_16 = tpu.memref_slice %arg4[%dma_wait3A_14, %dma_wait3A_15] : memref<163840x128xf32, #tpu.memory_space<hbm>> -> memref<256x128xf32, #tpu.memory_space<hbm>>
    tpu.wait_dma2 semaphore(%arg11 : memref<!tpu.dma_semaphore, #tpu.memory_space<semaphore_mem>>) src(%arg8 : memref<256x128xf32, #tpu.memory_space<vmem>>) dst(%dma_wait3A_16 : memref<256x128xf32, #tpu.memory_space<hbm>>)
    return
  }
}

#map = affine_map<(d0, d1) -> (0, 0)>
#map1 = affine_map<(d0, d1) -> (0)>
module attributes {stable_mosaic.version = 14 : i64} {
  func.func @sck(%arg0: i32, %arg1: i32, %arg2: memref<8192x128xf32, #tpu.memory_space<hbm>>, %arg3: memref<163840xi32, #tpu.memory_space<hbm>>, %arg4: memref<163840x128xf32, #tpu.memory_space<hbm>>, %arg5: memref<256xi32, #tpu.memory_space<vmem>>, %arg6: memref<256xi32, #tpu.memory_space<vmem>>, %arg7: memref<256x128xf32, #tpu.memory_space<vmem>>, %arg8: memref<256x128xf32, #tpu.memory_space<vmem>>, %arg9: memref<!tpu.dma_semaphore, #tpu.memory_space<semaphore_mem>>, %arg10: memref<!tpu.dma_semaphore, #tpu.memory_space<semaphore_mem>>, %arg11: memref<!tpu.dma_semaphore, #tpu.memory_space<semaphore_mem>>) attributes {dimension_semantics = [#tpu.dimension_semantics<core_parallel>, #tpu.dimension_semantics<subcore_parallel>], iteration_bounds = array<i64: 2, 16>, scalar_prefetch = 0 : i64, scratch_operands = 7 : i64, tpu.core_type = #tpu.core_type<sc_vector_subcore>, window_params = [{transform_indices = #map}, {transform_indices = #map1}, {transform_indices = #map}]} {
    %mul3A = arith.constant 2 : i32
    %mul3A_0 = arith.muli %arg1, %mul3A : i32
    %add3A = arith.addi %mul3A_0, %arg0 : i32
    %scan3A = arith.constant 0 : i32
    %scan3A_1 = arith.constant 0 : i32
    %scan3A_2 = arith.constant 10 : i32
    %scan3A_3 = arith.addi %scan3A_1, %scan3A_2 : i32
    %scan3A_4 = arith.constant 1 : i32
    scf.for %scan3A_17 = %scan3A_1 to %scan3A_3 step %scan3A_4  : i32 {
      %mul3A_18 = arith.constant 2 : i32
      %mul3A_19 = arith.muli %mul3A_18, %scan3A_17 : i32
      %add3A_20 = arith.constant 0 : i32
      %add3A_21 = arith.addi %mul3A_19, %add3A_20 : i32
      %mul3A_22 = arith.constant 5120 : i32
      %mul3A_23 = arith.muli %add3A, %mul3A_22 : i32
      %mul3A_24 = arith.constant 256 : i32
      %mul3A_25 = arith.muli %add3A_21, %mul3A_24 : i32
      %add3A_26 = arith.addi %mul3A_23, %mul3A_25 : i32
      %multiple_of3A = tpu.assume_multiple %add3A_26, 256 : i32
      %gt3A = arith.constant 0 : i32
      %gt3A_27 = arith.cmpi sgt, %scan3A_17, %gt3A : i32
      %convert_element_type3A = arith.extui %gt3A_27 : i1 to i32
      %cond3A = arith.constant 0 : i32
      %cond3A_28 = arith.cmpi ne, %convert_element_type3A, %cond3A : i32
      scf.if %cond3A_28 {
        %dma_wait3A_115 = arith.constant 0 : i32
        %dma_wait3A_116 = arith.constant 0 : i32
        %dma_wait3A_117 = tpu.memref_slice %arg4[%dma_wait3A_115, %dma_wait3A_116] : memref<163840x128xf32, #tpu.memory_space<hbm>> -> memref<256x128xf32, #tpu.memory_space<hbm>>
        %dma_wait3A_118 = arith.constant 0 : i32
        %dma_wait3A_119 = arith.constant 0 : i32
        %dma_wait3A_120 = tpu.memref_slice %arg4[%dma_wait3A_118, %dma_wait3A_119] : memref<163840x128xf32, #tpu.memory_space<hbm>> -> memref<256x128xf32, #tpu.memory_space<hbm>>
        tpu.wait_dma2 semaphore(%arg10 : memref<!tpu.dma_semaphore, #tpu.memory_space<semaphore_mem>>) src(%arg7 : memref<256x128xf32, #tpu.memory_space<vmem>>) dst(%dma_wait3A_120 : memref<256x128xf32, #tpu.memory_space<hbm>>)
      } else {
      }
      "tpu.region"() ({
        %run_scoped3A = tpu.sem_alloc : memref<!tpu.dma_semaphore, #tpu.memory_space<semaphore_mem>>
        %dma_start3A_115 = tpu.memref_slice %arg3[%multiple_of3A] : memref<163840xi32, #tpu.memory_space<hbm>> -> memref<256xi32, #tpu.memory_space<hbm>>
        %dma_start3A_116 = tpu.memref_slice %arg3[%multiple_of3A] : memref<163840xi32, #tpu.memory_space<hbm>> -> memref<256xi32, #tpu.memory_space<hbm>>
        tpu.enqueue_dma source(%dma_start3A_116 : memref<256xi32, #tpu.memory_space<hbm>>) target(%arg5 : memref<256xi32, #tpu.memory_space<vmem>>) target_semaphore(%run_scoped3A : memref<!tpu.dma_semaphore, #tpu.memory_space<semaphore_mem>>)
        %dma_wait3A_117 = tpu.memref_slice %arg3[%multiple_of3A] : memref<163840xi32, #tpu.memory_space<hbm>> -> memref<256xi32, #tpu.memory_space<hbm>>
        %dma_wait3A_118 = tpu.memref_slice %arg3[%multiple_of3A] : memref<163840xi32, #tpu.memory_space<hbm>> -> memref<256xi32, #tpu.memory_space<hbm>>
        tpu.wait_dma2 semaphore(%run_scoped3A : memref<!tpu.dma_semaphore, #tpu.memory_space<semaphore_mem>>) src(%dma_wait3A_118 : memref<256xi32, #tpu.memory_space<hbm>>) dst(%arg5 : memref<256xi32, #tpu.memory_space<vmem>>)
        tpu.yield
      }) : () -> ()
      %dma_start3A = arith.constant 0 : i32
      %dma_start3A_29 = arith.constant 0 : i32
      %dma_start3A_30 = tpu.memref_slice %arg7[%dma_start3A, %dma_start3A_29] : memref<256x128xf32, #tpu.memory_space<vmem>> -> memref<128x128xf32, #tpu.memory_space<vmem>>
      %dma_start3A_31 = arith.constant 0 : i32
      %dma_start3A_32 = tpu.memref_slice %arg5[%dma_start3A_31] : memref<256xi32, #tpu.memory_space<vmem>> -> memref<128xi32, #tpu.memory_space<vmem>>
      %dma_start3A_33 = arith.constant 0 : i32
      %dma_start3A_34 = arith.constant 0 : i32
      %dma_start3A_35 = tpu.memref_slice %arg2[%dma_start3A_33, %dma_start3A_34] : memref<8192x128xf32, #tpu.memory_space<hbm>> -> memref<8192x128xf32, #tpu.memory_space<hbm>>
      tpu.enqueue_indirect_dma source(%dma_start3A_35 : memref<8192x128xf32, #tpu.memory_space<hbm>>) target(%dma_start3A_30 : memref<128x128xf32, #tpu.memory_space<vmem>>) offsets(%dma_start3A_32 : memref<128xi32, #tpu.memory_space<vmem>>) semaphore(%arg9 : memref<!tpu.dma_semaphore, #tpu.memory_space<semaphore_mem>>)
      %dma_start3A_36 = arith.constant 128 : i32
      %dma_start3A_37 = arith.constant 0 : i32
      %dma_start3A_38 = tpu.memref_slice %arg7[%dma_start3A_36, %dma_start3A_37] : memref<256x128xf32, #tpu.memory_space<vmem>> -> memref<128x128xf32, #tpu.memory_space<vmem>>
      %dma_start3A_39 = arith.constant 128 : i32
      %dma_start3A_40 = tpu.memref_slice %arg5[%dma_start3A_39] : memref<256xi32, #tpu.memory_space<vmem>> -> memref<128xi32, #tpu.memory_space<vmem>>
      %dma_start3A_41 = arith.constant 0 : i32
      %dma_start3A_42 = arith.constant 0 : i32
      %dma_start3A_43 = tpu.memref_slice %arg2[%dma_start3A_41, %dma_start3A_42] : memref<8192x128xf32, #tpu.memory_space<hbm>> -> memref<8192x128xf32, #tpu.memory_space<hbm>>
      tpu.enqueue_indirect_dma source(%dma_start3A_43 : memref<8192x128xf32, #tpu.memory_space<hbm>>) target(%dma_start3A_38 : memref<128x128xf32, #tpu.memory_space<vmem>>) offsets(%dma_start3A_40 : memref<128xi32, #tpu.memory_space<vmem>>) semaphore(%arg9 : memref<!tpu.dma_semaphore, #tpu.memory_space<semaphore_mem>>)
      %dma_wait3A_44 = arith.constant 0 : i32
      %dma_wait3A_45 = arith.constant 0 : i32
      %dma_wait3A_46 = tpu.memref_slice %arg7[%dma_wait3A_44, %dma_wait3A_45] : memref<256x128xf32, #tpu.memory_space<vmem>> -> memref<128x128xf32, #tpu.memory_space<vmem>>
      %dma_wait3A_47 = arith.constant 0 : i32
      %dma_wait3A_48 = tpu.memref_slice %arg5[%dma_wait3A_47] : memref<256xi32, #tpu.memory_space<vmem>> -> memref<128xi32, #tpu.memory_space<vmem>>
      %dma_wait3A_49 = arith.constant 0 : i32
      %dma_wait3A_50 = arith.constant 0 : i32
      %dma_wait3A_51 = tpu.memref_slice %arg2[%dma_wait3A_49, %dma_wait3A_50] : memref<8192x128xf32, #tpu.memory_space<hbm>> -> memref<8192x128xf32, #tpu.memory_space<hbm>>
      tpu.wait_indirect_dma semaphore(%arg9 : memref<!tpu.dma_semaphore, #tpu.memory_space<semaphore_mem>>) src(%dma_wait3A_51 : memref<8192x128xf32, #tpu.memory_space<hbm>>) dst(%dma_wait3A_46 : memref<128x128xf32, #tpu.memory_space<vmem>>)
      %dma_wait3A_52 = arith.constant 128 : i32
      %dma_wait3A_53 = arith.constant 0 : i32
      %dma_wait3A_54 = tpu.memref_slice %arg7[%dma_wait3A_52, %dma_wait3A_53] : memref<256x128xf32, #tpu.memory_space<vmem>> -> memref<128x128xf32, #tpu.memory_space<vmem>>
      %dma_wait3A_55 = arith.constant 128 : i32
      %dma_wait3A_56 = tpu.memref_slice %arg5[%dma_wait3A_55] : memref<256xi32, #tpu.memory_space<vmem>> -> memref<128xi32, #tpu.memory_space<vmem>>
      %dma_wait3A_57 = arith.constant 0 : i32
      %dma_wait3A_58 = arith.constant 0 : i32
      %dma_wait3A_59 = tpu.memref_slice %arg2[%dma_wait3A_57, %dma_wait3A_58] : memref<8192x128xf32, #tpu.memory_space<hbm>> -> memref<8192x128xf32, #tpu.memory_space<hbm>>
      tpu.wait_indirect_dma semaphore(%arg9 : memref<!tpu.dma_semaphore, #tpu.memory_space<semaphore_mem>>) src(%dma_wait3A_59 : memref<8192x128xf32, #tpu.memory_space<hbm>>) dst(%dma_wait3A_54 : memref<128x128xf32, #tpu.memory_space<vmem>>)
      %dma_start3A_60 = arith.constant 0 : i32
      %dma_start3A_61 = tpu.memref_slice %arg4[%multiple_of3A, %dma_start3A_60] : memref<163840x128xf32, #tpu.memory_space<hbm>> -> memref<256x128xf32, #tpu.memory_space<hbm>>
      %dma_start3A_62 = arith.constant 0 : i32
      %dma_start3A_63 = tpu.memref_slice %arg4[%multiple_of3A, %dma_start3A_62] : memref<163840x128xf32, #tpu.memory_space<hbm>> -> memref<256x128xf32, #tpu.memory_space<hbm>>
      tpu.enqueue_dma source(%arg7 : memref<256x128xf32, #tpu.memory_space<vmem>>) target(%dma_start3A_63 : memref<256x128xf32, #tpu.memory_space<hbm>>) target_semaphore(%arg10 : memref<!tpu.dma_semaphore, #tpu.memory_space<semaphore_mem>>)
      %mul3A_64 = arith.constant 2 : i32
      %mul3A_65 = arith.muli %mul3A_64, %scan3A_17 : i32
      %add3A_66 = arith.constant 1 : i32
      %add3A_67 = arith.addi %mul3A_65, %add3A_66 : i32
      %mul3A_68 = arith.constant 5120 : i32
      %mul3A_69 = arith.muli %add3A, %mul3A_68 : i32
      %mul3A_70 = arith.constant 256 : i32
      %mul3A_71 = arith.muli %add3A_67, %mul3A_70 : i32
      %add3A_72 = arith.addi %mul3A_69, %mul3A_71 : i32
      %multiple_of3A_73 = tpu.assume_multiple %add3A_72, 256 : i32
      %gt3A_74 = arith.constant 0 : i32
      %gt3A_75 = arith.cmpi sgt, %scan3A_17, %gt3A_74 : i32
      %convert_element_type3A_76 = arith.extui %gt3A_75 : i1 to i32
      %cond3A_77 = arith.constant 0 : i32
      %cond3A_78 = arith.cmpi ne, %convert_element_type3A_76, %cond3A_77 : i32
      scf.if %cond3A_78 {
        %dma_wait3A_115 = arith.constant 0 : i32
        %dma_wait3A_116 = arith.constant 0 : i32
        %dma_wait3A_117 = tpu.memref_slice %arg4[%dma_wait3A_115, %dma_wait3A_116] : memref<163840x128xf32, #tpu.memory_space<hbm>> -> memref<256x128xf32, #tpu.memory_space<hbm>>
        %dma_wait3A_118 = arith.constant 0 : i32
        %dma_wait3A_119 = arith.constant 0 : i32
        %dma_wait3A_120 = tpu.memref_slice %arg4[%dma_wait3A_118, %dma_wait3A_119] : memref<163840x128xf32, #tpu.memory_space<hbm>> -> memref<256x128xf32, #tpu.memory_space<hbm>>
        tpu.wait_dma2 semaphore(%arg11 : memref<!tpu.dma_semaphore, #tpu.memory_space<semaphore_mem>>) src(%arg8 : memref<256x128xf32, #tpu.memory_space<vmem>>) dst(%dma_wait3A_120 : memref<256x128xf32, #tpu.memory_space<hbm>>)
      } else {
      }
      "tpu.region"() ({
        %run_scoped3A = tpu.sem_alloc : memref<!tpu.dma_semaphore, #tpu.memory_space<semaphore_mem>>
        %dma_start3A_115 = tpu.memref_slice %arg3[%multiple_of3A_73] : memref<163840xi32, #tpu.memory_space<hbm>> -> memref<256xi32, #tpu.memory_space<hbm>>
        %dma_start3A_116 = tpu.memref_slice %arg3[%multiple_of3A_73] : memref<163840xi32, #tpu.memory_space<hbm>> -> memref<256xi32, #tpu.memory_space<hbm>>
        tpu.enqueue_dma source(%dma_start3A_116 : memref<256xi32, #tpu.memory_space<hbm>>) target(%arg6 : memref<256xi32, #tpu.memory_space<vmem>>) target_semaphore(%run_scoped3A : memref<!tpu.dma_semaphore, #tpu.memory_space<semaphore_mem>>)
        %dma_wait3A_117 = tpu.memref_slice %arg3[%multiple_of3A_73] : memref<163840xi32, #tpu.memory_space<hbm>> -> memref<256xi32, #tpu.memory_space<hbm>>
        %dma_wait3A_118 = tpu.memref_slice %arg3[%multiple_of3A_73] : memref<163840xi32, #tpu.memory_space<hbm>> -> memref<256xi32, #tpu.memory_space<hbm>>
        tpu.wait_dma2 semaphore(%run_scoped3A : memref<!tpu.dma_semaphore, #tpu.memory_space<semaphore_mem>>) src(%dma_wait3A_118 : memref<256xi32, #tpu.memory_space<hbm>>) dst(%arg6 : memref<256xi32, #tpu.memory_space<vmem>>)
        tpu.yield
      }) : () -> ()
      %dma_start3A_79 = arith.constant 0 : i32
      %dma_start3A_80 = arith.constant 0 : i32
      %dma_start3A_81 = tpu.memref_slice %arg8[%dma_start3A_79, %dma_start3A_80] : memref<256x128xf32, #tpu.memory_space<vmem>> -> memref<128x128xf32, #tpu.memory_space<vmem>>
      %dma_start3A_82 = arith.constant 0 : i32
      %dma_start3A_83 = tpu.memref_slice %arg6[%dma_start3A_82] : memref<256xi32, #tpu.memory_space<vmem>> -> memref<128xi32, #tpu.memory_space<vmem>>
      %dma_start3A_84 = arith.constant 0 : i32
      %dma_start3A_85 = arith.constant 0 : i32
      %dma_start3A_86 = tpu.memref_slice %arg2[%dma_start3A_84, %dma_start3A_85] : memref<8192x128xf32, #tpu.memory_space<hbm>> -> memref<8192x128xf32, #tpu.memory_space<hbm>>
      tpu.enqueue_indirect_dma source(%dma_start3A_86 : memref<8192x128xf32, #tpu.memory_space<hbm>>) target(%dma_start3A_81 : memref<128x128xf32, #tpu.memory_space<vmem>>) offsets(%dma_start3A_83 : memref<128xi32, #tpu.memory_space<vmem>>) semaphore(%arg9 : memref<!tpu.dma_semaphore, #tpu.memory_space<semaphore_mem>>)
      %dma_start3A_87 = arith.constant 128 : i32
      %dma_start3A_88 = arith.constant 0 : i32
      %dma_start3A_89 = tpu.memref_slice %arg8[%dma_start3A_87, %dma_start3A_88] : memref<256x128xf32, #tpu.memory_space<vmem>> -> memref<128x128xf32, #tpu.memory_space<vmem>>
      %dma_start3A_90 = arith.constant 128 : i32
      %dma_start3A_91 = tpu.memref_slice %arg6[%dma_start3A_90] : memref<256xi32, #tpu.memory_space<vmem>> -> memref<128xi32, #tpu.memory_space<vmem>>
      %dma_start3A_92 = arith.constant 0 : i32
      %dma_start3A_93 = arith.constant 0 : i32
      %dma_start3A_94 = tpu.memref_slice %arg2[%dma_start3A_92, %dma_start3A_93] : memref<8192x128xf32, #tpu.memory_space<hbm>> -> memref<8192x128xf32, #tpu.memory_space<hbm>>
      tpu.enqueue_indirect_dma source(%dma_start3A_94 : memref<8192x128xf32, #tpu.memory_space<hbm>>) target(%dma_start3A_89 : memref<128x128xf32, #tpu.memory_space<vmem>>) offsets(%dma_start3A_91 : memref<128xi32, #tpu.memory_space<vmem>>) semaphore(%arg9 : memref<!tpu.dma_semaphore, #tpu.memory_space<semaphore_mem>>)
      %dma_wait3A_95 = arith.constant 0 : i32
      %dma_wait3A_96 = arith.constant 0 : i32
      %dma_wait3A_97 = tpu.memref_slice %arg8[%dma_wait3A_95, %dma_wait3A_96] : memref<256x128xf32, #tpu.memory_space<vmem>> -> memref<128x128xf32, #tpu.memory_space<vmem>>
      %dma_wait3A_98 = arith.constant 0 : i32
      %dma_wait3A_99 = tpu.memref_slice %arg6[%dma_wait3A_98] : memref<256xi32, #tpu.memory_space<vmem>> -> memref<128xi32, #tpu.memory_space<vmem>>
      %dma_wait3A_100 = arith.constant 0 : i32
      %dma_wait3A_101 = arith.constant 0 : i32
      %dma_wait3A_102 = tpu.memref_slice %arg2[%dma_wait3A_100, %dma_wait3A_101] : memref<8192x128xf32, #tpu.memory_space<hbm>> -> memref<8192x128xf32, #tpu.memory_space<hbm>>
      tpu.wait_indirect_dma semaphore(%arg9 : memref<!tpu.dma_semaphore, #tpu.memory_space<semaphore_mem>>) src(%dma_wait3A_102 : memref<8192x128xf32, #tpu.memory_space<hbm>>) dst(%dma_wait3A_97 : memref<128x128xf32, #tpu.memory_space<vmem>>)
      %dma_wait3A_103 = arith.constant 128 : i32
      %dma_wait3A_104 = arith.constant 0 : i32
      %dma_wait3A_105 = tpu.memref_slice %arg8[%dma_wait3A_103, %dma_wait3A_104] : memref<256x128xf32, #tpu.memory_space<vmem>> -> memref<128x128xf32, #tpu.memory_space<vmem>>
      %dma_wait3A_106 = arith.constant 128 : i32
      %dma_wait3A_107 = tpu.memref_slice %arg6[%dma_wait3A_106] : memref<256xi32, #tpu.memory_space<vmem>> -> memref<128xi32, #tpu.memory_space<vmem>>
      %dma_wait3A_108 = arith.constant 0 : i32
      %dma_wait3A_109 = arith.constant 0 : i32
      %dma_wait3A_110 = tpu.memref_slice %arg2[%dma_wait3A_108, %dma_wait3A_109] : memref<8192x128xf32, #tpu.memory_space<hbm>> -> memref<8192x128xf32, #tpu.memory_space<hbm>>
      tpu.wait_indirect_dma semaphore(%arg9 : memref<!tpu.dma_semaphore, #tpu.memory_space<semaphore_mem>>) src(%dma_wait3A_110 : memref<8192x128xf32, #tpu.memory_space<hbm>>) dst(%dma_wait3A_105 : memref<128x128xf32, #tpu.memory_space<vmem>>)
      %dma_start3A_111 = arith.constant 0 : i32
      %dma_start3A_112 = tpu.memref_slice %arg4[%multiple_of3A_73, %dma_start3A_111] : memref<163840x128xf32, #tpu.memory_space<hbm>> -> memref<256x128xf32, #tpu.memory_space<hbm>>
      %dma_start3A_113 = arith.constant 0 : i32
      %dma_start3A_114 = tpu.memref_slice %arg4[%multiple_of3A_73, %dma_start3A_113] : memref<163840x128xf32, #tpu.memory_space<hbm>> -> memref<256x128xf32, #tpu.memory_space<hbm>>
      tpu.enqueue_dma source(%arg8 : memref<256x128xf32, #tpu.memory_space<vmem>>) target(%dma_start3A_114 : memref<256x128xf32, #tpu.memory_space<hbm>>) target_semaphore(%arg11 : memref<!tpu.dma_semaphore, #tpu.memory_space<semaphore_mem>>)
    }
    %scan3A_5 = arith.constant 10 : i32
    %dma_wait3A = arith.constant 0 : i32
    %dma_wait3A_6 = arith.constant 0 : i32
    %dma_wait3A_7 = tpu.memref_slice %arg4[%dma_wait3A, %dma_wait3A_6] : memref<163840x128xf32, #tpu.memory_space<hbm>> -> memref<256x128xf32, #tpu.memory_space<hbm>>
    %dma_wait3A_8 = arith.constant 0 : i32
    %dma_wait3A_9 = arith.constant 0 : i32
    %dma_wait3A_10 = tpu.memref_slice %arg4[%dma_wait3A_8, %dma_wait3A_9] : memref<163840x128xf32, #tpu.memory_space<hbm>> -> memref<256x128xf32, #tpu.memory_space<hbm>>
    tpu.wait_dma2 semaphore(%arg10 : memref<!tpu.dma_semaphore, #tpu.memory_space<semaphore_mem>>) src(%arg7 : memref<256x128xf32, #tpu.memory_space<vmem>>) dst(%dma_wait3A_10 : memref<256x128xf32, #tpu.memory_space<hbm>>)
    %dma_wait3A_11 = arith.constant 0 : i32
    %dma_wait3A_12 = arith.constant 0 : i32
    %dma_wait3A_13 = tpu.memref_slice %arg4[%dma_wait3A_11, %dma_wait3A_12] : memref<163840x128xf32, #tpu.memory_space<hbm>> -> memref<256x128xf32, #tpu.memory_space<hbm>>
    %dma_wait3A_14 = arith.constant 0 : i32
    %dma_wait3A_15 = arith.constant 0 : i32
    %dma_wait3A_16 = tpu.memref_slice %arg4[%dma_wait3A_14, %dma_wait3A_15] : memref<163840x128xf32, #tpu.memory_space<hbm>> -> memref<256x128xf32, #tpu.memory_space<hbm>>
    tpu.wait_dma2 semaphore(%arg11 : memref<!tpu.dma_semaphore, #tpu.memory_space<semaphore_mem>>) src(%arg8 : memref<256x128xf32, #tpu.memory_space<vmem>>) dst(%dma_wait3A_16 : memref<256x128xf32, #tpu.memory_space<hbm>>)
    return
  }
}

#map = affine_map<(d0, d1) -> (0, 0)>
#map1 = affine_map<(d0, d1) -> (0)>
module attributes {stable_mosaic.version = 14 : i64} {
  func.func @sck(%arg0: i32, %arg1: i32, %arg2: memref<8192x128xf32, #tpu.memory_space<hbm>>, %arg3: memref<163840xi32, #tpu.memory_space<hbm>>, %arg4: memref<163840x128xf32, #tpu.memory_space<hbm>>, %arg5: memref<256xi32, #tpu.memory_space<vmem>>, %arg6: memref<256xi32, #tpu.memory_space<vmem>>, %arg7: memref<256x128xf32, #tpu.memory_space<vmem>>, %arg8: memref<256x128xf32, #tpu.memory_space<vmem>>, %arg9: memref<!tpu.dma_semaphore, #tpu.memory_space<semaphore_mem>>, %arg10: memref<!tpu.dma_semaphore, #tpu.memory_space<semaphore_mem>>, %arg11: memref<!tpu.dma_semaphore, #tpu.memory_space<semaphore_mem>>) attributes {dimension_semantics = [#tpu.dimension_semantics<core_parallel>, #tpu.dimension_semantics<subcore_parallel>], iteration_bounds = array<i64: 2, 16>, scalar_prefetch = 0 : i64, scratch_operands = 7 : i64, tpu.core_type = #tpu.core_type<sc_vector_subcore>, window_params = [{transform_indices = #map}, {transform_indices = #map1}, {transform_indices = #map}]} {
    %mul3A = arith.constant 2 : i32
    %mul3A_0 = arith.muli %arg1, %mul3A : i32
    %add3A = arith.addi %mul3A_0, %arg0 : i32
    %scan3A = arith.constant 0 : i32
    %scan3A_1 = arith.constant 0 : i32
    %scan3A_2 = arith.constant 10 : i32
    %scan3A_3 = arith.addi %scan3A_1, %scan3A_2 : i32
    %scan3A_4 = arith.constant 1 : i32
    scf.for %scan3A_17 = %scan3A_1 to %scan3A_3 step %scan3A_4  : i32 {
      %mul3A_18 = arith.constant 2 : i32
      %mul3A_19 = arith.muli %mul3A_18, %scan3A_17 : i32
      %add3A_20 = arith.constant 0 : i32
      %add3A_21 = arith.addi %mul3A_19, %add3A_20 : i32
      %mul3A_22 = arith.constant 5120 : i32
      %mul3A_23 = arith.muli %add3A, %mul3A_22 : i32
      %mul3A_24 = arith.constant 256 : i32
      %mul3A_25 = arith.muli %add3A_21, %mul3A_24 : i32
      %add3A_26 = arith.addi %mul3A_23, %mul3A_25 : i32
      %multiple_of3A = tpu.assume_multiple %add3A_26, 256 : i32
      %gt3A = arith.constant 0 : i32
      %gt3A_27 = arith.cmpi sgt, %scan3A_17, %gt3A : i32
      %convert_element_type3A = arith.extui %gt3A_27 : i1 to i32
      %cond3A = arith.constant 0 : i32
      %cond3A_28 = arith.cmpi ne, %convert_element_type3A, %cond3A : i32
      scf.if %cond3A_28 {
        %dma_wait3A_115 = arith.constant 0 : i32
        %dma_wait3A_116 = arith.constant 0 : i32
        %dma_wait3A_117 = tpu.memref_slice %arg4[%dma_wait3A_115, %dma_wait3A_116] : memref<163840x128xf32, #tpu.memory_space<hbm>> -> memref<256x128xf32, #tpu.memory_space<hbm>>
        %dma_wait3A_118 = arith.constant 0 : i32
        %dma_wait3A_119 = arith.constant 0 : i32
        %dma_wait3A_120 = tpu.memref_slice %arg4[%dma_wait3A_118, %dma_wait3A_119] : memref<163840x128xf32, #tpu.memory_space<hbm>> -> memref<256x128xf32, #tpu.memory_space<hbm>>
        tpu.wait_dma2 semaphore(%arg10 : memref<!tpu.dma_semaphore, #tpu.memory_space<semaphore_mem>>) src(%arg7 : memref<256x128xf32, #tpu.memory_space<vmem>>) dst(%dma_wait3A_120 : memref<256x128xf32, #tpu.memory_space<hbm>>)
      } else {
      }
      "tpu.region"() ({
        %run_scoped3A = tpu.sem_alloc : memref<!tpu.dma_semaphore, #tpu.memory_space<semaphore_mem>>
        %dma_start3A_115 = tpu.memref_slice %arg3[%multiple_of3A] : memref<163840xi32, #tpu.memory_space<hbm>> -> memref<256xi32, #tpu.memory_space<hbm>>
        %dma_start3A_116 = tpu.memref_slice %arg3[%multiple_of3A] : memref<163840xi32, #tpu.memory_space<hbm>> -> memref<256xi32, #tpu.memory_space<hbm>>
        tpu.enqueue_dma source(%dma_start3A_116 : memref<256xi32, #tpu.memory_space<hbm>>) target(%arg5 : memref<256xi32, #tpu.memory_space<vmem>>) target_semaphore(%run_scoped3A : memref<!tpu.dma_semaphore, #tpu.memory_space<semaphore_mem>>)
        %dma_wait3A_117 = tpu.memref_slice %arg3[%multiple_of3A] : memref<163840xi32, #tpu.memory_space<hbm>> -> memref<256xi32, #tpu.memory_space<hbm>>
        %dma_wait3A_118 = tpu.memref_slice %arg3[%multiple_of3A] : memref<163840xi32, #tpu.memory_space<hbm>> -> memref<256xi32, #tpu.memory_space<hbm>>
        tpu.wait_dma2 semaphore(%run_scoped3A : memref<!tpu.dma_semaphore, #tpu.memory_space<semaphore_mem>>) src(%dma_wait3A_118 : memref<256xi32, #tpu.memory_space<hbm>>) dst(%arg5 : memref<256xi32, #tpu.memory_space<vmem>>)
        tpu.yield
      }) : () -> ()
      %dma_start3A = arith.constant 0 : i32
      %dma_start3A_29 = arith.constant 0 : i32
      %dma_start3A_30 = tpu.memref_slice %arg7[%dma_start3A, %dma_start3A_29] : memref<256x128xf32, #tpu.memory_space<vmem>> -> memref<128x128xf32, #tpu.memory_space<vmem>>
      %dma_start3A_31 = arith.constant 0 : i32
      %dma_start3A_32 = tpu.memref_slice %arg5[%dma_start3A_31] : memref<256xi32, #tpu.memory_space<vmem>> -> memref<128xi32, #tpu.memory_space<vmem>>
      %dma_start3A_33 = arith.constant 0 : i32
      %dma_start3A_34 = arith.constant 0 : i32
      %dma_start3A_35 = tpu.memref_slice %arg2[%dma_start3A_33, %dma_start3A_34] : memref<8192x128xf32, #tpu.memory_space<hbm>> -> memref<8192x128xf32, #tpu.memory_space<hbm>>
      tpu.enqueue_indirect_dma source(%dma_start3A_35 : memref<8192x128xf32, #tpu.memory_space<hbm>>) target(%dma_start3A_30 : memref<128x128xf32, #tpu.memory_space<vmem>>) offsets(%dma_start3A_32 : memref<128xi32, #tpu.memory_space<vmem>>) semaphore(%arg9 : memref<!tpu.dma_semaphore, #tpu.memory_space<semaphore_mem>>)
      %dma_start3A_36 = arith.constant 128 : i32
      %dma_start3A_37 = arith.constant 0 : i32
      %dma_start3A_38 = tpu.memref_slice %arg7[%dma_start3A_36, %dma_start3A_37] : memref<256x128xf32, #tpu.memory_space<vmem>> -> memref<128x128xf32, #tpu.memory_space<vmem>>
      %dma_start3A_39 = arith.constant 128 : i32
      %dma_start3A_40 = tpu.memref_slice %arg5[%dma_start3A_39] : memref<256xi32, #tpu.memory_space<vmem>> -> memref<128xi32, #tpu.memory_space<vmem>>
      %dma_start3A_41 = arith.constant 0 : i32
      %dma_start3A_42 = arith.constant 0 : i32
      %dma_start3A_43 = tpu.memref_slice %arg2[%dma_start3A_41, %dma_start3A_42] : memref<8192x128xf32, #tpu.memory_space<hbm>> -> memref<8192x128xf32, #tpu.memory_space<hbm>>
      tpu.enqueue_indirect_dma source(%dma_start3A_43 : memref<8192x128xf32, #tpu.memory_space<hbm>>) target(%dma_start3A_38 : memref<128x128xf32, #tpu.memory_space<vmem>>) offsets(%dma_start3A_40 : memref<128xi32, #tpu.memory_space<vmem>>) semaphore(%arg9 : memref<!tpu.dma_semaphore, #tpu.memory_space<semaphore_mem>>)
      %dma_wait3A_44 = arith.constant 0 : i32
      %dma_wait3A_45 = arith.constant 0 : i32
      %dma_wait3A_46 = tpu.memref_slice %arg7[%dma_wait3A_44, %dma_wait3A_45] : memref<256x128xf32, #tpu.memory_space<vmem>> -> memref<128x128xf32, #tpu.memory_space<vmem>>
      %dma_wait3A_47 = arith.constant 0 : i32
      %dma_wait3A_48 = tpu.memref_slice %arg5[%dma_wait3A_47] : memref<256xi32, #tpu.memory_space<vmem>> -> memref<128xi32, #tpu.memory_space<vmem>>
      %dma_wait3A_49 = arith.constant 0 : i32
      %dma_wait3A_50 = arith.constant 0 : i32
      %dma_wait3A_51 = tpu.memref_slice %arg2[%dma_wait3A_49, %dma_wait3A_50] : memref<8192x128xf32, #tpu.memory_space<hbm>> -> memref<8192x128xf32, #tpu.memory_space<hbm>>
      tpu.wait_indirect_dma semaphore(%arg9 : memref<!tpu.dma_semaphore, #tpu.memory_space<semaphore_mem>>) src(%dma_wait3A_51 : memref<8192x128xf32, #tpu.memory_space<hbm>>) dst(%dma_wait3A_46 : memref<128x128xf32, #tpu.memory_space<vmem>>)
      %dma_wait3A_52 = arith.constant 128 : i32
      %dma_wait3A_53 = arith.constant 0 : i32
      %dma_wait3A_54 = tpu.memref_slice %arg7[%dma_wait3A_52, %dma_wait3A_53] : memref<256x128xf32, #tpu.memory_space<vmem>> -> memref<128x128xf32, #tpu.memory_space<vmem>>
      %dma_wait3A_55 = arith.constant 128 : i32
      %dma_wait3A_56 = tpu.memref_slice %arg5[%dma_wait3A_55] : memref<256xi32, #tpu.memory_space<vmem>> -> memref<128xi32, #tpu.memory_space<vmem>>
      %dma_wait3A_57 = arith.constant 0 : i32
      %dma_wait3A_58 = arith.constant 0 : i32
      %dma_wait3A_59 = tpu.memref_slice %arg2[%dma_wait3A_57, %dma_wait3A_58] : memref<8192x128xf32, #tpu.memory_space<hbm>> -> memref<8192x128xf32, #tpu.memory_space<hbm>>
      tpu.wait_indirect_dma semaphore(%arg9 : memref<!tpu.dma_semaphore, #tpu.memory_space<semaphore_mem>>) src(%dma_wait3A_59 : memref<8192x128xf32, #tpu.memory_space<hbm>>) dst(%dma_wait3A_54 : memref<128x128xf32, #tpu.memory_space<vmem>>)
      %dma_start3A_60 = arith.constant 0 : i32
      %dma_start3A_61 = tpu.memref_slice %arg4[%multiple_of3A, %dma_start3A_60] : memref<163840x128xf32, #tpu.memory_space<hbm>> -> memref<256x128xf32, #tpu.memory_space<hbm>>
      %dma_start3A_62 = arith.constant 0 : i32
      %dma_start3A_63 = tpu.memref_slice %arg4[%multiple_of3A, %dma_start3A_62] : memref<163840x128xf32, #tpu.memory_space<hbm>> -> memref<256x128xf32, #tpu.memory_space<hbm>>
      tpu.enqueue_dma source(%arg7 : memref<256x128xf32, #tpu.memory_space<vmem>>) target(%dma_start3A_63 : memref<256x128xf32, #tpu.memory_space<hbm>>) target_semaphore(%arg10 : memref<!tpu.dma_semaphore, #tpu.memory_space<semaphore_mem>>)
      %mul3A_64 = arith.constant 2 : i32
      %mul3A_65 = arith.muli %mul3A_64, %scan3A_17 : i32
      %add3A_66 = arith.constant 1 : i32
      %add3A_67 = arith.addi %mul3A_65, %add3A_66 : i32
      %mul3A_68 = arith.constant 5120 : i32
      %mul3A_69 = arith.muli %add3A, %mul3A_68 : i32
      %mul3A_70 = arith.constant 256 : i32
      %mul3A_71 = arith.muli %add3A_67, %mul3A_70 : i32
      %add3A_72 = arith.addi %mul3A_69, %mul3A_71 : i32
      %multiple_of3A_73 = tpu.assume_multiple %add3A_72, 256 : i32
      %gt3A_74 = arith.constant 0 : i32
      %gt3A_75 = arith.cmpi sgt, %scan3A_17, %gt3A_74 : i32
      %convert_element_type3A_76 = arith.extui %gt3A_75 : i1 to i32
      %cond3A_77 = arith.constant 0 : i32
      %cond3A_78 = arith.cmpi ne, %convert_element_type3A_76, %cond3A_77 : i32
      scf.if %cond3A_78 {
        %dma_wait3A_115 = arith.constant 0 : i32
        %dma_wait3A_116 = arith.constant 0 : i32
        %dma_wait3A_117 = tpu.memref_slice %arg4[%dma_wait3A_115, %dma_wait3A_116] : memref<163840x128xf32, #tpu.memory_space<hbm>> -> memref<256x128xf32, #tpu.memory_space<hbm>>
        %dma_wait3A_118 = arith.constant 0 : i32
        %dma_wait3A_119 = arith.constant 0 : i32
        %dma_wait3A_120 = tpu.memref_slice %arg4[%dma_wait3A_118, %dma_wait3A_119] : memref<163840x128xf32, #tpu.memory_space<hbm>> -> memref<256x128xf32, #tpu.memory_space<hbm>>
        tpu.wait_dma2 semaphore(%arg11 : memref<!tpu.dma_semaphore, #tpu.memory_space<semaphore_mem>>) src(%arg8 : memref<256x128xf32, #tpu.memory_space<vmem>>) dst(%dma_wait3A_120 : memref<256x128xf32, #tpu.memory_space<hbm>>)
      } else {
      }
      "tpu.region"() ({
        %run_scoped3A = tpu.sem_alloc : memref<!tpu.dma_semaphore, #tpu.memory_space<semaphore_mem>>
        %dma_start3A_115 = tpu.memref_slice %arg3[%multiple_of3A_73] : memref<163840xi32, #tpu.memory_space<hbm>> -> memref<256xi32, #tpu.memory_space<hbm>>
        %dma_start3A_116 = tpu.memref_slice %arg3[%multiple_of3A_73] : memref<163840xi32, #tpu.memory_space<hbm>> -> memref<256xi32, #tpu.memory_space<hbm>>
        tpu.enqueue_dma source(%dma_start3A_116 : memref<256xi32, #tpu.memory_space<hbm>>) target(%arg6 : memref<256xi32, #tpu.memory_space<vmem>>) target_semaphore(%run_scoped3A : memref<!tpu.dma_semaphore, #tpu.memory_space<semaphore_mem>>)
        %dma_wait3A_117 = tpu.memref_slice %arg3[%multiple_of3A_73] : memref<163840xi32, #tpu.memory_space<hbm>> -> memref<256xi32, #tpu.memory_space<hbm>>
        %dma_wait3A_118 = tpu.memref_slice %arg3[%multiple_of3A_73] : memref<163840xi32, #tpu.memory_space<hbm>> -> memref<256xi32, #tpu.memory_space<hbm>>
        tpu.wait_dma2 semaphore(%run_scoped3A : memref<!tpu.dma_semaphore, #tpu.memory_space<semaphore_mem>>) src(%dma_wait3A_118 : memref<256xi32, #tpu.memory_space<hbm>>) dst(%arg6 : memref<256xi32, #tpu.memory_space<vmem>>)
        tpu.yield
      }) : () -> ()
      %dma_start3A_79 = arith.constant 0 : i32
      %dma_start3A_80 = arith.constant 0 : i32
      %dma_start3A_81 = tpu.memref_slice %arg8[%dma_start3A_79, %dma_start3A_80] : memref<256x128xf32, #tpu.memory_space<vmem>> -> memref<128x128xf32, #tpu.memory_space<vmem>>
      %dma_start3A_82 = arith.constant 0 : i32
      %dma_start3A_83 = tpu.memref_slice %arg6[%dma_start3A_82] : memref<256xi32, #tpu.memory_space<vmem>> -> memref<128xi32, #tpu.memory_space<vmem>>
      %dma_start3A_84 = arith.constant 0 : i32
      %dma_start3A_85 = arith.constant 0 : i32
      %dma_start3A_86 = tpu.memref_slice %arg2[%dma_start3A_84, %dma_start3A_85] : memref<8192x128xf32, #tpu.memory_space<hbm>> -> memref<8192x128xf32, #tpu.memory_space<hbm>>
      tpu.enqueue_indirect_dma source(%dma_start3A_86 : memref<8192x128xf32, #tpu.memory_space<hbm>>) target(%dma_start3A_81 : memref<128x128xf32, #tpu.memory_space<vmem>>) offsets(%dma_start3A_83 : memref<128xi32, #tpu.memory_space<vmem>>) semaphore(%arg9 : memref<!tpu.dma_semaphore, #tpu.memory_space<semaphore_mem>>)
      %dma_start3A_87 = arith.constant 128 : i32
      %dma_start3A_88 = arith.constant 0 : i32
      %dma_start3A_89 = tpu.memref_slice %arg8[%dma_start3A_87, %dma_start3A_88] : memref<256x128xf32, #tpu.memory_space<vmem>> -> memref<128x128xf32, #tpu.memory_space<vmem>>
      %dma_start3A_90 = arith.constant 128 : i32
      %dma_start3A_91 = tpu.memref_slice %arg6[%dma_start3A_90] : memref<256xi32, #tpu.memory_space<vmem>> -> memref<128xi32, #tpu.memory_space<vmem>>
      %dma_start3A_92 = arith.constant 0 : i32
      %dma_start3A_93 = arith.constant 0 : i32
      %dma_start3A_94 = tpu.memref_slice %arg2[%dma_start3A_92, %dma_start3A_93] : memref<8192x128xf32, #tpu.memory_space<hbm>> -> memref<8192x128xf32, #tpu.memory_space<hbm>>
      tpu.enqueue_indirect_dma source(%dma_start3A_94 : memref<8192x128xf32, #tpu.memory_space<hbm>>) target(%dma_start3A_89 : memref<128x128xf32, #tpu.memory_space<vmem>>) offsets(%dma_start3A_91 : memref<128xi32, #tpu.memory_space<vmem>>) semaphore(%arg9 : memref<!tpu.dma_semaphore, #tpu.memory_space<semaphore_mem>>)
      %dma_wait3A_95 = arith.constant 0 : i32
      %dma_wait3A_96 = arith.constant 0 : i32
      %dma_wait3A_97 = tpu.memref_slice %arg8[%dma_wait3A_95, %dma_wait3A_96] : memref<256x128xf32, #tpu.memory_space<vmem>> -> memref<128x128xf32, #tpu.memory_space<vmem>>
      %dma_wait3A_98 = arith.constant 0 : i32
      %dma_wait3A_99 = tpu.memref_slice %arg6[%dma_wait3A_98] : memref<256xi32, #tpu.memory_space<vmem>> -> memref<128xi32, #tpu.memory_space<vmem>>
      %dma_wait3A_100 = arith.constant 0 : i32
      %dma_wait3A_101 = arith.constant 0 : i32
      %dma_wait3A_102 = tpu.memref_slice %arg2[%dma_wait3A_100, %dma_wait3A_101] : memref<8192x128xf32, #tpu.memory_space<hbm>> -> memref<8192x128xf32, #tpu.memory_space<hbm>>
      tpu.wait_indirect_dma semaphore(%arg9 : memref<!tpu.dma_semaphore, #tpu.memory_space<semaphore_mem>>) src(%dma_wait3A_102 : memref<8192x128xf32, #tpu.memory_space<hbm>>) dst(%dma_wait3A_97 : memref<128x128xf32, #tpu.memory_space<vmem>>)
      %dma_wait3A_103 = arith.constant 128 : i32
      %dma_wait3A_104 = arith.constant 0 : i32
      %dma_wait3A_105 = tpu.memref_slice %arg8[%dma_wait3A_103, %dma_wait3A_104] : memref<256x128xf32, #tpu.memory_space<vmem>> -> memref<128x128xf32, #tpu.memory_space<vmem>>
      %dma_wait3A_106 = arith.constant 128 : i32
      %dma_wait3A_107 = tpu.memref_slice %arg6[%dma_wait3A_106] : memref<256xi32, #tpu.memory_space<vmem>> -> memref<128xi32, #tpu.memory_space<vmem>>
      %dma_wait3A_108 = arith.constant 0 : i32
      %dma_wait3A_109 = arith.constant 0 : i32
      %dma_wait3A_110 = tpu.memref_slice %arg2[%dma_wait3A_108, %dma_wait3A_109] : memref<8192x128xf32, #tpu.memory_space<hbm>> -> memref<8192x128xf32, #tpu.memory_space<hbm>>
      tpu.wait_indirect_dma semaphore(%arg9 : memref<!tpu.dma_semaphore, #tpu.memory_space<semaphore_mem>>) src(%dma_wait3A_110 : memref<8192x128xf32, #tpu.memory_space<hbm>>) dst(%dma_wait3A_105 : memref<128x128xf32, #tpu.memory_space<vmem>>)
      %dma_start3A_111 = arith.constant 0 : i32
      %dma_start3A_112 = tpu.memref_slice %arg4[%multiple_of3A_73, %dma_start3A_111] : memref<163840x128xf32, #tpu.memory_space<hbm>> -> memref<256x128xf32, #tpu.memory_space<hbm>>
      %dma_start3A_113 = arith.constant 0 : i32
      %dma_start3A_114 = tpu.memref_slice %arg4[%multiple_of3A_73, %dma_start3A_113] : memref<163840x128xf32, #tpu.memory_space<hbm>> -> memref<256x128xf32, #tpu.memory_space<hbm>>
      tpu.enqueue_dma source(%arg8 : memref<256x128xf32, #tpu.memory_space<vmem>>) target(%dma_start3A_114 : memref<256x128xf32, #tpu.memory_space<hbm>>) target_semaphore(%arg11 : memref<!tpu.dma_semaphore, #tpu.memory_space<semaphore_mem>>)
    }
    %scan3A_5 = arith.constant 10 : i32
    %dma_wait3A = arith.constant 0 : i32
    %dma_wait3A_6 = arith.constant 0 : i32
    %dma_wait3A_7 = tpu.memref_slice %arg4[%dma_wait3A, %dma_wait3A_6] : memref<163840x128xf32, #tpu.memory_space<hbm>> -> memref<256x128xf32, #tpu.memory_space<hbm>>
    %dma_wait3A_8 = arith.constant 0 : i32
    %dma_wait3A_9 = arith.constant 0 : i32
    %dma_wait3A_10 = tpu.memref_slice %arg4[%dma_wait3A_8, %dma_wait3A_9] : memref<163840x128xf32, #tpu.memory_space<hbm>> -> memref<256x128xf32, #tpu.memory_space<hbm>>
    tpu.wait_dma2 semaphore(%arg10 : memref<!tpu.dma_semaphore, #tpu.memory_space<semaphore_mem>>) src(%arg7 : memref<256x128xf32, #tpu.memory_space<vmem>>) dst(%dma_wait3A_10 : memref<256x128xf32, #tpu.memory_space<hbm>>)
    %dma_wait3A_11 = arith.constant 0 : i32
    %dma_wait3A_12 = arith.constant 0 : i32
    %dma_wait3A_13 = tpu.memref_slice %arg4[%dma_wait3A_11, %dma_wait3A_12] : memref<163840x128xf32, #tpu.memory_space<hbm>> -> memref<256x128xf32, #tpu.memory_space<hbm>>
    %dma_wait3A_14 = arith.constant 0 : i32
    %dma_wait3A_15 = arith.constant 0 : i32
    %dma_wait3A_16 = tpu.memref_slice %arg4[%dma_wait3A_14, %dma_wait3A_15] : memref<163840x128xf32, #tpu.memory_space<hbm>> -> memref<256x128xf32, #tpu.memory_space<hbm>>
    tpu.wait_dma2 semaphore(%arg11 : memref<!tpu.dma_semaphore, #tpu.memory_space<semaphore_mem>>) src(%arg8 : memref<256x128xf32, #tpu.memory_space<vmem>>) dst(%dma_wait3A_16 : memref<256x128xf32, #tpu.memory_space<hbm>>)
    return
  }
}

#map = affine_map<(d0, d1) -> (0, 0)>
#map1 = affine_map<(d0, d1) -> (0)>
module attributes {stable_mosaic.version = 14 : i64} {
  func.func @sck(%arg0: i32, %arg1: i32, %arg2: memref<8192x128xf32, #tpu.memory_space<hbm>>, %arg3: memref<163840xi32, #tpu.memory_space<hbm>>, %arg4: memref<163840x128xf32, #tpu.memory_space<hbm>>, %arg5: memref<256xi32, #tpu.memory_space<vmem>>, %arg6: memref<256xi32, #tpu.memory_space<vmem>>, %arg7: memref<256x128xf32, #tpu.memory_space<vmem>>, %arg8: memref<256x128xf32, #tpu.memory_space<vmem>>, %arg9: memref<!tpu.dma_semaphore, #tpu.memory_space<semaphore_mem>>, %arg10: memref<!tpu.dma_semaphore, #tpu.memory_space<semaphore_mem>>, %arg11: memref<!tpu.dma_semaphore, #tpu.memory_space<semaphore_mem>>) attributes {dimension_semantics = [#tpu.dimension_semantics<core_parallel>, #tpu.dimension_semantics<subcore_parallel>], iteration_bounds = array<i64: 2, 16>, scalar_prefetch = 0 : i64, scratch_operands = 7 : i64, tpu.core_type = #tpu.core_type<sc_vector_subcore>, window_params = [{transform_indices = #map}, {transform_indices = #map1}, {transform_indices = #map}]} {
    %mul3A = arith.constant 2 : i32
    %mul3A_0 = arith.muli %arg1, %mul3A : i32
    %add3A = arith.addi %mul3A_0, %arg0 : i32
    %scan3A = arith.constant 0 : i32
    %scan3A_1 = arith.constant 0 : i32
    %scan3A_2 = arith.constant 10 : i32
    %scan3A_3 = arith.addi %scan3A_1, %scan3A_2 : i32
    %scan3A_4 = arith.constant 1 : i32
    scf.for %scan3A_17 = %scan3A_1 to %scan3A_3 step %scan3A_4  : i32 {
      %mul3A_18 = arith.constant 2 : i32
      %mul3A_19 = arith.muli %mul3A_18, %scan3A_17 : i32
      %add3A_20 = arith.constant 0 : i32
      %add3A_21 = arith.addi %mul3A_19, %add3A_20 : i32
      %mul3A_22 = arith.constant 5120 : i32
      %mul3A_23 = arith.muli %add3A, %mul3A_22 : i32
      %mul3A_24 = arith.constant 256 : i32
      %mul3A_25 = arith.muli %add3A_21, %mul3A_24 : i32
      %add3A_26 = arith.addi %mul3A_23, %mul3A_25 : i32
      %multiple_of3A = tpu.assume_multiple %add3A_26, 256 : i32
      %gt3A = arith.constant 0 : i32
      %gt3A_27 = arith.cmpi sgt, %scan3A_17, %gt3A : i32
      %convert_element_type3A = arith.extui %gt3A_27 : i1 to i32
      %cond3A = arith.constant 0 : i32
      %cond3A_28 = arith.cmpi ne, %convert_element_type3A, %cond3A : i32
      scf.if %cond3A_28 {
        %dma_wait3A_115 = arith.constant 0 : i32
        %dma_wait3A_116 = arith.constant 0 : i32
        %dma_wait3A_117 = tpu.memref_slice %arg4[%dma_wait3A_115, %dma_wait3A_116] : memref<163840x128xf32, #tpu.memory_space<hbm>> -> memref<256x128xf32, #tpu.memory_space<hbm>>
        %dma_wait3A_118 = arith.constant 0 : i32
        %dma_wait3A_119 = arith.constant 0 : i32
        %dma_wait3A_120 = tpu.memref_slice %arg4[%dma_wait3A_118, %dma_wait3A_119] : memref<163840x128xf32, #tpu.memory_space<hbm>> -> memref<256x128xf32, #tpu.memory_space<hbm>>
        tpu.wait_dma2 semaphore(%arg10 : memref<!tpu.dma_semaphore, #tpu.memory_space<semaphore_mem>>) src(%arg7 : memref<256x128xf32, #tpu.memory_space<vmem>>) dst(%dma_wait3A_120 : memref<256x128xf32, #tpu.memory_space<hbm>>)
      } else {
      }
      "tpu.region"() ({
        %run_scoped3A = tpu.sem_alloc : memref<!tpu.dma_semaphore, #tpu.memory_space<semaphore_mem>>
        %dma_start3A_115 = tpu.memref_slice %arg3[%multiple_of3A] : memref<163840xi32, #tpu.memory_space<hbm>> -> memref<256xi32, #tpu.memory_space<hbm>>
        %dma_start3A_116 = tpu.memref_slice %arg3[%multiple_of3A] : memref<163840xi32, #tpu.memory_space<hbm>> -> memref<256xi32, #tpu.memory_space<hbm>>
        tpu.enqueue_dma source(%dma_start3A_116 : memref<256xi32, #tpu.memory_space<hbm>>) target(%arg5 : memref<256xi32, #tpu.memory_space<vmem>>) target_semaphore(%run_scoped3A : memref<!tpu.dma_semaphore, #tpu.memory_space<semaphore_mem>>)
        %dma_wait3A_117 = tpu.memref_slice %arg3[%multiple_of3A] : memref<163840xi32, #tpu.memory_space<hbm>> -> memref<256xi32, #tpu.memory_space<hbm>>
        %dma_wait3A_118 = tpu.memref_slice %arg3[%multiple_of3A] : memref<163840xi32, #tpu.memory_space<hbm>> -> memref<256xi32, #tpu.memory_space<hbm>>
        tpu.wait_dma2 semaphore(%run_scoped3A : memref<!tpu.dma_semaphore, #tpu.memory_space<semaphore_mem>>) src(%dma_wait3A_118 : memref<256xi32, #tpu.memory_space<hbm>>) dst(%arg5 : memref<256xi32, #tpu.memory_space<vmem>>)
        tpu.yield
      }) : () -> ()
      %dma_start3A = arith.constant 0 : i32
      %dma_start3A_29 = arith.constant 0 : i32
      %dma_start3A_30 = tpu.memref_slice %arg7[%dma_start3A, %dma_start3A_29] : memref<256x128xf32, #tpu.memory_space<vmem>> -> memref<128x128xf32, #tpu.memory_space<vmem>>
      %dma_start3A_31 = arith.constant 0 : i32
      %dma_start3A_32 = tpu.memref_slice %arg5[%dma_start3A_31] : memref<256xi32, #tpu.memory_space<vmem>> -> memref<128xi32, #tpu.memory_space<vmem>>
      %dma_start3A_33 = arith.constant 0 : i32
      %dma_start3A_34 = arith.constant 0 : i32
      %dma_start3A_35 = tpu.memref_slice %arg2[%dma_start3A_33, %dma_start3A_34] : memref<8192x128xf32, #tpu.memory_space<hbm>> -> memref<8192x128xf32, #tpu.memory_space<hbm>>
      tpu.enqueue_indirect_dma source(%dma_start3A_35 : memref<8192x128xf32, #tpu.memory_space<hbm>>) target(%dma_start3A_30 : memref<128x128xf32, #tpu.memory_space<vmem>>) offsets(%dma_start3A_32 : memref<128xi32, #tpu.memory_space<vmem>>) semaphore(%arg9 : memref<!tpu.dma_semaphore, #tpu.memory_space<semaphore_mem>>)
      %dma_start3A_36 = arith.constant 128 : i32
      %dma_start3A_37 = arith.constant 0 : i32
      %dma_start3A_38 = tpu.memref_slice %arg7[%dma_start3A_36, %dma_start3A_37] : memref<256x128xf32, #tpu.memory_space<vmem>> -> memref<128x128xf32, #tpu.memory_space<vmem>>
      %dma_start3A_39 = arith.constant 128 : i32
      %dma_start3A_40 = tpu.memref_slice %arg5[%dma_start3A_39] : memref<256xi32, #tpu.memory_space<vmem>> -> memref<128xi32, #tpu.memory_space<vmem>>
      %dma_start3A_41 = arith.constant 0 : i32
      %dma_start3A_42 = arith.constant 0 : i32
      %dma_start3A_43 = tpu.memref_slice %arg2[%dma_start3A_41, %dma_start3A_42] : memref<8192x128xf32, #tpu.memory_space<hbm>> -> memref<8192x128xf32, #tpu.memory_space<hbm>>
      tpu.enqueue_indirect_dma source(%dma_start3A_43 : memref<8192x128xf32, #tpu.memory_space<hbm>>) target(%dma_start3A_38 : memref<128x128xf32, #tpu.memory_space<vmem>>) offsets(%dma_start3A_40 : memref<128xi32, #tpu.memory_space<vmem>>) semaphore(%arg9 : memref<!tpu.dma_semaphore, #tpu.memory_space<semaphore_mem>>)
      %dma_wait3A_44 = arith.constant 0 : i32
      %dma_wait3A_45 = arith.constant 0 : i32
      %dma_wait3A_46 = tpu.memref_slice %arg7[%dma_wait3A_44, %dma_wait3A_45] : memref<256x128xf32, #tpu.memory_space<vmem>> -> memref<128x128xf32, #tpu.memory_space<vmem>>
      %dma_wait3A_47 = arith.constant 0 : i32
      %dma_wait3A_48 = tpu.memref_slice %arg5[%dma_wait3A_47] : memref<256xi32, #tpu.memory_space<vmem>> -> memref<128xi32, #tpu.memory_space<vmem>>
      %dma_wait3A_49 = arith.constant 0 : i32
      %dma_wait3A_50 = arith.constant 0 : i32
      %dma_wait3A_51 = tpu.memref_slice %arg2[%dma_wait3A_49, %dma_wait3A_50] : memref<8192x128xf32, #tpu.memory_space<hbm>> -> memref<8192x128xf32, #tpu.memory_space<hbm>>
      tpu.wait_indirect_dma semaphore(%arg9 : memref<!tpu.dma_semaphore, #tpu.memory_space<semaphore_mem>>) src(%dma_wait3A_51 : memref<8192x128xf32, #tpu.memory_space<hbm>>) dst(%dma_wait3A_46 : memref<128x128xf32, #tpu.memory_space<vmem>>)
      %dma_wait3A_52 = arith.constant 128 : i32
      %dma_wait3A_53 = arith.constant 0 : i32
      %dma_wait3A_54 = tpu.memref_slice %arg7[%dma_wait3A_52, %dma_wait3A_53] : memref<256x128xf32, #tpu.memory_space<vmem>> -> memref<128x128xf32, #tpu.memory_space<vmem>>
      %dma_wait3A_55 = arith.constant 128 : i32
      %dma_wait3A_56 = tpu.memref_slice %arg5[%dma_wait3A_55] : memref<256xi32, #tpu.memory_space<vmem>> -> memref<128xi32, #tpu.memory_space<vmem>>
      %dma_wait3A_57 = arith.constant 0 : i32
      %dma_wait3A_58 = arith.constant 0 : i32
      %dma_wait3A_59 = tpu.memref_slice %arg2[%dma_wait3A_57, %dma_wait3A_58] : memref<8192x128xf32, #tpu.memory_space<hbm>> -> memref<8192x128xf32, #tpu.memory_space<hbm>>
      tpu.wait_indirect_dma semaphore(%arg9 : memref<!tpu.dma_semaphore, #tpu.memory_space<semaphore_mem>>) src(%dma_wait3A_59 : memref<8192x128xf32, #tpu.memory_space<hbm>>) dst(%dma_wait3A_54 : memref<128x128xf32, #tpu.memory_space<vmem>>)
      %dma_start3A_60 = arith.constant 0 : i32
      %dma_start3A_61 = tpu.memref_slice %arg4[%multiple_of3A, %dma_start3A_60] : memref<163840x128xf32, #tpu.memory_space<hbm>> -> memref<256x128xf32, #tpu.memory_space<hbm>>
      %dma_start3A_62 = arith.constant 0 : i32
      %dma_start3A_63 = tpu.memref_slice %arg4[%multiple_of3A, %dma_start3A_62] : memref<163840x128xf32, #tpu.memory_space<hbm>> -> memref<256x128xf32, #tpu.memory_space<hbm>>
      tpu.enqueue_dma source(%arg7 : memref<256x128xf32, #tpu.memory_space<vmem>>) target(%dma_start3A_63 : memref<256x128xf32, #tpu.memory_space<hbm>>) target_semaphore(%arg10 : memref<!tpu.dma_semaphore, #tpu.memory_space<semaphore_mem>>)
      %mul3A_64 = arith.constant 2 : i32
      %mul3A_65 = arith.muli %mul3A_64, %scan3A_17 : i32
      %add3A_66 = arith.constant 1 : i32
      %add3A_67 = arith.addi %mul3A_65, %add3A_66 : i32
      %mul3A_68 = arith.constant 5120 : i32
      %mul3A_69 = arith.muli %add3A, %mul3A_68 : i32
      %mul3A_70 = arith.constant 256 : i32
      %mul3A_71 = arith.muli %add3A_67, %mul3A_70 : i32
      %add3A_72 = arith.addi %mul3A_69, %mul3A_71 : i32
      %multiple_of3A_73 = tpu.assume_multiple %add3A_72, 256 : i32
      %gt3A_74 = arith.constant 0 : i32
      %gt3A_75 = arith.cmpi sgt, %scan3A_17, %gt3A_74 : i32
      %convert_element_type3A_76 = arith.extui %gt3A_75 : i1 to i32
      %cond3A_77 = arith.constant 0 : i32
      %cond3A_78 = arith.cmpi ne, %convert_element_type3A_76, %cond3A_77 : i32
      scf.if %cond3A_78 {
        %dma_wait3A_115 = arith.constant 0 : i32
        %dma_wait3A_116 = arith.constant 0 : i32
        %dma_wait3A_117 = tpu.memref_slice %arg4[%dma_wait3A_115, %dma_wait3A_116] : memref<163840x128xf32, #tpu.memory_space<hbm>> -> memref<256x128xf32, #tpu.memory_space<hbm>>
        %dma_wait3A_118 = arith.constant 0 : i32
        %dma_wait3A_119 = arith.constant 0 : i32
        %dma_wait3A_120 = tpu.memref_slice %arg4[%dma_wait3A_118, %dma_wait3A_119] : memref<163840x128xf32, #tpu.memory_space<hbm>> -> memref<256x128xf32, #tpu.memory_space<hbm>>
        tpu.wait_dma2 semaphore(%arg11 : memref<!tpu.dma_semaphore, #tpu.memory_space<semaphore_mem>>) src(%arg8 : memref<256x128xf32, #tpu.memory_space<vmem>>) dst(%dma_wait3A_120 : memref<256x128xf32, #tpu.memory_space<hbm>>)
      } else {
      }
      "tpu.region"() ({
        %run_scoped3A = tpu.sem_alloc : memref<!tpu.dma_semaphore, #tpu.memory_space<semaphore_mem>>
        %dma_start3A_115 = tpu.memref_slice %arg3[%multiple_of3A_73] : memref<163840xi32, #tpu.memory_space<hbm>> -> memref<256xi32, #tpu.memory_space<hbm>>
        %dma_start3A_116 = tpu.memref_slice %arg3[%multiple_of3A_73] : memref<163840xi32, #tpu.memory_space<hbm>> -> memref<256xi32, #tpu.memory_space<hbm>>
        tpu.enqueue_dma source(%dma_start3A_116 : memref<256xi32, #tpu.memory_space<hbm>>) target(%arg6 : memref<256xi32, #tpu.memory_space<vmem>>) target_semaphore(%run_scoped3A : memref<!tpu.dma_semaphore, #tpu.memory_space<semaphore_mem>>)
        %dma_wait3A_117 = tpu.memref_slice %arg3[%multiple_of3A_73] : memref<163840xi32, #tpu.memory_space<hbm>> -> memref<256xi32, #tpu.memory_space<hbm>>
        %dma_wait3A_118 = tpu.memref_slice %arg3[%multiple_of3A_73] : memref<163840xi32, #tpu.memory_space<hbm>> -> memref<256xi32, #tpu.memory_space<hbm>>
        tpu.wait_dma2 semaphore(%run_scoped3A : memref<!tpu.dma_semaphore, #tpu.memory_space<semaphore_mem>>) src(%dma_wait3A_118 : memref<256xi32, #tpu.memory_space<hbm>>) dst(%arg6 : memref<256xi32, #tpu.memory_space<vmem>>)
        tpu.yield
      }) : () -> ()
      %dma_start3A_79 = arith.constant 0 : i32
      %dma_start3A_80 = arith.constant 0 : i32
      %dma_start3A_81 = tpu.memref_slice %arg8[%dma_start3A_79, %dma_start3A_80] : memref<256x128xf32, #tpu.memory_space<vmem>> -> memref<128x128xf32, #tpu.memory_space<vmem>>
      %dma_start3A_82 = arith.constant 0 : i32
      %dma_start3A_83 = tpu.memref_slice %arg6[%dma_start3A_82] : memref<256xi32, #tpu.memory_space<vmem>> -> memref<128xi32, #tpu.memory_space<vmem>>
      %dma_start3A_84 = arith.constant 0 : i32
      %dma_start3A_85 = arith.constant 0 : i32
      %dma_start3A_86 = tpu.memref_slice %arg2[%dma_start3A_84, %dma_start3A_85] : memref<8192x128xf32, #tpu.memory_space<hbm>> -> memref<8192x128xf32, #tpu.memory_space<hbm>>
      tpu.enqueue_indirect_dma source(%dma_start3A_86 : memref<8192x128xf32, #tpu.memory_space<hbm>>) target(%dma_start3A_81 : memref<128x128xf32, #tpu.memory_space<vmem>>) offsets(%dma_start3A_83 : memref<128xi32, #tpu.memory_space<vmem>>) semaphore(%arg9 : memref<!tpu.dma_semaphore, #tpu.memory_space<semaphore_mem>>)
      %dma_start3A_87 = arith.constant 128 : i32
      %dma_start3A_88 = arith.constant 0 : i32
      %dma_start3A_89 = tpu.memref_slice %arg8[%dma_start3A_87, %dma_start3A_88] : memref<256x128xf32, #tpu.memory_space<vmem>> -> memref<128x128xf32, #tpu.memory_space<vmem>>
      %dma_start3A_90 = arith.constant 128 : i32
      %dma_start3A_91 = tpu.memref_slice %arg6[%dma_start3A_90] : memref<256xi32, #tpu.memory_space<vmem>> -> memref<128xi32, #tpu.memory_space<vmem>>
      %dma_start3A_92 = arith.constant 0 : i32
      %dma_start3A_93 = arith.constant 0 : i32
      %dma_start3A_94 = tpu.memref_slice %arg2[%dma_start3A_92, %dma_start3A_93] : memref<8192x128xf32, #tpu.memory_space<hbm>> -> memref<8192x128xf32, #tpu.memory_space<hbm>>
      tpu.enqueue_indirect_dma source(%dma_start3A_94 : memref<8192x128xf32, #tpu.memory_space<hbm>>) target(%dma_start3A_89 : memref<128x128xf32, #tpu.memory_space<vmem>>) offsets(%dma_start3A_91 : memref<128xi32, #tpu.memory_space<vmem>>) semaphore(%arg9 : memref<!tpu.dma_semaphore, #tpu.memory_space<semaphore_mem>>)
      %dma_wait3A_95 = arith.constant 0 : i32
      %dma_wait3A_96 = arith.constant 0 : i32
      %dma_wait3A_97 = tpu.memref_slice %arg8[%dma_wait3A_95, %dma_wait3A_96] : memref<256x128xf32, #tpu.memory_space<vmem>> -> memref<128x128xf32, #tpu.memory_space<vmem>>
      %dma_wait3A_98 = arith.constant 0 : i32
      %dma_wait3A_99 = tpu.memref_slice %arg6[%dma_wait3A_98] : memref<256xi32, #tpu.memory_space<vmem>> -> memref<128xi32, #tpu.memory_space<vmem>>
      %dma_wait3A_100 = arith.constant 0 : i32
      %dma_wait3A_101 = arith.constant 0 : i32
      %dma_wait3A_102 = tpu.memref_slice %arg2[%dma_wait3A_100, %dma_wait3A_101] : memref<8192x128xf32, #tpu.memory_space<hbm>> -> memref<8192x128xf32, #tpu.memory_space<hbm>>
      tpu.wait_indirect_dma semaphore(%arg9 : memref<!tpu.dma_semaphore, #tpu.memory_space<semaphore_mem>>) src(%dma_wait3A_102 : memref<8192x128xf32, #tpu.memory_space<hbm>>) dst(%dma_wait3A_97 : memref<128x128xf32, #tpu.memory_space<vmem>>)
      %dma_wait3A_103 = arith.constant 128 : i32
      %dma_wait3A_104 = arith.constant 0 : i32
      %dma_wait3A_105 = tpu.memref_slice %arg8[%dma_wait3A_103, %dma_wait3A_104] : memref<256x128xf32, #tpu.memory_space<vmem>> -> memref<128x128xf32, #tpu.memory_space<vmem>>
      %dma_wait3A_106 = arith.constant 128 : i32
      %dma_wait3A_107 = tpu.memref_slice %arg6[%dma_wait3A_106] : memref<256xi32, #tpu.memory_space<vmem>> -> memref<128xi32, #tpu.memory_space<vmem>>
      %dma_wait3A_108 = arith.constant 0 : i32
      %dma_wait3A_109 = arith.constant 0 : i32
      %dma_wait3A_110 = tpu.memref_slice %arg2[%dma_wait3A_108, %dma_wait3A_109] : memref<8192x128xf32, #tpu.memory_space<hbm>> -> memref<8192x128xf32, #tpu.memory_space<hbm>>
      tpu.wait_indirect_dma semaphore(%arg9 : memref<!tpu.dma_semaphore, #tpu.memory_space<semaphore_mem>>) src(%dma_wait3A_110 : memref<8192x128xf32, #tpu.memory_space<hbm>>) dst(%dma_wait3A_105 : memref<128x128xf32, #tpu.memory_space<vmem>>)
      %dma_start3A_111 = arith.constant 0 : i32
      %dma_start3A_112 = tpu.memref_slice %arg4[%multiple_of3A_73, %dma_start3A_111] : memref<163840x128xf32, #tpu.memory_space<hbm>> -> memref<256x128xf32, #tpu.memory_space<hbm>>
      %dma_start3A_113 = arith.constant 0 : i32
      %dma_start3A_114 = tpu.memref_slice %arg4[%multiple_of3A_73, %dma_start3A_113] : memref<163840x128xf32, #tpu.memory_space<hbm>> -> memref<256x128xf32, #tpu.memory_space<hbm>>
      tpu.enqueue_dma source(%arg8 : memref<256x128xf32, #tpu.memory_space<vmem>>) target(%dma_start3A_114 : memref<256x128xf32, #tpu.memory_space<hbm>>) target_semaphore(%arg11 : memref<!tpu.dma_semaphore, #tpu.memory_space<semaphore_mem>>)
    }
    %scan3A_5 = arith.constant 10 : i32
    %dma_wait3A = arith.constant 0 : i32
    %dma_wait3A_6 = arith.constant 0 : i32
    %dma_wait3A_7 = tpu.memref_slice %arg4[%dma_wait3A, %dma_wait3A_6] : memref<163840x128xf32, #tpu.memory_space<hbm>> -> memref<256x128xf32, #tpu.memory_space<hbm>>
    %dma_wait3A_8 = arith.constant 0 : i32
    %dma_wait3A_9 = arith.constant 0 : i32
    %dma_wait3A_10 = tpu.memref_slice %arg4[%dma_wait3A_8, %dma_wait3A_9] : memref<163840x128xf32, #tpu.memory_space<hbm>> -> memref<256x128xf32, #tpu.memory_space<hbm>>
    tpu.wait_dma2 semaphore(%arg10 : memref<!tpu.dma_semaphore, #tpu.memory_space<semaphore_mem>>) src(%arg7 : memref<256x128xf32, #tpu.memory_space<vmem>>) dst(%dma_wait3A_10 : memref<256x128xf32, #tpu.memory_space<hbm>>)
    %dma_wait3A_11 = arith.constant 0 : i32
    %dma_wait3A_12 = arith.constant 0 : i32
    %dma_wait3A_13 = tpu.memref_slice %arg4[%dma_wait3A_11, %dma_wait3A_12] : memref<163840x128xf32, #tpu.memory_space<hbm>> -> memref<256x128xf32, #tpu.memory_space<hbm>>
    %dma_wait3A_14 = arith.constant 0 : i32
    %dma_wait3A_15 = arith.constant 0 : i32
    %dma_wait3A_16 = tpu.memref_slice %arg4[%dma_wait3A_14, %dma_wait3A_15] : memref<163840x128xf32, #tpu.memory_space<hbm>> -> memref<256x128xf32, #tpu.memory_space<hbm>>
    tpu.wait_dma2 semaphore(%arg11 : memref<!tpu.dma_semaphore, #tpu.memory_space<semaphore_mem>>) src(%arg8 : memref<256x128xf32, #tpu.memory_space<vmem>>) dst(%dma_wait3A_16 : memref<256x128xf32, #tpu.memory_space<hbm>>)
    return
  }
}

#map = affine_map<(d0, d1) -> (0, 0)>
#map1 = affine_map<(d0, d1) -> (0)>
module attributes {stable_mosaic.version = 14 : i64} {
  func.func @sck(%arg0: i32, %arg1: i32, %arg2: memref<8192x128xf32, #tpu.memory_space<hbm>>, %arg3: memref<163840xi32, #tpu.memory_space<hbm>>, %arg4: memref<163840x128xf32, #tpu.memory_space<hbm>>, %arg5: memref<256xi32, #tpu.memory_space<vmem>>, %arg6: memref<256xi32, #tpu.memory_space<vmem>>, %arg7: memref<256x128xf32, #tpu.memory_space<vmem>>, %arg8: memref<256x128xf32, #tpu.memory_space<vmem>>, %arg9: memref<!tpu.dma_semaphore, #tpu.memory_space<semaphore_mem>>, %arg10: memref<!tpu.dma_semaphore, #tpu.memory_space<semaphore_mem>>, %arg11: memref<!tpu.dma_semaphore, #tpu.memory_space<semaphore_mem>>) attributes {dimension_semantics = [#tpu.dimension_semantics<core_parallel>, #tpu.dimension_semantics<subcore_parallel>], iteration_bounds = array<i64: 2, 16>, scalar_prefetch = 0 : i64, scratch_operands = 7 : i64, tpu.core_type = #tpu.core_type<sc_vector_subcore>, window_params = [{transform_indices = #map}, {transform_indices = #map1}, {transform_indices = #map}]} {
    %mul3A = arith.constant 2 : i32
    %mul3A_0 = arith.muli %arg1, %mul3A : i32
    %add3A = arith.addi %mul3A_0, %arg0 : i32
    %scan3A = arith.constant 0 : i32
    %scan3A_1 = arith.constant 0 : i32
    %scan3A_2 = arith.constant 10 : i32
    %scan3A_3 = arith.addi %scan3A_1, %scan3A_2 : i32
    %scan3A_4 = arith.constant 1 : i32
    scf.for %scan3A_17 = %scan3A_1 to %scan3A_3 step %scan3A_4  : i32 {
      %mul3A_18 = arith.constant 2 : i32
      %mul3A_19 = arith.muli %mul3A_18, %scan3A_17 : i32
      %add3A_20 = arith.constant 0 : i32
      %add3A_21 = arith.addi %mul3A_19, %add3A_20 : i32
      %mul3A_22 = arith.constant 5120 : i32
      %mul3A_23 = arith.muli %add3A, %mul3A_22 : i32
      %mul3A_24 = arith.constant 256 : i32
      %mul3A_25 = arith.muli %add3A_21, %mul3A_24 : i32
      %add3A_26 = arith.addi %mul3A_23, %mul3A_25 : i32
      %multiple_of3A = tpu.assume_multiple %add3A_26, 256 : i32
      %gt3A = arith.constant 0 : i32
      %gt3A_27 = arith.cmpi sgt, %scan3A_17, %gt3A : i32
      %convert_element_type3A = arith.extui %gt3A_27 : i1 to i32
      %cond3A = arith.constant 0 : i32
      %cond3A_28 = arith.cmpi ne, %convert_element_type3A, %cond3A : i32
      scf.if %cond3A_28 {
        %dma_wait3A_115 = arith.constant 0 : i32
        %dma_wait3A_116 = arith.constant 0 : i32
        %dma_wait3A_117 = tpu.memref_slice %arg4[%dma_wait3A_115, %dma_wait3A_116] : memref<163840x128xf32, #tpu.memory_space<hbm>> -> memref<256x128xf32, #tpu.memory_space<hbm>>
        %dma_wait3A_118 = arith.constant 0 : i32
        %dma_wait3A_119 = arith.constant 0 : i32
        %dma_wait3A_120 = tpu.memref_slice %arg4[%dma_wait3A_118, %dma_wait3A_119] : memref<163840x128xf32, #tpu.memory_space<hbm>> -> memref<256x128xf32, #tpu.memory_space<hbm>>
        tpu.wait_dma2 semaphore(%arg10 : memref<!tpu.dma_semaphore, #tpu.memory_space<semaphore_mem>>) src(%arg7 : memref<256x128xf32, #tpu.memory_space<vmem>>) dst(%dma_wait3A_120 : memref<256x128xf32, #tpu.memory_space<hbm>>)
      } else {
      }
      "tpu.region"() ({
        %run_scoped3A = tpu.sem_alloc : memref<!tpu.dma_semaphore, #tpu.memory_space<semaphore_mem>>
        %dma_start3A_115 = tpu.memref_slice %arg3[%multiple_of3A] : memref<163840xi32, #tpu.memory_space<hbm>> -> memref<256xi32, #tpu.memory_space<hbm>>
        %dma_start3A_116 = tpu.memref_slice %arg3[%multiple_of3A] : memref<163840xi32, #tpu.memory_space<hbm>> -> memref<256xi32, #tpu.memory_space<hbm>>
        tpu.enqueue_dma source(%dma_start3A_116 : memref<256xi32, #tpu.memory_space<hbm>>) target(%arg5 : memref<256xi32, #tpu.memory_space<vmem>>) target_semaphore(%run_scoped3A : memref<!tpu.dma_semaphore, #tpu.memory_space<semaphore_mem>>)
        %dma_wait3A_117 = tpu.memref_slice %arg3[%multiple_of3A] : memref<163840xi32, #tpu.memory_space<hbm>> -> memref<256xi32, #tpu.memory_space<hbm>>
        %dma_wait3A_118 = tpu.memref_slice %arg3[%multiple_of3A] : memref<163840xi32, #tpu.memory_space<hbm>> -> memref<256xi32, #tpu.memory_space<hbm>>
        tpu.wait_dma2 semaphore(%run_scoped3A : memref<!tpu.dma_semaphore, #tpu.memory_space<semaphore_mem>>) src(%dma_wait3A_118 : memref<256xi32, #tpu.memory_space<hbm>>) dst(%arg5 : memref<256xi32, #tpu.memory_space<vmem>>)
        tpu.yield
      }) : () -> ()
      %dma_start3A = arith.constant 0 : i32
      %dma_start3A_29 = arith.constant 0 : i32
      %dma_start3A_30 = tpu.memref_slice %arg7[%dma_start3A, %dma_start3A_29] : memref<256x128xf32, #tpu.memory_space<vmem>> -> memref<128x128xf32, #tpu.memory_space<vmem>>
      %dma_start3A_31 = arith.constant 0 : i32
      %dma_start3A_32 = tpu.memref_slice %arg5[%dma_start3A_31] : memref<256xi32, #tpu.memory_space<vmem>> -> memref<128xi32, #tpu.memory_space<vmem>>
      %dma_start3A_33 = arith.constant 0 : i32
      %dma_start3A_34 = arith.constant 0 : i32
      %dma_start3A_35 = tpu.memref_slice %arg2[%dma_start3A_33, %dma_start3A_34] : memref<8192x128xf32, #tpu.memory_space<hbm>> -> memref<8192x128xf32, #tpu.memory_space<hbm>>
      tpu.enqueue_indirect_dma source(%dma_start3A_35 : memref<8192x128xf32, #tpu.memory_space<hbm>>) target(%dma_start3A_30 : memref<128x128xf32, #tpu.memory_space<vmem>>) offsets(%dma_start3A_32 : memref<128xi32, #tpu.memory_space<vmem>>) semaphore(%arg9 : memref<!tpu.dma_semaphore, #tpu.memory_space<semaphore_mem>>)
      %dma_start3A_36 = arith.constant 128 : i32
      %dma_start3A_37 = arith.constant 0 : i32
      %dma_start3A_38 = tpu.memref_slice %arg7[%dma_start3A_36, %dma_start3A_37] : memref<256x128xf32, #tpu.memory_space<vmem>> -> memref<128x128xf32, #tpu.memory_space<vmem>>
      %dma_start3A_39 = arith.constant 128 : i32
      %dma_start3A_40 = tpu.memref_slice %arg5[%dma_start3A_39] : memref<256xi32, #tpu.memory_space<vmem>> -> memref<128xi32, #tpu.memory_space<vmem>>
      %dma_start3A_41 = arith.constant 0 : i32
      %dma_start3A_42 = arith.constant 0 : i32
      %dma_start3A_43 = tpu.memref_slice %arg2[%dma_start3A_41, %dma_start3A_42] : memref<8192x128xf32, #tpu.memory_space<hbm>> -> memref<8192x128xf32, #tpu.memory_space<hbm>>
      tpu.enqueue_indirect_dma source(%dma_start3A_43 : memref<8192x128xf32, #tpu.memory_space<hbm>>) target(%dma_start3A_38 : memref<128x128xf32, #tpu.memory_space<vmem>>) offsets(%dma_start3A_40 : memref<128xi32, #tpu.memory_space<vmem>>) semaphore(%arg9 : memref<!tpu.dma_semaphore, #tpu.memory_space<semaphore_mem>>)
      %dma_wait3A_44 = arith.constant 0 : i32
      %dma_wait3A_45 = arith.constant 0 : i32
      %dma_wait3A_46 = tpu.memref_slice %arg7[%dma_wait3A_44, %dma_wait3A_45] : memref<256x128xf32, #tpu.memory_space<vmem>> -> memref<128x128xf32, #tpu.memory_space<vmem>>
      %dma_wait3A_47 = arith.constant 0 : i32
      %dma_wait3A_48 = tpu.memref_slice %arg5[%dma_wait3A_47] : memref<256xi32, #tpu.memory_space<vmem>> -> memref<128xi32, #tpu.memory_space<vmem>>
      %dma_wait3A_49 = arith.constant 0 : i32
      %dma_wait3A_50 = arith.constant 0 : i32
      %dma_wait3A_51 = tpu.memref_slice %arg2[%dma_wait3A_49, %dma_wait3A_50] : memref<8192x128xf32, #tpu.memory_space<hbm>> -> memref<8192x128xf32, #tpu.memory_space<hbm>>
      tpu.wait_indirect_dma semaphore(%arg9 : memref<!tpu.dma_semaphore, #tpu.memory_space<semaphore_mem>>) src(%dma_wait3A_51 : memref<8192x128xf32, #tpu.memory_space<hbm>>) dst(%dma_wait3A_46 : memref<128x128xf32, #tpu.memory_space<vmem>>)
      %dma_wait3A_52 = arith.constant 128 : i32
      %dma_wait3A_53 = arith.constant 0 : i32
      %dma_wait3A_54 = tpu.memref_slice %arg7[%dma_wait3A_52, %dma_wait3A_53] : memref<256x128xf32, #tpu.memory_space<vmem>> -> memref<128x128xf32, #tpu.memory_space<vmem>>
      %dma_wait3A_55 = arith.constant 128 : i32
      %dma_wait3A_56 = tpu.memref_slice %arg5[%dma_wait3A_55] : memref<256xi32, #tpu.memory_space<vmem>> -> memref<128xi32, #tpu.memory_space<vmem>>
      %dma_wait3A_57 = arith.constant 0 : i32
      %dma_wait3A_58 = arith.constant 0 : i32
      %dma_wait3A_59 = tpu.memref_slice %arg2[%dma_wait3A_57, %dma_wait3A_58] : memref<8192x128xf32, #tpu.memory_space<hbm>> -> memref<8192x128xf32, #tpu.memory_space<hbm>>
      tpu.wait_indirect_dma semaphore(%arg9 : memref<!tpu.dma_semaphore, #tpu.memory_space<semaphore_mem>>) src(%dma_wait3A_59 : memref<8192x128xf32, #tpu.memory_space<hbm>>) dst(%dma_wait3A_54 : memref<128x128xf32, #tpu.memory_space<vmem>>)
      %dma_start3A_60 = arith.constant 0 : i32
      %dma_start3A_61 = tpu.memref_slice %arg4[%multiple_of3A, %dma_start3A_60] : memref<163840x128xf32, #tpu.memory_space<hbm>> -> memref<256x128xf32, #tpu.memory_space<hbm>>
      %dma_start3A_62 = arith.constant 0 : i32
      %dma_start3A_63 = tpu.memref_slice %arg4[%multiple_of3A, %dma_start3A_62] : memref<163840x128xf32, #tpu.memory_space<hbm>> -> memref<256x128xf32, #tpu.memory_space<hbm>>
      tpu.enqueue_dma source(%arg7 : memref<256x128xf32, #tpu.memory_space<vmem>>) target(%dma_start3A_63 : memref<256x128xf32, #tpu.memory_space<hbm>>) target_semaphore(%arg10 : memref<!tpu.dma_semaphore, #tpu.memory_space<semaphore_mem>>)
      %mul3A_64 = arith.constant 2 : i32
      %mul3A_65 = arith.muli %mul3A_64, %scan3A_17 : i32
      %add3A_66 = arith.constant 1 : i32
      %add3A_67 = arith.addi %mul3A_65, %add3A_66 : i32
      %mul3A_68 = arith.constant 5120 : i32
      %mul3A_69 = arith.muli %add3A, %mul3A_68 : i32
      %mul3A_70 = arith.constant 256 : i32
      %mul3A_71 = arith.muli %add3A_67, %mul3A_70 : i32
      %add3A_72 = arith.addi %mul3A_69, %mul3A_71 : i32
      %multiple_of3A_73 = tpu.assume_multiple %add3A_72, 256 : i32
      %gt3A_74 = arith.constant 0 : i32
      %gt3A_75 = arith.cmpi sgt, %scan3A_17, %gt3A_74 : i32
      %convert_element_type3A_76 = arith.extui %gt3A_75 : i1 to i32
      %cond3A_77 = arith.constant 0 : i32
      %cond3A_78 = arith.cmpi ne, %convert_element_type3A_76, %cond3A_77 : i32
      scf.if %cond3A_78 {
        %dma_wait3A_115 = arith.constant 0 : i32
        %dma_wait3A_116 = arith.constant 0 : i32
        %dma_wait3A_117 = tpu.memref_slice %arg4[%dma_wait3A_115, %dma_wait3A_116] : memref<163840x128xf32, #tpu.memory_space<hbm>> -> memref<256x128xf32, #tpu.memory_space<hbm>>
        %dma_wait3A_118 = arith.constant 0 : i32
        %dma_wait3A_119 = arith.constant 0 : i32
        %dma_wait3A_120 = tpu.memref_slice %arg4[%dma_wait3A_118, %dma_wait3A_119] : memref<163840x128xf32, #tpu.memory_space<hbm>> -> memref<256x128xf32, #tpu.memory_space<hbm>>
        tpu.wait_dma2 semaphore(%arg11 : memref<!tpu.dma_semaphore, #tpu.memory_space<semaphore_mem>>) src(%arg8 : memref<256x128xf32, #tpu.memory_space<vmem>>) dst(%dma_wait3A_120 : memref<256x128xf32, #tpu.memory_space<hbm>>)
      } else {
      }
      "tpu.region"() ({
        %run_scoped3A = tpu.sem_alloc : memref<!tpu.dma_semaphore, #tpu.memory_space<semaphore_mem>>
        %dma_start3A_115 = tpu.memref_slice %arg3[%multiple_of3A_73] : memref<163840xi32, #tpu.memory_space<hbm>> -> memref<256xi32, #tpu.memory_space<hbm>>
        %dma_start3A_116 = tpu.memref_slice %arg3[%multiple_of3A_73] : memref<163840xi32, #tpu.memory_space<hbm>> -> memref<256xi32, #tpu.memory_space<hbm>>
        tpu.enqueue_dma source(%dma_start3A_116 : memref<256xi32, #tpu.memory_space<hbm>>) target(%arg6 : memref<256xi32, #tpu.memory_space<vmem>>) target_semaphore(%run_scoped3A : memref<!tpu.dma_semaphore, #tpu.memory_space<semaphore_mem>>)
        %dma_wait3A_117 = tpu.memref_slice %arg3[%multiple_of3A_73] : memref<163840xi32, #tpu.memory_space<hbm>> -> memref<256xi32, #tpu.memory_space<hbm>>
        %dma_wait3A_118 = tpu.memref_slice %arg3[%multiple_of3A_73] : memref<163840xi32, #tpu.memory_space<hbm>> -> memref<256xi32, #tpu.memory_space<hbm>>
        tpu.wait_dma2 semaphore(%run_scoped3A : memref<!tpu.dma_semaphore, #tpu.memory_space<semaphore_mem>>) src(%dma_wait3A_118 : memref<256xi32, #tpu.memory_space<hbm>>) dst(%arg6 : memref<256xi32, #tpu.memory_space<vmem>>)
        tpu.yield
      }) : () -> ()
      %dma_start3A_79 = arith.constant 0 : i32
      %dma_start3A_80 = arith.constant 0 : i32
      %dma_start3A_81 = tpu.memref_slice %arg8[%dma_start3A_79, %dma_start3A_80] : memref<256x128xf32, #tpu.memory_space<vmem>> -> memref<128x128xf32, #tpu.memory_space<vmem>>
      %dma_start3A_82 = arith.constant 0 : i32
      %dma_start3A_83 = tpu.memref_slice %arg6[%dma_start3A_82] : memref<256xi32, #tpu.memory_space<vmem>> -> memref<128xi32, #tpu.memory_space<vmem>>
      %dma_start3A_84 = arith.constant 0 : i32
      %dma_start3A_85 = arith.constant 0 : i32
      %dma_start3A_86 = tpu.memref_slice %arg2[%dma_start3A_84, %dma_start3A_85] : memref<8192x128xf32, #tpu.memory_space<hbm>> -> memref<8192x128xf32, #tpu.memory_space<hbm>>
      tpu.enqueue_indirect_dma source(%dma_start3A_86 : memref<8192x128xf32, #tpu.memory_space<hbm>>) target(%dma_start3A_81 : memref<128x128xf32, #tpu.memory_space<vmem>>) offsets(%dma_start3A_83 : memref<128xi32, #tpu.memory_space<vmem>>) semaphore(%arg9 : memref<!tpu.dma_semaphore, #tpu.memory_space<semaphore_mem>>)
      %dma_start3A_87 = arith.constant 128 : i32
      %dma_start3A_88 = arith.constant 0 : i32
      %dma_start3A_89 = tpu.memref_slice %arg8[%dma_start3A_87, %dma_start3A_88] : memref<256x128xf32, #tpu.memory_space<vmem>> -> memref<128x128xf32, #tpu.memory_space<vmem>>
      %dma_start3A_90 = arith.constant 128 : i32
      %dma_start3A_91 = tpu.memref_slice %arg6[%dma_start3A_90] : memref<256xi32, #tpu.memory_space<vmem>> -> memref<128xi32, #tpu.memory_space<vmem>>
      %dma_start3A_92 = arith.constant 0 : i32
      %dma_start3A_93 = arith.constant 0 : i32
      %dma_start3A_94 = tpu.memref_slice %arg2[%dma_start3A_92, %dma_start3A_93] : memref<8192x128xf32, #tpu.memory_space<hbm>> -> memref<8192x128xf32, #tpu.memory_space<hbm>>
      tpu.enqueue_indirect_dma source(%dma_start3A_94 : memref<8192x128xf32, #tpu.memory_space<hbm>>) target(%dma_start3A_89 : memref<128x128xf32, #tpu.memory_space<vmem>>) offsets(%dma_start3A_91 : memref<128xi32, #tpu.memory_space<vmem>>) semaphore(%arg9 : memref<!tpu.dma_semaphore, #tpu.memory_space<semaphore_mem>>)
      %dma_wait3A_95 = arith.constant 0 : i32
      %dma_wait3A_96 = arith.constant 0 : i32
      %dma_wait3A_97 = tpu.memref_slice %arg8[%dma_wait3A_95, %dma_wait3A_96] : memref<256x128xf32, #tpu.memory_space<vmem>> -> memref<128x128xf32, #tpu.memory_space<vmem>>
      %dma_wait3A_98 = arith.constant 0 : i32
      %dma_wait3A_99 = tpu.memref_slice %arg6[%dma_wait3A_98] : memref<256xi32, #tpu.memory_space<vmem>> -> memref<128xi32, #tpu.memory_space<vmem>>
      %dma_wait3A_100 = arith.constant 0 : i32
      %dma_wait3A_101 = arith.constant 0 : i32
      %dma_wait3A_102 = tpu.memref_slice %arg2[%dma_wait3A_100, %dma_wait3A_101] : memref<8192x128xf32, #tpu.memory_space<hbm>> -> memref<8192x128xf32, #tpu.memory_space<hbm>>
      tpu.wait_indirect_dma semaphore(%arg9 : memref<!tpu.dma_semaphore, #tpu.memory_space<semaphore_mem>>) src(%dma_wait3A_102 : memref<8192x128xf32, #tpu.memory_space<hbm>>) dst(%dma_wait3A_97 : memref<128x128xf32, #tpu.memory_space<vmem>>)
      %dma_wait3A_103 = arith.constant 128 : i32
      %dma_wait3A_104 = arith.constant 0 : i32
      %dma_wait3A_105 = tpu.memref_slice %arg8[%dma_wait3A_103, %dma_wait3A_104] : memref<256x128xf32, #tpu.memory_space<vmem>> -> memref<128x128xf32, #tpu.memory_space<vmem>>
      %dma_wait3A_106 = arith.constant 128 : i32
      %dma_wait3A_107 = tpu.memref_slice %arg6[%dma_wait3A_106] : memref<256xi32, #tpu.memory_space<vmem>> -> memref<128xi32, #tpu.memory_space<vmem>>
      %dma_wait3A_108 = arith.constant 0 : i32
      %dma_wait3A_109 = arith.constant 0 : i32
      %dma_wait3A_110 = tpu.memref_slice %arg2[%dma_wait3A_108, %dma_wait3A_109] : memref<8192x128xf32, #tpu.memory_space<hbm>> -> memref<8192x128xf32, #tpu.memory_space<hbm>>
      tpu.wait_indirect_dma semaphore(%arg9 : memref<!tpu.dma_semaphore, #tpu.memory_space<semaphore_mem>>) src(%dma_wait3A_110 : memref<8192x128xf32, #tpu.memory_space<hbm>>) dst(%dma_wait3A_105 : memref<128x128xf32, #tpu.memory_space<vmem>>)
      %dma_start3A_111 = arith.constant 0 : i32
      %dma_start3A_112 = tpu.memref_slice %arg4[%multiple_of3A_73, %dma_start3A_111] : memref<163840x128xf32, #tpu.memory_space<hbm>> -> memref<256x128xf32, #tpu.memory_space<hbm>>
      %dma_start3A_113 = arith.constant 0 : i32
      %dma_start3A_114 = tpu.memref_slice %arg4[%multiple_of3A_73, %dma_start3A_113] : memref<163840x128xf32, #tpu.memory_space<hbm>> -> memref<256x128xf32, #tpu.memory_space<hbm>>
      tpu.enqueue_dma source(%arg8 : memref<256x128xf32, #tpu.memory_space<vmem>>) target(%dma_start3A_114 : memref<256x128xf32, #tpu.memory_space<hbm>>) target_semaphore(%arg11 : memref<!tpu.dma_semaphore, #tpu.memory_space<semaphore_mem>>)
    }
    %scan3A_5 = arith.constant 10 : i32
    %dma_wait3A = arith.constant 0 : i32
    %dma_wait3A_6 = arith.constant 0 : i32
    %dma_wait3A_7 = tpu.memref_slice %arg4[%dma_wait3A, %dma_wait3A_6] : memref<163840x128xf32, #tpu.memory_space<hbm>> -> memref<256x128xf32, #tpu.memory_space<hbm>>
    %dma_wait3A_8 = arith.constant 0 : i32
    %dma_wait3A_9 = arith.constant 0 : i32
    %dma_wait3A_10 = tpu.memref_slice %arg4[%dma_wait3A_8, %dma_wait3A_9] : memref<163840x128xf32, #tpu.memory_space<hbm>> -> memref<256x128xf32, #tpu.memory_space<hbm>>
    tpu.wait_dma2 semaphore(%arg10 : memref<!tpu.dma_semaphore, #tpu.memory_space<semaphore_mem>>) src(%arg7 : memref<256x128xf32, #tpu.memory_space<vmem>>) dst(%dma_wait3A_10 : memref<256x128xf32, #tpu.memory_space<hbm>>)
    %dma_wait3A_11 = arith.constant 0 : i32
    %dma_wait3A_12 = arith.constant 0 : i32
    %dma_wait3A_13 = tpu.memref_slice %arg4[%dma_wait3A_11, %dma_wait3A_12] : memref<163840x128xf32, #tpu.memory_space<hbm>> -> memref<256x128xf32, #tpu.memory_space<hbm>>
    %dma_wait3A_14 = arith.constant 0 : i32
    %dma_wait3A_15 = arith.constant 0 : i32
    %dma_wait3A_16 = tpu.memref_slice %arg4[%dma_wait3A_14, %dma_wait3A_15] : memref<163840x128xf32, #tpu.memory_space<hbm>> -> memref<256x128xf32, #tpu.memory_space<hbm>>
    tpu.wait_dma2 semaphore(%arg11 : memref<!tpu.dma_semaphore, #tpu.memory_space<semaphore_mem>>) src(%arg8 : memref<256x128xf32, #tpu.memory_space<vmem>>) dst(%dma_wait3A_16 : memref<256x128xf32, #tpu.memory_space<hbm>>)
    return
  }
}

#map = affine_map<(d0, d1) -> (0, 0)>
#map1 = affine_map<(d0, d1) -> (0)>
module attributes {stable_mosaic.version = 14 : i64} {
  func.func @sck(%arg0: i32, %arg1: i32, %arg2: memref<8192x128xf32, #tpu.memory_space<hbm>>, %arg3: memref<163840xi32, #tpu.memory_space<hbm>>, %arg4: memref<163840x128xf32, #tpu.memory_space<hbm>>, %arg5: memref<256xi32, #tpu.memory_space<vmem>>, %arg6: memref<256xi32, #tpu.memory_space<vmem>>, %arg7: memref<256x128xf32, #tpu.memory_space<vmem>>, %arg8: memref<256x128xf32, #tpu.memory_space<vmem>>, %arg9: memref<!tpu.dma_semaphore, #tpu.memory_space<semaphore_mem>>, %arg10: memref<!tpu.dma_semaphore, #tpu.memory_space<semaphore_mem>>, %arg11: memref<!tpu.dma_semaphore, #tpu.memory_space<semaphore_mem>>) attributes {dimension_semantics = [#tpu.dimension_semantics<core_parallel>, #tpu.dimension_semantics<subcore_parallel>], iteration_bounds = array<i64: 2, 16>, scalar_prefetch = 0 : i64, scratch_operands = 7 : i64, tpu.core_type = #tpu.core_type<sc_vector_subcore>, window_params = [{transform_indices = #map}, {transform_indices = #map1}, {transform_indices = #map}]} {
    %mul3A = arith.constant 2 : i32
    %mul3A_0 = arith.muli %arg1, %mul3A : i32
    %add3A = arith.addi %mul3A_0, %arg0 : i32
    %scan3A = arith.constant 0 : i32
    %scan3A_1 = arith.constant 0 : i32
    %scan3A_2 = arith.constant 10 : i32
    %scan3A_3 = arith.addi %scan3A_1, %scan3A_2 : i32
    %scan3A_4 = arith.constant 1 : i32
    scf.for %scan3A_17 = %scan3A_1 to %scan3A_3 step %scan3A_4  : i32 {
      %mul3A_18 = arith.constant 2 : i32
      %mul3A_19 = arith.muli %mul3A_18, %scan3A_17 : i32
      %add3A_20 = arith.constant 0 : i32
      %add3A_21 = arith.addi %mul3A_19, %add3A_20 : i32
      %mul3A_22 = arith.constant 5120 : i32
      %mul3A_23 = arith.muli %add3A, %mul3A_22 : i32
      %mul3A_24 = arith.constant 256 : i32
      %mul3A_25 = arith.muli %add3A_21, %mul3A_24 : i32
      %add3A_26 = arith.addi %mul3A_23, %mul3A_25 : i32
      %multiple_of3A = tpu.assume_multiple %add3A_26, 256 : i32
      %gt3A = arith.constant 0 : i32
      %gt3A_27 = arith.cmpi sgt, %scan3A_17, %gt3A : i32
      %convert_element_type3A = arith.extui %gt3A_27 : i1 to i32
      %cond3A = arith.constant 0 : i32
      %cond3A_28 = arith.cmpi ne, %convert_element_type3A, %cond3A : i32
      scf.if %cond3A_28 {
        %dma_wait3A_115 = arith.constant 0 : i32
        %dma_wait3A_116 = arith.constant 0 : i32
        %dma_wait3A_117 = tpu.memref_slice %arg4[%dma_wait3A_115, %dma_wait3A_116] : memref<163840x128xf32, #tpu.memory_space<hbm>> -> memref<256x128xf32, #tpu.memory_space<hbm>>
        %dma_wait3A_118 = arith.constant 0 : i32
        %dma_wait3A_119 = arith.constant 0 : i32
        %dma_wait3A_120 = tpu.memref_slice %arg4[%dma_wait3A_118, %dma_wait3A_119] : memref<163840x128xf32, #tpu.memory_space<hbm>> -> memref<256x128xf32, #tpu.memory_space<hbm>>
        tpu.wait_dma2 semaphore(%arg10 : memref<!tpu.dma_semaphore, #tpu.memory_space<semaphore_mem>>) src(%arg7 : memref<256x128xf32, #tpu.memory_space<vmem>>) dst(%dma_wait3A_120 : memref<256x128xf32, #tpu.memory_space<hbm>>)
      } else {
      }
      "tpu.region"() ({
        %run_scoped3A = tpu.sem_alloc : memref<!tpu.dma_semaphore, #tpu.memory_space<semaphore_mem>>
        %dma_start3A_115 = tpu.memref_slice %arg3[%multiple_of3A] : memref<163840xi32, #tpu.memory_space<hbm>> -> memref<256xi32, #tpu.memory_space<hbm>>
        %dma_start3A_116 = tpu.memref_slice %arg3[%multiple_of3A] : memref<163840xi32, #tpu.memory_space<hbm>> -> memref<256xi32, #tpu.memory_space<hbm>>
        tpu.enqueue_dma source(%dma_start3A_116 : memref<256xi32, #tpu.memory_space<hbm>>) target(%arg5 : memref<256xi32, #tpu.memory_space<vmem>>) target_semaphore(%run_scoped3A : memref<!tpu.dma_semaphore, #tpu.memory_space<semaphore_mem>>)
        %dma_wait3A_117 = tpu.memref_slice %arg3[%multiple_of3A] : memref<163840xi32, #tpu.memory_space<hbm>> -> memref<256xi32, #tpu.memory_space<hbm>>
        %dma_wait3A_118 = tpu.memref_slice %arg3[%multiple_of3A] : memref<163840xi32, #tpu.memory_space<hbm>> -> memref<256xi32, #tpu.memory_space<hbm>>
        tpu.wait_dma2 semaphore(%run_scoped3A : memref<!tpu.dma_semaphore, #tpu.memory_space<semaphore_mem>>) src(%dma_wait3A_118 : memref<256xi32, #tpu.memory_space<hbm>>) dst(%arg5 : memref<256xi32, #tpu.memory_space<vmem>>)
        tpu.yield
      }) : () -> ()
      %dma_start3A = arith.constant 0 : i32
      %dma_start3A_29 = arith.constant 0 : i32
      %dma_start3A_30 = tpu.memref_slice %arg7[%dma_start3A, %dma_start3A_29] : memref<256x128xf32, #tpu.memory_space<vmem>> -> memref<128x128xf32, #tpu.memory_space<vmem>>
      %dma_start3A_31 = arith.constant 0 : i32
      %dma_start3A_32 = tpu.memref_slice %arg5[%dma_start3A_31] : memref<256xi32, #tpu.memory_space<vmem>> -> memref<128xi32, #tpu.memory_space<vmem>>
      %dma_start3A_33 = arith.constant 0 : i32
      %dma_start3A_34 = arith.constant 0 : i32
      %dma_start3A_35 = tpu.memref_slice %arg2[%dma_start3A_33, %dma_start3A_34] : memref<8192x128xf32, #tpu.memory_space<hbm>> -> memref<8192x128xf32, #tpu.memory_space<hbm>>
      tpu.enqueue_indirect_dma source(%dma_start3A_35 : memref<8192x128xf32, #tpu.memory_space<hbm>>) target(%dma_start3A_30 : memref<128x128xf32, #tpu.memory_space<vmem>>) offsets(%dma_start3A_32 : memref<128xi32, #tpu.memory_space<vmem>>) semaphore(%arg9 : memref<!tpu.dma_semaphore, #tpu.memory_space<semaphore_mem>>)
      %dma_start3A_36 = arith.constant 128 : i32
      %dma_start3A_37 = arith.constant 0 : i32
      %dma_start3A_38 = tpu.memref_slice %arg7[%dma_start3A_36, %dma_start3A_37] : memref<256x128xf32, #tpu.memory_space<vmem>> -> memref<128x128xf32, #tpu.memory_space<vmem>>
      %dma_start3A_39 = arith.constant 128 : i32
      %dma_start3A_40 = tpu.memref_slice %arg5[%dma_start3A_39] : memref<256xi32, #tpu.memory_space<vmem>> -> memref<128xi32, #tpu.memory_space<vmem>>
      %dma_start3A_41 = arith.constant 0 : i32
      %dma_start3A_42 = arith.constant 0 : i32
      %dma_start3A_43 = tpu.memref_slice %arg2[%dma_start3A_41, %dma_start3A_42] : memref<8192x128xf32, #tpu.memory_space<hbm>> -> memref<8192x128xf32, #tpu.memory_space<hbm>>
      tpu.enqueue_indirect_dma source(%dma_start3A_43 : memref<8192x128xf32, #tpu.memory_space<hbm>>) target(%dma_start3A_38 : memref<128x128xf32, #tpu.memory_space<vmem>>) offsets(%dma_start3A_40 : memref<128xi32, #tpu.memory_space<vmem>>) semaphore(%arg9 : memref<!tpu.dma_semaphore, #tpu.memory_space<semaphore_mem>>)
      %dma_wait3A_44 = arith.constant 0 : i32
      %dma_wait3A_45 = arith.constant 0 : i32
      %dma_wait3A_46 = tpu.memref_slice %arg7[%dma_wait3A_44, %dma_wait3A_45] : memref<256x128xf32, #tpu.memory_space<vmem>> -> memref<128x128xf32, #tpu.memory_space<vmem>>
      %dma_wait3A_47 = arith.constant 0 : i32
      %dma_wait3A_48 = tpu.memref_slice %arg5[%dma_wait3A_47] : memref<256xi32, #tpu.memory_space<vmem>> -> memref<128xi32, #tpu.memory_space<vmem>>
      %dma_wait3A_49 = arith.constant 0 : i32
      %dma_wait3A_50 = arith.constant 0 : i32
      %dma_wait3A_51 = tpu.memref_slice %arg2[%dma_wait3A_49, %dma_wait3A_50] : memref<8192x128xf32, #tpu.memory_space<hbm>> -> memref<8192x128xf32, #tpu.memory_space<hbm>>
      tpu.wait_indirect_dma semaphore(%arg9 : memref<!tpu.dma_semaphore, #tpu.memory_space<semaphore_mem>>) src(%dma_wait3A_51 : memref<8192x128xf32, #tpu.memory_space<hbm>>) dst(%dma_wait3A_46 : memref<128x128xf32, #tpu.memory_space<vmem>>)
      %dma_wait3A_52 = arith.constant 128 : i32
      %dma_wait3A_53 = arith.constant 0 : i32
      %dma_wait3A_54 = tpu.memref_slice %arg7[%dma_wait3A_52, %dma_wait3A_53] : memref<256x128xf32, #tpu.memory_space<vmem>> -> memref<128x128xf32, #tpu.memory_space<vmem>>
      %dma_wait3A_55 = arith.constant 128 : i32
      %dma_wait3A_56 = tpu.memref_slice %arg5[%dma_wait3A_55] : memref<256xi32, #tpu.memory_space<vmem>> -> memref<128xi32, #tpu.memory_space<vmem>>
      %dma_wait3A_57 = arith.constant 0 : i32
      %dma_wait3A_58 = arith.constant 0 : i32
      %dma_wait3A_59 = tpu.memref_slice %arg2[%dma_wait3A_57, %dma_wait3A_58] : memref<8192x128xf32, #tpu.memory_space<hbm>> -> memref<8192x128xf32, #tpu.memory_space<hbm>>
      tpu.wait_indirect_dma semaphore(%arg9 : memref<!tpu.dma_semaphore, #tpu.memory_space<semaphore_mem>>) src(%dma_wait3A_59 : memref<8192x128xf32, #tpu.memory_space<hbm>>) dst(%dma_wait3A_54 : memref<128x128xf32, #tpu.memory_space<vmem>>)
      %dma_start3A_60 = arith.constant 0 : i32
      %dma_start3A_61 = tpu.memref_slice %arg4[%multiple_of3A, %dma_start3A_60] : memref<163840x128xf32, #tpu.memory_space<hbm>> -> memref<256x128xf32, #tpu.memory_space<hbm>>
      %dma_start3A_62 = arith.constant 0 : i32
      %dma_start3A_63 = tpu.memref_slice %arg4[%multiple_of3A, %dma_start3A_62] : memref<163840x128xf32, #tpu.memory_space<hbm>> -> memref<256x128xf32, #tpu.memory_space<hbm>>
      tpu.enqueue_dma source(%arg7 : memref<256x128xf32, #tpu.memory_space<vmem>>) target(%dma_start3A_63 : memref<256x128xf32, #tpu.memory_space<hbm>>) target_semaphore(%arg10 : memref<!tpu.dma_semaphore, #tpu.memory_space<semaphore_mem>>)
      %mul3A_64 = arith.constant 2 : i32
      %mul3A_65 = arith.muli %mul3A_64, %scan3A_17 : i32
      %add3A_66 = arith.constant 1 : i32
      %add3A_67 = arith.addi %mul3A_65, %add3A_66 : i32
      %mul3A_68 = arith.constant 5120 : i32
      %mul3A_69 = arith.muli %add3A, %mul3A_68 : i32
      %mul3A_70 = arith.constant 256 : i32
      %mul3A_71 = arith.muli %add3A_67, %mul3A_70 : i32
      %add3A_72 = arith.addi %mul3A_69, %mul3A_71 : i32
      %multiple_of3A_73 = tpu.assume_multiple %add3A_72, 256 : i32
      %gt3A_74 = arith.constant 0 : i32
      %gt3A_75 = arith.cmpi sgt, %scan3A_17, %gt3A_74 : i32
      %convert_element_type3A_76 = arith.extui %gt3A_75 : i1 to i32
      %cond3A_77 = arith.constant 0 : i32
      %cond3A_78 = arith.cmpi ne, %convert_element_type3A_76, %cond3A_77 : i32
      scf.if %cond3A_78 {
        %dma_wait3A_115 = arith.constant 0 : i32
        %dma_wait3A_116 = arith.constant 0 : i32
        %dma_wait3A_117 = tpu.memref_slice %arg4[%dma_wait3A_115, %dma_wait3A_116] : memref<163840x128xf32, #tpu.memory_space<hbm>> -> memref<256x128xf32, #tpu.memory_space<hbm>>
        %dma_wait3A_118 = arith.constant 0 : i32
        %dma_wait3A_119 = arith.constant 0 : i32
        %dma_wait3A_120 = tpu.memref_slice %arg4[%dma_wait3A_118, %dma_wait3A_119] : memref<163840x128xf32, #tpu.memory_space<hbm>> -> memref<256x128xf32, #tpu.memory_space<hbm>>
        tpu.wait_dma2 semaphore(%arg11 : memref<!tpu.dma_semaphore, #tpu.memory_space<semaphore_mem>>) src(%arg8 : memref<256x128xf32, #tpu.memory_space<vmem>>) dst(%dma_wait3A_120 : memref<256x128xf32, #tpu.memory_space<hbm>>)
      } else {
      }
      "tpu.region"() ({
        %run_scoped3A = tpu.sem_alloc : memref<!tpu.dma_semaphore, #tpu.memory_space<semaphore_mem>>
        %dma_start3A_115 = tpu.memref_slice %arg3[%multiple_of3A_73] : memref<163840xi32, #tpu.memory_space<hbm>> -> memref<256xi32, #tpu.memory_space<hbm>>
        %dma_start3A_116 = tpu.memref_slice %arg3[%multiple_of3A_73] : memref<163840xi32, #tpu.memory_space<hbm>> -> memref<256xi32, #tpu.memory_space<hbm>>
        tpu.enqueue_dma source(%dma_start3A_116 : memref<256xi32, #tpu.memory_space<hbm>>) target(%arg6 : memref<256xi32, #tpu.memory_space<vmem>>) target_semaphore(%run_scoped3A : memref<!tpu.dma_semaphore, #tpu.memory_space<semaphore_mem>>)
        %dma_wait3A_117 = tpu.memref_slice %arg3[%multiple_of3A_73] : memref<163840xi32, #tpu.memory_space<hbm>> -> memref<256xi32, #tpu.memory_space<hbm>>
        %dma_wait3A_118 = tpu.memref_slice %arg3[%multiple_of3A_73] : memref<163840xi32, #tpu.memory_space<hbm>> -> memref<256xi32, #tpu.memory_space<hbm>>
        tpu.wait_dma2 semaphore(%run_scoped3A : memref<!tpu.dma_semaphore, #tpu.memory_space<semaphore_mem>>) src(%dma_wait3A_118 : memref<256xi32, #tpu.memory_space<hbm>>) dst(%arg6 : memref<256xi32, #tpu.memory_space<vmem>>)
        tpu.yield
      }) : () -> ()
      %dma_start3A_79 = arith.constant 0 : i32
      %dma_start3A_80 = arith.constant 0 : i32
      %dma_start3A_81 = tpu.memref_slice %arg8[%dma_start3A_79, %dma_start3A_80] : memref<256x128xf32, #tpu.memory_space<vmem>> -> memref<128x128xf32, #tpu.memory_space<vmem>>
      %dma_start3A_82 = arith.constant 0 : i32
      %dma_start3A_83 = tpu.memref_slice %arg6[%dma_start3A_82] : memref<256xi32, #tpu.memory_space<vmem>> -> memref<128xi32, #tpu.memory_space<vmem>>
      %dma_start3A_84 = arith.constant 0 : i32
      %dma_start3A_85 = arith.constant 0 : i32
      %dma_start3A_86 = tpu.memref_slice %arg2[%dma_start3A_84, %dma_start3A_85] : memref<8192x128xf32, #tpu.memory_space<hbm>> -> memref<8192x128xf32, #tpu.memory_space<hbm>>
      tpu.enqueue_indirect_dma source(%dma_start3A_86 : memref<8192x128xf32, #tpu.memory_space<hbm>>) target(%dma_start3A_81 : memref<128x128xf32, #tpu.memory_space<vmem>>) offsets(%dma_start3A_83 : memref<128xi32, #tpu.memory_space<vmem>>) semaphore(%arg9 : memref<!tpu.dma_semaphore, #tpu.memory_space<semaphore_mem>>)
      %dma_start3A_87 = arith.constant 128 : i32
      %dma_start3A_88 = arith.constant 0 : i32
      %dma_start3A_89 = tpu.memref_slice %arg8[%dma_start3A_87, %dma_start3A_88] : memref<256x128xf32, #tpu.memory_space<vmem>> -> memref<128x128xf32, #tpu.memory_space<vmem>>
      %dma_start3A_90 = arith.constant 128 : i32
      %dma_start3A_91 = tpu.memref_slice %arg6[%dma_start3A_90] : memref<256xi32, #tpu.memory_space<vmem>> -> memref<128xi32, #tpu.memory_space<vmem>>
      %dma_start3A_92 = arith.constant 0 : i32
      %dma_start3A_93 = arith.constant 0 : i32
      %dma_start3A_94 = tpu.memref_slice %arg2[%dma_start3A_92, %dma_start3A_93] : memref<8192x128xf32, #tpu.memory_space<hbm>> -> memref<8192x128xf32, #tpu.memory_space<hbm>>
      tpu.enqueue_indirect_dma source(%dma_start3A_94 : memref<8192x128xf32, #tpu.memory_space<hbm>>) target(%dma_start3A_89 : memref<128x128xf32, #tpu.memory_space<vmem>>) offsets(%dma_start3A_91 : memref<128xi32, #tpu.memory_space<vmem>>) semaphore(%arg9 : memref<!tpu.dma_semaphore, #tpu.memory_space<semaphore_mem>>)
      %dma_wait3A_95 = arith.constant 0 : i32
      %dma_wait3A_96 = arith.constant 0 : i32
      %dma_wait3A_97 = tpu.memref_slice %arg8[%dma_wait3A_95, %dma_wait3A_96] : memref<256x128xf32, #tpu.memory_space<vmem>> -> memref<128x128xf32, #tpu.memory_space<vmem>>
      %dma_wait3A_98 = arith.constant 0 : i32
      %dma_wait3A_99 = tpu.memref_slice %arg6[%dma_wait3A_98] : memref<256xi32, #tpu.memory_space<vmem>> -> memref<128xi32, #tpu.memory_space<vmem>>
      %dma_wait3A_100 = arith.constant 0 : i32
      %dma_wait3A_101 = arith.constant 0 : i32
      %dma_wait3A_102 = tpu.memref_slice %arg2[%dma_wait3A_100, %dma_wait3A_101] : memref<8192x128xf32, #tpu.memory_space<hbm>> -> memref<8192x128xf32, #tpu.memory_space<hbm>>
      tpu.wait_indirect_dma semaphore(%arg9 : memref<!tpu.dma_semaphore, #tpu.memory_space<semaphore_mem>>) src(%dma_wait3A_102 : memref<8192x128xf32, #tpu.memory_space<hbm>>) dst(%dma_wait3A_97 : memref<128x128xf32, #tpu.memory_space<vmem>>)
      %dma_wait3A_103 = arith.constant 128 : i32
      %dma_wait3A_104 = arith.constant 0 : i32
      %dma_wait3A_105 = tpu.memref_slice %arg8[%dma_wait3A_103, %dma_wait3A_104] : memref<256x128xf32, #tpu.memory_space<vmem>> -> memref<128x128xf32, #tpu.memory_space<vmem>>
      %dma_wait3A_106 = arith.constant 128 : i32
      %dma_wait3A_107 = tpu.memref_slice %arg6[%dma_wait3A_106] : memref<256xi32, #tpu.memory_space<vmem>> -> memref<128xi32, #tpu.memory_space<vmem>>
      %dma_wait3A_108 = arith.constant 0 : i32
      %dma_wait3A_109 = arith.constant 0 : i32
      %dma_wait3A_110 = tpu.memref_slice %arg2[%dma_wait3A_108, %dma_wait3A_109] : memref<8192x128xf32, #tpu.memory_space<hbm>> -> memref<8192x128xf32, #tpu.memory_space<hbm>>
      tpu.wait_indirect_dma semaphore(%arg9 : memref<!tpu.dma_semaphore, #tpu.memory_space<semaphore_mem>>) src(%dma_wait3A_110 : memref<8192x128xf32, #tpu.memory_space<hbm>>) dst(%dma_wait3A_105 : memref<128x128xf32, #tpu.memory_space<vmem>>)
      %dma_start3A_111 = arith.constant 0 : i32
      %dma_start3A_112 = tpu.memref_slice %arg4[%multiple_of3A_73, %dma_start3A_111] : memref<163840x128xf32, #tpu.memory_space<hbm>> -> memref<256x128xf32, #tpu.memory_space<hbm>>
      %dma_start3A_113 = arith.constant 0 : i32
      %dma_start3A_114 = tpu.memref_slice %arg4[%multiple_of3A_73, %dma_start3A_113] : memref<163840x128xf32, #tpu.memory_space<hbm>> -> memref<256x128xf32, #tpu.memory_space<hbm>>
      tpu.enqueue_dma source(%arg8 : memref<256x128xf32, #tpu.memory_space<vmem>>) target(%dma_start3A_114 : memref<256x128xf32, #tpu.memory_space<hbm>>) target_semaphore(%arg11 : memref<!tpu.dma_semaphore, #tpu.memory_space<semaphore_mem>>)
    }
    %scan3A_5 = arith.constant 10 : i32
    %dma_wait3A = arith.constant 0 : i32
    %dma_wait3A_6 = arith.constant 0 : i32
    %dma_wait3A_7 = tpu.memref_slice %arg4[%dma_wait3A, %dma_wait3A_6] : memref<163840x128xf32, #tpu.memory_space<hbm>> -> memref<256x128xf32, #tpu.memory_space<hbm>>
    %dma_wait3A_8 = arith.constant 0 : i32
    %dma_wait3A_9 = arith.constant 0 : i32
    %dma_wait3A_10 = tpu.memref_slice %arg4[%dma_wait3A_8, %dma_wait3A_9] : memref<163840x128xf32, #tpu.memory_space<hbm>> -> memref<256x128xf32, #tpu.memory_space<hbm>>
    tpu.wait_dma2 semaphore(%arg10 : memref<!tpu.dma_semaphore, #tpu.memory_space<semaphore_mem>>) src(%arg7 : memref<256x128xf32, #tpu.memory_space<vmem>>) dst(%dma_wait3A_10 : memref<256x128xf32, #tpu.memory_space<hbm>>)
    %dma_wait3A_11 = arith.constant 0 : i32
    %dma_wait3A_12 = arith.constant 0 : i32
    %dma_wait3A_13 = tpu.memref_slice %arg4[%dma_wait3A_11, %dma_wait3A_12] : memref<163840x128xf32, #tpu.memory_space<hbm>> -> memref<256x128xf32, #tpu.memory_space<hbm>>
    %dma_wait3A_14 = arith.constant 0 : i32
    %dma_wait3A_15 = arith.constant 0 : i32
    %dma_wait3A_16 = tpu.memref_slice %arg4[%dma_wait3A_14, %dma_wait3A_15] : memref<163840x128xf32, #tpu.memory_space<hbm>> -> memref<256x128xf32, #tpu.memory_space<hbm>>
    tpu.wait_dma2 semaphore(%arg11 : memref<!tpu.dma_semaphore, #tpu.memory_space<semaphore_mem>>) src(%arg8 : memref<256x128xf32, #tpu.memory_space<vmem>>) dst(%dma_wait3A_16 : memref<256x128xf32, #tpu.memory_space<hbm>>)
    return
  }
}

module attributes {stable_mosaic.version = 14 : i64} {
  func.func @_dist_topk_body(%arg0: i32, %arg1: i32, %arg2: memref<1x256x3xf32, #tpu.memory_space<vmem>>, %arg3: memref<1x2048x3xf32, #tpu.memory_space<vmem>>, %arg4: memref<20x256xi32, #tpu.memory_space<vmem>>) attributes {dimension_semantics = [#tpu.dimension_semantics<arbitrary>, #tpu.dimension_semantics<arbitrary>], iteration_bounds = array<i64: 4, 8>, scalar_prefetch = 0 : i64, scratch_operands = 0 : i64, tpu.core_type = #tpu.core_type<tc>, window_params = [{transform_indices = @transform_0, window_bounds = array<i64: 1, 256, 3>}, {transform_indices = @transform_1, window_bounds = array<i64: 1, 2048, 3>}, {transform_indices = @transform_2, window_bounds = array<i64: 20, 256>}]} {
    %get3A = arith.constant 0 : index
    %get3A_0 = arith.constant 0 : index
    %get3A_1 = arith.constant 0 : index
    %get3A_2 = vector.load %arg2[%get3A, %get3A_0, %get3A_1] : memref<1x256x3xf32, #tpu.memory_space<vmem>>, vector<1x256x3xf32>
    %get3A_3 = vector.shape_cast %get3A_2 : vector<1x256x3xf32> to vector<256x3xf32>
    %get3A_4 = arith.constant 0 : index
    %get3A_5 = arith.constant 0 : index
    %get3A_6 = arith.constant 0 : index
    %get3A_7 = vector.load %arg3[%get3A_4, %get3A_5, %get3A_6] : memref<1x2048x3xf32, #tpu.memory_space<vmem>>, vector<1x2048x3xf32>
    %get3A_8 = vector.shape_cast %get3A_7 : vector<1x2048x3xf32> to vector<2048x3xf32>
    %dot_general3A = arith.constant dense<0.000000e+00> : vector<256x2048xf32>
    %dot_general3A_9 = tpu.matmul %get3A_3, %get3A_8, %dot_general3A {dimension_numbers = #tpu.dot_dimension_numbers<[1], [1], [0], [0], [0, 0, 1, 0], [], []>, transpose_lhs_hint = false} : vector<256x3xf32>, vector<2048x3xf32>, vector<256x2048xf32> -> vector<256x2048xf32>
    %mul3A = arith.mulf %get3A_3, %get3A_3 : vector<256x3xf32>
    %reduce_sum3A = arith.constant dense<0.000000e+00> : vector<256xf32>
    %reduce_sum3A_10 = vector.multi_reduction <add>, %mul3A, %reduce_sum3A [1] : vector<256x3xf32> to vector<256xf32>
    %mul3A_11 = arith.mulf %get3A_8, %get3A_8 : vector<2048x3xf32>
    %reduce_sum3A_12 = arith.constant dense<0.000000e+00> : vector<2048xf32>
    %reduce_sum3A_13 = vector.multi_reduction <add>, %mul3A_11, %reduce_sum3A_12 [1] : vector<2048x3xf32> to vector<2048xf32>
    %mul3A_14 = arith.constant 2.000000e+00 : f32
    %mul3A_15 = vector.broadcast %mul3A_14 : f32 to vector<256x2048xf32>
    %mul3A_16 = arith.mulf %mul3A_15, %dot_general3A_9 : vector<256x2048xf32>
    %broadcast_in_dim3A = vector.shape_cast %reduce_sum3A_10 : vector<256xf32> to vector<256x1xf32>
    %sub3A = vector.broadcast %broadcast_in_dim3A : vector<256x1xf32> to vector<256x2048xf32>
    %sub3A_17 = arith.subf %mul3A_16, %sub3A : vector<256x2048xf32>
    %broadcast_in_dim3A_18 = vector.shape_cast %reduce_sum3A_13 : vector<2048xf32> to vector<1x2048xf32>
    %sub3A_19 = vector.broadcast %broadcast_in_dim3A_18 : vector<1x2048xf32> to vector<256x2048xf32>
    %sub3A_20 = arith.subf %sub3A_17, %sub3A_19 : vector<256x2048xf32>
    %iota3A = tpu.iota {dimensions = array<i32: 1>} : vector<256x2048xi32>
    %mul3A_21 = arith.constant 2048 : i32
    %mul3A_22 = arith.muli %arg0, %mul3A_21 : i32
    %argmax3A = tpu.reduce_index %sub3A_20 {axis = 1 : i32, kind = #tpu.reduction_kind<arg_max>} : vector<256x2048xf32> -> vector<256xi32>
    %broadcast_in_dim3A_23 = vector.shape_cast %argmax3A : vector<256xi32> to vector<256x1xi32>
    %add3A = vector.broadcast %mul3A_22 : i32 to vector<256x1xi32>
    %add3A_24 = arith.addi %broadcast_in_dim3A_23, %add3A : vector<256x1xi32>
    %eq3A = vector.broadcast %broadcast_in_dim3A_23 : vector<256x1xi32> to vector<256x2048xi32>
    %eq3A_25 = arith.cmpi eq, %iota3A, %eq3A : vector<256x2048xi32>
    %jit3A = arith.constant 0xFF800000 : f32
    %broadcast_in_dim3A_26 = vector.broadcast %jit3A : f32 to vector<256x2048xf32>
    %select_n3A = arith.select %eq3A_25, %broadcast_in_dim3A_26, %sub3A_20 : vector<256x2048xi1>, vector<256x2048xf32>
    %argmax3A_27 = tpu.reduce_index %select_n3A {axis = 1 : i32, kind = #tpu.reduction_kind<arg_max>} : vector<256x2048xf32> -> vector<256xi32>
    %broadcast_in_dim3A_28 = vector.shape_cast %argmax3A_27 : vector<256xi32> to vector<256x1xi32>
    %add3A_29 = vector.broadcast %mul3A_22 : i32 to vector<256x1xi32>
    %add3A_30 = arith.addi %broadcast_in_dim3A_28, %add3A_29 : vector<256x1xi32>
    %eq3A_31 = vector.broadcast %broadcast_in_dim3A_28 : vector<256x1xi32> to vector<256x2048xi32>
    %eq3A_32 = arith.cmpi eq, %iota3A, %eq3A_31 : vector<256x2048xi32>
    %jit3A_33 = arith.constant 0xFF800000 : f32
    %broadcast_in_dim3A_34 = vector.broadcast %jit3A_33 : f32 to vector<256x2048xf32>
    %select_n3A_35 = arith.select %eq3A_32, %broadcast_in_dim3A_34, %select_n3A : vector<256x2048xi1>, vector<256x2048xf32>
    %argmax3A_36 = tpu.reduce_index %select_n3A_35 {axis = 1 : i32, kind = #tpu.reduction_kind<arg_max>} : vector<256x2048xf32> -> vector<256xi32>
    %broadcast_in_dim3A_37 = vector.shape_cast %argmax3A_36 : vector<256xi32> to vector<256x1xi32>
    %add3A_38 = vector.broadcast %mul3A_22 : i32 to vector<256x1xi32>
    %add3A_39 = arith.addi %broadcast_in_dim3A_37, %add3A_38 : vector<256x1xi32>
    %eq3A_40 = vector.broadcast %broadcast_in_dim3A_37 : vector<256x1xi32> to vector<256x2048xi32>
    %eq3A_41 = arith.cmpi eq, %iota3A, %eq3A_40 : vector<256x2048xi32>
    %jit3A_42 = arith.constant 0xFF800000 : f32
    %broadcast_in_dim3A_43 = vector.broadcast %jit3A_42 : f32 to vector<256x2048xf32>
    %select_n3A_44 = arith.select %eq3A_41, %broadcast_in_dim3A_43, %select_n3A_35 : vector<256x2048xi1>, vector<256x2048xf32>
    %argmax3A_45 = tpu.reduce_index %select_n3A_44 {axis = 1 : i32, kind = #tpu.reduction_kind<arg_max>} : vector<256x2048xf32> -> vector<256xi32>
    %broadcast_in_dim3A_46 = vector.shape_cast %argmax3A_45 : vector<256xi32> to vector<256x1xi32>
    %add3A_47 = vector.broadcast %mul3A_22 : i32 to vector<256x1xi32>
    %add3A_48 = arith.addi %broadcast_in_dim3A_46, %add3A_47 : vector<256x1xi32>
    %eq3A_49 = vector.broadcast %broadcast_in_dim3A_46 : vector<256x1xi32> to vector<256x2048xi32>
    %eq3A_50 = arith.cmpi eq, %iota3A, %eq3A_49 : vector<256x2048xi32>
    %jit3A_51 = arith.constant 0xFF800000 : f32
    %broadcast_in_dim3A_52 = vector.broadcast %jit3A_51 : f32 to vector<256x2048xf32>
    %select_n3A_53 = arith.select %eq3A_50, %broadcast_in_dim3A_52, %select_n3A_44 : vector<256x2048xi1>, vector<256x2048xf32>
    %argmax3A_54 = tpu.reduce_index %select_n3A_53 {axis = 1 : i32, kind = #tpu.reduction_kind<arg_max>} : vector<256x2048xf32> -> vector<256xi32>
    %broadcast_in_dim3A_55 = vector.shape_cast %argmax3A_54 : vector<256xi32> to vector<256x1xi32>
    %add3A_56 = vector.broadcast %mul3A_22 : i32 to vector<256x1xi32>
    %add3A_57 = arith.addi %broadcast_in_dim3A_55, %add3A_56 : vector<256x1xi32>
    %eq3A_58 = vector.broadcast %broadcast_in_dim3A_55 : vector<256x1xi32> to vector<256x2048xi32>
    %eq3A_59 = arith.cmpi eq, %iota3A, %eq3A_58 : vector<256x2048xi32>
    %jit3A_60 = arith.constant 0xFF800000 : f32
    %broadcast_in_dim3A_61 = vector.broadcast %jit3A_60 : f32 to vector<256x2048xf32>
    %select_n3A_62 = arith.select %eq3A_59, %broadcast_in_dim3A_61, %select_n3A_53 : vector<256x2048xi1>, vector<256x2048xf32>
    %argmax3A_63 = tpu.reduce_index %select_n3A_62 {axis = 1 : i32, kind = #tpu.reduction_kind<arg_max>} : vector<256x2048xf32> -> vector<256xi32>
    %broadcast_in_dim3A_64 = vector.shape_cast %argmax3A_63 : vector<256xi32> to vector<256x1xi32>
    %add3A_65 = vector.broadcast %mul3A_22 : i32 to vector<256x1xi32>
    %add3A_66 = arith.addi %broadcast_in_dim3A_64, %add3A_65 : vector<256x1xi32>
    %eq3A_67 = vector.broadcast %broadcast_in_dim3A_64 : vector<256x1xi32> to vector<256x2048xi32>
    %eq3A_68 = arith.cmpi eq, %iota3A, %eq3A_67 : vector<256x2048xi32>
    %jit3A_69 = arith.constant 0xFF800000 : f32
    %broadcast_in_dim3A_70 = vector.broadcast %jit3A_69 : f32 to vector<256x2048xf32>
    %select_n3A_71 = arith.select %eq3A_68, %broadcast_in_dim3A_70, %select_n3A_62 : vector<256x2048xi1>, vector<256x2048xf32>
    %argmax3A_72 = tpu.reduce_index %select_n3A_71 {axis = 1 : i32, kind = #tpu.reduction_kind<arg_max>} : vector<256x2048xf32> -> vector<256xi32>
    %broadcast_in_dim3A_73 = vector.shape_cast %argmax3A_72 : vector<256xi32> to vector<256x1xi32>
    %add3A_74 = vector.broadcast %mul3A_22 : i32 to vector<256x1xi32>
    %add3A_75 = arith.addi %broadcast_in_dim3A_73, %add3A_74 : vector<256x1xi32>
    %eq3A_76 = vector.broadcast %broadcast_in_dim3A_73 : vector<256x1xi32> to vector<256x2048xi32>
    %eq3A_77 = arith.cmpi eq, %iota3A, %eq3A_76 : vector<256x2048xi32>
    %jit3A_78 = arith.constant 0xFF800000 : f32
    %broadcast_in_dim3A_79 = vector.broadcast %jit3A_78 : f32 to vector<256x2048xf32>
    %select_n3A_80 = arith.select %eq3A_77, %broadcast_in_dim3A_79, %select_n3A_71 : vector<256x2048xi1>, vector<256x2048xf32>
    %argmax3A_81 = tpu.reduce_index %select_n3A_80 {axis = 1 : i32, kind = #tpu.reduction_kind<arg_max>} : vector<256x2048xf32> -> vector<256xi32>
    %broadcast_in_dim3A_82 = vector.shape_cast %argmax3A_81 : vector<256xi32> to vector<256x1xi32>
    %add3A_83 = vector.broadcast %mul3A_22 : i32 to vector<256x1xi32>
    %add3A_84 = arith.addi %broadcast_in_dim3A_82, %add3A_83 : vector<256x1xi32>
    %eq3A_85 = vector.broadcast %broadcast_in_dim3A_82 : vector<256x1xi32> to vector<256x2048xi32>
    %eq3A_86 = arith.cmpi eq, %iota3A, %eq3A_85 : vector<256x2048xi32>
    %jit3A_87 = arith.constant 0xFF800000 : f32
    %broadcast_in_dim3A_88 = vector.broadcast %jit3A_87 : f32 to vector<256x2048xf32>
    %select_n3A_89 = arith.select %eq3A_86, %broadcast_in_dim3A_88, %select_n3A_80 : vector<256x2048xi1>, vector<256x2048xf32>
    %argmax3A_90 = tpu.reduce_index %select_n3A_89 {axis = 1 : i32, kind = #tpu.reduction_kind<arg_max>} : vector<256x2048xf32> -> vector<256xi32>
    %broadcast_in_dim3A_91 = vector.shape_cast %argmax3A_90 : vector<256xi32> to vector<256x1xi32>
    %add3A_92 = vector.broadcast %mul3A_22 : i32 to vector<256x1xi32>
    %add3A_93 = arith.addi %broadcast_in_dim3A_91, %add3A_92 : vector<256x1xi32>
    %eq3A_94 = vector.broadcast %broadcast_in_dim3A_91 : vector<256x1xi32> to vector<256x2048xi32>
    %eq3A_95 = arith.cmpi eq, %iota3A, %eq3A_94 : vector<256x2048xi32>
    %jit3A_96 = arith.constant 0xFF800000 : f32
    %broadcast_in_dim3A_97 = vector.broadcast %jit3A_96 : f32 to vector<256x2048xf32>
    %select_n3A_98 = arith.select %eq3A_95, %broadcast_in_dim3A_97, %select_n3A_89 : vector<256x2048xi1>, vector<256x2048xf32>
    %argmax3A_99 = tpu.reduce_index %select_n3A_98 {axis = 1 : i32, kind = #tpu.reduction_kind<arg_max>} : vector<256x2048xf32> -> vector<256xi32>
    %broadcast_in_dim3A_100 = vector.shape_cast %argmax3A_99 : vector<256xi32> to vector<256x1xi32>
    %add3A_101 = vector.broadcast %mul3A_22 : i32 to vector<256x1xi32>
    %add3A_102 = arith.addi %broadcast_in_dim3A_100, %add3A_101 : vector<256x1xi32>
    %eq3A_103 = vector.broadcast %broadcast_in_dim3A_100 : vector<256x1xi32> to vector<256x2048xi32>
    %eq3A_104 = arith.cmpi eq, %iota3A, %eq3A_103 : vector<256x2048xi32>
    %jit3A_105 = arith.constant 0xFF800000 : f32
    %broadcast_in_dim3A_106 = vector.broadcast %jit3A_105 : f32 to vector<256x2048xf32>
    %select_n3A_107 = arith.select %eq3A_104, %broadcast_in_dim3A_106, %select_n3A_98 : vector<256x2048xi1>, vector<256x2048xf32>
    %argmax3A_108 = tpu.reduce_index %select_n3A_107 {axis = 1 : i32, kind = #tpu.reduction_kind<arg_max>} : vector<256x2048xf32> -> vector<256xi32>
    %broadcast_in_dim3A_109 = vector.shape_cast %argmax3A_108 : vector<256xi32> to vector<256x1xi32>
    %add3A_110 = vector.broadcast %mul3A_22 : i32 to vector<256x1xi32>
    %add3A_111 = arith.addi %broadcast_in_dim3A_109, %add3A_110 : vector<256x1xi32>
    %eq3A_112 = vector.broadcast %broadcast_in_dim3A_109 : vector<256x1xi32> to vector<256x2048xi32>
    %eq3A_113 = arith.cmpi eq, %iota3A, %eq3A_112 : vector<256x2048xi32>
    %jit3A_114 = arith.constant 0xFF800000 : f32
    %broadcast_in_dim3A_115 = vector.broadcast %jit3A_114 : f32 to vector<256x2048xf32>
    %select_n3A_116 = arith.select %eq3A_113, %broadcast_in_dim3A_115, %select_n3A_107 : vector<256x2048xi1>, vector<256x2048xf32>
    %argmax3A_117 = tpu.reduce_index %select_n3A_116 {axis = 1 : i32, kind = #tpu.reduction_kind<arg_max>} : vector<256x2048xf32> -> vector<256xi32>
    %broadcast_in_dim3A_118 = vector.shape_cast %argmax3A_117 : vector<256xi32> to vector<256x1xi32>
    %add3A_119 = vector.broadcast %mul3A_22 : i32 to vector<256x1xi32>
    %add3A_120 = arith.addi %broadcast_in_dim3A_118, %add3A_119 : vector<256x1xi32>
    %eq3A_121 = vector.broadcast %broadcast_in_dim3A_118 : vector<256x1xi32> to vector<256x2048xi32>
    %eq3A_122 = arith.cmpi eq, %iota3A, %eq3A_121 : vector<256x2048xi32>
    %jit3A_123 = arith.constant 0xFF800000 : f32
    %broadcast_in_dim3A_124 = vector.broadcast %jit3A_123 : f32 to vector<256x2048xf32>
    %select_n3A_125 = arith.select %eq3A_122, %broadcast_in_dim3A_124, %select_n3A_116 : vector<256x2048xi1>, vector<256x2048xf32>
    %argmax3A_126 = tpu.reduce_index %select_n3A_125 {axis = 1 : i32, kind = #tpu.reduction_kind<arg_max>} : vector<256x2048xf32> -> vector<256xi32>
    %broadcast_in_dim3A_127 = vector.shape_cast %argmax3A_126 : vector<256xi32> to vector<256x1xi32>
    %add3A_128 = vector.broadcast %mul3A_22 : i32 to vector<256x1xi32>
    %add3A_129 = arith.addi %broadcast_in_dim3A_127, %add3A_128 : vector<256x1xi32>
    %eq3A_130 = vector.broadcast %broadcast_in_dim3A_127 : vector<256x1xi32> to vector<256x2048xi32>
    %eq3A_131 = arith.cmpi eq, %iota3A, %eq3A_130 : vector<256x2048xi32>
    %jit3A_132 = arith.constant 0xFF800000 : f32
    %broadcast_in_dim3A_133 = vector.broadcast %jit3A_132 : f32 to vector<256x2048xf32>
    %select_n3A_134 = arith.select %eq3A_131, %broadcast_in_dim3A_133, %select_n3A_125 : vector<256x2048xi1>, vector<256x2048xf32>
    %argmax3A_135 = tpu.reduce_index %select_n3A_134 {axis = 1 : i32, kind = #tpu.reduction_kind<arg_max>} : vector<256x2048xf32> -> vector<256xi32>
    %broadcast_in_dim3A_136 = vector.shape_cast %argmax3A_135 : vector<256xi32> to vector<256x1xi32>
    %add3A_137 = vector.broadcast %mul3A_22 : i32 to vector<256x1xi32>
    %add3A_138 = arith.addi %broadcast_in_dim3A_136, %add3A_137 : vector<256x1xi32>
    %eq3A_139 = vector.broadcast %broadcast_in_dim3A_136 : vector<256x1xi32> to vector<256x2048xi32>
    %eq3A_140 = arith.cmpi eq, %iota3A, %eq3A_139 : vector<256x2048xi32>
    %jit3A_141 = arith.constant 0xFF800000 : f32
    %broadcast_in_dim3A_142 = vector.broadcast %jit3A_141 : f32 to vector<256x2048xf32>
    %select_n3A_143 = arith.select %eq3A_140, %broadcast_in_dim3A_142, %select_n3A_134 : vector<256x2048xi1>, vector<256x2048xf32>
    %argmax3A_144 = tpu.reduce_index %select_n3A_143 {axis = 1 : i32, kind = #tpu.reduction_kind<arg_max>} : vector<256x2048xf32> -> vector<256xi32>
    %broadcast_in_dim3A_145 = vector.shape_cast %argmax3A_144 : vector<256xi32> to vector<256x1xi32>
    %add3A_146 = vector.broadcast %mul3A_22 : i32 to vector<256x1xi32>
    %add3A_147 = arith.addi %broadcast_in_dim3A_145, %add3A_146 : vector<256x1xi32>
    %eq3A_148 = vector.broadcast %broadcast_in_dim3A_145 : vector<256x1xi32> to vector<256x2048xi32>
    %eq3A_149 = arith.cmpi eq, %iota3A, %eq3A_148 : vector<256x2048xi32>
    %jit3A_150 = arith.constant 0xFF800000 : f32
    %broadcast_in_dim3A_151 = vector.broadcast %jit3A_150 : f32 to vector<256x2048xf32>
    %select_n3A_152 = arith.select %eq3A_149, %broadcast_in_dim3A_151, %select_n3A_143 : vector<256x2048xi1>, vector<256x2048xf32>
    %argmax3A_153 = tpu.reduce_index %select_n3A_152 {axis = 1 : i32, kind = #tpu.reduction_kind<arg_max>} : vector<256x2048xf32> -> vector<256xi32>
    %broadcast_in_dim3A_154 = vector.shape_cast %argmax3A_153 : vector<256xi32> to vector<256x1xi32>
    %add3A_155 = vector.broadcast %mul3A_22 : i32 to vector<256x1xi32>
    %add3A_156 = arith.addi %broadcast_in_dim3A_154, %add3A_155 : vector<256x1xi32>
    %eq3A_157 = vector.broadcast %broadcast_in_dim3A_154 : vector<256x1xi32> to vector<256x2048xi32>
    %eq3A_158 = arith.cmpi eq, %iota3A, %eq3A_157 : vector<256x2048xi32>
    %jit3A_159 = arith.constant 0xFF800000 : f32
    %broadcast_in_dim3A_160 = vector.broadcast %jit3A_159 : f32 to vector<256x2048xf32>
    %select_n3A_161 = arith.select %eq3A_158, %broadcast_in_dim3A_160, %select_n3A_152 : vector<256x2048xi1>, vector<256x2048xf32>
    %argmax3A_162 = tpu.reduce_index %select_n3A_161 {axis = 1 : i32, kind = #tpu.reduction_kind<arg_max>} : vector<256x2048xf32> -> vector<256xi32>
    %broadcast_in_dim3A_163 = vector.shape_cast %argmax3A_162 : vector<256xi32> to vector<256x1xi32>
    %add3A_164 = vector.broadcast %mul3A_22 : i32 to vector<256x1xi32>
    %add3A_165 = arith.addi %broadcast_in_dim3A_163, %add3A_164 : vector<256x1xi32>
    %eq3A_166 = vector.broadcast %broadcast_in_dim3A_163 : vector<256x1xi32> to vector<256x2048xi32>
    %eq3A_167 = arith.cmpi eq, %iota3A, %eq3A_166 : vector<256x2048xi32>
    %jit3A_168 = arith.constant 0xFF800000 : f32
    %broadcast_in_dim3A_169 = vector.broadcast %jit3A_168 : f32 to vector<256x2048xf32>
    %select_n3A_170 = arith.select %eq3A_167, %broadcast_in_dim3A_169, %select_n3A_161 : vector<256x2048xi1>, vector<256x2048xf32>
    %argmax3A_171 = tpu.reduce_index %select_n3A_170 {axis = 1 : i32, kind = #tpu.reduction_kind<arg_max>} : vector<256x2048xf32> -> vector<256xi32>
    %broadcast_in_dim3A_172 = vector.shape_cast %argmax3A_171 : vector<256xi32> to vector<256x1xi32>
    %add3A_173 = vector.broadcast %mul3A_22 : i32 to vector<256x1xi32>
    %add3A_174 = arith.addi %broadcast_in_dim3A_172, %add3A_173 : vector<256x1xi32>
    %eq3A_175 = vector.broadcast %broadcast_in_dim3A_172 : vector<256x1xi32> to vector<256x2048xi32>
    %eq3A_176 = arith.cmpi eq, %iota3A, %eq3A_175 : vector<256x2048xi32>
    %jit3A_177 = arith.constant 0xFF800000 : f32
    %broadcast_in_dim3A_178 = vector.broadcast %jit3A_177 : f32 to vector<256x2048xf32>
    %select_n3A_179 = arith.select %eq3A_176, %broadcast_in_dim3A_178, %select_n3A_170 : vector<256x2048xi1>, vector<256x2048xf32>
    %argmax3A_180 = tpu.reduce_index %select_n3A_179 {axis = 1 : i32, kind = #tpu.reduction_kind<arg_max>} : vector<256x2048xf32> -> vector<256xi32>
    %broadcast_in_dim3A_181 = vector.shape_cast %argmax3A_180 : vector<256xi32> to vector<256x1xi32>
    %add3A_182 = vector.broadcast %mul3A_22 : i32 to vector<256x1xi32>
    %add3A_183 = arith.addi %broadcast_in_dim3A_181, %add3A_182 : vector<256x1xi32>
    %eq3A_184 = vector.broadcast %broadcast_in_dim3A_181 : vector<256x1xi32> to vector<256x2048xi32>
    %eq3A_185 = arith.cmpi eq, %iota3A, %eq3A_184 : vector<256x2048xi32>
    %jit3A_186 = arith.constant 0xFF800000 : f32
    %broadcast_in_dim3A_187 = vector.broadcast %jit3A_186 : f32 to vector<256x2048xf32>
    %select_n3A_188 = arith.select %eq3A_185, %broadcast_in_dim3A_187, %select_n3A_179 : vector<256x2048xi1>, vector<256x2048xf32>
    %argmax3A_189 = tpu.reduce_index %select_n3A_188 {axis = 1 : i32, kind = #tpu.reduction_kind<arg_max>} : vector<256x2048xf32> -> vector<256xi32>
    %broadcast_in_dim3A_190 = vector.shape_cast %argmax3A_189 : vector<256xi32> to vector<256x1xi32>
    %add3A_191 = vector.broadcast %mul3A_22 : i32 to vector<256x1xi32>
    %add3A_192 = arith.addi %broadcast_in_dim3A_190, %add3A_191 : vector<256x1xi32>
    %concatenate3A = tpu.concatenate %add3A_24, %add3A_30, %add3A_39, %add3A_48, %add3A_57, %add3A_66, %add3A_75, %add3A_84, %add3A_93, %add3A_102, %add3A_111, %add3A_120, %add3A_129, %add3A_138, %add3A_147, %add3A_156, %add3A_165, %add3A_174, %add3A_183, %add3A_192 in 1 : vector<256x1xi32>, vector<256x1xi32>, vector<256x1xi32>, vector<256x1xi32>, vector<256x1xi32>, vector<256x1xi32>, vector<256x1xi32>, vector<256x1xi32>, vector<256x1xi32>, vector<256x1xi32>, vector<256x1xi32>, vector<256x1xi32>, vector<256x1xi32>, vector<256x1xi32>, vector<256x1xi32>, vector<256x1xi32>, vector<256x1xi32>, vector<256x1xi32>, vector<256x1xi32>, vector<256x1xi32> -> vector<256x20xi32>
    %transpose3A = tpu.transpose %concatenate3A, [1, 0] : vector<256x20xi32> -> vector<20x256xi32>
    %swap3A = arith.constant 0 : index
    %swap3A_193 = arith.constant 0 : index
    %swap3A_194 = vector.load %arg4[%swap3A, %swap3A_193] : memref<20x256xi32, #tpu.memory_space<vmem>>, vector<20x256xi32>
    tpu.vector_store %arg4[%swap3A, %swap3A_193], %transpose3A {strides = array<i32>} : memref<20x256xi32, #tpu.memory_space<vmem>>, vector<20x256xi32>,
    return
  }
  func.func @transform_0(%arg0: i32, %arg1: i32) -> (i32, i32, i32) {
    %c0_i32 = arith.constant 0 : i32
    %c0_i32_0 = arith.constant 0 : i32
    return %arg0, %arg1, %c0_i32 : i32, i32, i32
  }
  func.func @transform_1(%arg0: i32, %arg1: i32) -> (i32, i32, i32) {
    %c0_i32 = arith.constant 0 : i32
    %c0_i32_0 = arith.constant 0 : i32
    %c0_i32_1 = arith.constant 0 : i32
    return %arg0, %c0_i32, %c0_i32_0 : i32, i32, i32
  }
  func.func @transform_2(%arg0: i32, %arg1: i32) -> (i32, i32) {
    %mul3A = arith.constant 8 : i32
    %mul3A_0 = arith.muli %arg0, %mul3A : i32
    %add3A = arith.addi %mul3A_0, %arg1 : i32
    %c0_i32 = arith.constant 0 : i32
    %c0_i32_1 = arith.constant 0 : i32
    return %c0_i32, %add3A : i32, i32
  }
}

module attributes {stable_mosaic.version = 14 : i64} {
  func.func @_conv_reduce_body(%arg0: i32, %arg1: i32, %arg2: memref<20x256x128xf32, #tpu.memory_space<vmem>>, %arg3: memref<1x256x3xf32, #tpu.memory_space<vmem>>, %arg4: memref<6x64xf32, #tpu.memory_space<vmem>>, %arg5: memref<1x256x64xf32, #tpu.memory_space<vmem>>, %arg6: memref<1x1x1x64xf32, #tpu.memory_space<vmem>>, %arg7: memref<1x1x1x64xf32, #tpu.memory_space<vmem>>) attributes {dimension_semantics = [#tpu.dimension_semantics<arbitrary>, #tpu.dimension_semantics<arbitrary>], iteration_bounds = array<i64: 4, 8>, scalar_prefetch = 0 : i64, scratch_operands = 0 : i64, tpu.core_type = #tpu.core_type<tc>, window_params = [{transform_indices = @transform_0, window_bounds = array<i64: 20, 256, 128>}, {transform_indices = @transform_1, window_bounds = array<i64: 1, 256, 3>}, {pipeline_mode = #tpu.pipeline_mode<synchronous>, transform_indices = @transform_2, window_bounds = array<i64: 6, 64>}, {transform_indices = @transform_3, window_bounds = array<i64: 1, 256, 64>}, {transform_indices = @transform_4, window_bounds = array<i64: 1, 1, 1, 64>}, {transform_indices = @transform_5, window_bounds = array<i64: 1, 1, 1, 64>}]} {
    %get3A = arith.constant 0 : index
    %get3A_0 = arith.constant 0 : index
    %get3A_1 = arith.constant 0 : index
    %get3A_2 = vector.load %arg3[%get3A, %get3A_0, %get3A_1] : memref<1x256x3xf32, #tpu.memory_space<vmem>>, vector<1x256x3xf32>
    %get3A_3 = vector.shape_cast %get3A_2 : vector<1x256x3xf32> to vector<256x3xf32>
    %get3A_4 = arith.constant 0 : index
    %get3A_5 = arith.constant 0 : index
    %get3A_6 = arith.constant 0 : index
    %get3A_7 = vector.load %arg2[%get3A_4, %get3A_5, %get3A_6] : memref<20x256x128xf32, #tpu.memory_space<vmem>>, vector<20x256x128xf32>
    %reshape3A = vector.shape_cast %get3A_7 : vector<20x256x128xf32> to vector<5120x128xf32>
    %slice3A = vector.extract_strided_slice %reshape3A {offsets = [0, 0], sizes = [5120, 3], strides = [1, 1]} : vector<5120x128xf32> to vector<5120x3xf32>
    %concatenate3A = tpu.concatenate %get3A_3, %get3A_3, %get3A_3, %get3A_3, %get3A_3, %get3A_3, %get3A_3, %get3A_3, %get3A_3, %get3A_3, %get3A_3, %get3A_3, %get3A_3, %get3A_3, %get3A_3, %get3A_3, %get3A_3, %get3A_3, %get3A_3, %get3A_3 in 0 : vector<256x3xf32>, vector<256x3xf32>, vector<256x3xf32>, vector<256x3xf32>, vector<256x3xf32>, vector<256x3xf32>, vector<256x3xf32>, vector<256x3xf32>, vector<256x3xf32>, vector<256x3xf32>, vector<256x3xf32>, vector<256x3xf32>, vector<256x3xf32>, vector<256x3xf32>, vector<256x3xf32>, vector<256x3xf32>, vector<256x3xf32>, vector<256x3xf32>, vector<256x3xf32>, vector<256x3xf32> -> vector<5120x3xf32>
    %sub3A = arith.subf %slice3A, %concatenate3A : vector<5120x3xf32>
    %concatenate3A_8 = tpu.concatenate %sub3A, %concatenate3A in 1 : vector<5120x3xf32>, vector<5120x3xf32> -> vector<5120x6xf32>
    %get3A_9 = arith.constant 0 : index
    %get3A_10 = arith.constant 0 : index
    %get3A_11 = vector.load %arg4[%get3A_9, %get3A_10] : memref<6x64xf32, #tpu.memory_space<vmem>>, vector<6x64xf32>
    %dot_general3A = arith.constant dense<0.000000e+00> : vector<5120x64xf32>
    %dot_general3A_12 = tpu.matmul %concatenate3A_8, %get3A_11, %dot_general3A {dimension_numbers = #tpu.dot_dimension_numbers<[1], [0], [0], [1], [0, 0, 1, 1], [], []>, transpose_lhs_hint = false} : vector<5120x6xf32>, vector<6x64xf32>, vector<5120x64xf32> -> vector<5120x64xf32>
    %slice3A_13 = vector.extract_strided_slice %dot_general3A_12 {offsets = [0, 0], sizes = [256, 64], strides = [1, 1]} : vector<5120x64xf32> to vector<256x64xf32>
    %mul3A = arith.mulf %slice3A_13, %slice3A_13 : vector<256x64xf32>
    %slice3A_14 = vector.extract_strided_slice %dot_general3A_12 {offsets = [256, 0], sizes = [256, 64], strides = [1, 1]} : vector<5120x64xf32> to vector<256x64xf32>
    %max3A = arith.maximumf %slice3A_13, %slice3A_14 : vector<256x64xf32>
    %add3A = arith.addf %slice3A_13, %slice3A_14 : vector<256x64xf32>
    %mul3A_15 = arith.mulf %slice3A_14, %slice3A_14 : vector<256x64xf32>
    %add3A_16 = arith.addf %mul3A, %mul3A_15 : vector<256x64xf32>
    %slice3A_17 = vector.extract_strided_slice %dot_general3A_12 {offsets = [512, 0], sizes = [256, 64], strides = [1, 1]} : vector<5120x64xf32> to vector<256x64xf32>
    %max3A_18 = arith.maximumf %max3A, %slice3A_17 : vector<256x64xf32>
    %add3A_19 = arith.addf %add3A, %slice3A_17 : vector<256x64xf32>
    %mul3A_20 = arith.mulf %slice3A_17, %slice3A_17 : vector<256x64xf32>
    %add3A_21 = arith.addf %add3A_16, %mul3A_20 : vector<256x64xf32>
    %slice3A_22 = vector.extract_strided_slice %dot_general3A_12 {offsets = [768, 0], sizes = [256, 64], strides = [1, 1]} : vector<5120x64xf32> to vector<256x64xf32>
    %max3A_23 = arith.maximumf %max3A_18, %slice3A_22 : vector<256x64xf32>
    %add3A_24 = arith.addf %add3A_19, %slice3A_22 : vector<256x64xf32>
    %mul3A_25 = arith.mulf %slice3A_22, %slice3A_22 : vector<256x64xf32>
    %add3A_26 = arith.addf %add3A_21, %mul3A_25 : vector<256x64xf32>
    %slice3A_27 = vector.extract_strided_slice %dot_general3A_12 {offsets = [1024, 0], sizes = [256, 64], strides = [1, 1]} : vector<5120x64xf32> to vector<256x64xf32>
    %max3A_28 = arith.maximumf %max3A_23, %slice3A_27 : vector<256x64xf32>
    %add3A_29 = arith.addf %add3A_24, %slice3A_27 : vector<256x64xf32>
    %mul3A_30 = arith.mulf %slice3A_27, %slice3A_27 : vector<256x64xf32>
    %add3A_31 = arith.addf %add3A_26, %mul3A_30 : vector<256x64xf32>
    %slice3A_32 = vector.extract_strided_slice %dot_general3A_12 {offsets = [1280, 0], sizes = [256, 64], strides = [1, 1]} : vector<5120x64xf32> to vector<256x64xf32>
    %max3A_33 = arith.maximumf %max3A_28, %slice3A_32 : vector<256x64xf32>
    %add3A_34 = arith.addf %add3A_29, %slice3A_32 : vector<256x64xf32>
    %mul3A_35 = arith.mulf %slice3A_32, %slice3A_32 : vector<256x64xf32>
    %add3A_36 = arith.addf %add3A_31, %mul3A_35 : vector<256x64xf32>
    %slice3A_37 = vector.extract_strided_slice %dot_general3A_12 {offsets = [1536, 0], sizes = [256, 64], strides = [1, 1]} : vector<5120x64xf32> to vector<256x64xf32>
    %max3A_38 = arith.maximumf %max3A_33, %slice3A_37 : vector<256x64xf32>
    %add3A_39 = arith.addf %add3A_34, %slice3A_37 : vector<256x64xf32>
    %mul3A_40 = arith.mulf %slice3A_37, %slice3A_37 : vector<256x64xf32>
    %add3A_41 = arith.addf %add3A_36, %mul3A_40 : vector<256x64xf32>
    %slice3A_42 = vector.extract_strided_slice %dot_general3A_12 {offsets = [1792, 0], sizes = [256, 64], strides = [1, 1]} : vector<5120x64xf32> to vector<256x64xf32>
    %max3A_43 = arith.maximumf %max3A_38, %slice3A_42 : vector<256x64xf32>
    %add3A_44 = arith.addf %add3A_39, %slice3A_42 : vector<256x64xf32>
    %mul3A_45 = arith.mulf %slice3A_42, %slice3A_42 : vector<256x64xf32>
    %add3A_46 = arith.addf %add3A_41, %mul3A_45 : vector<256x64xf32>
    %slice3A_47 = vector.extract_strided_slice %dot_general3A_12 {offsets = [2048, 0], sizes = [256, 64], strides = [1, 1]} : vector<5120x64xf32> to vector<256x64xf32>
    %max3A_48 = arith.maximumf %max3A_43, %slice3A_47 : vector<256x64xf32>
    %add3A_49 = arith.addf %add3A_44, %slice3A_47 : vector<256x64xf32>
    %mul3A_50 = arith.mulf %slice3A_47, %slice3A_47 : vector<256x64xf32>
    %add3A_51 = arith.addf %add3A_46, %mul3A_50 : vector<256x64xf32>
    %slice3A_52 = vector.extract_strided_slice %dot_general3A_12 {offsets = [2304, 0], sizes = [256, 64], strides = [1, 1]} : vector<5120x64xf32> to vector<256x64xf32>
    %max3A_53 = arith.maximumf %max3A_48, %slice3A_52 : vector<256x64xf32>
    %add3A_54 = arith.addf %add3A_49, %slice3A_52 : vector<256x64xf32>
    %mul3A_55 = arith.mulf %slice3A_52, %slice3A_52 : vector<256x64xf32>
    %add3A_56 = arith.addf %add3A_51, %mul3A_55 : vector<256x64xf32>
    %slice3A_57 = vector.extract_strided_slice %dot_general3A_12 {offsets = [2560, 0], sizes = [256, 64], strides = [1, 1]} : vector<5120x64xf32> to vector<256x64xf32>
    %max3A_58 = arith.maximumf %max3A_53, %slice3A_57 : vector<256x64xf32>
    %add3A_59 = arith.addf %add3A_54, %slice3A_57 : vector<256x64xf32>
    %mul3A_60 = arith.mulf %slice3A_57, %slice3A_57 : vector<256x64xf32>
    %add3A_61 = arith.addf %add3A_56, %mul3A_60 : vector<256x64xf32>
    %slice3A_62 = vector.extract_strided_slice %dot_general3A_12 {offsets = [2816, 0], sizes = [256, 64], strides = [1, 1]} : vector<5120x64xf32> to vector<256x64xf32>
    %max3A_63 = arith.maximumf %max3A_58, %slice3A_62 : vector<256x64xf32>
    %add3A_64 = arith.addf %add3A_59, %slice3A_62 : vector<256x64xf32>
    %mul3A_65 = arith.mulf %slice3A_62, %slice3A_62 : vector<256x64xf32>
    %add3A_66 = arith.addf %add3A_61, %mul3A_65 : vector<256x64xf32>
    %slice3A_67 = vector.extract_strided_slice %dot_general3A_12 {offsets = [3072, 0], sizes = [256, 64], strides = [1, 1]} : vector<5120x64xf32> to vector<256x64xf32>
    %max3A_68 = arith.maximumf %max3A_63, %slice3A_67 : vector<256x64xf32>
    %add3A_69 = arith.addf %add3A_64, %slice3A_67 : vector<256x64xf32>
    %mul3A_70 = arith.mulf %slice3A_67, %slice3A_67 : vector<256x64xf32>
    %add3A_71 = arith.addf %add3A_66, %mul3A_70 : vector<256x64xf32>
    %slice3A_72 = vector.extract_strided_slice %dot_general3A_12 {offsets = [3328, 0], sizes = [256, 64], strides = [1, 1]} : vector<5120x64xf32> to vector<256x64xf32>
    %max3A_73 = arith.maximumf %max3A_68, %slice3A_72 : vector<256x64xf32>
    %add3A_74 = arith.addf %add3A_69, %slice3A_72 : vector<256x64xf32>
    %mul3A_75 = arith.mulf %slice3A_72, %slice3A_72 : vector<256x64xf32>
    %add3A_76 = arith.addf %add3A_71, %mul3A_75 : vector<256x64xf32>
    %slice3A_77 = vector.extract_strided_slice %dot_general3A_12 {offsets = [3584, 0], sizes = [256, 64], strides = [1, 1]} : vector<5120x64xf32> to vector<256x64xf32>
    %max3A_78 = arith.maximumf %max3A_73, %slice3A_77 : vector<256x64xf32>
    %add3A_79 = arith.addf %add3A_74, %slice3A_77 : vector<256x64xf32>
    %mul3A_80 = arith.mulf %slice3A_77, %slice3A_77 : vector<256x64xf32>
    %add3A_81 = arith.addf %add3A_76, %mul3A_80 : vector<256x64xf32>
    %slice3A_82 = vector.extract_strided_slice %dot_general3A_12 {offsets = [3840, 0], sizes = [256, 64], strides = [1, 1]} : vector<5120x64xf32> to vector<256x64xf32>
    %max3A_83 = arith.maximumf %max3A_78, %slice3A_82 : vector<256x64xf32>
    %add3A_84 = arith.addf %add3A_79, %slice3A_82 : vector<256x64xf32>
    %mul3A_85 = arith.mulf %slice3A_82, %slice3A_82 : vector<256x64xf32>
    %add3A_86 = arith.addf %add3A_81, %mul3A_85 : vector<256x64xf32>
    %slice3A_87 = vector.extract_strided_slice %dot_general3A_12 {offsets = [4096, 0], sizes = [256, 64], strides = [1, 1]} : vector<5120x64xf32> to vector<256x64xf32>
    %max3A_88 = arith.maximumf %max3A_83, %slice3A_87 : vector<256x64xf32>
    %add3A_89 = arith.addf %add3A_84, %slice3A_87 : vector<256x64xf32>
    %mul3A_90 = arith.mulf %slice3A_87, %slice3A_87 : vector<256x64xf32>
    %add3A_91 = arith.addf %add3A_86, %mul3A_90 : vector<256x64xf32>
    %slice3A_92 = vector.extract_strided_slice %dot_general3A_12 {offsets = [4352, 0], sizes = [256, 64], strides = [1, 1]} : vector<5120x64xf32> to vector<256x64xf32>
    %max3A_93 = arith.maximumf %max3A_88, %slice3A_92 : vector<256x64xf32>
    %add3A_94 = arith.addf %add3A_89, %slice3A_92 : vector<256x64xf32>
    %mul3A_95 = arith.mulf %slice3A_92, %slice3A_92 : vector<256x64xf32>
    %add3A_96 = arith.addf %add3A_91, %mul3A_95 : vector<256x64xf32>
    %slice3A_97 = vector.extract_strided_slice %dot_general3A_12 {offsets = [4608, 0], sizes = [256, 64], strides = [1, 1]} : vector<5120x64xf32> to vector<256x64xf32>
    %max3A_98 = arith.maximumf %max3A_93, %slice3A_97 : vector<256x64xf32>
    %add3A_99 = arith.addf %add3A_94, %slice3A_97 : vector<256x64xf32>
    %mul3A_100 = arith.mulf %slice3A_97, %slice3A_97 : vector<256x64xf32>
    %add3A_101 = arith.addf %add3A_96, %mul3A_100 : vector<256x64xf32>
    %slice3A_102 = vector.extract_strided_slice %dot_general3A_12 {offsets = [4864, 0], sizes = [256, 64], strides = [1, 1]} : vector<5120x64xf32> to vector<256x64xf32>
    %max3A_103 = arith.maximumf %max3A_98, %slice3A_102 : vector<256x64xf32>
    %add3A_104 = arith.addf %add3A_99, %slice3A_102 : vector<256x64xf32>
    %mul3A_105 = arith.mulf %slice3A_102, %slice3A_102 : vector<256x64xf32>
    %add3A_106 = arith.addf %add3A_101, %mul3A_105 : vector<256x64xf32>
    %swap3A = arith.constant 0 : index
    %swap3A_107 = arith.constant 0 : index
    %swap3A_108 = arith.constant 0 : index
    %swap3A_109 = vector.load %arg5[%swap3A, %swap3A_107, %swap3A_108] : memref<1x256x64xf32, #tpu.memory_space<vmem>>, vector<1x256x64xf32>
    %swap3A_110 = vector.shape_cast %swap3A_109 : vector<1x256x64xf32> to vector<256x64xf32>
    %swap3A_111 = vector.shape_cast %max3A_103 : vector<256x64xf32> to vector<1x256x64xf32>
    tpu.vector_store %arg5[%swap3A, %swap3A_107, %swap3A_108], %swap3A_111 {strides = array<i32>} : memref<1x256x64xf32, #tpu.memory_space<vmem>>, vector<1x256x64xf32>,
    %reduce_sum3A = arith.constant dense<0.000000e+00> : vector<64xf32>
    %reduce_sum3A_112 = vector.multi_reduction <add>, %add3A_104, %reduce_sum3A [0] : vector<256x64xf32> to vector<64xf32>
    %swap3A_113 = arith.constant 0 : index
    %swap3A_114 = arith.constant 0 : index
    %swap3A_115 = arith.constant 0 : index
    %swap3A_116 = arith.constant 0 : index
    %swap3A_117 = vector.load %arg6[%swap3A_113, %swap3A_114, %swap3A_115, %swap3A_116] : memref<1x1x1x64xf32, #tpu.memory_space<vmem>>, vector<1x1x1x64xf32>
    %swap3A_118 = vector.shape_cast %swap3A_117 : vector<1x1x1x64xf32> to vector<64xf32>
    %swap3A_119 = vector.shape_cast %reduce_sum3A_112 : vector<64xf32> to vector<1x1x1x64xf32>
    tpu.vector_store %arg6[%swap3A_113, %swap3A_114, %swap3A_115, %swap3A_116], %swap3A_119 {strides = array<i32>} : memref<1x1x1x64xf32, #tpu.memory_space<vmem>>, vector<1x1x1x64xf32>,
    %reduce_sum3A_120 = arith.constant dense<0.000000e+00> : vector<64xf32>
    %reduce_sum3A_121 = vector.multi_reduction <add>, %add3A_106, %reduce_sum3A_120 [0] : vector<256x64xf32> to vector<64xf32>
    %swap3A_122 = arith.constant 0 : index
    %swap3A_123 = arith.constant 0 : index
    %swap3A_124 = arith.constant 0 : index
    %swap3A_125 = arith.constant 0 : index
    %swap3A_126 = vector.load %arg7[%swap3A_122, %swap3A_123, %swap3A_124, %swap3A_125] : memref<1x1x1x64xf32, #tpu.memory_space<vmem>>, vector<1x1x1x64xf32>
    %swap3A_127 = vector.shape_cast %swap3A_126 : vector<1x1x1x64xf32> to vector<64xf32>
    %swap3A_128 = vector.shape_cast %reduce_sum3A_121 : vector<64xf32> to vector<1x1x1x64xf32>
    tpu.vector_store %arg7[%swap3A_122, %swap3A_123, %swap3A_124, %swap3A_125], %swap3A_128 {strides = array<i32>} : memref<1x1x1x64xf32, #tpu.memory_space<vmem>>, vector<1x1x1x64xf32>,
    return
  }
  func.func @transform_0(%arg0: i32, %arg1: i32) -> (i32, i32, i32) {
    %mul3A = arith.constant 8 : i32
    %mul3A_0 = arith.muli %arg0, %mul3A : i32
    %add3A = arith.addi %mul3A_0, %arg1 : i32
    %c0_i32 = arith.constant 0 : i32
    %c0_i32_1 = arith.constant 0 : i32
    %c0_i32_2 = arith.constant 0 : i32
    return %c0_i32, %add3A, %c0_i32_1 : i32, i32, i32
  }
  func.func @transform_1(%arg0: i32, %arg1: i32) -> (i32, i32, i32) {
    %c0_i32 = arith.constant 0 : i32
    %c0_i32_0 = arith.constant 0 : i32
    return %arg0, %arg1, %c0_i32 : i32, i32, i32
  }
  func.func @transform_2(%arg0: i32, %arg1: i32) -> (i32, i32) {
    %c0_i32 = arith.constant 0 : i32
    %c0_i32_0 = arith.constant 0 : i32
    %c0_i32_1 = arith.constant 0 : i32
    return %c0_i32, %c0_i32_0 : i32, i32
  }
  func.func @transform_3(%arg0: i32, %arg1: i32) -> (i32, i32, i32) {
    %c0_i32 = arith.constant 0 : i32
    %c0_i32_0 = arith.constant 0 : i32
    return %arg0, %arg1, %c0_i32 : i32, i32, i32
  }
  func.func @transform_4(%arg0: i32, %arg1: i32) -> (i32, i32, i32, i32) {
    %c0_i32 = arith.constant 0 : i32
    %c0_i32_0 = arith.constant 0 : i32
    %c0_i32_1 = arith.constant 0 : i32
    return %arg0, %arg1, %c0_i32, %c0_i32_0 : i32, i32, i32, i32
  }
  func.func @transform_5(%arg0: i32, %arg1: i32) -> (i32, i32, i32, i32) {
    %c0_i32 = arith.constant 0 : i32
    %c0_i32_0 = arith.constant 0 : i32
    %c0_i32_1 = arith.constant 0 : i32
    return %arg0, %arg1, %c0_i32, %c0_i32_0 : i32, i32, i32, i32
  }
}

module attributes {stable_mosaic.version = 14 : i64} {
  func.func @_finalize_body(%arg0: i32, %arg1: memref<1x2048x64xf32, #tpu.memory_space<vmem>>, %arg2: memref<1x8x1x64xf32, #tpu.memory_space<vmem>>, %arg3: memref<1x8x1x64xf32, #tpu.memory_space<vmem>>, %arg4: memref<1x64xf32, #tpu.memory_space<vmem>>, %arg5: memref<1x64xf32, #tpu.memory_space<vmem>>, %arg6: memref<1x2048x64xf32, #tpu.memory_space<vmem>>, %arg7: memref<1x64x2048xf32, #tpu.memory_space<vmem>>) attributes {dimension_semantics = [#tpu.dimension_semantics<arbitrary>], iteration_bounds = array<i64: 4>, scalar_prefetch = 0 : i64, scratch_operands = 0 : i64, tpu.core_type = #tpu.core_type<tc>, window_params = [{transform_indices = @transform_0, window_bounds = array<i64: 1, 2048, 64>}, {transform_indices = @transform_1, window_bounds = array<i64: 1, 8, 1, 64>}, {transform_indices = @transform_2, window_bounds = array<i64: 1, 8, 1, 64>}, {pipeline_mode = #tpu.pipeline_mode<synchronous>, transform_indices = @transform_3, window_bounds = array<i64: 1, 64>}, {pipeline_mode = #tpu.pipeline_mode<synchronous>, transform_indices = @transform_4, window_bounds = array<i64: 1, 64>}, {transform_indices = @transform_5, window_bounds = array<i64: 1, 2048, 64>}, {transform_indices = @transform_6, window_bounds = array<i64: 1, 64, 2048>}]} {
    %get3A = arith.constant 0 : index
    %get3A_0 = arith.constant 0 : index
    %get3A_1 = arith.constant 0 : index
    %get3A_2 = vector.load %arg1[%get3A, %get3A_0, %get3A_1] : memref<1x2048x64xf32, #tpu.memory_space<vmem>>, vector<1x2048x64xf32>
    %get3A_3 = vector.shape_cast %get3A_2 : vector<1x2048x64xf32> to vector<2048x64xf32>
    %get3A_4 = arith.constant 0 : index
    %get3A_5 = arith.constant 0 : index
    %get3A_6 = arith.constant 0 : index
    %get3A_7 = arith.constant 0 : index
    %get3A_8 = vector.load %arg2[%get3A_4, %get3A_5, %get3A_6, %get3A_7] : memref<1x8x1x64xf32, #tpu.memory_space<vmem>>, vector<1x8x1x64xf32>
    %get3A_9 = vector.shape_cast %get3A_8 : vector<1x8x1x64xf32> to vector<8x64xf32>
    %reduce_sum3A = arith.constant dense<0.000000e+00> : vector<64xf32>
    %reduce_sum3A_10 = vector.multi_reduction <add>, %get3A_9, %reduce_sum3A [0] : vector<8x64xf32> to vector<64xf32>
    %get3A_11 = arith.constant 0 : index
    %get3A_12 = arith.constant 0 : index
    %get3A_13 = arith.constant 0 : index
    %get3A_14 = arith.constant 0 : index
    %get3A_15 = vector.load %arg3[%get3A_11, %get3A_12, %get3A_13, %get3A_14] : memref<1x8x1x64xf32, #tpu.memory_space<vmem>>, vector<1x8x1x64xf32>
    %get3A_16 = vector.shape_cast %get3A_15 : vector<1x8x1x64xf32> to vector<8x64xf32>
    %reduce_sum3A_17 = arith.constant dense<0.000000e+00> : vector<64xf32>
    %reduce_sum3A_18 = vector.multi_reduction <add>, %get3A_16, %reduce_sum3A_17 [0] : vector<8x64xf32> to vector<64xf32>
    %slice3A = vector.extract_strided_slice %reduce_sum3A_10 {offsets = [0], sizes = [32], strides = [1]} : vector<64xf32> to vector<32xf32>
    %reduce_sum3A_19 = vector.shape_cast %slice3A : vector<32xf32> to vector<1x32xf32>
    %reduce_sum3A_20 = arith.constant dense<0.000000e+00> : vector<1xf32>
    %reduce_sum3A_21 = vector.multi_reduction <add>, %reduce_sum3A_19, %reduce_sum3A_20 [1] : vector<1x32xf32> to vector<1xf32>
    %reduce_sum3A_22 = vector.shape_cast %reduce_sum3A_21 : vector<1xf32> to vector<1x1xf32>
    %reduce_sum3A_23 = vector.extract %reduce_sum3A_22[0, 0] : f32 from vector<1x1xf32>
    %div3A = arith.constant 1.310720e+06 : f32
    %div3A_24 = arith.divf %reduce_sum3A_23, %div3A : f32
    %slice3A_25 = vector.extract_strided_slice %reduce_sum3A_18 {offsets = [0], sizes = [32], strides = [1]} : vector<64xf32> to vector<32xf32>
    %reduce_sum3A_26 = vector.shape_cast %slice3A_25 : vector<32xf32> to vector<1x32xf32>
    %reduce_sum3A_27 = arith.constant dense<0.000000e+00> : vector<1xf32>
    %reduce_sum3A_28 = vector.multi_reduction <add>, %reduce_sum3A_26, %reduce_sum3A_27 [1] : vector<1x32xf32> to vector<1xf32>
    %reduce_sum3A_29 = vector.shape_cast %reduce_sum3A_28 : vector<1xf32> to vector<1x1xf32>
    %reduce_sum3A_30 = vector.extract %reduce_sum3A_29[0, 0] : f32 from vector<1x1xf32>
    %div3A_31 = arith.constant 1.310720e+06 : f32
    %div3A_32 = arith.divf %reduce_sum3A_30, %div3A_31 : f32
    %mul3A = arith.mulf %div3A_24, %div3A_24 : f32
    %sub3A = arith.subf %div3A_32, %mul3A : f32
    %add3A = arith.constant 9.99999974E-6 : f32
    %add3A_33 = arith.addf %sub3A, %add3A : f32
    %sqrt3A = math.sqrt %add3A_33 : f32
    %div3A_34 = arith.constant 1.000000e+00 : f32
    %div3A_35 = arith.divf %div3A_34, %sqrt3A : f32
    %slice3A_36 = vector.extract_strided_slice %get3A_3 {offsets = [0, 0], sizes = [2048, 32], strides = [1, 1]} : vector<2048x64xf32> to vector<2048x32xf32>
    %sub3A_37 = vector.broadcast %div3A_24 : f32 to vector<2048x32xf32>
    %sub3A_38 = arith.subf %slice3A_36, %sub3A_37 : vector<2048x32xf32>
    %get3A_39 = arith.constant 0 : index
    %get3A_40 = arith.constant 0 : index
    %get3A_41 = vector.load %arg4[%get3A_39, %get3A_40] : memref<1x64xf32, #tpu.memory_space<vmem>>, vector<1x32xf32>
    %get3A_42 = vector.shape_cast %get3A_41 : vector<1x32xf32> to vector<32xf32>
    %mul3A_43 = vector.broadcast %div3A_35 : f32 to vector<32xf32>
    %mul3A_44 = arith.mulf %mul3A_43, %get3A_42 : vector<32xf32>
    %broadcast_in_dim3A = vector.shape_cast %mul3A_44 : vector<32xf32> to vector<1x32xf32>
    %mul3A_45 = vector.broadcast %broadcast_in_dim3A : vector<1x32xf32> to vector<2048x32xf32>
    %mul3A_46 = arith.mulf %sub3A_38, %mul3A_45 : vector<2048x32xf32>
    %get3A_47 = arith.constant 0 : index
    %get3A_48 = arith.constant 0 : index
    %get3A_49 = vector.load %arg5[%get3A_47, %get3A_48] : memref<1x64xf32, #tpu.memory_space<vmem>>, vector<1x32xf32>
    %get3A_50 = vector.shape_cast %get3A_49 : vector<1x32xf32> to vector<32xf32>
    %broadcast_in_dim3A_51 = vector.shape_cast %get3A_50 : vector<32xf32> to vector<1x32xf32>
    %add3A_52 = vector.broadcast %broadcast_in_dim3A_51 : vector<1x32xf32> to vector<2048x32xf32>
    %add3A_53 = arith.addf %mul3A_46, %add3A_52 : vector<2048x32xf32>
    %slice3A_54 = vector.extract_strided_slice %reduce_sum3A_10 {offsets = [32], sizes = [32], strides = [1]} : vector<64xf32> to vector<32xf32>
    %reduce_sum3A_55 = vector.shape_cast %slice3A_54 : vector<32xf32> to vector<1x32xf32>
    %reduce_sum3A_56 = arith.constant dense<0.000000e+00> : vector<1xf32>
    %reduce_sum3A_57 = vector.multi_reduction <add>, %reduce_sum3A_55, %reduce_sum3A_56 [1] : vector<1x32xf32> to vector<1xf32>
    %reduce_sum3A_58 = vector.shape_cast %reduce_sum3A_57 : vector<1xf32> to vector<1x1xf32>
    %reduce_sum3A_59 = vector.extract %reduce_sum3A_58[0, 0] : f32 from vector<1x1xf32>
    %div3A_60 = arith.constant 1.310720e+06 : f32
    %div3A_61 = arith.divf %reduce_sum3A_59, %div3A_60 : f32
    %slice3A_62 = vector.extract_strided_slice %reduce_sum3A_18 {offsets = [32], sizes = [32], strides = [1]} : vector<64xf32> to vector<32xf32>
    %reduce_sum3A_63 = vector.shape_cast %slice3A_62 : vector<32xf32> to vector<1x32xf32>
    %reduce_sum3A_64 = arith.constant dense<0.000000e+00> : vector<1xf32>
    %reduce_sum3A_65 = vector.multi_reduction <add>, %reduce_sum3A_63, %reduce_sum3A_64 [1] : vector<1x32xf32> to vector<1xf32>
    %reduce_sum3A_66 = vector.shape_cast %reduce_sum3A_65 : vector<1xf32> to vector<1x1xf32>
    %reduce_sum3A_67 = vector.extract %reduce_sum3A_66[0, 0] : f32 from vector<1x1xf32>
    %div3A_68 = arith.constant 1.310720e+06 : f32
    %div3A_69 = arith.divf %reduce_sum3A_67, %div3A_68 : f32
    %mul3A_70 = arith.mulf %div3A_61, %div3A_61 : f32
    %sub3A_71 = arith.subf %div3A_69, %mul3A_70 : f32
    %add3A_72 = arith.constant 9.99999974E-6 : f32
    %add3A_73 = arith.addf %sub3A_71, %add3A_72 : f32
    %sqrt3A_74 = math.sqrt %add3A_73 : f32
    %div3A_75 = arith.constant 1.000000e+00 : f32
    %div3A_76 = arith.divf %div3A_75, %sqrt3A_74 : f32
    %slice3A_77 = vector.extract_strided_slice %get3A_3 {offsets = [0, 32], sizes = [2048, 32], strides = [1, 1]} : vector<2048x64xf32> to vector<2048x32xf32>
    %sub3A_78 = vector.broadcast %div3A_61 : f32 to vector<2048x32xf32>
    %sub3A_79 = arith.subf %slice3A_77, %sub3A_78 : vector<2048x32xf32>
    %get3A_80 = arith.constant 0 : index
    %get3A_81 = arith.constant 32 : index
    %get3A_82 = vector.load %arg4[%get3A_80, %get3A_81] : memref<1x64xf32, #tpu.memory_space<vmem>>, vector<1x32xf32>
    %get3A_83 = vector.shape_cast %get3A_82 : vector<1x32xf32> to vector<32xf32>
    %mul3A_84 = vector.broadcast %div3A_76 : f32 to vector<32xf32>
    %mul3A_85 = arith.mulf %mul3A_84, %get3A_83 : vector<32xf32>
    %broadcast_in_dim3A_86 = vector.shape_cast %mul3A_85 : vector<32xf32> to vector<1x32xf32>
    %mul3A_87 = vector.broadcast %broadcast_in_dim3A_86 : vector<1x32xf32> to vector<2048x32xf32>
    %mul3A_88 = arith.mulf %sub3A_79, %mul3A_87 : vector<2048x32xf32>
    %get3A_89 = arith.constant 0 : index
    %get3A_90 = arith.constant 32 : index
    %get3A_91 = vector.load %arg5[%get3A_89, %get3A_90] : memref<1x64xf32, #tpu.memory_space<vmem>>, vector<1x32xf32>
    %get3A_92 = vector.shape_cast %get3A_91 : vector<1x32xf32> to vector<32xf32>
    %broadcast_in_dim3A_93 = vector.shape_cast %get3A_92 : vector<32xf32> to vector<1x32xf32>
    %add3A_94 = vector.broadcast %broadcast_in_dim3A_93 : vector<1x32xf32> to vector<2048x32xf32>
    %add3A_95 = arith.addf %mul3A_88, %add3A_94 : vector<2048x32xf32>
    %concatenate3A = tpu.concatenate %add3A_53, %add3A_95 in 1 : vector<2048x32xf32>, vector<2048x32xf32> -> vector<2048x64xf32>
    %ge3A = arith.constant 0.000000e+00 : f32
    %ge3A_96 = vector.broadcast %ge3A : f32 to vector<2048x64xf32>
    %ge3A_97 = arith.cmpf oge, %concatenate3A, %ge3A_96 : vector<2048x64xf32>
    %mul3A_98 = arith.constant 2.000000e-01 : f32
    %mul3A_99 = vector.broadcast %mul3A_98 : f32 to vector<2048x64xf32>
    %mul3A_100 = arith.mulf %mul3A_99, %concatenate3A : vector<2048x64xf32>
    %select_n3A = arith.select %ge3A_97, %concatenate3A, %mul3A_100 : vector<2048x64xi1>, vector<2048x64xf32>
    %swap3A = arith.constant 0 : index
    %swap3A_101 = arith.constant 0 : index
    %swap3A_102 = arith.constant 0 : index
    %swap3A_103 = vector.load %arg6[%swap3A, %swap3A_101, %swap3A_102] : memref<1x2048x64xf32, #tpu.memory_space<vmem>>, vector<1x2048x64xf32>
    %swap3A_104 = vector.shape_cast %swap3A_103 : vector<1x2048x64xf32> to vector<2048x64xf32>
    %swap3A_105 = vector.shape_cast %select_n3A : vector<2048x64xf32> to vector<1x2048x64xf32>
    tpu.vector_store %arg6[%swap3A, %swap3A_101, %swap3A_102], %swap3A_105 {strides = array<i32>} : memref<1x2048x64xf32, #tpu.memory_space<vmem>>, vector<1x2048x64xf32>,
    %transpose3A = tpu.transpose %select_n3A, [1, 0] : vector<2048x64xf32> -> vector<64x2048xf32>
    %swap3A_106 = arith.constant 0 : index
    %swap3A_107 = arith.constant 0 : index
    %swap3A_108 = arith.constant 0 : index
    %swap3A_109 = vector.load %arg7[%swap3A_106, %swap3A_107, %swap3A_108] : memref<1x64x2048xf32, #tpu.memory_space<vmem>>, vector<1x64x2048xf32>
    %swap3A_110 = vector.shape_cast %swap3A_109 : vector<1x64x2048xf32> to vector<64x2048xf32>
    %swap3A_111 = vector.shape_cast %transpose3A : vector<64x2048xf32> to vector<1x64x2048xf32>
    tpu.vector_store %arg7[%swap3A_106, %swap3A_107, %swap3A_108], %swap3A_111 {strides = array<i32>} : memref<1x64x2048xf32, #tpu.memory_space<vmem>>, vector<1x64x2048xf32>,
    return
  }
  func.func @transform_0(%arg0: i32) -> (i32, i32, i32) {
    %c0_i32 = arith.constant 0 : i32
    %c0_i32_0 = arith.constant 0 : i32
    %c0_i32_1 = arith.constant 0 : i32
    return %arg0, %c0_i32, %c0_i32_0 : i32, i32, i32
  }
  func.func @transform_1(%arg0: i32) -> (i32, i32, i32, i32) {
    %c0_i32 = arith.constant 0 : i32
    %c0_i32_0 = arith.constant 0 : i32
    %c0_i32_1 = arith.constant 0 : i32
    %c0_i32_2 = arith.constant 0 : i32
    return %arg0, %c0_i32, %c0_i32_0, %c0_i32_1 : i32, i32, i32, i32
  }
  func.func @transform_2(%arg0: i32) -> (i32, i32, i32, i32) {
    %c0_i32 = arith.constant 0 : i32
    %c0_i32_0 = arith.constant 0 : i32
    %c0_i32_1 = arith.constant 0 : i32
    %c0_i32_2 = arith.constant 0 : i32
    return %arg0, %c0_i32, %c0_i32_0, %c0_i32_1 : i32, i32, i32, i32
  }
  func.func @transform_3(%arg0: i32) -> (i32, i32) {
    %c0_i32 = arith.constant 0 : i32
    %c0_i32_0 = arith.constant 0 : i32
    %c0_i32_1 = arith.constant 0 : i32
    return %c0_i32, %c0_i32_0 : i32, i32
  }
  func.func @transform_4(%arg0: i32) -> (i32, i32) {
    %c0_i32 = arith.constant 0 : i32
    %c0_i32_0 = arith.constant 0 : i32
    %c0_i32_1 = arith.constant 0 : i32
    return %c0_i32, %c0_i32_0 : i32, i32
  }
  func.func @transform_5(%arg0: i32) -> (i32, i32, i32) {
    %c0_i32 = arith.constant 0 : i32
    %c0_i32_0 = arith.constant 0 : i32
    %c0_i32_1 = arith.constant 0 : i32
    return %arg0, %c0_i32, %c0_i32_0 : i32, i32, i32
  }
  func.func @transform_6(%arg0: i32) -> (i32, i32, i32) {
    %c0_i32 = arith.constant 0 : i32
    %c0_i32_0 = arith.constant 0 : i32
    %c0_i32_1 = arith.constant 0 : i32
    return %arg0, %c0_i32, %c0_i32_0 : i32, i32, i32
  }
}

module attributes {stable_mosaic.version = 14 : i64} {
  func.func @_dist_topk_body(%arg0: i32, %arg1: i32, %arg2: memref<1x256x64xf32, #tpu.memory_space<vmem>>, %arg3: memref<1x2048x64xf32, #tpu.memory_space<vmem>>, %arg4: memref<20x256xi32, #tpu.memory_space<vmem>>) attributes {dimension_semantics = [#tpu.dimension_semantics<arbitrary>, #tpu.dimension_semantics<arbitrary>], iteration_bounds = array<i64: 4, 8>, scalar_prefetch = 0 : i64, scratch_operands = 0 : i64, tpu.core_type = #tpu.core_type<tc>, window_params = [{transform_indices = @transform_0, window_bounds = array<i64: 1, 256, 64>}, {transform_indices = @transform_1, window_bounds = array<i64: 1, 2048, 64>}, {transform_indices = @transform_2, window_bounds = array<i64: 20, 256>}]} {
    %get3A = arith.constant 0 : index
    %get3A_0 = arith.constant 0 : index
    %get3A_1 = arith.constant 0 : index
    %get3A_2 = vector.load %arg2[%get3A, %get3A_0, %get3A_1] : memref<1x256x64xf32, #tpu.memory_space<vmem>>, vector<1x256x64xf32>
    %get3A_3 = vector.shape_cast %get3A_2 : vector<1x256x64xf32> to vector<256x64xf32>
    %get3A_4 = arith.constant 0 : index
    %get3A_5 = arith.constant 0 : index
    %get3A_6 = arith.constant 0 : index
    %get3A_7 = vector.load %arg3[%get3A_4, %get3A_5, %get3A_6] : memref<1x2048x64xf32, #tpu.memory_space<vmem>>, vector<1x2048x64xf32>
    %get3A_8 = vector.shape_cast %get3A_7 : vector<1x2048x64xf32> to vector<2048x64xf32>
    %dot_general3A = arith.constant dense<0.000000e+00> : vector<256x2048xf32>
    %dot_general3A_9 = tpu.matmul %get3A_3, %get3A_8, %dot_general3A {dimension_numbers = #tpu.dot_dimension_numbers<[1], [1], [0], [0], [0, 0, 1, 0], [], []>, transpose_lhs_hint = false} : vector<256x64xf32>, vector<2048x64xf32>, vector<256x2048xf32> -> vector<256x2048xf32>
    %mul3A = arith.mulf %get3A_3, %get3A_3 : vector<256x64xf32>
    %reduce_sum3A = arith.constant dense<0.000000e+00> : vector<256xf32>
    %reduce_sum3A_10 = vector.multi_reduction <add>, %mul3A, %reduce_sum3A [1] : vector<256x64xf32> to vector<256xf32>
    %mul3A_11 = arith.mulf %get3A_8, %get3A_8 : vector<2048x64xf32>
    %reduce_sum3A_12 = arith.constant dense<0.000000e+00> : vector<2048xf32>
    %reduce_sum3A_13 = vector.multi_reduction <add>, %mul3A_11, %reduce_sum3A_12 [1] : vector<2048x64xf32> to vector<2048xf32>
    %mul3A_14 = arith.constant 2.000000e+00 : f32
    %mul3A_15 = vector.broadcast %mul3A_14 : f32 to vector<256x2048xf32>
    %mul3A_16 = arith.mulf %mul3A_15, %dot_general3A_9 : vector<256x2048xf32>
    %broadcast_in_dim3A = vector.shape_cast %reduce_sum3A_10 : vector<256xf32> to vector<256x1xf32>
    %sub3A = vector.broadcast %broadcast_in_dim3A : vector<256x1xf32> to vector<256x2048xf32>
    %sub3A_17 = arith.subf %mul3A_16, %sub3A : vector<256x2048xf32>
    %broadcast_in_dim3A_18 = vector.shape_cast %reduce_sum3A_13 : vector<2048xf32> to vector<1x2048xf32>
    %sub3A_19 = vector.broadcast %broadcast_in_dim3A_18 : vector<1x2048xf32> to vector<256x2048xf32>
    %sub3A_20 = arith.subf %sub3A_17, %sub3A_19 : vector<256x2048xf32>
    %iota3A = tpu.iota {dimensions = array<i32: 1>} : vector<256x2048xi32>
    %mul3A_21 = arith.constant 2048 : i32
    %mul3A_22 = arith.muli %arg0, %mul3A_21 : i32
    %argmax3A = tpu.reduce_index %sub3A_20 {axis = 1 : i32, kind = #tpu.reduction_kind<arg_max>} : vector<256x2048xf32> -> vector<256xi32>
    %broadcast_in_dim3A_23 = vector.shape_cast %argmax3A : vector<256xi32> to vector<256x1xi32>
    %add3A = vector.broadcast %mul3A_22 : i32 to vector<256x1xi32>
    %add3A_24 = arith.addi %broadcast_in_dim3A_23, %add3A : vector<256x1xi32>
    %eq3A = vector.broadcast %broadcast_in_dim3A_23 : vector<256x1xi32> to vector<256x2048xi32>
    %eq3A_25 = arith.cmpi eq, %iota3A, %eq3A : vector<256x2048xi32>
    %jit3A = arith.constant 0xFF800000 : f32
    %broadcast_in_dim3A_26 = vector.broadcast %jit3A : f32 to vector<256x2048xf32>
    %select_n3A = arith.select %eq3A_25, %broadcast_in_dim3A_26, %sub3A_20 : vector<256x2048xi1>, vector<256x2048xf32>
    %argmax3A_27 = tpu.reduce_index %select_n3A {axis = 1 : i32, kind = #tpu.reduction_kind<arg_max>} : vector<256x2048xf32> -> vector<256xi32>
    %broadcast_in_dim3A_28 = vector.shape_cast %argmax3A_27 : vector<256xi32> to vector<256x1xi32>
    %add3A_29 = vector.broadcast %mul3A_22 : i32 to vector<256x1xi32>
    %add3A_30 = arith.addi %broadcast_in_dim3A_28, %add3A_29 : vector<256x1xi32>
    %eq3A_31 = vector.broadcast %broadcast_in_dim3A_28 : vector<256x1xi32> to vector<256x2048xi32>
    %eq3A_32 = arith.cmpi eq, %iota3A, %eq3A_31 : vector<256x2048xi32>
    %jit3A_33 = arith.constant 0xFF800000 : f32
    %broadcast_in_dim3A_34 = vector.broadcast %jit3A_33 : f32 to vector<256x2048xf32>
    %select_n3A_35 = arith.select %eq3A_32, %broadcast_in_dim3A_34, %select_n3A : vector<256x2048xi1>, vector<256x2048xf32>
    %argmax3A_36 = tpu.reduce_index %select_n3A_35 {axis = 1 : i32, kind = #tpu.reduction_kind<arg_max>} : vector<256x2048xf32> -> vector<256xi32>
    %broadcast_in_dim3A_37 = vector.shape_cast %argmax3A_36 : vector<256xi32> to vector<256x1xi32>
    %add3A_38 = vector.broadcast %mul3A_22 : i32 to vector<256x1xi32>
    %add3A_39 = arith.addi %broadcast_in_dim3A_37, %add3A_38 : vector<256x1xi32>
    %eq3A_40 = vector.broadcast %broadcast_in_dim3A_37 : vector<256x1xi32> to vector<256x2048xi32>
    %eq3A_41 = arith.cmpi eq, %iota3A, %eq3A_40 : vector<256x2048xi32>
    %jit3A_42 = arith.constant 0xFF800000 : f32
    %broadcast_in_dim3A_43 = vector.broadcast %jit3A_42 : f32 to vector<256x2048xf32>
    %select_n3A_44 = arith.select %eq3A_41, %broadcast_in_dim3A_43, %select_n3A_35 : vector<256x2048xi1>, vector<256x2048xf32>
    %argmax3A_45 = tpu.reduce_index %select_n3A_44 {axis = 1 : i32, kind = #tpu.reduction_kind<arg_max>} : vector<256x2048xf32> -> vector<256xi32>
    %broadcast_in_dim3A_46 = vector.shape_cast %argmax3A_45 : vector<256xi32> to vector<256x1xi32>
    %add3A_47 = vector.broadcast %mul3A_22 : i32 to vector<256x1xi32>
    %add3A_48 = arith.addi %broadcast_in_dim3A_46, %add3A_47 : vector<256x1xi32>
    %eq3A_49 = vector.broadcast %broadcast_in_dim3A_46 : vector<256x1xi32> to vector<256x2048xi32>
    %eq3A_50 = arith.cmpi eq, %iota3A, %eq3A_49 : vector<256x2048xi32>
    %jit3A_51 = arith.constant 0xFF800000 : f32
    %broadcast_in_dim3A_52 = vector.broadcast %jit3A_51 : f32 to vector<256x2048xf32>
    %select_n3A_53 = arith.select %eq3A_50, %broadcast_in_dim3A_52, %select_n3A_44 : vector<256x2048xi1>, vector<256x2048xf32>
    %argmax3A_54 = tpu.reduce_index %select_n3A_53 {axis = 1 : i32, kind = #tpu.reduction_kind<arg_max>} : vector<256x2048xf32> -> vector<256xi32>
    %broadcast_in_dim3A_55 = vector.shape_cast %argmax3A_54 : vector<256xi32> to vector<256x1xi32>
    %add3A_56 = vector.broadcast %mul3A_22 : i32 to vector<256x1xi32>
    %add3A_57 = arith.addi %broadcast_in_dim3A_55, %add3A_56 : vector<256x1xi32>
    %eq3A_58 = vector.broadcast %broadcast_in_dim3A_55 : vector<256x1xi32> to vector<256x2048xi32>
    %eq3A_59 = arith.cmpi eq, %iota3A, %eq3A_58 : vector<256x2048xi32>
    %jit3A_60 = arith.constant 0xFF800000 : f32
    %broadcast_in_dim3A_61 = vector.broadcast %jit3A_60 : f32 to vector<256x2048xf32>
    %select_n3A_62 = arith.select %eq3A_59, %broadcast_in_dim3A_61, %select_n3A_53 : vector<256x2048xi1>, vector<256x2048xf32>
    %argmax3A_63 = tpu.reduce_index %select_n3A_62 {axis = 1 : i32, kind = #tpu.reduction_kind<arg_max>} : vector<256x2048xf32> -> vector<256xi32>
    %broadcast_in_dim3A_64 = vector.shape_cast %argmax3A_63 : vector<256xi32> to vector<256x1xi32>
    %add3A_65 = vector.broadcast %mul3A_22 : i32 to vector<256x1xi32>
    %add3A_66 = arith.addi %broadcast_in_dim3A_64, %add3A_65 : vector<256x1xi32>
    %eq3A_67 = vector.broadcast %broadcast_in_dim3A_64 : vector<256x1xi32> to vector<256x2048xi32>
    %eq3A_68 = arith.cmpi eq, %iota3A, %eq3A_67 : vector<256x2048xi32>
    %jit3A_69 = arith.constant 0xFF800000 : f32
    %broadcast_in_dim3A_70 = vector.broadcast %jit3A_69 : f32 to vector<256x2048xf32>
    %select_n3A_71 = arith.select %eq3A_68, %broadcast_in_dim3A_70, %select_n3A_62 : vector<256x2048xi1>, vector<256x2048xf32>
    %argmax3A_72 = tpu.reduce_index %select_n3A_71 {axis = 1 : i32, kind = #tpu.reduction_kind<arg_max>} : vector<256x2048xf32> -> vector<256xi32>
    %broadcast_in_dim3A_73 = vector.shape_cast %argmax3A_72 : vector<256xi32> to vector<256x1xi32>
    %add3A_74 = vector.broadcast %mul3A_22 : i32 to vector<256x1xi32>
    %add3A_75 = arith.addi %broadcast_in_dim3A_73, %add3A_74 : vector<256x1xi32>
    %eq3A_76 = vector.broadcast %broadcast_in_dim3A_73 : vector<256x1xi32> to vector<256x2048xi32>
    %eq3A_77 = arith.cmpi eq, %iota3A, %eq3A_76 : vector<256x2048xi32>
    %jit3A_78 = arith.constant 0xFF800000 : f32
    %broadcast_in_dim3A_79 = vector.broadcast %jit3A_78 : f32 to vector<256x2048xf32>
    %select_n3A_80 = arith.select %eq3A_77, %broadcast_in_dim3A_79, %select_n3A_71 : vector<256x2048xi1>, vector<256x2048xf32>
    %argmax3A_81 = tpu.reduce_index %select_n3A_80 {axis = 1 : i32, kind = #tpu.reduction_kind<arg_max>} : vector<256x2048xf32> -> vector<256xi32>
    %broadcast_in_dim3A_82 = vector.shape_cast %argmax3A_81 : vector<256xi32> to vector<256x1xi32>
    %add3A_83 = vector.broadcast %mul3A_22 : i32 to vector<256x1xi32>
    %add3A_84 = arith.addi %broadcast_in_dim3A_82, %add3A_83 : vector<256x1xi32>
    %eq3A_85 = vector.broadcast %broadcast_in_dim3A_82 : vector<256x1xi32> to vector<256x2048xi32>
    %eq3A_86 = arith.cmpi eq, %iota3A, %eq3A_85 : vector<256x2048xi32>
    %jit3A_87 = arith.constant 0xFF800000 : f32
    %broadcast_in_dim3A_88 = vector.broadcast %jit3A_87 : f32 to vector<256x2048xf32>
    %select_n3A_89 = arith.select %eq3A_86, %broadcast_in_dim3A_88, %select_n3A_80 : vector<256x2048xi1>, vector<256x2048xf32>
    %argmax3A_90 = tpu.reduce_index %select_n3A_89 {axis = 1 : i32, kind = #tpu.reduction_kind<arg_max>} : vector<256x2048xf32> -> vector<256xi32>
    %broadcast_in_dim3A_91 = vector.shape_cast %argmax3A_90 : vector<256xi32> to vector<256x1xi32>
    %add3A_92 = vector.broadcast %mul3A_22 : i32 to vector<256x1xi32>
    %add3A_93 = arith.addi %broadcast_in_dim3A_91, %add3A_92 : vector<256x1xi32>
    %eq3A_94 = vector.broadcast %broadcast_in_dim3A_91 : vector<256x1xi32> to vector<256x2048xi32>
    %eq3A_95 = arith.cmpi eq, %iota3A, %eq3A_94 : vector<256x2048xi32>
    %jit3A_96 = arith.constant 0xFF800000 : f32
    %broadcast_in_dim3A_97 = vector.broadcast %jit3A_96 : f32 to vector<256x2048xf32>
    %select_n3A_98 = arith.select %eq3A_95, %broadcast_in_dim3A_97, %select_n3A_89 : vector<256x2048xi1>, vector<256x2048xf32>
    %argmax3A_99 = tpu.reduce_index %select_n3A_98 {axis = 1 : i32, kind = #tpu.reduction_kind<arg_max>} : vector<256x2048xf32> -> vector<256xi32>
    %broadcast_in_dim3A_100 = vector.shape_cast %argmax3A_99 : vector<256xi32> to vector<256x1xi32>
    %add3A_101 = vector.broadcast %mul3A_22 : i32 to vector<256x1xi32>
    %add3A_102 = arith.addi %broadcast_in_dim3A_100, %add3A_101 : vector<256x1xi32>
    %eq3A_103 = vector.broadcast %broadcast_in_dim3A_100 : vector<256x1xi32> to vector<256x2048xi32>
    %eq3A_104 = arith.cmpi eq, %iota3A, %eq3A_103 : vector<256x2048xi32>
    %jit3A_105 = arith.constant 0xFF800000 : f32
    %broadcast_in_dim3A_106 = vector.broadcast %jit3A_105 : f32 to vector<256x2048xf32>
    %select_n3A_107 = arith.select %eq3A_104, %broadcast_in_dim3A_106, %select_n3A_98 : vector<256x2048xi1>, vector<256x2048xf32>
    %argmax3A_108 = tpu.reduce_index %select_n3A_107 {axis = 1 : i32, kind = #tpu.reduction_kind<arg_max>} : vector<256x2048xf32> -> vector<256xi32>
    %broadcast_in_dim3A_109 = vector.shape_cast %argmax3A_108 : vector<256xi32> to vector<256x1xi32>
    %add3A_110 = vector.broadcast %mul3A_22 : i32 to vector<256x1xi32>
    %add3A_111 = arith.addi %broadcast_in_dim3A_109, %add3A_110 : vector<256x1xi32>
    %eq3A_112 = vector.broadcast %broadcast_in_dim3A_109 : vector<256x1xi32> to vector<256x2048xi32>
    %eq3A_113 = arith.cmpi eq, %iota3A, %eq3A_112 : vector<256x2048xi32>
    %jit3A_114 = arith.constant 0xFF800000 : f32
    %broadcast_in_dim3A_115 = vector.broadcast %jit3A_114 : f32 to vector<256x2048xf32>
    %select_n3A_116 = arith.select %eq3A_113, %broadcast_in_dim3A_115, %select_n3A_107 : vector<256x2048xi1>, vector<256x2048xf32>
    %argmax3A_117 = tpu.reduce_index %select_n3A_116 {axis = 1 : i32, kind = #tpu.reduction_kind<arg_max>} : vector<256x2048xf32> -> vector<256xi32>
    %broadcast_in_dim3A_118 = vector.shape_cast %argmax3A_117 : vector<256xi32> to vector<256x1xi32>
    %add3A_119 = vector.broadcast %mul3A_22 : i32 to vector<256x1xi32>
    %add3A_120 = arith.addi %broadcast_in_dim3A_118, %add3A_119 : vector<256x1xi32>
    %eq3A_121 = vector.broadcast %broadcast_in_dim3A_118 : vector<256x1xi32> to vector<256x2048xi32>
    %eq3A_122 = arith.cmpi eq, %iota3A, %eq3A_121 : vector<256x2048xi32>
    %jit3A_123 = arith.constant 0xFF800000 : f32
    %broadcast_in_dim3A_124 = vector.broadcast %jit3A_123 : f32 to vector<256x2048xf32>
    %select_n3A_125 = arith.select %eq3A_122, %broadcast_in_dim3A_124, %select_n3A_116 : vector<256x2048xi1>, vector<256x2048xf32>
    %argmax3A_126 = tpu.reduce_index %select_n3A_125 {axis = 1 : i32, kind = #tpu.reduction_kind<arg_max>} : vector<256x2048xf32> -> vector<256xi32>
    %broadcast_in_dim3A_127 = vector.shape_cast %argmax3A_126 : vector<256xi32> to vector<256x1xi32>
    %add3A_128 = vector.broadcast %mul3A_22 : i32 to vector<256x1xi32>
    %add3A_129 = arith.addi %broadcast_in_dim3A_127, %add3A_128 : vector<256x1xi32>
    %eq3A_130 = vector.broadcast %broadcast_in_dim3A_127 : vector<256x1xi32> to vector<256x2048xi32>
    %eq3A_131 = arith.cmpi eq, %iota3A, %eq3A_130 : vector<256x2048xi32>
    %jit3A_132 = arith.constant 0xFF800000 : f32
    %broadcast_in_dim3A_133 = vector.broadcast %jit3A_132 : f32 to vector<256x2048xf32>
    %select_n3A_134 = arith.select %eq3A_131, %broadcast_in_dim3A_133, %select_n3A_125 : vector<256x2048xi1>, vector<256x2048xf32>
    %argmax3A_135 = tpu.reduce_index %select_n3A_134 {axis = 1 : i32, kind = #tpu.reduction_kind<arg_max>} : vector<256x2048xf32> -> vector<256xi32>
    %broadcast_in_dim3A_136 = vector.shape_cast %argmax3A_135 : vector<256xi32> to vector<256x1xi32>
    %add3A_137 = vector.broadcast %mul3A_22 : i32 to vector<256x1xi32>
    %add3A_138 = arith.addi %broadcast_in_dim3A_136, %add3A_137 : vector<256x1xi32>
    %eq3A_139 = vector.broadcast %broadcast_in_dim3A_136 : vector<256x1xi32> to vector<256x2048xi32>
    %eq3A_140 = arith.cmpi eq, %iota3A, %eq3A_139 : vector<256x2048xi32>
    %jit3A_141 = arith.constant 0xFF800000 : f32
    %broadcast_in_dim3A_142 = vector.broadcast %jit3A_141 : f32 to vector<256x2048xf32>
    %select_n3A_143 = arith.select %eq3A_140, %broadcast_in_dim3A_142, %select_n3A_134 : vector<256x2048xi1>, vector<256x2048xf32>
    %argmax3A_144 = tpu.reduce_index %select_n3A_143 {axis = 1 : i32, kind = #tpu.reduction_kind<arg_max>} : vector<256x2048xf32> -> vector<256xi32>
    %broadcast_in_dim3A_145 = vector.shape_cast %argmax3A_144 : vector<256xi32> to vector<256x1xi32>
    %add3A_146 = vector.broadcast %mul3A_22 : i32 to vector<256x1xi32>
    %add3A_147 = arith.addi %broadcast_in_dim3A_145, %add3A_146 : vector<256x1xi32>
    %eq3A_148 = vector.broadcast %broadcast_in_dim3A_145 : vector<256x1xi32> to vector<256x2048xi32>
    %eq3A_149 = arith.cmpi eq, %iota3A, %eq3A_148 : vector<256x2048xi32>
    %jit3A_150 = arith.constant 0xFF800000 : f32
    %broadcast_in_dim3A_151 = vector.broadcast %jit3A_150 : f32 to vector<256x2048xf32>
    %select_n3A_152 = arith.select %eq3A_149, %broadcast_in_dim3A_151, %select_n3A_143 : vector<256x2048xi1>, vector<256x2048xf32>
    %argmax3A_153 = tpu.reduce_index %select_n3A_152 {axis = 1 : i32, kind = #tpu.reduction_kind<arg_max>} : vector<256x2048xf32> -> vector<256xi32>
    %broadcast_in_dim3A_154 = vector.shape_cast %argmax3A_153 : vector<256xi32> to vector<256x1xi32>
    %add3A_155 = vector.broadcast %mul3A_22 : i32 to vector<256x1xi32>
    %add3A_156 = arith.addi %broadcast_in_dim3A_154, %add3A_155 : vector<256x1xi32>
    %eq3A_157 = vector.broadcast %broadcast_in_dim3A_154 : vector<256x1xi32> to vector<256x2048xi32>
    %eq3A_158 = arith.cmpi eq, %iota3A, %eq3A_157 : vector<256x2048xi32>
    %jit3A_159 = arith.constant 0xFF800000 : f32
    %broadcast_in_dim3A_160 = vector.broadcast %jit3A_159 : f32 to vector<256x2048xf32>
    %select_n3A_161 = arith.select %eq3A_158, %broadcast_in_dim3A_160, %select_n3A_152 : vector<256x2048xi1>, vector<256x2048xf32>
    %argmax3A_162 = tpu.reduce_index %select_n3A_161 {axis = 1 : i32, kind = #tpu.reduction_kind<arg_max>} : vector<256x2048xf32> -> vector<256xi32>
    %broadcast_in_dim3A_163 = vector.shape_cast %argmax3A_162 : vector<256xi32> to vector<256x1xi32>
    %add3A_164 = vector.broadcast %mul3A_22 : i32 to vector<256x1xi32>
    %add3A_165 = arith.addi %broadcast_in_dim3A_163, %add3A_164 : vector<256x1xi32>
    %eq3A_166 = vector.broadcast %broadcast_in_dim3A_163 : vector<256x1xi32> to vector<256x2048xi32>
    %eq3A_167 = arith.cmpi eq, %iota3A, %eq3A_166 : vector<256x2048xi32>
    %jit3A_168 = arith.constant 0xFF800000 : f32
    %broadcast_in_dim3A_169 = vector.broadcast %jit3A_168 : f32 to vector<256x2048xf32>
    %select_n3A_170 = arith.select %eq3A_167, %broadcast_in_dim3A_169, %select_n3A_161 : vector<256x2048xi1>, vector<256x2048xf32>
    %argmax3A_171 = tpu.reduce_index %select_n3A_170 {axis = 1 : i32, kind = #tpu.reduction_kind<arg_max>} : vector<256x2048xf32> -> vector<256xi32>
    %broadcast_in_dim3A_172 = vector.shape_cast %argmax3A_171 : vector<256xi32> to vector<256x1xi32>
    %add3A_173 = vector.broadcast %mul3A_22 : i32 to vector<256x1xi32>
    %add3A_174 = arith.addi %broadcast_in_dim3A_172, %add3A_173 : vector<256x1xi32>
    %eq3A_175 = vector.broadcast %broadcast_in_dim3A_172 : vector<256x1xi32> to vector<256x2048xi32>
    %eq3A_176 = arith.cmpi eq, %iota3A, %eq3A_175 : vector<256x2048xi32>
    %jit3A_177 = arith.constant 0xFF800000 : f32
    %broadcast_in_dim3A_178 = vector.broadcast %jit3A_177 : f32 to vector<256x2048xf32>
    %select_n3A_179 = arith.select %eq3A_176, %broadcast_in_dim3A_178, %select_n3A_170 : vector<256x2048xi1>, vector<256x2048xf32>
    %argmax3A_180 = tpu.reduce_index %select_n3A_179 {axis = 1 : i32, kind = #tpu.reduction_kind<arg_max>} : vector<256x2048xf32> -> vector<256xi32>
    %broadcast_in_dim3A_181 = vector.shape_cast %argmax3A_180 : vector<256xi32> to vector<256x1xi32>
    %add3A_182 = vector.broadcast %mul3A_22 : i32 to vector<256x1xi32>
    %add3A_183 = arith.addi %broadcast_in_dim3A_181, %add3A_182 : vector<256x1xi32>
    %eq3A_184 = vector.broadcast %broadcast_in_dim3A_181 : vector<256x1xi32> to vector<256x2048xi32>
    %eq3A_185 = arith.cmpi eq, %iota3A, %eq3A_184 : vector<256x2048xi32>
    %jit3A_186 = arith.constant 0xFF800000 : f32
    %broadcast_in_dim3A_187 = vector.broadcast %jit3A_186 : f32 to vector<256x2048xf32>
    %select_n3A_188 = arith.select %eq3A_185, %broadcast_in_dim3A_187, %select_n3A_179 : vector<256x2048xi1>, vector<256x2048xf32>
    %argmax3A_189 = tpu.reduce_index %select_n3A_188 {axis = 1 : i32, kind = #tpu.reduction_kind<arg_max>} : vector<256x2048xf32> -> vector<256xi32>
    %broadcast_in_dim3A_190 = vector.shape_cast %argmax3A_189 : vector<256xi32> to vector<256x1xi32>
    %add3A_191 = vector.broadcast %mul3A_22 : i32 to vector<256x1xi32>
    %add3A_192 = arith.addi %broadcast_in_dim3A_190, %add3A_191 : vector<256x1xi32>
    %concatenate3A = tpu.concatenate %add3A_24, %add3A_30, %add3A_39, %add3A_48, %add3A_57, %add3A_66, %add3A_75, %add3A_84, %add3A_93, %add3A_102, %add3A_111, %add3A_120, %add3A_129, %add3A_138, %add3A_147, %add3A_156, %add3A_165, %add3A_174, %add3A_183, %add3A_192 in 1 : vector<256x1xi32>, vector<256x1xi32>, vector<256x1xi32>, vector<256x1xi32>, vector<256x1xi32>, vector<256x1xi32>, vector<256x1xi32>, vector<256x1xi32>, vector<256x1xi32>, vector<256x1xi32>, vector<256x1xi32>, vector<256x1xi32>, vector<256x1xi32>, vector<256x1xi32>, vector<256x1xi32>, vector<256x1xi32>, vector<256x1xi32>, vector<256x1xi32>, vector<256x1xi32>, vector<256x1xi32> -> vector<256x20xi32>
    %transpose3A = tpu.transpose %concatenate3A, [1, 0] : vector<256x20xi32> -> vector<20x256xi32>
    %swap3A = arith.constant 0 : index
    %swap3A_193 = arith.constant 0 : index
    %swap3A_194 = vector.load %arg4[%swap3A, %swap3A_193] : memref<20x256xi32, #tpu.memory_space<vmem>>, vector<20x256xi32>
    tpu.vector_store %arg4[%swap3A, %swap3A_193], %transpose3A {strides = array<i32>} : memref<20x256xi32, #tpu.memory_space<vmem>>, vector<20x256xi32>,
    return
  }
  func.func @transform_0(%arg0: i32, %arg1: i32) -> (i32, i32, i32) {
    %c0_i32 = arith.constant 0 : i32
    %c0_i32_0 = arith.constant 0 : i32
    return %arg0, %arg1, %c0_i32 : i32, i32, i32
  }
  func.func @transform_1(%arg0: i32, %arg1: i32) -> (i32, i32, i32) {
    %c0_i32 = arith.constant 0 : i32
    %c0_i32_0 = arith.constant 0 : i32
    %c0_i32_1 = arith.constant 0 : i32
    return %arg0, %c0_i32, %c0_i32_0 : i32, i32, i32
  }
  func.func @transform_2(%arg0: i32, %arg1: i32) -> (i32, i32) {
    %mul3A = arith.constant 8 : i32
    %mul3A_0 = arith.muli %arg0, %mul3A : i32
    %add3A = arith.addi %mul3A_0, %arg1 : i32
    %c0_i32 = arith.constant 0 : i32
    %c0_i32_1 = arith.constant 0 : i32
    return %c0_i32, %add3A : i32, i32
  }
}

module attributes {stable_mosaic.version = 14 : i64} {
  func.func @_conv_reduce_body(%arg0: i32, %arg1: i32, %arg2: memref<20x256x128xf32, #tpu.memory_space<vmem>>, %arg3: memref<1x256x64xf32, #tpu.memory_space<vmem>>, %arg4: memref<128x64xf32, #tpu.memory_space<vmem>>, %arg5: memref<1x256x64xf32, #tpu.memory_space<vmem>>, %arg6: memref<1x1x1x64xf32, #tpu.memory_space<vmem>>, %arg7: memref<1x1x1x64xf32, #tpu.memory_space<vmem>>) attributes {dimension_semantics = [#tpu.dimension_semantics<arbitrary>, #tpu.dimension_semantics<arbitrary>], iteration_bounds = array<i64: 4, 8>, scalar_prefetch = 0 : i64, scratch_operands = 0 : i64, tpu.core_type = #tpu.core_type<tc>, window_params = [{transform_indices = @transform_0, window_bounds = array<i64: 20, 256, 128>}, {transform_indices = @transform_1, window_bounds = array<i64: 1, 256, 64>}, {pipeline_mode = #tpu.pipeline_mode<synchronous>, transform_indices = @transform_2, window_bounds = array<i64: 128, 64>}, {transform_indices = @transform_3, window_bounds = array<i64: 1, 256, 64>}, {transform_indices = @transform_4, window_bounds = array<i64: 1, 1, 1, 64>}, {transform_indices = @transform_5, window_bounds = array<i64: 1, 1, 1, 64>}]} {
    %get3A = arith.constant 0 : index
    %get3A_0 = arith.constant 0 : index
    %get3A_1 = arith.constant 0 : index
    %get3A_2 = vector.load %arg3[%get3A, %get3A_0, %get3A_1] : memref<1x256x64xf32, #tpu.memory_space<vmem>>, vector<1x256x64xf32>
    %get3A_3 = vector.shape_cast %get3A_2 : vector<1x256x64xf32> to vector<256x64xf32>
    %get3A_4 = arith.constant 0 : index
    %get3A_5 = arith.constant 0 : index
    %get3A_6 = arith.constant 0 : index
    %get3A_7 = vector.load %arg2[%get3A_4, %get3A_5, %get3A_6] : memref<20x256x128xf32, #tpu.memory_space<vmem>>, vector<20x256x128xf32>
    %reshape3A = vector.shape_cast %get3A_7 : vector<20x256x128xf32> to vector<5120x128xf32>
    %slice3A = vector.extract_strided_slice %reshape3A {offsets = [0, 0], sizes = [5120, 64], strides = [1, 1]} : vector<5120x128xf32> to vector<5120x64xf32>
    %concatenate3A = tpu.concatenate %get3A_3, %get3A_3, %get3A_3, %get3A_3, %get3A_3, %get3A_3, %get3A_3, %get3A_3, %get3A_3, %get3A_3, %get3A_3, %get3A_3, %get3A_3, %get3A_3, %get3A_3, %get3A_3, %get3A_3, %get3A_3, %get3A_3, %get3A_3 in 0 : vector<256x64xf32>, vector<256x64xf32>, vector<256x64xf32>, vector<256x64xf32>, vector<256x64xf32>, vector<256x64xf32>, vector<256x64xf32>, vector<256x64xf32>, vector<256x64xf32>, vector<256x64xf32>, vector<256x64xf32>, vector<256x64xf32>, vector<256x64xf32>, vector<256x64xf32>, vector<256x64xf32>, vector<256x64xf32>, vector<256x64xf32>, vector<256x64xf32>, vector<256x64xf32>, vector<256x64xf32> -> vector<5120x64xf32>
    %sub3A = arith.subf %slice3A, %concatenate3A : vector<5120x64xf32>
    %concatenate3A_8 = tpu.concatenate %sub3A, %concatenate3A in 1 : vector<5120x64xf32>, vector<5120x64xf32> -> vector<5120x128xf32>
    %get3A_9 = arith.constant 0 : index
    %get3A_10 = arith.constant 0 : index
    %get3A_11 = vector.load %arg4[%get3A_9, %get3A_10] : memref<128x64xf32, #tpu.memory_space<vmem>>, vector<128x64xf32>
    %dot_general3A = arith.constant dense<0.000000e+00> : vector<5120x64xf32>
    %dot_general3A_12 = tpu.matmul %concatenate3A_8, %get3A_11, %dot_general3A {dimension_numbers = #tpu.dot_dimension_numbers<[1], [0], [0], [1], [0, 0, 1, 1], [], []>, transpose_lhs_hint = false} : vector<5120x128xf32>, vector<128x64xf32>, vector<5120x64xf32> -> vector<5120x64xf32>
    %slice3A_13 = vector.extract_strided_slice %dot_general3A_12 {offsets = [0, 0], sizes = [256, 64], strides = [1, 1]} : vector<5120x64xf32> to vector<256x64xf32>
    %mul3A = arith.mulf %slice3A_13, %slice3A_13 : vector<256x64xf32>
    %slice3A_14 = vector.extract_strided_slice %dot_general3A_12 {offsets = [256, 0], sizes = [256, 64], strides = [1, 1]} : vector<5120x64xf32> to vector<256x64xf32>
    %max3A = arith.maximumf %slice3A_13, %slice3A_14 : vector<256x64xf32>
    %add3A = arith.addf %slice3A_13, %slice3A_14 : vector<256x64xf32>
    %mul3A_15 = arith.mulf %slice3A_14, %slice3A_14 : vector<256x64xf32>
    %add3A_16 = arith.addf %mul3A, %mul3A_15 : vector<256x64xf32>
    %slice3A_17 = vector.extract_strided_slice %dot_general3A_12 {offsets = [512, 0], sizes = [256, 64], strides = [1, 1]} : vector<5120x64xf32> to vector<256x64xf32>
    %max3A_18 = arith.maximumf %max3A, %slice3A_17 : vector<256x64xf32>
    %add3A_19 = arith.addf %add3A, %slice3A_17 : vector<256x64xf32>
    %mul3A_20 = arith.mulf %slice3A_17, %slice3A_17 : vector<256x64xf32>
    %add3A_21 = arith.addf %add3A_16, %mul3A_20 : vector<256x64xf32>
    %slice3A_22 = vector.extract_strided_slice %dot_general3A_12 {offsets = [768, 0], sizes = [256, 64], strides = [1, 1]} : vector<5120x64xf32> to vector<256x64xf32>
    %max3A_23 = arith.maximumf %max3A_18, %slice3A_22 : vector<256x64xf32>
    %add3A_24 = arith.addf %add3A_19, %slice3A_22 : vector<256x64xf32>
    %mul3A_25 = arith.mulf %slice3A_22, %slice3A_22 : vector<256x64xf32>
    %add3A_26 = arith.addf %add3A_21, %mul3A_25 : vector<256x64xf32>
    %slice3A_27 = vector.extract_strided_slice %dot_general3A_12 {offsets = [1024, 0], sizes = [256, 64], strides = [1, 1]} : vector<5120x64xf32> to vector<256x64xf32>
    %max3A_28 = arith.maximumf %max3A_23, %slice3A_27 : vector<256x64xf32>
    %add3A_29 = arith.addf %add3A_24, %slice3A_27 : vector<256x64xf32>
    %mul3A_30 = arith.mulf %slice3A_27, %slice3A_27 : vector<256x64xf32>
    %add3A_31 = arith.addf %add3A_26, %mul3A_30 : vector<256x64xf32>
    %slice3A_32 = vector.extract_strided_slice %dot_general3A_12 {offsets = [1280, 0], sizes = [256, 64], strides = [1, 1]} : vector<5120x64xf32> to vector<256x64xf32>
    %max3A_33 = arith.maximumf %max3A_28, %slice3A_32 : vector<256x64xf32>
    %add3A_34 = arith.addf %add3A_29, %slice3A_32 : vector<256x64xf32>
    %mul3A_35 = arith.mulf %slice3A_32, %slice3A_32 : vector<256x64xf32>
    %add3A_36 = arith.addf %add3A_31, %mul3A_35 : vector<256x64xf32>
    %slice3A_37 = vector.extract_strided_slice %dot_general3A_12 {offsets = [1536, 0], sizes = [256, 64], strides = [1, 1]} : vector<5120x64xf32> to vector<256x64xf32>
    %max3A_38 = arith.maximumf %max3A_33, %slice3A_37 : vector<256x64xf32>
    %add3A_39 = arith.addf %add3A_34, %slice3A_37 : vector<256x64xf32>
    %mul3A_40 = arith.mulf %slice3A_37, %slice3A_37 : vector<256x64xf32>
    %add3A_41 = arith.addf %add3A_36, %mul3A_40 : vector<256x64xf32>
    %slice3A_42 = vector.extract_strided_slice %dot_general3A_12 {offsets = [1792, 0], sizes = [256, 64], strides = [1, 1]} : vector<5120x64xf32> to vector<256x64xf32>
    %max3A_43 = arith.maximumf %max3A_38, %slice3A_42 : vector<256x64xf32>
    %add3A_44 = arith.addf %add3A_39, %slice3A_42 : vector<256x64xf32>
    %mul3A_45 = arith.mulf %slice3A_42, %slice3A_42 : vector<256x64xf32>
    %add3A_46 = arith.addf %add3A_41, %mul3A_45 : vector<256x64xf32>
    %slice3A_47 = vector.extract_strided_slice %dot_general3A_12 {offsets = [2048, 0], sizes = [256, 64], strides = [1, 1]} : vector<5120x64xf32> to vector<256x64xf32>
    %max3A_48 = arith.maximumf %max3A_43, %slice3A_47 : vector<256x64xf32>
    %add3A_49 = arith.addf %add3A_44, %slice3A_47 : vector<256x64xf32>
    %mul3A_50 = arith.mulf %slice3A_47, %slice3A_47 : vector<256x64xf32>
    %add3A_51 = arith.addf %add3A_46, %mul3A_50 : vector<256x64xf32>
    %slice3A_52 = vector.extract_strided_slice %dot_general3A_12 {offsets = [2304, 0], sizes = [256, 64], strides = [1, 1]} : vector<5120x64xf32> to vector<256x64xf32>
    %max3A_53 = arith.maximumf %max3A_48, %slice3A_52 : vector<256x64xf32>
    %add3A_54 = arith.addf %add3A_49, %slice3A_52 : vector<256x64xf32>
    %mul3A_55 = arith.mulf %slice3A_52, %slice3A_52 : vector<256x64xf32>
    %add3A_56 = arith.addf %add3A_51, %mul3A_55 : vector<256x64xf32>
    %slice3A_57 = vector.extract_strided_slice %dot_general3A_12 {offsets = [2560, 0], sizes = [256, 64], strides = [1, 1]} : vector<5120x64xf32> to vector<256x64xf32>
    %max3A_58 = arith.maximumf %max3A_53, %slice3A_57 : vector<256x64xf32>
    %add3A_59 = arith.addf %add3A_54, %slice3A_57 : vector<256x64xf32>
    %mul3A_60 = arith.mulf %slice3A_57, %slice3A_57 : vector<256x64xf32>
    %add3A_61 = arith.addf %add3A_56, %mul3A_60 : vector<256x64xf32>
    %slice3A_62 = vector.extract_strided_slice %dot_general3A_12 {offsets = [2816, 0], sizes = [256, 64], strides = [1, 1]} : vector<5120x64xf32> to vector<256x64xf32>
    %max3A_63 = arith.maximumf %max3A_58, %slice3A_62 : vector<256x64xf32>
    %add3A_64 = arith.addf %add3A_59, %slice3A_62 : vector<256x64xf32>
    %mul3A_65 = arith.mulf %slice3A_62, %slice3A_62 : vector<256x64xf32>
    %add3A_66 = arith.addf %add3A_61, %mul3A_65 : vector<256x64xf32>
    %slice3A_67 = vector.extract_strided_slice %dot_general3A_12 {offsets = [3072, 0], sizes = [256, 64], strides = [1, 1]} : vector<5120x64xf32> to vector<256x64xf32>
    %max3A_68 = arith.maximumf %max3A_63, %slice3A_67 : vector<256x64xf32>
    %add3A_69 = arith.addf %add3A_64, %slice3A_67 : vector<256x64xf32>
    %mul3A_70 = arith.mulf %slice3A_67, %slice3A_67 : vector<256x64xf32>
    %add3A_71 = arith.addf %add3A_66, %mul3A_70 : vector<256x64xf32>
    %slice3A_72 = vector.extract_strided_slice %dot_general3A_12 {offsets = [3328, 0], sizes = [256, 64], strides = [1, 1]} : vector<5120x64xf32> to vector<256x64xf32>
    %max3A_73 = arith.maximumf %max3A_68, %slice3A_72 : vector<256x64xf32>
    %add3A_74 = arith.addf %add3A_69, %slice3A_72 : vector<256x64xf32>
    %mul3A_75 = arith.mulf %slice3A_72, %slice3A_72 : vector<256x64xf32>
    %add3A_76 = arith.addf %add3A_71, %mul3A_75 : vector<256x64xf32>
    %slice3A_77 = vector.extract_strided_slice %dot_general3A_12 {offsets = [3584, 0], sizes = [256, 64], strides = [1, 1]} : vector<5120x64xf32> to vector<256x64xf32>
    %max3A_78 = arith.maximumf %max3A_73, %slice3A_77 : vector<256x64xf32>
    %add3A_79 = arith.addf %add3A_74, %slice3A_77 : vector<256x64xf32>
    %mul3A_80 = arith.mulf %slice3A_77, %slice3A_77 : vector<256x64xf32>
    %add3A_81 = arith.addf %add3A_76, %mul3A_80 : vector<256x64xf32>
    %slice3A_82 = vector.extract_strided_slice %dot_general3A_12 {offsets = [3840, 0], sizes = [256, 64], strides = [1, 1]} : vector<5120x64xf32> to vector<256x64xf32>
    %max3A_83 = arith.maximumf %max3A_78, %slice3A_82 : vector<256x64xf32>
    %add3A_84 = arith.addf %add3A_79, %slice3A_82 : vector<256x64xf32>
    %mul3A_85 = arith.mulf %slice3A_82, %slice3A_82 : vector<256x64xf32>
    %add3A_86 = arith.addf %add3A_81, %mul3A_85 : vector<256x64xf32>
    %slice3A_87 = vector.extract_strided_slice %dot_general3A_12 {offsets = [4096, 0], sizes = [256, 64], strides = [1, 1]} : vector<5120x64xf32> to vector<256x64xf32>
    %max3A_88 = arith.maximumf %max3A_83, %slice3A_87 : vector<256x64xf32>
    %add3A_89 = arith.addf %add3A_84, %slice3A_87 : vector<256x64xf32>
    %mul3A_90 = arith.mulf %slice3A_87, %slice3A_87 : vector<256x64xf32>
    %add3A_91 = arith.addf %add3A_86, %mul3A_90 : vector<256x64xf32>
    %slice3A_92 = vector.extract_strided_slice %dot_general3A_12 {offsets = [4352, 0], sizes = [256, 64], strides = [1, 1]} : vector<5120x64xf32> to vector<256x64xf32>
    %max3A_93 = arith.maximumf %max3A_88, %slice3A_92 : vector<256x64xf32>
    %add3A_94 = arith.addf %add3A_89, %slice3A_92 : vector<256x64xf32>
    %mul3A_95 = arith.mulf %slice3A_92, %slice3A_92 : vector<256x64xf32>
    %add3A_96 = arith.addf %add3A_91, %mul3A_95 : vector<256x64xf32>
    %slice3A_97 = vector.extract_strided_slice %dot_general3A_12 {offsets = [4608, 0], sizes = [256, 64], strides = [1, 1]} : vector<5120x64xf32> to vector<256x64xf32>
    %max3A_98 = arith.maximumf %max3A_93, %slice3A_97 : vector<256x64xf32>
    %add3A_99 = arith.addf %add3A_94, %slice3A_97 : vector<256x64xf32>
    %mul3A_100 = arith.mulf %slice3A_97, %slice3A_97 : vector<256x64xf32>
    %add3A_101 = arith.addf %add3A_96, %mul3A_100 : vector<256x64xf32>
    %slice3A_102 = vector.extract_strided_slice %dot_general3A_12 {offsets = [4864, 0], sizes = [256, 64], strides = [1, 1]} : vector<5120x64xf32> to vector<256x64xf32>
    %max3A_103 = arith.maximumf %max3A_98, %slice3A_102 : vector<256x64xf32>
    %add3A_104 = arith.addf %add3A_99, %slice3A_102 : vector<256x64xf32>
    %mul3A_105 = arith.mulf %slice3A_102, %slice3A_102 : vector<256x64xf32>
    %add3A_106 = arith.addf %add3A_101, %mul3A_105 : vector<256x64xf32>
    %swap3A = arith.constant 0 : index
    %swap3A_107 = arith.constant 0 : index
    %swap3A_108 = arith.constant 0 : index
    %swap3A_109 = vector.load %arg5[%swap3A, %swap3A_107, %swap3A_108] : memref<1x256x64xf32, #tpu.memory_space<vmem>>, vector<1x256x64xf32>
    %swap3A_110 = vector.shape_cast %swap3A_109 : vector<1x256x64xf32> to vector<256x64xf32>
    %swap3A_111 = vector.shape_cast %max3A_103 : vector<256x64xf32> to vector<1x256x64xf32>
    tpu.vector_store %arg5[%swap3A, %swap3A_107, %swap3A_108], %swap3A_111 {strides = array<i32>} : memref<1x256x64xf32, #tpu.memory_space<vmem>>, vector<1x256x64xf32>,
    %reduce_sum3A = arith.constant dense<0.000000e+00> : vector<64xf32>
    %reduce_sum3A_112 = vector.multi_reduction <add>, %add3A_104, %reduce_sum3A [0] : vector<256x64xf32> to vector<64xf32>
    %swap3A_113 = arith.constant 0 : index
    %swap3A_114 = arith.constant 0 : index
    %swap3A_115 = arith.constant 0 : index
    %swap3A_116 = arith.constant 0 : index
    %swap3A_117 = vector.load %arg6[%swap3A_113, %swap3A_114, %swap3A_115, %swap3A_116] : memref<1x1x1x64xf32, #tpu.memory_space<vmem>>, vector<1x1x1x64xf32>
    %swap3A_118 = vector.shape_cast %swap3A_117 : vector<1x1x1x64xf32> to vector<64xf32>
    %swap3A_119 = vector.shape_cast %reduce_sum3A_112 : vector<64xf32> to vector<1x1x1x64xf32>
    tpu.vector_store %arg6[%swap3A_113, %swap3A_114, %swap3A_115, %swap3A_116], %swap3A_119 {strides = array<i32>} : memref<1x1x1x64xf32, #tpu.memory_space<vmem>>, vector<1x1x1x64xf32>,
    %reduce_sum3A_120 = arith.constant dense<0.000000e+00> : vector<64xf32>
    %reduce_sum3A_121 = vector.multi_reduction <add>, %add3A_106, %reduce_sum3A_120 [0] : vector<256x64xf32> to vector<64xf32>
    %swap3A_122 = arith.constant 0 : index
    %swap3A_123 = arith.constant 0 : index
    %swap3A_124 = arith.constant 0 : index
    %swap3A_125 = arith.constant 0 : index
    %swap3A_126 = vector.load %arg7[%swap3A_122, %swap3A_123, %swap3A_124, %swap3A_125] : memref<1x1x1x64xf32, #tpu.memory_space<vmem>>, vector<1x1x1x64xf32>
    %swap3A_127 = vector.shape_cast %swap3A_126 : vector<1x1x1x64xf32> to vector<64xf32>
    %swap3A_128 = vector.shape_cast %reduce_sum3A_121 : vector<64xf32> to vector<1x1x1x64xf32>
    tpu.vector_store %arg7[%swap3A_122, %swap3A_123, %swap3A_124, %swap3A_125], %swap3A_128 {strides = array<i32>} : memref<1x1x1x64xf32, #tpu.memory_space<vmem>>, vector<1x1x1x64xf32>,
    return
  }
  func.func @transform_0(%arg0: i32, %arg1: i32) -> (i32, i32, i32) {
    %mul3A = arith.constant 8 : i32
    %mul3A_0 = arith.muli %arg0, %mul3A : i32
    %add3A = arith.addi %mul3A_0, %arg1 : i32
    %c0_i32 = arith.constant 0 : i32
    %c0_i32_1 = arith.constant 0 : i32
    %c0_i32_2 = arith.constant 0 : i32
    return %c0_i32, %add3A, %c0_i32_1 : i32, i32, i32
  }
  func.func @transform_1(%arg0: i32, %arg1: i32) -> (i32, i32, i32) {
    %c0_i32 = arith.constant 0 : i32
    %c0_i32_0 = arith.constant 0 : i32
    return %arg0, %arg1, %c0_i32 : i32, i32, i32
  }
  func.func @transform_2(%arg0: i32, %arg1: i32) -> (i32, i32) {
    %c0_i32 = arith.constant 0 : i32
    %c0_i32_0 = arith.constant 0 : i32
    %c0_i32_1 = arith.constant 0 : i32
    return %c0_i32, %c0_i32_0 : i32, i32
  }
  func.func @transform_3(%arg0: i32, %arg1: i32) -> (i32, i32, i32) {
    %c0_i32 = arith.constant 0 : i32
    %c0_i32_0 = arith.constant 0 : i32
    return %arg0, %arg1, %c0_i32 : i32, i32, i32
  }
  func.func @transform_4(%arg0: i32, %arg1: i32) -> (i32, i32, i32, i32) {
    %c0_i32 = arith.constant 0 : i32
    %c0_i32_0 = arith.constant 0 : i32
    %c0_i32_1 = arith.constant 0 : i32
    return %arg0, %arg1, %c0_i32, %c0_i32_0 : i32, i32, i32, i32
  }
  func.func @transform_5(%arg0: i32, %arg1: i32) -> (i32, i32, i32, i32) {
    %c0_i32 = arith.constant 0 : i32
    %c0_i32_0 = arith.constant 0 : i32
    %c0_i32_1 = arith.constant 0 : i32
    return %arg0, %arg1, %c0_i32, %c0_i32_0 : i32, i32, i32, i32
  }
}

module attributes {stable_mosaic.version = 14 : i64} {
  func.func @_conv_reduce_body(%arg0: i32, %arg1: i32, %arg2: memref<20x256x128xf32, #tpu.memory_space<vmem>>, %arg3: memref<1x256x64xf32, #tpu.memory_space<vmem>>, %arg4: memref<128x128xf32, #tpu.memory_space<vmem>>, %arg5: memref<1x256x128xf32, #tpu.memory_space<vmem>>, %arg6: memref<1x1x1x128xf32, #tpu.memory_space<vmem>>, %arg7: memref<1x1x1x128xf32, #tpu.memory_space<vmem>>) attributes {dimension_semantics = [#tpu.dimension_semantics<arbitrary>, #tpu.dimension_semantics<arbitrary>], iteration_bounds = array<i64: 4, 8>, scalar_prefetch = 0 : i64, scratch_operands = 0 : i64, tpu.core_type = #tpu.core_type<tc>, window_params = [{transform_indices = @transform_0, window_bounds = array<i64: 20, 256, 128>}, {transform_indices = @transform_1, window_bounds = array<i64: 1, 256, 64>}, {pipeline_mode = #tpu.pipeline_mode<synchronous>, transform_indices = @transform_2, window_bounds = array<i64: 128, 128>}, {transform_indices = @transform_3, window_bounds = array<i64: 1, 256, 128>}, {transform_indices = @transform_4, window_bounds = array<i64: 1, 1, 1, 128>}, {transform_indices = @transform_5, window_bounds = array<i64: 1, 1, 1, 128>}]} {
    %get3A = arith.constant 0 : index
    %get3A_0 = arith.constant 0 : index
    %get3A_1 = arith.constant 0 : index
    %get3A_2 = vector.load %arg3[%get3A, %get3A_0, %get3A_1] : memref<1x256x64xf32, #tpu.memory_space<vmem>>, vector<1x256x64xf32>
    %get3A_3 = vector.shape_cast %get3A_2 : vector<1x256x64xf32> to vector<256x64xf32>
    %get3A_4 = arith.constant 0 : index
    %get3A_5 = arith.constant 0 : index
    %get3A_6 = arith.constant 0 : index
    %get3A_7 = vector.load %arg2[%get3A_4, %get3A_5, %get3A_6] : memref<20x256x128xf32, #tpu.memory_space<vmem>>, vector<20x256x128xf32>
    %reshape3A = vector.shape_cast %get3A_7 : vector<20x256x128xf32> to vector<5120x128xf32>
    %slice3A = vector.extract_strided_slice %reshape3A {offsets = [0, 0], sizes = [5120, 64], strides = [1, 1]} : vector<5120x128xf32> to vector<5120x64xf32>
    %concatenate3A = tpu.concatenate %get3A_3, %get3A_3, %get3A_3, %get3A_3, %get3A_3, %get3A_3, %get3A_3, %get3A_3, %get3A_3, %get3A_3, %get3A_3, %get3A_3, %get3A_3, %get3A_3, %get3A_3, %get3A_3, %get3A_3, %get3A_3, %get3A_3, %get3A_3 in 0 : vector<256x64xf32>, vector<256x64xf32>, vector<256x64xf32>, vector<256x64xf32>, vector<256x64xf32>, vector<256x64xf32>, vector<256x64xf32>, vector<256x64xf32>, vector<256x64xf32>, vector<256x64xf32>, vector<256x64xf32>, vector<256x64xf32>, vector<256x64xf32>, vector<256x64xf32>, vector<256x64xf32>, vector<256x64xf32>, vector<256x64xf32>, vector<256x64xf32>, vector<256x64xf32>, vector<256x64xf32> -> vector<5120x64xf32>
    %sub3A = arith.subf %slice3A, %concatenate3A : vector<5120x64xf32>
    %concatenate3A_8 = tpu.concatenate %sub3A, %concatenate3A in 1 : vector<5120x64xf32>, vector<5120x64xf32> -> vector<5120x128xf32>
    %get3A_9 = arith.constant 0 : index
    %get3A_10 = arith.constant 0 : index
    %get3A_11 = vector.load %arg4[%get3A_9, %get3A_10] : memref<128x128xf32, #tpu.memory_space<vmem>>, vector<128x128xf32>
    %dot_general3A = arith.constant dense<0.000000e+00> : vector<5120x128xf32>
    %dot_general3A_12 = tpu.matmul %concatenate3A_8, %get3A_11, %dot_general3A {dimension_numbers = #tpu.dot_dimension_numbers<[1], [0], [0], [1], [0, 0, 1, 1], [], []>, transpose_lhs_hint = false} : vector<5120x128xf32>, vector<128x128xf32>, vector<5120x128xf32> -> vector<5120x128xf32>
    %slice3A_13 = vector.extract_strided_slice %dot_general3A_12 {offsets = [0, 0], sizes = [256, 128], strides = [1, 1]} : vector<5120x128xf32> to vector<256x128xf32>
    %mul3A = arith.mulf %slice3A_13, %slice3A_13 : vector<256x128xf32>
    %slice3A_14 = vector.extract_strided_slice %dot_general3A_12 {offsets = [256, 0], sizes = [256, 128], strides = [1, 1]} : vector<5120x128xf32> to vector<256x128xf32>
    %max3A = arith.maximumf %slice3A_13, %slice3A_14 : vector<256x128xf32>
    %add3A = arith.addf %slice3A_13, %slice3A_14 : vector<256x128xf32>
    %mul3A_15 = arith.mulf %slice3A_14, %slice3A_14 : vector<256x128xf32>
    %add3A_16 = arith.addf %mul3A, %mul3A_15 : vector<256x128xf32>
    %slice3A_17 = vector.extract_strided_slice %dot_general3A_12 {offsets = [512, 0], sizes = [256, 128], strides = [1, 1]} : vector<5120x128xf32> to vector<256x128xf32>
    %max3A_18 = arith.maximumf %max3A, %slice3A_17 : vector<256x128xf32>
    %add3A_19 = arith.addf %add3A, %slice3A_17 : vector<256x128xf32>
    %mul3A_20 = arith.mulf %slice3A_17, %slice3A_17 : vector<256x128xf32>
    %add3A_21 = arith.addf %add3A_16, %mul3A_20 : vector<256x128xf32>
    %slice3A_22 = vector.extract_strided_slice %dot_general3A_12 {offsets = [768, 0], sizes = [256, 128], strides = [1, 1]} : vector<5120x128xf32> to vector<256x128xf32>
    %max3A_23 = arith.maximumf %max3A_18, %slice3A_22 : vector<256x128xf32>
    %add3A_24 = arith.addf %add3A_19, %slice3A_22 : vector<256x128xf32>
    %mul3A_25 = arith.mulf %slice3A_22, %slice3A_22 : vector<256x128xf32>
    %add3A_26 = arith.addf %add3A_21, %mul3A_25 : vector<256x128xf32>
    %slice3A_27 = vector.extract_strided_slice %dot_general3A_12 {offsets = [1024, 0], sizes = [256, 128], strides = [1, 1]} : vector<5120x128xf32> to vector<256x128xf32>
    %max3A_28 = arith.maximumf %max3A_23, %slice3A_27 : vector<256x128xf32>
    %add3A_29 = arith.addf %add3A_24, %slice3A_27 : vector<256x128xf32>
    %mul3A_30 = arith.mulf %slice3A_27, %slice3A_27 : vector<256x128xf32>
    %add3A_31 = arith.addf %add3A_26, %mul3A_30 : vector<256x128xf32>
    %slice3A_32 = vector.extract_strided_slice %dot_general3A_12 {offsets = [1280, 0], sizes = [256, 128], strides = [1, 1]} : vector<5120x128xf32> to vector<256x128xf32>
    %max3A_33 = arith.maximumf %max3A_28, %slice3A_32 : vector<256x128xf32>
    %add3A_34 = arith.addf %add3A_29, %slice3A_32 : vector<256x128xf32>
    %mul3A_35 = arith.mulf %slice3A_32, %slice3A_32 : vector<256x128xf32>
    %add3A_36 = arith.addf %add3A_31, %mul3A_35 : vector<256x128xf32>
    %slice3A_37 = vector.extract_strided_slice %dot_general3A_12 {offsets = [1536, 0], sizes = [256, 128], strides = [1, 1]} : vector<5120x128xf32> to vector<256x128xf32>
    %max3A_38 = arith.maximumf %max3A_33, %slice3A_37 : vector<256x128xf32>
    %add3A_39 = arith.addf %add3A_34, %slice3A_37 : vector<256x128xf32>
    %mul3A_40 = arith.mulf %slice3A_37, %slice3A_37 : vector<256x128xf32>
    %add3A_41 = arith.addf %add3A_36, %mul3A_40 : vector<256x128xf32>
    %slice3A_42 = vector.extract_strided_slice %dot_general3A_12 {offsets = [1792, 0], sizes = [256, 128], strides = [1, 1]} : vector<5120x128xf32> to vector<256x128xf32>
    %max3A_43 = arith.maximumf %max3A_38, %slice3A_42 : vector<256x128xf32>
    %add3A_44 = arith.addf %add3A_39, %slice3A_42 : vector<256x128xf32>
    %mul3A_45 = arith.mulf %slice3A_42, %slice3A_42 : vector<256x128xf32>
    %add3A_46 = arith.addf %add3A_41, %mul3A_45 : vector<256x128xf32>
    %slice3A_47 = vector.extract_strided_slice %dot_general3A_12 {offsets = [2048, 0], sizes = [256, 128], strides = [1, 1]} : vector<5120x128xf32> to vector<256x128xf32>
    %max3A_48 = arith.maximumf %max3A_43, %slice3A_47 : vector<256x128xf32>
    %add3A_49 = arith.addf %add3A_44, %slice3A_47 : vector<256x128xf32>
    %mul3A_50 = arith.mulf %slice3A_47, %slice3A_47 : vector<256x128xf32>
    %add3A_51 = arith.addf %add3A_46, %mul3A_50 : vector<256x128xf32>
    %slice3A_52 = vector.extract_strided_slice %dot_general3A_12 {offsets = [2304, 0], sizes = [256, 128], strides = [1, 1]} : vector<5120x128xf32> to vector<256x128xf32>
    %max3A_53 = arith.maximumf %max3A_48, %slice3A_52 : vector<256x128xf32>
    %add3A_54 = arith.addf %add3A_49, %slice3A_52 : vector<256x128xf32>
    %mul3A_55 = arith.mulf %slice3A_52, %slice3A_52 : vector<256x128xf32>
    %add3A_56 = arith.addf %add3A_51, %mul3A_55 : vector<256x128xf32>
    %slice3A_57 = vector.extract_strided_slice %dot_general3A_12 {offsets = [2560, 0], sizes = [256, 128], strides = [1, 1]} : vector<5120x128xf32> to vector<256x128xf32>
    %max3A_58 = arith.maximumf %max3A_53, %slice3A_57 : vector<256x128xf32>
    %add3A_59 = arith.addf %add3A_54, %slice3A_57 : vector<256x128xf32>
    %mul3A_60 = arith.mulf %slice3A_57, %slice3A_57 : vector<256x128xf32>
    %add3A_61 = arith.addf %add3A_56, %mul3A_60 : vector<256x128xf32>
    %slice3A_62 = vector.extract_strided_slice %dot_general3A_12 {offsets = [2816, 0], sizes = [256, 128], strides = [1, 1]} : vector<5120x128xf32> to vector<256x128xf32>
    %max3A_63 = arith.maximumf %max3A_58, %slice3A_62 : vector<256x128xf32>
    %add3A_64 = arith.addf %add3A_59, %slice3A_62 : vector<256x128xf32>
    %mul3A_65 = arith.mulf %slice3A_62, %slice3A_62 : vector<256x128xf32>
    %add3A_66 = arith.addf %add3A_61, %mul3A_65 : vector<256x128xf32>
    %slice3A_67 = vector.extract_strided_slice %dot_general3A_12 {offsets = [3072, 0], sizes = [256, 128], strides = [1, 1]} : vector<5120x128xf32> to vector<256x128xf32>
    %max3A_68 = arith.maximumf %max3A_63, %slice3A_67 : vector<256x128xf32>
    %add3A_69 = arith.addf %add3A_64, %slice3A_67 : vector<256x128xf32>
    %mul3A_70 = arith.mulf %slice3A_67, %slice3A_67 : vector<256x128xf32>
    %add3A_71 = arith.addf %add3A_66, %mul3A_70 : vector<256x128xf32>
    %slice3A_72 = vector.extract_strided_slice %dot_general3A_12 {offsets = [3328, 0], sizes = [256, 128], strides = [1, 1]} : vector<5120x128xf32> to vector<256x128xf32>
    %max3A_73 = arith.maximumf %max3A_68, %slice3A_72 : vector<256x128xf32>
    %add3A_74 = arith.addf %add3A_69, %slice3A_72 : vector<256x128xf32>
    %mul3A_75 = arith.mulf %slice3A_72, %slice3A_72 : vector<256x128xf32>
    %add3A_76 = arith.addf %add3A_71, %mul3A_75 : vector<256x128xf32>
    %slice3A_77 = vector.extract_strided_slice %dot_general3A_12 {offsets = [3584, 0], sizes = [256, 128], strides = [1, 1]} : vector<5120x128xf32> to vector<256x128xf32>
    %max3A_78 = arith.maximumf %max3A_73, %slice3A_77 : vector<256x128xf32>
    %add3A_79 = arith.addf %add3A_74, %slice3A_77 : vector<256x128xf32>
    %mul3A_80 = arith.mulf %slice3A_77, %slice3A_77 : vector<256x128xf32>
    %add3A_81 = arith.addf %add3A_76, %mul3A_80 : vector<256x128xf32>
    %slice3A_82 = vector.extract_strided_slice %dot_general3A_12 {offsets = [3840, 0], sizes = [256, 128], strides = [1, 1]} : vector<5120x128xf32> to vector<256x128xf32>
    %max3A_83 = arith.maximumf %max3A_78, %slice3A_82 : vector<256x128xf32>
    %add3A_84 = arith.addf %add3A_79, %slice3A_82 : vector<256x128xf32>
    %mul3A_85 = arith.mulf %slice3A_82, %slice3A_82 : vector<256x128xf32>
    %add3A_86 = arith.addf %add3A_81, %mul3A_85 : vector<256x128xf32>
    %slice3A_87 = vector.extract_strided_slice %dot_general3A_12 {offsets = [4096, 0], sizes = [256, 128], strides = [1, 1]} : vector<5120x128xf32> to vector<256x128xf32>
    %max3A_88 = arith.maximumf %max3A_83, %slice3A_87 : vector<256x128xf32>
    %add3A_89 = arith.addf %add3A_84, %slice3A_87 : vector<256x128xf32>
    %mul3A_90 = arith.mulf %slice3A_87, %slice3A_87 : vector<256x128xf32>
    %add3A_91 = arith.addf %add3A_86, %mul3A_90 : vector<256x128xf32>
    %slice3A_92 = vector.extract_strided_slice %dot_general3A_12 {offsets = [4352, 0], sizes = [256, 128], strides = [1, 1]} : vector<5120x128xf32> to vector<256x128xf32>
    %max3A_93 = arith.maximumf %max3A_88, %slice3A_92 : vector<256x128xf32>
    %add3A_94 = arith.addf %add3A_89, %slice3A_92 : vector<256x128xf32>
    %mul3A_95 = arith.mulf %slice3A_92, %slice3A_92 : vector<256x128xf32>
    %add3A_96 = arith.addf %add3A_91, %mul3A_95 : vector<256x128xf32>
    %slice3A_97 = vector.extract_strided_slice %dot_general3A_12 {offsets = [4608, 0], sizes = [256, 128], strides = [1, 1]} : vector<5120x128xf32> to vector<256x128xf32>
    %max3A_98 = arith.maximumf %max3A_93, %slice3A_97 : vector<256x128xf32>
    %add3A_99 = arith.addf %add3A_94, %slice3A_97 : vector<256x128xf32>
    %mul3A_100 = arith.mulf %slice3A_97, %slice3A_97 : vector<256x128xf32>
    %add3A_101 = arith.addf %add3A_96, %mul3A_100 : vector<256x128xf32>
    %slice3A_102 = vector.extract_strided_slice %dot_general3A_12 {offsets = [4864, 0], sizes = [256, 128], strides = [1, 1]} : vector<5120x128xf32> to vector<256x128xf32>
    %max3A_103 = arith.maximumf %max3A_98, %slice3A_102 : vector<256x128xf32>
    %add3A_104 = arith.addf %add3A_99, %slice3A_102 : vector<256x128xf32>
    %mul3A_105 = arith.mulf %slice3A_102, %slice3A_102 : vector<256x128xf32>
    %add3A_106 = arith.addf %add3A_101, %mul3A_105 : vector<256x128xf32>
    %swap3A = arith.constant 0 : index
    %swap3A_107 = arith.constant 0 : index
    %swap3A_108 = arith.constant 0 : index
    %swap3A_109 = vector.load %arg5[%swap3A, %swap3A_107, %swap3A_108] : memref<1x256x128xf32, #tpu.memory_space<vmem>>, vector<1x256x128xf32>
    %swap3A_110 = vector.shape_cast %swap3A_109 : vector<1x256x128xf32> to vector<256x128xf32>
    %swap3A_111 = vector.shape_cast %max3A_103 : vector<256x128xf32> to vector<1x256x128xf32>
    tpu.vector_store %arg5[%swap3A, %swap3A_107, %swap3A_108], %swap3A_111 {strides = array<i32>} : memref<1x256x128xf32, #tpu.memory_space<vmem>>, vector<1x256x128xf32>,
    %reduce_sum3A = arith.constant dense<0.000000e+00> : vector<128xf32>
    %reduce_sum3A_112 = vector.multi_reduction <add>, %add3A_104, %reduce_sum3A [0] : vector<256x128xf32> to vector<128xf32>
    %swap3A_113 = arith.constant 0 : index
    %swap3A_114 = arith.constant 0 : index
    %swap3A_115 = arith.constant 0 : index
    %swap3A_116 = arith.constant 0 : index
    %swap3A_117 = vector.load %arg6[%swap3A_113, %swap3A_114, %swap3A_115, %swap3A_116] : memref<1x1x1x128xf32, #tpu.memory_space<vmem>>, vector<1x1x1x128xf32>
    %swap3A_118 = vector.shape_cast %swap3A_117 : vector<1x1x1x128xf32> to vector<128xf32>
    %swap3A_119 = vector.shape_cast %reduce_sum3A_112 : vector<128xf32> to vector<1x1x1x128xf32>
    tpu.vector_store %arg6[%swap3A_113, %swap3A_114, %swap3A_115, %swap3A_116], %swap3A_119 {strides = array<i32>} : memref<1x1x1x128xf32, #tpu.memory_space<vmem>>, vector<1x1x1x128xf32>,
    %reduce_sum3A_120 = arith.constant dense<0.000000e+00> : vector<128xf32>
    %reduce_sum3A_121 = vector.multi_reduction <add>, %add3A_106, %reduce_sum3A_120 [0] : vector<256x128xf32> to vector<128xf32>
    %swap3A_122 = arith.constant 0 : index
    %swap3A_123 = arith.constant 0 : index
    %swap3A_124 = arith.constant 0 : index
    %swap3A_125 = arith.constant 0 : index
    %swap3A_126 = vector.load %arg7[%swap3A_122, %swap3A_123, %swap3A_124, %swap3A_125] : memref<1x1x1x128xf32, #tpu.memory_space<vmem>>, vector<1x1x1x128xf32>
    %swap3A_127 = vector.shape_cast %swap3A_126 : vector<1x1x1x128xf32> to vector<128xf32>
    %swap3A_128 = vector.shape_cast %reduce_sum3A_121 : vector<128xf32> to vector<1x1x1x128xf32>
    tpu.vector_store %arg7[%swap3A_122, %swap3A_123, %swap3A_124, %swap3A_125], %swap3A_128 {strides = array<i32>} : memref<1x1x1x128xf32, #tpu.memory_space<vmem>>, vector<1x1x1x128xf32>,
    return
  }
  func.func @transform_0(%arg0: i32, %arg1: i32) -> (i32, i32, i32) {
    %mul3A = arith.constant 8 : i32
    %mul3A_0 = arith.muli %arg0, %mul3A : i32
    %add3A = arith.addi %mul3A_0, %arg1 : i32
    %c0_i32 = arith.constant 0 : i32
    %c0_i32_1 = arith.constant 0 : i32
    %c0_i32_2 = arith.constant 0 : i32
    return %c0_i32, %add3A, %c0_i32_1 : i32, i32, i32
  }
  func.func @transform_1(%arg0: i32, %arg1: i32) -> (i32, i32, i32) {
    %c0_i32 = arith.constant 0 : i32
    %c0_i32_0 = arith.constant 0 : i32
    return %arg0, %arg1, %c0_i32 : i32, i32, i32
  }
  func.func @transform_2(%arg0: i32, %arg1: i32) -> (i32, i32) {
    %c0_i32 = arith.constant 0 : i32
    %c0_i32_0 = arith.constant 0 : i32
    %c0_i32_1 = arith.constant 0 : i32
    return %c0_i32, %c0_i32_0 : i32, i32
  }
  func.func @transform_3(%arg0: i32, %arg1: i32) -> (i32, i32, i32) {
    %c0_i32 = arith.constant 0 : i32
    %c0_i32_0 = arith.constant 0 : i32
    return %arg0, %arg1, %c0_i32 : i32, i32, i32
  }
  func.func @transform_4(%arg0: i32, %arg1: i32) -> (i32, i32, i32, i32) {
    %c0_i32 = arith.constant 0 : i32
    %c0_i32_0 = arith.constant 0 : i32
    %c0_i32_1 = arith.constant 0 : i32
    return %arg0, %arg1, %c0_i32, %c0_i32_0 : i32, i32, i32, i32
  }
  func.func @transform_5(%arg0: i32, %arg1: i32) -> (i32, i32, i32, i32) {
    %c0_i32 = arith.constant 0 : i32
    %c0_i32_0 = arith.constant 0 : i32
    %c0_i32_1 = arith.constant 0 : i32
    return %arg0, %arg1, %c0_i32, %c0_i32_0 : i32, i32, i32, i32
  }
}

module attributes {stable_mosaic.version = 14 : i64} {
  func.func @_finalize_body(%arg0: i32, %arg1: memref<1x2048x128xf32, #tpu.memory_space<vmem>>, %arg2: memref<1x8x1x128xf32, #tpu.memory_space<vmem>>, %arg3: memref<1x8x1x128xf32, #tpu.memory_space<vmem>>, %arg4: memref<1x128xf32, #tpu.memory_space<vmem>>, %arg5: memref<1x128xf32, #tpu.memory_space<vmem>>, %arg6: memref<1x2048x128xf32, #tpu.memory_space<vmem>>, %arg7: memref<1x128x2048xf32, #tpu.memory_space<vmem>>) attributes {dimension_semantics = [#tpu.dimension_semantics<arbitrary>], iteration_bounds = array<i64: 4>, scalar_prefetch = 0 : i64, scratch_operands = 0 : i64, tpu.core_type = #tpu.core_type<tc>, window_params = [{transform_indices = @transform_0, window_bounds = array<i64: 1, 2048, 128>}, {transform_indices = @transform_1, window_bounds = array<i64: 1, 8, 1, 128>}, {transform_indices = @transform_2, window_bounds = array<i64: 1, 8, 1, 128>}, {pipeline_mode = #tpu.pipeline_mode<synchronous>, transform_indices = @transform_3, window_bounds = array<i64: 1, 128>}, {pipeline_mode = #tpu.pipeline_mode<synchronous>, transform_indices = @transform_4, window_bounds = array<i64: 1, 128>}, {transform_indices = @transform_5, window_bounds = array<i64: 1, 2048, 128>}, {transform_indices = @transform_6, window_bounds = array<i64: 1, 128, 2048>}]} {
    %get3A = arith.constant 0 : index
    %get3A_0 = arith.constant 0 : index
    %get3A_1 = arith.constant 0 : index
    %get3A_2 = vector.load %arg1[%get3A, %get3A_0, %get3A_1] : memref<1x2048x128xf32, #tpu.memory_space<vmem>>, vector<1x2048x128xf32>
    %get3A_3 = vector.shape_cast %get3A_2 : vector<1x2048x128xf32> to vector<2048x128xf32>
    %get3A_4 = arith.constant 0 : index
    %get3A_5 = arith.constant 0 : index
    %get3A_6 = arith.constant 0 : index
    %get3A_7 = arith.constant 0 : index
    %get3A_8 = vector.load %arg2[%get3A_4, %get3A_5, %get3A_6, %get3A_7] : memref<1x8x1x128xf32, #tpu.memory_space<vmem>>, vector<1x8x1x128xf32>
    %get3A_9 = vector.shape_cast %get3A_8 : vector<1x8x1x128xf32> to vector<8x128xf32>
    %reduce_sum3A = arith.constant dense<0.000000e+00> : vector<128xf32>
    %reduce_sum3A_10 = vector.multi_reduction <add>, %get3A_9, %reduce_sum3A [0] : vector<8x128xf32> to vector<128xf32>
    %get3A_11 = arith.constant 0 : index
    %get3A_12 = arith.constant 0 : index
    %get3A_13 = arith.constant 0 : index
    %get3A_14 = arith.constant 0 : index
    %get3A_15 = vector.load %arg3[%get3A_11, %get3A_12, %get3A_13, %get3A_14] : memref<1x8x1x128xf32, #tpu.memory_space<vmem>>, vector<1x8x1x128xf32>
    %get3A_16 = vector.shape_cast %get3A_15 : vector<1x8x1x128xf32> to vector<8x128xf32>
    %reduce_sum3A_17 = arith.constant dense<0.000000e+00> : vector<128xf32>
    %reduce_sum3A_18 = vector.multi_reduction <add>, %get3A_16, %reduce_sum3A_17 [0] : vector<8x128xf32> to vector<128xf32>
    %slice3A = vector.extract_strided_slice %reduce_sum3A_10 {offsets = [0], sizes = [64], strides = [1]} : vector<128xf32> to vector<64xf32>
    %reduce_sum3A_19 = vector.shape_cast %slice3A : vector<64xf32> to vector<1x64xf32>
    %reduce_sum3A_20 = arith.constant dense<0.000000e+00> : vector<1xf32>
    %reduce_sum3A_21 = vector.multi_reduction <add>, %reduce_sum3A_19, %reduce_sum3A_20 [1] : vector<1x64xf32> to vector<1xf32>
    %reduce_sum3A_22 = vector.shape_cast %reduce_sum3A_21 : vector<1xf32> to vector<1x1xf32>
    %reduce_sum3A_23 = vector.extract %reduce_sum3A_22[0, 0] : f32 from vector<1x1xf32>
    %div3A = arith.constant 2.621440e+06 : f32
    %div3A_24 = arith.divf %reduce_sum3A_23, %div3A : f32
    %slice3A_25 = vector.extract_strided_slice %reduce_sum3A_18 {offsets = [0], sizes = [64], strides = [1]} : vector<128xf32> to vector<64xf32>
    %reduce_sum3A_26 = vector.shape_cast %slice3A_25 : vector<64xf32> to vector<1x64xf32>
    %reduce_sum3A_27 = arith.constant dense<0.000000e+00> : vector<1xf32>
    %reduce_sum3A_28 = vector.multi_reduction <add>, %reduce_sum3A_26, %reduce_sum3A_27 [1] : vector<1x64xf32> to vector<1xf32>
    %reduce_sum3A_29 = vector.shape_cast %reduce_sum3A_28 : vector<1xf32> to vector<1x1xf32>
    %reduce_sum3A_30 = vector.extract %reduce_sum3A_29[0, 0] : f32 from vector<1x1xf32>
    %div3A_31 = arith.constant 2.621440e+06 : f32
    %div3A_32 = arith.divf %reduce_sum3A_30, %div3A_31 : f32
    %mul3A = arith.mulf %div3A_24, %div3A_24 : f32
    %sub3A = arith.subf %div3A_32, %mul3A : f32
    %add3A = arith.constant 9.99999974E-6 : f32
    %add3A_33 = arith.addf %sub3A, %add3A : f32
    %sqrt3A = math.sqrt %add3A_33 : f32
    %div3A_34 = arith.constant 1.000000e+00 : f32
    %div3A_35 = arith.divf %div3A_34, %sqrt3A : f32
    %slice3A_36 = vector.extract_strided_slice %get3A_3 {offsets = [0, 0], sizes = [2048, 64], strides = [1, 1]} : vector<2048x128xf32> to vector<2048x64xf32>
    %sub3A_37 = vector.broadcast %div3A_24 : f32 to vector<2048x64xf32>
    %sub3A_38 = arith.subf %slice3A_36, %sub3A_37 : vector<2048x64xf32>
    %get3A_39 = arith.constant 0 : index
    %get3A_40 = arith.constant 0 : index
    %get3A_41 = vector.load %arg4[%get3A_39, %get3A_40] : memref<1x128xf32, #tpu.memory_space<vmem>>, vector<1x64xf32>
    %get3A_42 = vector.shape_cast %get3A_41 : vector<1x64xf32> to vector<64xf32>
    %mul3A_43 = vector.broadcast %div3A_35 : f32 to vector<64xf32>
    %mul3A_44 = arith.mulf %mul3A_43, %get3A_42 : vector<64xf32>
    %broadcast_in_dim3A = vector.shape_cast %mul3A_44 : vector<64xf32> to vector<1x64xf32>
    %mul3A_45 = vector.broadcast %broadcast_in_dim3A : vector<1x64xf32> to vector<2048x64xf32>
    %mul3A_46 = arith.mulf %sub3A_38, %mul3A_45 : vector<2048x64xf32>
    %get3A_47 = arith.constant 0 : index
    %get3A_48 = arith.constant 0 : index
    %get3A_49 = vector.load %arg5[%get3A_47, %get3A_48] : memref<1x128xf32, #tpu.memory_space<vmem>>, vector<1x64xf32>
    %get3A_50 = vector.shape_cast %get3A_49 : vector<1x64xf32> to vector<64xf32>
    %broadcast_in_dim3A_51 = vector.shape_cast %get3A_50 : vector<64xf32> to vector<1x64xf32>
    %add3A_52 = vector.broadcast %broadcast_in_dim3A_51 : vector<1x64xf32> to vector<2048x64xf32>
    %add3A_53 = arith.addf %mul3A_46, %add3A_52 : vector<2048x64xf32>
    %slice3A_54 = vector.extract_strided_slice %reduce_sum3A_10 {offsets = [64], sizes = [64], strides = [1]} : vector<128xf32> to vector<64xf32>
    %reduce_sum3A_55 = vector.shape_cast %slice3A_54 : vector<64xf32> to vector<1x64xf32>
    %reduce_sum3A_56 = arith.constant dense<0.000000e+00> : vector<1xf32>
    %reduce_sum3A_57 = vector.multi_reduction <add>, %reduce_sum3A_55, %reduce_sum3A_56 [1] : vector<1x64xf32> to vector<1xf32>
    %reduce_sum3A_58 = vector.shape_cast %reduce_sum3A_57 : vector<1xf32> to vector<1x1xf32>
    %reduce_sum3A_59 = vector.extract %reduce_sum3A_58[0, 0] : f32 from vector<1x1xf32>
    %div3A_60 = arith.constant 2.621440e+06 : f32
    %div3A_61 = arith.divf %reduce_sum3A_59, %div3A_60 : f32
    %slice3A_62 = vector.extract_strided_slice %reduce_sum3A_18 {offsets = [64], sizes = [64], strides = [1]} : vector<128xf32> to vector<64xf32>
    %reduce_sum3A_63 = vector.shape_cast %slice3A_62 : vector<64xf32> to vector<1x64xf32>
    %reduce_sum3A_64 = arith.constant dense<0.000000e+00> : vector<1xf32>
    %reduce_sum3A_65 = vector.multi_reduction <add>, %reduce_sum3A_63, %reduce_sum3A_64 [1] : vector<1x64xf32> to vector<1xf32>
    %reduce_sum3A_66 = vector.shape_cast %reduce_sum3A_65 : vector<1xf32> to vector<1x1xf32>
    %reduce_sum3A_67 = vector.extract %reduce_sum3A_66[0, 0] : f32 from vector<1x1xf32>
    %div3A_68 = arith.constant 2.621440e+06 : f32
    %div3A_69 = arith.divf %reduce_sum3A_67, %div3A_68 : f32
    %mul3A_70 = arith.mulf %div3A_61, %div3A_61 : f32
    %sub3A_71 = arith.subf %div3A_69, %mul3A_70 : f32
    %add3A_72 = arith.constant 9.99999974E-6 : f32
    %add3A_73 = arith.addf %sub3A_71, %add3A_72 : f32
    %sqrt3A_74 = math.sqrt %add3A_73 : f32
    %div3A_75 = arith.constant 1.000000e+00 : f32
    %div3A_76 = arith.divf %div3A_75, %sqrt3A_74 : f32
    %slice3A_77 = vector.extract_strided_slice %get3A_3 {offsets = [0, 64], sizes = [2048, 64], strides = [1, 1]} : vector<2048x128xf32> to vector<2048x64xf32>
    %sub3A_78 = vector.broadcast %div3A_61 : f32 to vector<2048x64xf32>
    %sub3A_79 = arith.subf %slice3A_77, %sub3A_78 : vector<2048x64xf32>
    %get3A_80 = arith.constant 0 : index
    %get3A_81 = arith.constant 64 : index
    %get3A_82 = vector.load %arg4[%get3A_80, %get3A_81] : memref<1x128xf32, #tpu.memory_space<vmem>>, vector<1x64xf32>
    %get3A_83 = vector.shape_cast %get3A_82 : vector<1x64xf32> to vector<64xf32>
    %mul3A_84 = vector.broadcast %div3A_76 : f32 to vector<64xf32>
    %mul3A_85 = arith.mulf %mul3A_84, %get3A_83 : vector<64xf32>
    %broadcast_in_dim3A_86 = vector.shape_cast %mul3A_85 : vector<64xf32> to vector<1x64xf32>
    %mul3A_87 = vector.broadcast %broadcast_in_dim3A_86 : vector<1x64xf32> to vector<2048x64xf32>
    %mul3A_88 = arith.mulf %sub3A_79, %mul3A_87 : vector<2048x64xf32>
    %get3A_89 = arith.constant 0 : index
    %get3A_90 = arith.constant 64 : index
    %get3A_91 = vector.load %arg5[%get3A_89, %get3A_90] : memref<1x128xf32, #tpu.memory_space<vmem>>, vector<1x64xf32>
    %get3A_92 = vector.shape_cast %get3A_91 : vector<1x64xf32> to vector<64xf32>
    %broadcast_in_dim3A_93 = vector.shape_cast %get3A_92 : vector<64xf32> to vector<1x64xf32>
    %add3A_94 = vector.broadcast %broadcast_in_dim3A_93 : vector<1x64xf32> to vector<2048x64xf32>
    %add3A_95 = arith.addf %mul3A_88, %add3A_94 : vector<2048x64xf32>
    %concatenate3A = tpu.concatenate %add3A_53, %add3A_95 in 1 : vector<2048x64xf32>, vector<2048x64xf32> -> vector<2048x128xf32>
    %ge3A = arith.constant 0.000000e+00 : f32
    %ge3A_96 = vector.broadcast %ge3A : f32 to vector<2048x128xf32>
    %ge3A_97 = arith.cmpf oge, %concatenate3A, %ge3A_96 : vector<2048x128xf32>
    %mul3A_98 = arith.constant 2.000000e-01 : f32
    %mul3A_99 = vector.broadcast %mul3A_98 : f32 to vector<2048x128xf32>
    %mul3A_100 = arith.mulf %mul3A_99, %concatenate3A : vector<2048x128xf32>
    %select_n3A = arith.select %ge3A_97, %concatenate3A, %mul3A_100 : vector<2048x128xi1>, vector<2048x128xf32>
    %swap3A = arith.constant 0 : index
    %swap3A_101 = arith.constant 0 : index
    %swap3A_102 = arith.constant 0 : index
    %swap3A_103 = vector.load %arg6[%swap3A, %swap3A_101, %swap3A_102] : memref<1x2048x128xf32, #tpu.memory_space<vmem>>, vector<1x2048x128xf32>
    %swap3A_104 = vector.shape_cast %swap3A_103 : vector<1x2048x128xf32> to vector<2048x128xf32>
    %swap3A_105 = vector.shape_cast %select_n3A : vector<2048x128xf32> to vector<1x2048x128xf32>
    tpu.vector_store %arg6[%swap3A, %swap3A_101, %swap3A_102], %swap3A_105 {strides = array<i32>} : memref<1x2048x128xf32, #tpu.memory_space<vmem>>, vector<1x2048x128xf32>,
    %transpose3A = tpu.transpose %select_n3A, [1, 0] : vector<2048x128xf32> -> vector<128x2048xf32>
    %swap3A_106 = arith.constant 0 : index
    %swap3A_107 = arith.constant 0 : index
    %swap3A_108 = arith.constant 0 : index
    %swap3A_109 = vector.load %arg7[%swap3A_106, %swap3A_107, %swap3A_108] : memref<1x128x2048xf32, #tpu.memory_space<vmem>>, vector<1x128x2048xf32>
    %swap3A_110 = vector.shape_cast %swap3A_109 : vector<1x128x2048xf32> to vector<128x2048xf32>
    %swap3A_111 = vector.shape_cast %transpose3A : vector<128x2048xf32> to vector<1x128x2048xf32>
    tpu.vector_store %arg7[%swap3A_106, %swap3A_107, %swap3A_108], %swap3A_111 {strides = array<i32>} : memref<1x128x2048xf32, #tpu.memory_space<vmem>>, vector<1x128x2048xf32>,
    return
  }
  func.func @transform_0(%arg0: i32) -> (i32, i32, i32) {
    %c0_i32 = arith.constant 0 : i32
    %c0_i32_0 = arith.constant 0 : i32
    %c0_i32_1 = arith.constant 0 : i32
    return %arg0, %c0_i32, %c0_i32_0 : i32, i32, i32
  }
  func.func @transform_1(%arg0: i32) -> (i32, i32, i32, i32) {
    %c0_i32 = arith.constant 0 : i32
    %c0_i32_0 = arith.constant 0 : i32
    %c0_i32_1 = arith.constant 0 : i32
    %c0_i32_2 = arith.constant 0 : i32
    return %arg0, %c0_i32, %c0_i32_0, %c0_i32_1 : i32, i32, i32, i32
  }
  func.func @transform_2(%arg0: i32) -> (i32, i32, i32, i32) {
    %c0_i32 = arith.constant 0 : i32
    %c0_i32_0 = arith.constant 0 : i32
    %c0_i32_1 = arith.constant 0 : i32
    %c0_i32_2 = arith.constant 0 : i32
    return %arg0, %c0_i32, %c0_i32_0, %c0_i32_1 : i32, i32, i32, i32
  }
  func.func @transform_3(%arg0: i32) -> (i32, i32) {
    %c0_i32 = arith.constant 0 : i32
    %c0_i32_0 = arith.constant 0 : i32
    %c0_i32_1 = arith.constant 0 : i32
    return %c0_i32, %c0_i32_0 : i32, i32
  }
  func.func @transform_4(%arg0: i32) -> (i32, i32) {
    %c0_i32 = arith.constant 0 : i32
    %c0_i32_0 = arith.constant 0 : i32
    %c0_i32_1 = arith.constant 0 : i32
    return %c0_i32, %c0_i32_0 : i32, i32
  }
  func.func @transform_5(%arg0: i32) -> (i32, i32, i32) {
    %c0_i32 = arith.constant 0 : i32
    %c0_i32_0 = arith.constant 0 : i32
    %c0_i32_1 = arith.constant 0 : i32
    return %arg0, %c0_i32, %c0_i32_0 : i32, i32, i32
  }
  func.func @transform_6(%arg0: i32) -> (i32, i32, i32) {
    %c0_i32 = arith.constant 0 : i32
    %c0_i32_0 = arith.constant 0 : i32
    %c0_i32_1 = arith.constant 0 : i32
    return %arg0, %c0_i32, %c0_i32_0 : i32, i32, i32
  }
}

module attributes {stable_mosaic.version = 14 : i64} {
  func.func @_head_body(%arg0: i32, %arg1: memref<1x256x2048xf32, #tpu.memory_space<vmem>>, %arg2: memref<512x256xf32, #tpu.memory_space<vmem>>, %arg3: memref<1x512xf32, #tpu.memory_space<vmem>>, %arg4: memref<1x512xf32, #tpu.memory_space<vmem>>, %arg5: memref<1x512xf32, #tpu.memory_space<vmem>>, %arg6: memref<1x1x512xf32, #tpu.memory_space<vmem>>) attributes {dimension_semantics = [#tpu.dimension_semantics<arbitrary>], iteration_bounds = array<i64: 4>, scalar_prefetch = 0 : i64, scratch_operands = 0 : i64, tpu.core_type = #tpu.core_type<tc>, window_params = [{transform_indices = @transform_0, window_bounds = array<i64: 1, 256, 2048>}, {pipeline_mode = #tpu.pipeline_mode<synchronous>, transform_indices = @transform_1, window_bounds = array<i64: 512, 256>}, {pipeline_mode = #tpu.pipeline_mode<synchronous>, transform_indices = @transform_2, window_bounds = array<i64: 1, 512>}, {pipeline_mode = #tpu.pipeline_mode<synchronous>, transform_indices = @transform_3, window_bounds = array<i64: 1, 512>}, {pipeline_mode = #tpu.pipeline_mode<synchronous>, transform_indices = @transform_4, window_bounds = array<i64: 1, 512>}, {transform_indices = @transform_5, window_bounds = array<i64: 1, 1, 512>}]} {
    %get3A = arith.constant 0 : index
    %get3A_0 = arith.constant 0 : index
    %get3A_1 = arith.constant 0 : index
    %get3A_2 = vector.load %arg1[%get3A, %get3A_0, %get3A_1] : memref<1x256x2048xf32, #tpu.memory_space<vmem>>, vector<1x256x2048xf32>
    %get3A_3 = vector.shape_cast %get3A_2 : vector<1x256x2048xf32> to vector<256x2048xf32>
    %get3A_4 = arith.constant 0 : index
    %get3A_5 = arith.constant 0 : index
    %get3A_6 = vector.load %arg2[%get3A_4, %get3A_5] : memref<512x256xf32, #tpu.memory_space<vmem>>, vector<512x256xf32>
    %dot_general3A = arith.constant dense<0.000000e+00> : vector<512x2048xf32>
    %dot_general3A_7 = tpu.matmul %get3A_6, %get3A_3, %dot_general3A {dimension_numbers = #tpu.dot_dimension_numbers<[1], [0], [0], [1], [0, 0, 1, 1], [], []>, transpose_lhs_hint = false} : vector<512x256xf32>, vector<256x2048xf32>, vector<512x2048xf32> -> vector<512x2048xf32>
    %get3A_8 = arith.constant 0 : index
    %get3A_9 = arith.constant 0 : index
    %get3A_10 = vector.load %arg3[%get3A_8, %get3A_9] : memref<1x512xf32, #tpu.memory_space<vmem>>, vector<1x512xf32>
    %get3A_11 = vector.shape_cast %get3A_10 : vector<1x512xf32> to vector<512xf32>
    %broadcast_in_dim3A = vector.shape_cast %get3A_11 : vector<512xf32> to vector<512x1xf32>
    %add3A = vector.broadcast %broadcast_in_dim3A : vector<512x1xf32> to vector<512x2048xf32>
    %add3A_12 = arith.addf %dot_general3A_7, %add3A : vector<512x2048xf32>
    %slice3A = vector.extract_strided_slice %add3A_12 {offsets = [0, 0], sizes = [64, 2048], strides = [1, 1]} : vector<512x2048xf32> to vector<64x2048xf32>
    %reduce_sum3A = vector.shape_cast %slice3A : vector<64x2048xf32> to vector<1x64x2048xf32>
    %reduce_sum3A_13 = arith.constant dense<0.000000e+00> : vector<1xf32>
    %reduce_sum3A_14 = vector.multi_reduction <add>, %reduce_sum3A, %reduce_sum3A_13 [1, 2] : vector<1x64x2048xf32> to vector<1xf32>
    %reduce_sum3A_15 = vector.shape_cast %reduce_sum3A_14 : vector<1xf32> to vector<1x1x1xf32>
    %reduce_sum3A_16 = vector.extract %reduce_sum3A_15[0, 0, 0] : f32 from vector<1x1x1xf32>
    %div3A = arith.constant 1.310720e+05 : f32
    %div3A_17 = arith.divf %reduce_sum3A_16, %div3A : f32
    %mul3A = arith.mulf %slice3A, %slice3A : vector<64x2048xf32>
    %reduce_sum3A_18 = vector.shape_cast %mul3A : vector<64x2048xf32> to vector<1x64x2048xf32>
    %reduce_sum3A_19 = arith.constant dense<0.000000e+00> : vector<1xf32>
    %reduce_sum3A_20 = vector.multi_reduction <add>, %reduce_sum3A_18, %reduce_sum3A_19 [1, 2] : vector<1x64x2048xf32> to vector<1xf32>
    %reduce_sum3A_21 = vector.shape_cast %reduce_sum3A_20 : vector<1xf32> to vector<1x1x1xf32>
    %reduce_sum3A_22 = vector.extract %reduce_sum3A_21[0, 0, 0] : f32 from vector<1x1x1xf32>
    %div3A_23 = arith.constant 1.310720e+05 : f32
    %div3A_24 = arith.divf %reduce_sum3A_22, %div3A_23 : f32
    %mul3A_25 = arith.mulf %div3A_17, %div3A_17 : f32
    %sub3A = arith.subf %div3A_24, %mul3A_25 : f32
    %add3A_26 = arith.constant 9.99999974E-6 : f32
    %add3A_27 = arith.addf %sub3A, %add3A_26 : f32
    %sqrt3A = math.sqrt %add3A_27 : f32
    %div3A_28 = arith.constant 1.000000e+00 : f32
    %div3A_29 = arith.divf %div3A_28, %sqrt3A : f32
    %reduce_max3A = arith.constant dense<0xFF800000> : vector<64xf32>
    %reduce_max3A_30 = vector.multi_reduction <maximumf>, %slice3A, %reduce_max3A [1] : vector<64x2048xf32> to vector<64xf32>
    %sub3A_31 = vector.broadcast %div3A_17 : f32 to vector<64xf32>
    %sub3A_32 = arith.subf %reduce_max3A_30, %sub3A_31 : vector<64xf32>
    %get3A_33 = arith.constant 0 : index
    %get3A_34 = arith.constant 0 : index
    %get3A_35 = vector.load %arg4[%get3A_33, %get3A_34] : memref<1x512xf32, #tpu.memory_space<vmem>>, vector<1x64xf32>
    %get3A_36 = vector.shape_cast %get3A_35 : vector<1x64xf32> to vector<64xf32>
    %mul3A_37 = vector.broadcast %div3A_29 : f32 to vector<64xf32>
    %mul3A_38 = arith.mulf %mul3A_37, %get3A_36 : vector<64xf32>
    %mul3A_39 = arith.mulf %sub3A_32, %mul3A_38 : vector<64xf32>
    %get3A_40 = arith.constant 0 : index
    %get3A_41 = arith.constant 0 : index
    %get3A_42 = vector.load %arg5[%get3A_40, %get3A_41] : memref<1x512xf32, #tpu.memory_space<vmem>>, vector<1x64xf32>
    %get3A_43 = vector.shape_cast %get3A_42 : vector<1x64xf32> to vector<64xf32>
    %add3A_44 = arith.addf %mul3A_39, %get3A_43 : vector<64xf32>
    %max3A = arith.constant 0.000000e+00 : f32
    %max3A_45 = vector.broadcast %max3A : f32 to vector<64xf32>
    %max3A_46 = arith.maximumf %add3A_44, %max3A_45 : vector<64xf32>
    %slice3A_47 = vector.extract_strided_slice %add3A_12 {offsets = [64, 0], sizes = [64, 2048], strides = [1, 1]} : vector<512x2048xf32> to vector<64x2048xf32>
    %reduce_sum3A_48 = vector.shape_cast %slice3A_47 : vector<64x2048xf32> to vector<1x64x2048xf32>
    %reduce_sum3A_49 = arith.constant dense<0.000000e+00> : vector<1xf32>
    %reduce_sum3A_50 = vector.multi_reduction <add>, %reduce_sum3A_48, %reduce_sum3A_49 [1, 2] : vector<1x64x2048xf32> to vector<1xf32>
    %reduce_sum3A_51 = vector.shape_cast %reduce_sum3A_50 : vector<1xf32> to vector<1x1x1xf32>
    %reduce_sum3A_52 = vector.extract %reduce_sum3A_51[0, 0, 0] : f32 from vector<1x1x1xf32>
    %div3A_53 = arith.constant 1.310720e+05 : f32
    %div3A_54 = arith.divf %reduce_sum3A_52, %div3A_53 : f32
    %mul3A_55 = arith.mulf %slice3A_47, %slice3A_47 : vector<64x2048xf32>
    %reduce_sum3A_56 = vector.shape_cast %mul3A_55 : vector<64x2048xf32> to vector<1x64x2048xf32>
    %reduce_sum3A_57 = arith.constant dense<0.000000e+00> : vector<1xf32>
    %reduce_sum3A_58 = vector.multi_reduction <add>, %reduce_sum3A_56, %reduce_sum3A_57 [1, 2] : vector<1x64x2048xf32> to vector<1xf32>
    %reduce_sum3A_59 = vector.shape_cast %reduce_sum3A_58 : vector<1xf32> to vector<1x1x1xf32>
    %reduce_sum3A_60 = vector.extract %reduce_sum3A_59[0, 0, 0] : f32 from vector<1x1x1xf32>
    %div3A_61 = arith.constant 1.310720e+05 : f32
    %div3A_62 = arith.divf %reduce_sum3A_60, %div3A_61 : f32
    %mul3A_63 = arith.mulf %div3A_54, %div3A_54 : f32
    %sub3A_64 = arith.subf %div3A_62, %mul3A_63 : f32
    %add3A_65 = arith.constant 9.99999974E-6 : f32
    %add3A_66 = arith.addf %sub3A_64, %add3A_65 : f32
    %sqrt3A_67 = math.sqrt %add3A_66 : f32
    %div3A_68 = arith.constant 1.000000e+00 : f32
    %div3A_69 = arith.divf %div3A_68, %sqrt3A_67 : f32
    %reduce_max3A_70 = arith.constant dense<0xFF800000> : vector<64xf32>
    %reduce_max3A_71 = vector.multi_reduction <maximumf>, %slice3A_47, %reduce_max3A_70 [1] : vector<64x2048xf32> to vector<64xf32>
    %sub3A_72 = vector.broadcast %div3A_54 : f32 to vector<64xf32>
    %sub3A_73 = arith.subf %reduce_max3A_71, %sub3A_72 : vector<64xf32>
    %get3A_74 = arith.constant 0 : index
    %get3A_75 = arith.constant 64 : index
    %get3A_76 = vector.load %arg4[%get3A_74, %get3A_75] : memref<1x512xf32, #tpu.memory_space<vmem>>, vector<1x64xf32>
    %get3A_77 = vector.shape_cast %get3A_76 : vector<1x64xf32> to vector<64xf32>
    %mul3A_78 = vector.broadcast %div3A_69 : f32 to vector<64xf32>
    %mul3A_79 = arith.mulf %mul3A_78, %get3A_77 : vector<64xf32>
    %mul3A_80 = arith.mulf %sub3A_73, %mul3A_79 : vector<64xf32>
    %get3A_81 = arith.constant 0 : index
    %get3A_82 = arith.constant 64 : index
    %get3A_83 = vector.load %arg5[%get3A_81, %get3A_82] : memref<1x512xf32, #tpu.memory_space<vmem>>, vector<1x64xf32>
    %get3A_84 = vector.shape_cast %get3A_83 : vector<1x64xf32> to vector<64xf32>
    %add3A_85 = arith.addf %mul3A_80, %get3A_84 : vector<64xf32>
    %max3A_86 = arith.constant 0.000000e+00 : f32
    %max3A_87 = vector.broadcast %max3A_86 : f32 to vector<64xf32>
    %max3A_88 = arith.maximumf %add3A_85, %max3A_87 : vector<64xf32>
    %slice3A_89 = vector.extract_strided_slice %add3A_12 {offsets = [128, 0], sizes = [64, 2048], strides = [1, 1]} : vector<512x2048xf32> to vector<64x2048xf32>
    %reduce_sum3A_90 = vector.shape_cast %slice3A_89 : vector<64x2048xf32> to vector<1x64x2048xf32>
    %reduce_sum3A_91 = arith.constant dense<0.000000e+00> : vector<1xf32>
    %reduce_sum3A_92 = vector.multi_reduction <add>, %reduce_sum3A_90, %reduce_sum3A_91 [1, 2] : vector<1x64x2048xf32> to vector<1xf32>
    %reduce_sum3A_93 = vector.shape_cast %reduce_sum3A_92 : vector<1xf32> to vector<1x1x1xf32>
    %reduce_sum3A_94 = vector.extract %reduce_sum3A_93[0, 0, 0] : f32 from vector<1x1x1xf32>
    %div3A_95 = arith.constant 1.310720e+05 : f32
    %div3A_96 = arith.divf %reduce_sum3A_94, %div3A_95 : f32
    %mul3A_97 = arith.mulf %slice3A_89, %slice3A_89 : vector<64x2048xf32>
    %reduce_sum3A_98 = vector.shape_cast %mul3A_97 : vector<64x2048xf32> to vector<1x64x2048xf32>
    %reduce_sum3A_99 = arith.constant dense<0.000000e+00> : vector<1xf32>
    %reduce_sum3A_100 = vector.multi_reduction <add>, %reduce_sum3A_98, %reduce_sum3A_99 [1, 2] : vector<1x64x2048xf32> to vector<1xf32>
    %reduce_sum3A_101 = vector.shape_cast %reduce_sum3A_100 : vector<1xf32> to vector<1x1x1xf32>
    %reduce_sum3A_102 = vector.extract %reduce_sum3A_101[0, 0, 0] : f32 from vector<1x1x1xf32>
    %div3A_103 = arith.constant 1.310720e+05 : f32
    %div3A_104 = arith.divf %reduce_sum3A_102, %div3A_103 : f32
    %mul3A_105 = arith.mulf %div3A_96, %div3A_96 : f32
    %sub3A_106 = arith.subf %div3A_104, %mul3A_105 : f32
    %add3A_107 = arith.constant 9.99999974E-6 : f32
    %add3A_108 = arith.addf %sub3A_106, %add3A_107 : f32
    %sqrt3A_109 = math.sqrt %add3A_108 : f32
    %div3A_110 = arith.constant 1.000000e+00 : f32
    %div3A_111 = arith.divf %div3A_110, %sqrt3A_109 : f32
    %reduce_max3A_112 = arith.constant dense<0xFF800000> : vector<64xf32>
    %reduce_max3A_113 = vector.multi_reduction <maximumf>, %slice3A_89, %reduce_max3A_112 [1] : vector<64x2048xf32> to vector<64xf32>
    %sub3A_114 = vector.broadcast %div3A_96 : f32 to vector<64xf32>
    %sub3A_115 = arith.subf %reduce_max3A_113, %sub3A_114 : vector<64xf32>
    %get3A_116 = arith.constant 0 : index
    %get3A_117 = arith.constant 128 : index
    %get3A_118 = vector.load %arg4[%get3A_116, %get3A_117] : memref<1x512xf32, #tpu.memory_space<vmem>>, vector<1x64xf32>
    %get3A_119 = vector.shape_cast %get3A_118 : vector<1x64xf32> to vector<64xf32>
    %mul3A_120 = vector.broadcast %div3A_111 : f32 to vector<64xf32>
    %mul3A_121 = arith.mulf %mul3A_120, %get3A_119 : vector<64xf32>
    %mul3A_122 = arith.mulf %sub3A_115, %mul3A_121 : vector<64xf32>
    %get3A_123 = arith.constant 0 : index
    %get3A_124 = arith.constant 128 : index
    %get3A_125 = vector.load %arg5[%get3A_123, %get3A_124] : memref<1x512xf32, #tpu.memory_space<vmem>>, vector<1x64xf32>
    %get3A_126 = vector.shape_cast %get3A_125 : vector<1x64xf32> to vector<64xf32>
    %add3A_127 = arith.addf %mul3A_122, %get3A_126 : vector<64xf32>
    %max3A_128 = arith.constant 0.000000e+00 : f32
    %max3A_129 = vector.broadcast %max3A_128 : f32 to vector<64xf32>
    %max3A_130 = arith.maximumf %add3A_127, %max3A_129 : vector<64xf32>
    %slice3A_131 = vector.extract_strided_slice %add3A_12 {offsets = [192, 0], sizes = [64, 2048], strides = [1, 1]} : vector<512x2048xf32> to vector<64x2048xf32>
    %reduce_sum3A_132 = vector.shape_cast %slice3A_131 : vector<64x2048xf32> to vector<1x64x2048xf32>
    %reduce_sum3A_133 = arith.constant dense<0.000000e+00> : vector<1xf32>
    %reduce_sum3A_134 = vector.multi_reduction <add>, %reduce_sum3A_132, %reduce_sum3A_133 [1, 2] : vector<1x64x2048xf32> to vector<1xf32>
    %reduce_sum3A_135 = vector.shape_cast %reduce_sum3A_134 : vector<1xf32> to vector<1x1x1xf32>
    %reduce_sum3A_136 = vector.extract %reduce_sum3A_135[0, 0, 0] : f32 from vector<1x1x1xf32>
    %div3A_137 = arith.constant 1.310720e+05 : f32
    %div3A_138 = arith.divf %reduce_sum3A_136, %div3A_137 : f32
    %mul3A_139 = arith.mulf %slice3A_131, %slice3A_131 : vector<64x2048xf32>
    %reduce_sum3A_140 = vector.shape_cast %mul3A_139 : vector<64x2048xf32> to vector<1x64x2048xf32>
    %reduce_sum3A_141 = arith.constant dense<0.000000e+00> : vector<1xf32>
    %reduce_sum3A_142 = vector.multi_reduction <add>, %reduce_sum3A_140, %reduce_sum3A_141 [1, 2] : vector<1x64x2048xf32> to vector<1xf32>
    %reduce_sum3A_143 = vector.shape_cast %reduce_sum3A_142 : vector<1xf32> to vector<1x1x1xf32>
    %reduce_sum3A_144 = vector.extract %reduce_sum3A_143[0, 0, 0] : f32 from vector<1x1x1xf32>
    %div3A_145 = arith.constant 1.310720e+05 : f32
    %div3A_146 = arith.divf %reduce_sum3A_144, %div3A_145 : f32
    %mul3A_147 = arith.mulf %div3A_138, %div3A_138 : f32
    %sub3A_148 = arith.subf %div3A_146, %mul3A_147 : f32
    %add3A_149 = arith.constant 9.99999974E-6 : f32
    %add3A_150 = arith.addf %sub3A_148, %add3A_149 : f32
    %sqrt3A_151 = math.sqrt %add3A_150 : f32
    %div3A_152 = arith.constant 1.000000e+00 : f32
    %div3A_153 = arith.divf %div3A_152, %sqrt3A_151 : f32
    %reduce_max3A_154 = arith.constant dense<0xFF800000> : vector<64xf32>
    %reduce_max3A_155 = vector.multi_reduction <maximumf>, %slice3A_131, %reduce_max3A_154 [1] : vector<64x2048xf32> to vector<64xf32>
    %sub3A_156 = vector.broadcast %div3A_138 : f32 to vector<64xf32>
    %sub3A_157 = arith.subf %reduce_max3A_155, %sub3A_156 : vector<64xf32>
    %get3A_158 = arith.constant 0 : index
    %get3A_159 = arith.constant 192 : index
    %get3A_160 = vector.load %arg4[%get3A_158, %get3A_159] : memref<1x512xf32, #tpu.memory_space<vmem>>, vector<1x64xf32>
    %get3A_161 = vector.shape_cast %get3A_160 : vector<1x64xf32> to vector<64xf32>
    %mul3A_162 = vector.broadcast %div3A_153 : f32 to vector<64xf32>
    %mul3A_163 = arith.mulf %mul3A_162, %get3A_161 : vector<64xf32>
    %mul3A_164 = arith.mulf %sub3A_157, %mul3A_163 : vector<64xf32>
    %get3A_165 = arith.constant 0 : index
    %get3A_166 = arith.constant 192 : index
    %get3A_167 = vector.load %arg5[%get3A_165, %get3A_166] : memref<1x512xf32, #tpu.memory_space<vmem>>, vector<1x64xf32>
    %get3A_168 = vector.shape_cast %get3A_167 : vector<1x64xf32> to vector<64xf32>
    %add3A_169 = arith.addf %mul3A_164, %get3A_168 : vector<64xf32>
    %max3A_170 = arith.constant 0.000000e+00 : f32
    %max3A_171 = vector.broadcast %max3A_170 : f32 to vector<64xf32>
    %max3A_172 = arith.maximumf %add3A_169, %max3A_171 : vector<64xf32>
    %slice3A_173 = vector.extract_strided_slice %add3A_12 {offsets = [256, 0], sizes = [64, 2048], strides = [1, 1]} : vector<512x2048xf32> to vector<64x2048xf32>
    %reduce_sum3A_174 = vector.shape_cast %slice3A_173 : vector<64x2048xf32> to vector<1x64x2048xf32>
    %reduce_sum3A_175 = arith.constant dense<0.000000e+00> : vector<1xf32>
    %reduce_sum3A_176 = vector.multi_reduction <add>, %reduce_sum3A_174, %reduce_sum3A_175 [1, 2] : vector<1x64x2048xf32> to vector<1xf32>
    %reduce_sum3A_177 = vector.shape_cast %reduce_sum3A_176 : vector<1xf32> to vector<1x1x1xf32>
    %reduce_sum3A_178 = vector.extract %reduce_sum3A_177[0, 0, 0] : f32 from vector<1x1x1xf32>
    %div3A_179 = arith.constant 1.310720e+05 : f32
    %div3A_180 = arith.divf %reduce_sum3A_178, %div3A_179 : f32
    %mul3A_181 = arith.mulf %slice3A_173, %slice3A_173 : vector<64x2048xf32>
    %reduce_sum3A_182 = vector.shape_cast %mul3A_181 : vector<64x2048xf32> to vector<1x64x2048xf32>
    %reduce_sum3A_183 = arith.constant dense<0.000000e+00> : vector<1xf32>
    %reduce_sum3A_184 = vector.multi_reduction <add>, %reduce_sum3A_182, %reduce_sum3A_183 [1, 2] : vector<1x64x2048xf32> to vector<1xf32>
    %reduce_sum3A_185 = vector.shape_cast %reduce_sum3A_184 : vector<1xf32> to vector<1x1x1xf32>
    %reduce_sum3A_186 = vector.extract %reduce_sum3A_185[0, 0, 0] : f32 from vector<1x1x1xf32>
    %div3A_187 = arith.constant 1.310720e+05 : f32
    %div3A_188 = arith.divf %reduce_sum3A_186, %div3A_187 : f32
    %mul3A_189 = arith.mulf %div3A_180, %div3A_180 : f32
    %sub3A_190 = arith.subf %div3A_188, %mul3A_189 : f32
    %add3A_191 = arith.constant 9.99999974E-6 : f32
    %add3A_192 = arith.addf %sub3A_190, %add3A_191 : f32
    %sqrt3A_193 = math.sqrt %add3A_192 : f32
    %div3A_194 = arith.constant 1.000000e+00 : f32
    %div3A_195 = arith.divf %div3A_194, %sqrt3A_193 : f32
    %reduce_max3A_196 = arith.constant dense<0xFF800000> : vector<64xf32>
    %reduce_max3A_197 = vector.multi_reduction <maximumf>, %slice3A_173, %reduce_max3A_196 [1] : vector<64x2048xf32> to vector<64xf32>
    %sub3A_198 = vector.broadcast %div3A_180 : f32 to vector<64xf32>
    %sub3A_199 = arith.subf %reduce_max3A_197, %sub3A_198 : vector<64xf32>
    %get3A_200 = arith.constant 0 : index
    %get3A_201 = arith.constant 256 : index
    %get3A_202 = vector.load %arg4[%get3A_200, %get3A_201] : memref<1x512xf32, #tpu.memory_space<vmem>>, vector<1x64xf32>
    %get3A_203 = vector.shape_cast %get3A_202 : vector<1x64xf32> to vector<64xf32>
    %mul3A_204 = vector.broadcast %div3A_195 : f32 to vector<64xf32>
    %mul3A_205 = arith.mulf %mul3A_204, %get3A_203 : vector<64xf32>
    %mul3A_206 = arith.mulf %sub3A_199, %mul3A_205 : vector<64xf32>
    %get3A_207 = arith.constant 0 : index
    %get3A_208 = arith.constant 256 : index
    %get3A_209 = vector.load %arg5[%get3A_207, %get3A_208] : memref<1x512xf32, #tpu.memory_space<vmem>>, vector<1x64xf32>
    %get3A_210 = vector.shape_cast %get3A_209 : vector<1x64xf32> to vector<64xf32>
    %add3A_211 = arith.addf %mul3A_206, %get3A_210 : vector<64xf32>
    %max3A_212 = arith.constant 0.000000e+00 : f32
    %max3A_213 = vector.broadcast %max3A_212 : f32 to vector<64xf32>
    %max3A_214 = arith.maximumf %add3A_211, %max3A_213 : vector<64xf32>
    %slice3A_215 = vector.extract_strided_slice %add3A_12 {offsets = [320, 0], sizes = [64, 2048], strides = [1, 1]} : vector<512x2048xf32> to vector<64x2048xf32>
    %reduce_sum3A_216 = vector.shape_cast %slice3A_215 : vector<64x2048xf32> to vector<1x64x2048xf32>
    %reduce_sum3A_217 = arith.constant dense<0.000000e+00> : vector<1xf32>
    %reduce_sum3A_218 = vector.multi_reduction <add>, %reduce_sum3A_216, %reduce_sum3A_217 [1, 2] : vector<1x64x2048xf32> to vector<1xf32>
    %reduce_sum3A_219 = vector.shape_cast %reduce_sum3A_218 : vector<1xf32> to vector<1x1x1xf32>
    %reduce_sum3A_220 = vector.extract %reduce_sum3A_219[0, 0, 0] : f32 from vector<1x1x1xf32>
    %div3A_221 = arith.constant 1.310720e+05 : f32
    %div3A_222 = arith.divf %reduce_sum3A_220, %div3A_221 : f32
    %mul3A_223 = arith.mulf %slice3A_215, %slice3A_215 : vector<64x2048xf32>
    %reduce_sum3A_224 = vector.shape_cast %mul3A_223 : vector<64x2048xf32> to vector<1x64x2048xf32>
    %reduce_sum3A_225 = arith.constant dense<0.000000e+00> : vector<1xf32>
    %reduce_sum3A_226 = vector.multi_reduction <add>, %reduce_sum3A_224, %reduce_sum3A_225 [1, 2] : vector<1x64x2048xf32> to vector<1xf32>
    %reduce_sum3A_227 = vector.shape_cast %reduce_sum3A_226 : vector<1xf32> to vector<1x1x1xf32>
    %reduce_sum3A_228 = vector.extract %reduce_sum3A_227[0, 0, 0] : f32 from vector<1x1x1xf32>
    %div3A_229 = arith.constant 1.310720e+05 : f32
    %div3A_230 = arith.divf %reduce_sum3A_228, %div3A_229 : f32
    %mul3A_231 = arith.mulf %div3A_222, %div3A_222 : f32
    %sub3A_232 = arith.subf %div3A_230, %mul3A_231 : f32
    %add3A_233 = arith.constant 9.99999974E-6 : f32
    %add3A_234 = arith.addf %sub3A_232, %add3A_233 : f32
    %sqrt3A_235 = math.sqrt %add3A_234 : f32
    %div3A_236 = arith.constant 1.000000e+00 : f32
    %div3A_237 = arith.divf %div3A_236, %sqrt3A_235 : f32
    %reduce_max3A_238 = arith.constant dense<0xFF800000> : vector<64xf32>
    %reduce_max3A_239 = vector.multi_reduction <maximumf>, %slice3A_215, %reduce_max3A_238 [1] : vector<64x2048xf32> to vector<64xf32>
    %sub3A_240 = vector.broadcast %div3A_222 : f32 to vector<64xf32>
    %sub3A_241 = arith.subf %reduce_max3A_239, %sub3A_240 : vector<64xf32>
    %get3A_242 = arith.constant 0 : index
    %get3A_243 = arith.constant 320 : index
    %get3A_244 = vector.load %arg4[%get3A_242, %get3A_243] : memref<1x512xf32, #tpu.memory_space<vmem>>, vector<1x64xf32>
    %get3A_245 = vector.shape_cast %get3A_244 : vector<1x64xf32> to vector<64xf32>
    %mul3A_246 = vector.broadcast %div3A_237 : f32 to vector<64xf32>
    %mul3A_247 = arith.mulf %mul3A_246, %get3A_245 : vector<64xf32>
    %mul3A_248 = arith.mulf %sub3A_241, %mul3A_247 : vector<64xf32>
    %get3A_249 = arith.constant 0 : index
    %get3A_250 = arith.constant 320 : index
    %get3A_251 = vector.load %arg5[%get3A_249, %get3A_250] : memref<1x512xf32, #tpu.memory_space<vmem>>, vector<1x64xf32>
    %get3A_252 = vector.shape_cast %get3A_251 : vector<1x64xf32> to vector<64xf32>
    %add3A_253 = arith.addf %mul3A_248, %get3A_252 : vector<64xf32>
    %max3A_254 = arith.constant 0.000000e+00 : f32
    %max3A_255 = vector.broadcast %max3A_254 : f32 to vector<64xf32>
    %max3A_256 = arith.maximumf %add3A_253, %max3A_255 : vector<64xf32>
    %slice3A_257 = vector.extract_strided_slice %add3A_12 {offsets = [384, 0], sizes = [64, 2048], strides = [1, 1]} : vector<512x2048xf32> to vector<64x2048xf32>
    %reduce_sum3A_258 = vector.shape_cast %slice3A_257 : vector<64x2048xf32> to vector<1x64x2048xf32>
    %reduce_sum3A_259 = arith.constant dense<0.000000e+00> : vector<1xf32>
    %reduce_sum3A_260 = vector.multi_reduction <add>, %reduce_sum3A_258, %reduce_sum3A_259 [1, 2] : vector<1x64x2048xf32> to vector<1xf32>
    %reduce_sum3A_261 = vector.shape_cast %reduce_sum3A_260 : vector<1xf32> to vector<1x1x1xf32>
    %reduce_sum3A_262 = vector.extract %reduce_sum3A_261[0, 0, 0] : f32 from vector<1x1x1xf32>
    %div3A_263 = arith.constant 1.310720e+05 : f32
    %div3A_264 = arith.divf %reduce_sum3A_262, %div3A_263 : f32
    %mul3A_265 = arith.mulf %slice3A_257, %slice3A_257 : vector<64x2048xf32>
    %reduce_sum3A_266 = vector.shape_cast %mul3A_265 : vector<64x2048xf32> to vector<1x64x2048xf32>
    %reduce_sum3A_267 = arith.constant dense<0.000000e+00> : vector<1xf32>
    %reduce_sum3A_268 = vector.multi_reduction <add>, %reduce_sum3A_266, %reduce_sum3A_267 [1, 2] : vector<1x64x2048xf32> to vector<1xf32>
    %reduce_sum3A_269 = vector.shape_cast %reduce_sum3A_268 : vector<1xf32> to vector<1x1x1xf32>
    %reduce_sum3A_270 = vector.extract %reduce_sum3A_269[0, 0, 0] : f32 from vector<1x1x1xf32>
    %div3A_271 = arith.constant 1.310720e+05 : f32
    %div3A_272 = arith.divf %reduce_sum3A_270, %div3A_271 : f32
    %mul3A_273 = arith.mulf %div3A_264, %div3A_264 : f32
    %sub3A_274 = arith.subf %div3A_272, %mul3A_273 : f32
    %add3A_275 = arith.constant 9.99999974E-6 : f32
    %add3A_276 = arith.addf %sub3A_274, %add3A_275 : f32
    %sqrt3A_277 = math.sqrt %add3A_276 : f32
    %div3A_278 = arith.constant 1.000000e+00 : f32
    %div3A_279 = arith.divf %div3A_278, %sqrt3A_277 : f32
    %reduce_max3A_280 = arith.constant dense<0xFF800000> : vector<64xf32>
    %reduce_max3A_281 = vector.multi_reduction <maximumf>, %slice3A_257, %reduce_max3A_280 [1] : vector<64x2048xf32> to vector<64xf32>
    %sub3A_282 = vector.broadcast %div3A_264 : f32 to vector<64xf32>
    %sub3A_283 = arith.subf %reduce_max3A_281, %sub3A_282 : vector<64xf32>
    %get3A_284 = arith.constant 0 : index
    %get3A_285 = arith.constant 384 : index
    %get3A_286 = vector.load %arg4[%get3A_284, %get3A_285] : memref<1x512xf32, #tpu.memory_space<vmem>>, vector<1x64xf32>
    %get3A_287 = vector.shape_cast %get3A_286 : vector<1x64xf32> to vector<64xf32>
    %mul3A_288 = vector.broadcast %div3A_279 : f32 to vector<64xf32>
    %mul3A_289 = arith.mulf %mul3A_288, %get3A_287 : vector<64xf32>
    %mul3A_290 = arith.mulf %sub3A_283, %mul3A_289 : vector<64xf32>
    %get3A_291 = arith.constant 0 : index
    %get3A_292 = arith.constant 384 : index
    %get3A_293 = vector.load %arg5[%get3A_291, %get3A_292] : memref<1x512xf32, #tpu.memory_space<vmem>>, vector<1x64xf32>
    %get3A_294 = vector.shape_cast %get3A_293 : vector<1x64xf32> to vector<64xf32>
    %add3A_295 = arith.addf %mul3A_290, %get3A_294 : vector<64xf32>
    %max3A_296 = arith.constant 0.000000e+00 : f32
    %max3A_297 = vector.broadcast %max3A_296 : f32 to vector<64xf32>
    %max3A_298 = arith.maximumf %add3A_295, %max3A_297 : vector<64xf32>
    %slice3A_299 = vector.extract_strided_slice %add3A_12 {offsets = [448, 0], sizes = [64, 2048], strides = [1, 1]} : vector<512x2048xf32> to vector<64x2048xf32>
    %reduce_sum3A_300 = vector.shape_cast %slice3A_299 : vector<64x2048xf32> to vector<1x64x2048xf32>
    %reduce_sum3A_301 = arith.constant dense<0.000000e+00> : vector<1xf32>
    %reduce_sum3A_302 = vector.multi_reduction <add>, %reduce_sum3A_300, %reduce_sum3A_301 [1, 2] : vector<1x64x2048xf32> to vector<1xf32>
    %reduce_sum3A_303 = vector.shape_cast %reduce_sum3A_302 : vector<1xf32> to vector<1x1x1xf32>
    %reduce_sum3A_304 = vector.extract %reduce_sum3A_303[0, 0, 0] : f32 from vector<1x1x1xf32>
    %div3A_305 = arith.constant 1.310720e+05 : f32
    %div3A_306 = arith.divf %reduce_sum3A_304, %div3A_305 : f32
    %mul3A_307 = arith.mulf %slice3A_299, %slice3A_299 : vector<64x2048xf32>
    %reduce_sum3A_308 = vector.shape_cast %mul3A_307 : vector<64x2048xf32> to vector<1x64x2048xf32>
    %reduce_sum3A_309 = arith.constant dense<0.000000e+00> : vector<1xf32>
    %reduce_sum3A_310 = vector.multi_reduction <add>, %reduce_sum3A_308, %reduce_sum3A_309 [1, 2] : vector<1x64x2048xf32> to vector<1xf32>
    %reduce_sum3A_311 = vector.shape_cast %reduce_sum3A_310 : vector<1xf32> to vector<1x1x1xf32>
    %reduce_sum3A_312 = vector.extract %reduce_sum3A_311[0, 0, 0] : f32 from vector<1x1x1xf32>
    %div3A_313 = arith.constant 1.310720e+05 : f32
    %div3A_314 = arith.divf %reduce_sum3A_312, %div3A_313 : f32
    %mul3A_315 = arith.mulf %div3A_306, %div3A_306 : f32
    %sub3A_316 = arith.subf %div3A_314, %mul3A_315 : f32
    %add3A_317 = arith.constant 9.99999974E-6 : f32
    %add3A_318 = arith.addf %sub3A_316, %add3A_317 : f32
    %sqrt3A_319 = math.sqrt %add3A_318 : f32
    %div3A_320 = arith.constant 1.000000e+00 : f32
    %div3A_321 = arith.divf %div3A_320, %sqrt3A_319 : f32
    %reduce_max3A_322 = arith.constant dense<0xFF800000> : vector<64xf32>
    %reduce_max3A_323 = vector.multi_reduction <maximumf>, %slice3A_299, %reduce_max3A_322 [1] : vector<64x2048xf32> to vector<64xf32>
    %sub3A_324 = vector.broadcast %div3A_306 : f32 to vector<64xf32>
    %sub3A_325 = arith.subf %reduce_max3A_323, %sub3A_324 : vector<64xf32>
    %get3A_326 = arith.constant 0 : index
    %get3A_327 = arith.constant 448 : index
    %get3A_328 = vector.load %arg4[%get3A_326, %get3A_327] : memref<1x512xf32, #tpu.memory_space<vmem>>, vector<1x64xf32>
    %get3A_329 = vector.shape_cast %get3A_328 : vector<1x64xf32> to vector<64xf32>
    %mul3A_330 = vector.broadcast %div3A_321 : f32 to vector<64xf32>
    %mul3A_331 = arith.mulf %mul3A_330, %get3A_329 : vector<64xf32>
    %mul3A_332 = arith.mulf %sub3A_325, %mul3A_331 : vector<64xf32>
    %get3A_333 = arith.constant 0 : index
    %get3A_334 = arith.constant 448 : index
    %get3A_335 = vector.load %arg5[%get3A_333, %get3A_334] : memref<1x512xf32, #tpu.memory_space<vmem>>, vector<1x64xf32>
    %get3A_336 = vector.shape_cast %get3A_335 : vector<1x64xf32> to vector<64xf32>
    %add3A_337 = arith.addf %mul3A_332, %get3A_336 : vector<64xf32>
    %max3A_338 = arith.constant 0.000000e+00 : f32
    %max3A_339 = vector.broadcast %max3A_338 : f32 to vector<64xf32>
    %max3A_340 = arith.maximumf %add3A_337, %max3A_339 : vector<64xf32>
    %concatenate3A = tpu.concatenate %max3A_46, %max3A_88, %max3A_130, %max3A_172, %max3A_214, %max3A_256, %max3A_298, %max3A_340 in 0 : vector<64xf32>, vector<64xf32>, vector<64xf32>, vector<64xf32>, vector<64xf32>, vector<64xf32>, vector<64xf32>, vector<64xf32> -> vector<512xf32>
    %swap3A = arith.constant 0 : index
    %swap3A_341 = arith.constant 0 : index
    %swap3A_342 = arith.constant 0 : index
    %swap3A_343 = vector.load %arg6[%swap3A, %swap3A_341, %swap3A_342] : memref<1x1x512xf32, #tpu.memory_space<vmem>>, vector<1x1x512xf32>
    %swap3A_344 = vector.shape_cast %swap3A_343 : vector<1x1x512xf32> to vector<512xf32>
    %swap3A_345 = vector.shape_cast %concatenate3A : vector<512xf32> to vector<1x1x512xf32>
    tpu.vector_store %arg6[%swap3A, %swap3A_341, %swap3A_342], %swap3A_345 {strides = array<i32>} : memref<1x1x512xf32, #tpu.memory_space<vmem>>, vector<1x1x512xf32>,
    return
  }
  func.func @transform_0(%arg0: i32) -> (i32, i32, i32) {
    %c0_i32 = arith.constant 0 : i32
    %c0_i32_0 = arith.constant 0 : i32
    %c0_i32_1 = arith.constant 0 : i32
    return %arg0, %c0_i32, %c0_i32_0 : i32, i32, i32
  }
  func.func @transform_1(%arg0: i32) -> (i32, i32) {
    %c0_i32 = arith.constant 0 : i32
    %c0_i32_0 = arith.constant 0 : i32
    %c0_i32_1 = arith.constant 0 : i32
    return %c0_i32, %c0_i32_0 : i32, i32
  }
  func.func @transform_2(%arg0: i32) -> (i32, i32) {
    %c0_i32 = arith.constant 0 : i32
    %c0_i32_0 = arith.constant 0 : i32
    %c0_i32_1 = arith.constant 0 : i32
    return %c0_i32, %c0_i32_0 : i32, i32
  }
  func.func @transform_3(%arg0: i32) -> (i32, i32) {
    %c0_i32 = arith.constant 0 : i32
    %c0_i32_0 = arith.constant 0 : i32
    %c0_i32_1 = arith.constant 0 : i32
    return %c0_i32, %c0_i32_0 : i32, i32
  }
  func.func @transform_4(%arg0: i32) -> (i32, i32) {
    %c0_i32 = arith.constant 0 : i32
    %c0_i32_0 = arith.constant 0 : i32
    %c0_i32_1 = arith.constant 0 : i32
    return %c0_i32, %c0_i32_0 : i32, i32
  }
  func.func @transform_5(%arg0: i32) -> (i32, i32, i32) {
    %c0_i32 = arith.constant 0 : i32
    %c0_i32_0 = arith.constant 0 : i32
    %c0_i32_1 = arith.constant 0 : i32
    return %arg0, %c0_i32, %c0_i32_0 : i32, i32, i32
  }
}

</mosaic_0001>

<sc_bundles>
// kernel: kernel.28.cloned.1.call-start
scs
__scs_entry_jumppad:
0x0: {  	(pc) =	sbr.rel $0x88, $3  }
0x1: {  	(tag) =	ssettag $0x0;
	lr =	simm.s32 $0x1  }
0x2: {  	[smem:$0x3F93] =	sst lr;
	_ =	strace $0xD0000000  }
0x3: {  	_ = 	snop  }
0x4: {  	_ = 	snop  }
0x5: {  	_ = 	snop  }
0x6: {  	_ = 	snop  }
0x7: {  	_ = 	snop  }
__scs_overlays_trampoline_lowered:
0x8: {  	[smem:$0x3FA2] =	sst s0  }
0x9: {  	[smem:$0x3FA3] =	sst s1  }
0xa: {  	[smem:$0x3FA4] =	sst s2  }
0xb: {  	[smem:$0x3FA5] =	sst s3  }
0xc: {  	[smem:$0x3FA6] =	sst s4  }
0xd: {  	[smem:$0x3FA7] =	sst s5  }
0xe: {  	[smem:$0x3FA8] =	sst s6  }
0xf: {  	[smem:$0x3FA9] =	sst s7  }
0x10: {  	[smem:$0x3FAA] =	sst s8  }
0x11: {  	[smem:$0x3FAB] =	sst s9;
	s0 =	simm.s32 @!p0 $0x0  }
0x12: {  	s1 =	sld [smem:$0x3F91];
	s0 =	simm.s32 @p0 $0x1  }
0x13: {  	[smem:$0x3FAC] =	sst s0;
	s0 =	simm.s32 @!p1 $0x0  }
0x14: {  	s2 =	sld [smem:$0x3F90];
	s0 =	simm.s32 @p1 $0x1  }
0x15: {  	[smem:$0x3FAD] =	sst s0;
	s0 =	simm.s32 @!p2 $0x0  }
0x16: {  	s3 =	sld [smem:$0x3FDB];
	s0 =	simm.s32 @p2 $0x1  }
0x17: {  	s4 =	simm.s32 $0x1BF5;
	[smem:$0x3FAF] =	sst s0  }
0x18: {  	s0 =	sld [smem:$0x3F92];
	_ =	swait.ge [sflag:s4], $0x0  }
0x19: {  	s7 =	sld [smem:$0x3F93]  }
0x1a: {  	s8 =	sadd.s32 $0xFFFFE003, lr  }
0x1b: {  	s9 =	sadd.s32 $0xFFFFFEF7, lr;
	s5 =	simm.s32 $0xFFFFFFFF;
	p2 =	slt.u32 s8, $0xFFFFF086  }
0x1c: {  	p1 =	slt.u32 s9, $0xF7A;
	s5 =	simm.s32 @!p2 $0x0  }
0x1d: {  	s5 =	simm.s32 @p1 $0x1;
	p0 =	seq.s32 s7, s2  }
0x1e: {  	s7 =	smul.u32 @!p0 $0xF7A, s2;
	p2 =	seq.s32 @!p0 s5, $0x0  }
0x1f: {  	s9 =	smul.u32 $0xF7A, s1;
	s8 =	simm.s32 @!p0 $0x1BF5;
	p2 =	por !p2, p0  }
0x20: {  	[sflag:s8] =	ssyncset.s32 @!p0 $0xFFFFF086;
	s6 =	sadd.s32 @!p0 s3, s7;
	s7 =	simm.s32 @!p0 $0x108  }
0x21: {  	s3 =	sadd.s32 s3, s9;
	s6 =	sadd.s32 @!p0 $0x88, s6;
	s7 =	simm.s32 @p2 $0x1082  }
0x22: {  	[simem:s7], [sflag:s8] =	dma.local @!p0 [hbm:s6], $0xF7A  }
0x23: {  	s9 =	sor.u32 $0xD0000000, s2;
	s6 =	simm.s32 $0x108;
	_ =	swait.ge @!p0 [sflag:s8], $0x0  }
0x24: {  	s3 =	sadd.s32 $0x88, s3;
	s6 =	simm.s32 @!p1 $0x1082;
	[sflag:s4] =	ssyncset.s32 $0xFFFFF086  }
0x25: {  	[simem:s6], [sflag:s4] =	dma.local [hbm:s3], $0xF7A  }
0x26: {  	[smem:$0x3F93] =	sst s1;
	(tag) =	ssettag s2;
	_ =	strace s9  }
0x27: {  	s1 =	sld [smem:$0x3FA3]  }
0x28: {  	s2 =	sld [smem:$0x3FA4]  }
0x29: {  	s4 =	sld [smem:$0x3FA6]  }
0x2a: {  	p0 =	seq.s32 s5, $0x0;
	s5 =	sld [smem:$0x3FA7]  }
0x2b: {  	s6 =	sld [smem:$0x3FA8]  }
0x2c: {  	s7 =	sld [smem:$0x3FA9]  }
0x2d: {  	s3 =	simm.s32 $0x108;
	s8 =	sld [smem:$0x3FAA]  }
0x2e: {  	s3 =	simm.s32 @!p0 $0x1082;
	s9 =	sld [smem:$0x3FAB]  }
0x2f: {  	lr =	sadd.s32 s0, s3;
	s0 =	sld [smem:$0x3FA2]  }
0x30: {  	s3 =	sld [smem:$0x3FA5]  }
0x31: {  	[smem:$0x3FAE] =	sst s10  }
0x32: {  	s10 =	sld [smem:$0x3FAC];
	_ =	sdelay $0x3  }
0x33: {  	p0 =	seq.s32 s10, $0x1;
	s10 =	sld [smem:$0x3FAE];
	_ =	sdelay $0x3  }
0x34: {  	[smem:$0x3FAE] =	sst s10  }
0x35: {  	s10 =	sld [smem:$0x3FAD];
	_ =	sdelay $0x3  }
0x36: {  	p1 =	seq.s32 s10, $0x1;
	s10 =	sld [smem:$0x3FAE];
	_ =	sdelay $0x3  }
0x37: {  	[smem:$0x3FAE] =	sst s10  }
0x38: {  	s10 =	sld [smem:$0x3FAF]  }
0x39: {  	_ = 	snop;
	(pc) =	sbr.ind lr, $3  }
0x3a: {  	_ = 	snop  }
0x3b: {  	_ = 	snop  }
0x3c: {  	p2 =	seq.s32 s10, $0x1;
	s10 =	sld [smem:$0x3FAE]  }
0x3d: {  	_ =	shalt  }
0x3e: {  	_ =	shalt  }
0x3f: {  	_ =	shalt  }
0x40: {  	_ =	shalt  }
0x41: {  	_ =	shalt  }
0x42: {  	_ =	shalt  }
0x43: {  	_ =	shalt  }
0x44: {  	_ =	shalt  }
0x45: {  	_ =	shalt  }
0x46: {  	_ =	shalt  }
0x47: {  	_ =	shalt  }
0x48: {  	_ =	shalt  }
0x49: {  	_ =	shalt  }
0x4a: {  	_ =	shalt  }
0x4b: {  	_ =	shalt  }
0x4c: {  	_ =	shalt  }
0x4d: {  	_ =	shalt  }
0x4e: {  	_ =	shalt  }
0x4f: {  	_ =	shalt  }
0x50: {  	_ =	shalt  }
0x51: {  	_ =	shalt  }
0x52: {  	_ =	shalt  }
0x53: {  	_ =	shalt  }
0x54: {  	_ =	shalt  }
0x55: {  	_ =	shalt  }
0x56: {  	_ =	shalt  }
0x57: {  	_ =	shalt  }
0x58: {  	_ =	shalt  }
0x59: {  	_ =	shalt  }
0x5a: {  	_ =	shalt  }
0x5b: {  	_ =	shalt  }
0x5c: {  	_ =	shalt  }
0x5d: {  	_ =	shalt  }
0x5e: {  	_ =	shalt  }
0x5f: {  	_ =	shalt  }
0x60: {  	_ =	shalt  }
0x61: {  	_ =	shalt  }
0x62: {  	_ =	shalt  }
0x63: {  	_ =	shalt  }
0x64: {  	_ =	shalt  }
0x65: {  	_ =	shalt  }
0x66: {  	_ =	shalt  }
0x67: {  	_ =	shalt  }
0x68: {  	_ =	shalt  }
0x69: {  	_ =	shalt  }
0x6a: {  	_ =	shalt  }
0x6b: {  	_ =	shalt  }
0x6c: {  	_ =	shalt  }
0x6d: {  	_ =	shalt  }
0x6e: {  	_ =	shalt  }
0x6f: {  	_ =	shalt  }
0x70: {  	_ =	shalt  }
0x71: {  	_ =	shalt  }
0x72: {  	_ =	shalt  }
0x73: {  	_ =	shalt  }
0x74: {  	_ =	shalt  }
0x75: {  	_ =	shalt  }
0x76: {  	_ =	shalt  }
0x77: {  	_ =	shalt  }
0x78: {  	_ =	shalt  }
0x79: {  	_ =	shalt  }
0x7a: {  	_ =	shalt  }
0x7b: {  	_ =	shalt  }
0x7c: {  	_ =	shalt  }
0x7d: {  	_ =	shalt  }
0x7e: {  	_ =	shalt  }
0x7f: {  	_ =	shalt  }
0x80: {  	_ =	shalt  }
0x81: {  	_ =	shalt  }
0x82: {  	_ =	shalt  }
0x83: {  	_ =	shalt  }
0x84: {  	_ =	shalt  }
0x85: {  	_ =	shalt  }
0x86: {  	_ =	shalt  }
0x87: {  	_ =	shalt  }
.Lfunc_end0:
.L_simem_size_0:
called_computation_lowered:
.L_overlay_start_0:
0x88: {  	s2 =	sld [smem:$0x3FD9]  }
0x89: {  	s3 =	sld [smem:$0x3FFE];
	_ =	sdelay $0x1  }
0x8a: {  	s1 =	srdreg.scid  }
0x8b: {  	s0 =	sand.u32 $0x1, s1  }
0x8c: {  	s16 =	sshll.u32 s0, $0xA;
	s2 =	sadd.s32 s3, s2  }
0x8d: {  	s2 =	sadd.s32 s2, s16  }
0x8e: {  	[smem:$0x3FBA] =	sst s2  }
0x8f: {  	_ = 	snop  }
0x90: {  	(tm) =	ssettm $0x1  }
0x91: {  	s17 =	sld [smem:$0x3FFB];
	_ =	sdelay $0x3  }
0x92: {  	_ =	strace s17  }
0x93: {  	s2 =	sld [smem:$0x3FFC];
	_ =	sdelay $0x3  }
0x94: {  	_ =	strace s2  }
0x95: {  	s2 =	sld [smem:$0x3FFD];
	_ =	sdelay $0x3  }
0x96: {  	_ =	strace s2  }
0x97: {  	_ =	strace $0x8FFFFFFF  }
0x98: {  	s18 =	sld [smem:$0x3FDB];
	_ =	sdelay $0x1  }
0x99: {  	s19 =	simm.s32 $_scs_section_size  }
0x9a: {  	s4 =	simm.s32 $_size__tile_overlayer_lowered;
	s5 =	simm.s32 $_tile_overlayer_lowered  }
0x9b: {  	s22 =	simm.s32 $0x1BFF;
	s21 =	sshll.u32 s5, $0x1;
	s2 =	sadd.s32 s19, s18  }
0x9c: {  	s6 =	simm.s32 $0x0;
	s20 =	sshll.u32 s4, $0x1;
	s4 =	sadd.s32 s21, s2  }
0x9d: {  	[timem:s6], [sflag:s22] =	dma.local [hbm:s4], s20  }
0x9e: {  	_ =	swait.ge [sflag:s22], s20  }
0x9f: {  	s3 =	ssub.s32 $0x0, s20;
	[sflag:s22] =	ssyncset.done $0x0  }
0xa0: {  	[sflag:s22] =	ssyncadd.s32 s3;
	_ =	sdelay $0x1  }
0xa1: {  	s23 =	simm.s32 $0x1B8B  }
0xa2: {  	_ =	swait.ge [sflag:s23], $0x1  }
0xa3: {  	[sflag:s23] =	ssyncset.done $0x0  }
0xa4: {  	s25 =	simm.s32 $0x1B8E;
	s24 =	sld [smem:$0x3FFE];
	[sflag:s23] =	ssyncadd.s32 $0xFFFFFFFF  }
0xa5: {  	s26 =	simm.s32 $execute0_lowered;
	[smem:$0x3FD2] =	sst s25  }
0xa6: {  	s4 =	sshll.u32 s26, $0x1;
	_ =	strace $0x80000046;
	[dreg:$0x1] =	wrdreg $0xFFFFFFFF  }
0xa7: {  	s28 =	simm.s32 $_size_execute0_lowered;
	s2 =	sadd.s32 s2, s4;
	[dreg:$0x0] =	wrdreg $0x0  }
0xa8: {  	s4 =	sshll.u32 s28, $0x1;
	[dreg:$0x2] =	wrdreg s2  }
0xa9: {  	[dreg:$0x3] =	wrdreg s4  }
0xaa: {  	[dreg:$0x4] =	wrdreg $0xC0  }
0xab: {  	_ =	task [dreg:s6], $0x5FFFF  }
0xac: {  	[dreg:$0x1] =	wrdreg $0xFFFFFFFF  }
0xad: {  	[dreg:$0x0] =	wrdreg $0x60  }
0xae: {  	[dreg:$0x2] =	wrdreg s24  }
0xaf: {  	[dreg:$0x3] =	wrdreg $0x9  }
0xb0: {  	_ =	task.clear_ibuf [dreg:s6], $0x4FFFF;
	_ =	strace $0x90000046  }
0xb1: {  	s29 =	simm.s32 $0x9;
	_ =	strace $0x80000048  }
0xb2: {  	_ =	swait.ge [sflag:s29], $0x1  }
0xb3: {  	[sflag:s29] =	ssyncadd.s32 $0xFFFFFFFF  }
0xb4: {  	_ =	strace $0x90000048  }
0xb5: {  	_ =	sfence  }
0xb6: {  	s30 =	sld [smem:$0x0];
	_ =	sdelay $0x2  }
0xb7: {  	s31 =	sshll.u32 s1, $0xD;
	s1 =	sshrl.u32 s1, $0x2  }
0xb8: {  	s3 =	sand.u32 $0x4000, s31;
	s1 =	sadd.s32 s1, s30  }
0xb9: {  	s0 =	sor.u32 s3, s0;
	s1 =	sshll.u32 s1, $0x11  }
0xba: {  	s0 =	sor.u32 s1, s0  }
0xbb: {  	s0 =	sadd.s32 $0x8F2B, s0  }
0xbc: {  	[sflag:s0] =	ssyncadd.remote.s32 $0x1  }
0xbd: {  	_ =	sfence.sel $0xFFFF  }
0xbe: {  	[dreg:$0x0] =	wrdreg $0xFFFFFFFF;
	(pc) =	sbr.abs _section_cstart, $3  }
0xbf: {  	[dreg:$0x1] =	wrdreg $0xFFFFFFFF  }
0xc0: {  	_ =	task.clear_ibuf [dreg:s6], $0x2FFFF;
	_ =	strace $0x9FFFFFFF  }
0xc1: {  	(tm) =	ssettm $0x7FFFFFFF  }
tec
execute0_lowered:
.L_overlay_start_1:
0x0: {  	(tag) =	ssettag $0x1  }
0x1: {  	s4 =	rddreg [dreg:$0x0]  }
0x2: {  	s0 =	rddreg [dreg:$0x1]  }
0x3: {  	s2 =	simm.s32 $0x0;
	s3 =	srdreg.scid;
	s1 =	stileid.u32  }
0x4: {  	s15 =	simm.s32 $0x4200;
	s16 =	simm.s32 $0x1;
	s17 =	simm.s32 $0x100  }
0x5: {  	s18 =	simm.s32 $0x8200;
	s19 =	simm.s32 $0x180;
	s20 =	simm.s32 $0xC200  }
0x6: {  	s21 =	simm.s32 $0x2;
	s22 =	simm.s32 $0x3;
	s23 =	simm.s32 $0x0  }
0x7: {  	[smem:$0x7FF] =	sst s2;
	s9 =	sand.u32 $0x1, s3;
	s12 =	smul.u32 $0x2800, s1  }
0x8: {  	s26 =	sshll.u32 s1, $0x1;
	s3 =	sadd.s32 $0x47600, s4;
	s14 =	smul.u32 $0x28000, s1  }
0x9: {  	s11 =	sadd.s32 $0x67600, s4;
	s10 =	sadd.s32 $0x6C600, s4;
	s13 =	smul.u32 $0x1400, s9  }
0xa: {  	s5 =	ssub.s32 $0x2, s9;
	s6 =	sor.u32 s9, s26;
	s9 =	smul.u32 $0x14000, s9  }
0xb: {  	_ =	strace $0x80000047;
	s7 =	sshrl.u32 s5, $0x1;
	s8 =	smul.u32 $0x1400, s6  }
0xc: {  	s6 =	smul.u32 $0x14000, s6;
	s28 =	ssub.s32 s5, s7;
	s12 =	sadd.s32 s13, s12  }
0xd: {  	s4 =	smax.u32 s28, $0x1;
	s29 =	sshrl.u32 s8, $0x3;
	s8 =	sor.u32 $0x100, s8  }
0xe: {  	s6 =	sadd.s32 s10, s6;
	s13 =	sor.u32 $0x300, s12;
	s12 =	sor.u32 $0x200, s12  }
0xf: {  	s5 =	sadd.s32 s11, s29;
	s30 =	sshrl.u32 s8, $0x3;
	s8 =	sshll.u32 s8, $0x4  }
0x10: {  	s31 =	sshrl.u32 s13, $0x3;
	s12 =	sshrl.u32 s12, $0x3;
	s13 =	simm.s32 $0x80  }
0x11: {  	s7 =	sadd.s32 s11, s30;
	s8 =	sadd.s32 s10, s8;
	s10 =	sadd.s32 s14, s10  }
0x12: {  	s14 =	simm.s32 $0x200;
	s9 =	sadd.s32 s9, s10;
	s10 =	sadd.s32 s31, s11  }
0x13: {  	s11 =	sadd.s32 s12, s11;
	s12 =	simm.s32 $0x4;
	s9 =	sadd.s32 $0x3000, s9  }
.LBB2_1:
0x14: {  	[tilespmem:s2], [sflag:$0x4] =	stream.linear.gather [hbm4b:s5+s2], $0x100, $0x38;
	[tilespmem:$0x10200] =	vst v63  }
0x15: {  	_ =	swait.ge [sflag:s12], $0x100  }
0x16: {  	[sflag:s12] =	ssyncset.done $0x0  }
0x17: {  	[sflag:s12] =	ssyncadd.s32 $0xFFFFFF00  }
0x18: {  	[tilespmem:s14], [sflag:$0x1] =	stream.indirect.gather [hbm4b:s3+s13], $0x80, s2, s13, $0xb8;
	[tilespmem:$0x10200] =	vst v63  }
0x19: {  	_ = 	snop  }
0x1a: {  	[tilespmem:s15], [sflag:$0x1] =	stream.indirect.gather [hbm4b:s3+s13], $0x80, s13, s13, $0xb8;
	[tilespmem:$0x10200] =	vst v63  }
0x1b: {  	_ =	swait.ge [sflag:s16], $0x4000  }
0x1c: {  	[sflag:s16] =	ssyncset.done $0x0  }
0x1d: {  	[sflag:s16] =	ssyncadd.s32 $0xFFFFC000  }
0x1e: {  	_ =	swait.ge [sflag:s16], $0x4000  }
0x1f: {  	[sflag:s16] =	ssyncset.done $0x0  }
0x20: {  	[sflag:s16] =	ssyncadd.s32 $0xFFFFC000  }
0x21: {  	[hbm4b:s6+s2] =	stream.linear.scatter [tilespmem:s14], [sflag:$0x2], $0x8000, $0x38;
	[tilespmem:$0x10200] =	vst v63  }
0x22: {  	_ = 	snop  }
0x23: {  	[tilespmem:s17], [sflag:$0x4] =	stream.linear.gather [hbm4b:s7+s2], $0x100, $0x38;
	[tilespmem:$0x10200] =	vst v63  }
0x24: {  	_ =	swait.ge [sflag:s12], $0x100  }
0x25: {  	[sflag:s12] =	ssyncset.done $0x0  }
0x26: {  	[sflag:s12] =	ssyncadd.s32 $0xFFFFFF00  }
0x27: {  	[tilespmem:s18], [sflag:$0x1] =	stream.indirect.gather [hbm4b:s3+s13], $0x80, s17, s13, $0xb8;
	[tilespmem:$0x10200] =	vst v63  }
0x28: {  	_ = 	snop  }
0x29: {  	[tilespmem:s20], [sflag:$0x1] =	stream.indirect.gather [hbm4b:s3+s13], $0x80, s19, s13, $0xb8;
	[tilespmem:$0x10200] =	vst v63  }
0x2a: {  	_ =	swait.ge [sflag:s16], $0x4000  }
0x2b: {  	[sflag:s16] =	ssyncset.done $0x0  }
0x2c: {  	[sflag:s16] =	ssyncadd.s32 $0xFFFFC000  }
0x2d: {  	_ =	swait.ge [sflag:s16], $0x4000  }
0x2e: {  	[sflag:s16] =	ssyncset.done $0x0  }
0x2f: {  	[sflag:s16] =	ssyncadd.s32 $0xFFFFC000  }
0x30: {  	[hbm4b:s8+s2] =	stream.linear.scatter [tilespmem:s18], [sflag:$0x3], $0x8000, $0x38;
	[tilespmem:$0x10200] =	vst v63  }
0x31: {  	_ =	swait.ge [sflag:s21], $0x8000  }
0x32: {  	[sflag:s21] =	ssyncset.done $0x0  }
0x33: {  	s24 =	sadd.s32 $0x0, s11;
	[sflag:s21] =	ssyncadd.s32 $0xFFFF8000  }
0x34: {  	[tilespmem:s2], [sflag:$0x4] =	stream.linear.gather [hbm4b:s24+s2], $0x100, $0x38;
	[tilespmem:$0x10200] =	vst v63  }
0x35: {  	_ =	swait.ge [sflag:s12], $0x100  }
0x36: {  	[sflag:s12] =	ssyncset.done $0x0  }
0x37: {  	[sflag:s12] =	ssyncadd.s32 $0xFFFFFF00  }
0x38: {  	[tilespmem:s14], [sflag:$0x1] =	stream.indirect.gather [hbm4b:s3+s13], $0x80, s2, s13, $0xb8;
	[tilespmem:$0x10200] =	vst v63  }
0x39: {  	_ = 	snop  }
0x3a: {  	[tilespmem:s15], [sflag:$0x1] =	stream.indirect.gather [hbm4b:s3+s13], $0x80, s13, s13, $0xb8;
	[tilespmem:$0x10200] =	vst v63  }
0x3b: {  	_ =	swait.ge [sflag:s16], $0x4000  }
0x3c: {  	[sflag:s16] =	ssyncset.done $0x0  }
0x3d: {  	[sflag:s16] =	ssyncadd.s32 $0xFFFFC000  }
0x3e: {  	_ =	swait.ge [sflag:s16], $0x4000  }
0x3f: {  	[sflag:s16] =	ssyncset.done $0x0  }
0x40: {  	s30 =	sadd.s32 $0xFFFFF000, s9;
	[sflag:s16] =	ssyncadd.s32 $0xFFFFC000  }
0x41: {  	[hbm4b:s30+s2] =	stream.linear.scatter [tilespmem:s14], [sflag:$0x2], $0x8000, $0x38;
	[tilespmem:$0x10200] =	vst v63  }
0x42: {  	_ =	swait.ge [sflag:s22], $0x8000  }
0x43: {  	[sflag:s22] =	ssyncset.done $0x0  }
0x44: {  	s31 =	sadd.s32 $0x0, s10;
	[sflag:s22] =	ssyncadd.s32 $0xFFFF8000  }
0x45: {  	[tilespmem:s17], [sflag:$0x4] =	stream.linear.gather [hbm4b:s31+s2], $0x100, $0x38;
	[tilespmem:$0x10200] =	vst v63  }
0x46: {  	_ =	swait.ge [sflag:s12], $0x100  }
0x47: {  	[sflag:s12] =	ssyncset.done $0x0  }
0x48: {  	[sflag:s12] =	ssyncadd.s32 $0xFFFFFF00  }
0x49: {  	[tilespmem:s18], [sflag:$0x1] =	stream.indirect.gather [hbm4b:s3+s13], $0x80, s17, s13, $0xb8;
	[tilespmem:$0x10200] =	vst v63  }
0x4a: {  	_ = 	snop  }
0x4b: {  	[tilespmem:s20], [sflag:$0x1] =	stream.indirect.gather [hbm4b:s3+s13], $0x80, s19, s13, $0xb8;
	[tilespmem:$0x10200] =	vst v63  }
0x4c: {  	_ =	swait.ge [sflag:s16], $0x4000  }
0x4d: {  	[sflag:s16] =	ssyncset.done $0x0  }
0x4e: {  	[sflag:s16] =	ssyncadd.s32 $0xFFFFC000  }
0x4f: {  	_ =	swait.ge [sflag:s16], $0x4000  }
0x50: {  	s25 =	sadd.s32 $0x2000, s9;
	[sflag:s16] =	ssyncset.done $0x0  }
0x51: {  	s26 =	smov.u32 s9;
	s24 =	simm.s32 $0x40;
	[sflag:s16] =	ssyncadd.s32 $0xFFFFC000  }
.LBB2_2:
0x52: {  	[hbm4b:s26+s2] =	stream.linear.scatter [tilespmem:s18], [sflag:$0x3], $0x8000, $0x38;
	[tilespmem:$0x10200] =	vst v63  }
0x53: {  	s28 =	smov.u32 s24;
	s26 =	smov.u32 s25  }
0x54: {  	p0 =	sne.s32 s24, $0x200;
	s24 =	sadd.s32 $0x40, s24;
	_ =	swait.ge [sflag:s21], $0x8000  }
0x55: {  	[sflag:s21] =	ssyncset.done $0x0  }
0x56: {  	s29 =	sadd.s32 s28, s11;
	[sflag:s21] =	ssyncadd.s32 $0xFFFF8000  }
0x57: {  	[tilespmem:s2], [sflag:$0x4] =	stream.linear.gather [hbm4b:s29+s2], $0x100, $0x38;
	[tilespmem:$0x10200] =	vst v63  }
0x58: {  	_ =	swait.ge [sflag:s12], $0x100  }
0x59: {  	[sflag:s12] =	ssyncset.done $0x0  }
0x5a: {  	[sflag:s12] =	ssyncadd.s32 $0xFFFFFF00  }
0x5b: {  	[tilespmem:s14], [sflag:$0x1] =	stream.indirect.gather [hbm4b:s3+s13], $0x80, s2, s13, $0xb8;
	[tilespmem:$0x10200] =	vst v63  }
0x5c: {  	_ = 	snop  }
0x5d: {  	[tilespmem:s15], [sflag:$0x1] =	stream.indirect.gather [hbm4b:s3+s13], $0x80, s13, s13, $0xb8;
	[tilespmem:$0x10200] =	vst v63  }
0x5e: {  	_ =	swait.ge [sflag:s16], $0x4000  }
0x5f: {  	[sflag:s16] =	ssyncset.done $0x0  }
0x60: {  	[sflag:s16] =	ssyncadd.s32 $0xFFFFC000  }
0x61: {  	_ =	swait.ge [sflag:s16], $0x4000  }
0x62: {  	[sflag:s16] =	ssyncset.done $0x0  }
0x63: {  	s29 =	sadd.s32 $0xFFFFF000, s25;
	[sflag:s16] =	ssyncadd.s32 $0xFFFFC000  }
0x64: {  	[hbm4b:s29+s2] =	stream.linear.scatter [tilespmem:s14], [sflag:$0x2], $0x8000, $0x38;
	[tilespmem:$0x10200] =	vst v63  }
0x65: {  	_ =	swait.ge [sflag:s22], $0x8000  }
0x66: {  	[sflag:s22] =	ssyncset.done $0x0  }
0x67: {  	s28 =	sadd.s32 s28, s10;
	[sflag:s22] =	ssyncadd.s32 $0xFFFF8000  }
0x68: {  	[tilespmem:s17], [sflag:$0x4] =	stream.linear.gather [hbm4b:s28+s2], $0x100, $0x38;
	[tilespmem:$0x10200] =	vst v63  }
0x69: {  	_ =	swait.ge [sflag:s12], $0x100  }
0x6a: {  	[sflag:s12] =	ssyncset.done $0x0  }
0x6b: {  	[sflag:s12] =	ssyncadd.s32 $0xFFFFFF00  }
0x6c: {  	[tilespmem:s18], [sflag:$0x1] =	stream.indirect.gather [hbm4b:s3+s13], $0x80, s17, s13, $0xb8;
	[tilespmem:$0x10200] =	vst v63  }
0x6d: {  	_ = 	snop  }
0x6e: {  	[tilespmem:s20], [sflag:$0x1] =	stream.indirect.gather [hbm4b:s3+s13], $0x80, s19, s13, $0xb8;
	[tilespmem:$0x10200] =	vst v63  }
0x6f: {  	_ =	swait.ge [sflag:s16], $0x4000  }
.Ltmp0:
0x70: {  	[sflag:s16] =	ssyncset.done $0x0;
	(pc) =	sbr.rel @p0 .LBB2_2-.Ltmp0, $4  }
0x71: {  	[sflag:s16] =	ssyncadd.s32 $0xFFFFC000  }
0x72: {  	_ =	swait.ge [sflag:s16], $0x4000  }
0x73: {  	[sflag:s16] =	ssyncset.done $0x0  }
0x74: {  	s25 =	sadd.s32 $0x2000, s25;
	[sflag:s16] =	ssyncadd.s32 $0xFFFFC000  }
0x75: {  	[hbm4b:s26+s2] =	stream.linear.scatter [tilespmem:s18], [sflag:$0x3], $0x8000, $0x38;
	[tilespmem:$0x10200] =	vst v63  }
0x76: {  	s23 =	sadd.s32 $0x1, s23  }
0x77: {  	_ =	swait.ge [sflag:s21], $0x8000;
	p0 =	sne.s32 s23, s4  }
.Ltmp1:
0x78: {  	[sflag:s21] =	ssyncset.done $0x0;
	(pc) =	sbr.rel @p0 .LBB2_1-.Ltmp1, $4  }
0x79: {  	[sflag:s21] =	ssyncadd.s32 $0xFFFF8000  }
0x7a: {  	_ =	swait.ge [sflag:s22], $0x8000  }
0x7b: {  	[sflag:s22] =	ssyncset.done $0x0  }
0x7c: {  	[sflag:s22] =	ssyncadd.s32 $0xFFFF8000  }
0x7d: {  	_ =	sfence.sel $0x180000  }
0x7e: {  	[bflag:$0x0] =	sbarrier.arrive $0xFFFF  }
0x7f: {  	p0 =	sne.s32 s1, $0x0;
	_ =	strace $0x90000047  }
0x80: {  	s0 =	sadd.s32 @!p0 $0x100000, s0;
	[bflag:$0x2] =	sbarrier.arrive $0xFFFF  }
0x81: {  	[sflag:s0] =	ssyncadd.tile.s32 @!p0 $0x1;
	_ =	shalt  }
.Lfunc_end2:
_tile_overlayer_lowered:
.L_overlay_start_2:
0x82: {  	(tag) =	ssettag $0x2  }
0x83: {  	s0 =	rddreg [dreg:$0x0];
	s2 =	stileid.u32  }
0x84: {  	s1 =	rddreg [dreg:$0x1];
	p0 =	sne.s32 s2, $0x0  }
0x85: {  	s3 =	rddreg [dreg:$0x2];
	[bflag:$0x3] =	sbarrier.arrive $0xFFFF;
	s2 =	simm.s32 @!p0 $0x1C04  }
0x86: {  	[timem:s3], [sflag:s2] =	dma.local @!p0 [hbm:s0], s1  }
0x87: {  	s0 =	simm.s32 @!p0 $0x4  }
0x88: {  	_ =	swait.ge @!p0 [sflag:s0], s1  }
0x89: {  	s1 =	ssub.s32 @!p0 $0x0, s1;
	[sflag:s0] =	ssyncset.done @!p0 $0x0  }
0x8a: {  	[sflag:s0] =	ssyncadd.s32 @!p0 s1  }
0x8b: {  	[bflag:$0x3] =	sbarrier.arrive $0xFFFF  }
0x8c: {  	_ =	shalt  }

// kernel: kernel.31.cloned.1.call-start
scs
__scs_entry_jumppad:
0x0: {  	(pc) =	sbr.rel $0x88, $3  }
0x1: {  	(tag) =	ssettag $0x0;
	lr =	simm.s32 $0x1  }
0x2: {  	[smem:$0x3F93] =	sst lr;
	_ =	strace $0xD0000000  }
0x3: {  	_ = 	snop  }
0x4: {  	_ = 	snop  }
0x5: {  	_ = 	snop  }
0x6: {  	_ = 	snop  }
0x7: {  	_ = 	snop  }
__scs_overlays_trampoline_lowered:
0x8: {  	[smem:$0x3FA2] =	sst s0  }
0x9: {  	[smem:$0x3FA3] =	sst s1  }
0xa: {  	[smem:$0x3FA4] =	sst s2  }
0xb: {  	[smem:$0x3FA5] =	sst s3  }
0xc: {  	[smem:$0x3FA6] =	sst s4  }
0xd: {  	[smem:$0x3FA7] =	sst s5  }
0xe: {  	[smem:$0x3FA8] =	sst s6  }
0xf: {  	[smem:$0x3FA9] =	sst s7  }
0x10: {  	[smem:$0x3FAA] =	sst s8  }
0x11: {  	[smem:$0x3FAB] =	sst s9;
	s0 =	simm.s32 @!p0 $0x0  }
0x12: {  	s1 =	sld [smem:$0x3F91];
	s0 =	simm.s32 @p0 $0x1  }
0x13: {  	[smem:$0x3FAC] =	sst s0;
	s0 =	simm.s32 @!p1 $0x0  }
0x14: {  	s2 =	sld [smem:$0x3F90];
	s0 =	simm.s32 @p1 $0x1  }
0x15: {  	[smem:$0x3FAD] =	sst s0;
	s0 =	simm.s32 @!p2 $0x0  }
0x16: {  	s3 =	sld [smem:$0x3FDB];
	s0 =	simm.s32 @p2 $0x1  }
0x17: {  	s4 =	simm.s32 $0x1BF5;
	[smem:$0x3FAF] =	sst s0  }
0x18: {  	s0 =	sld [smem:$0x3F92];
	_ =	swait.ge [sflag:s4], $0x0  }
0x19: {  	s7 =	sld [smem:$0x3F93]  }
0x1a: {  	s8 =	sadd.s32 $0xFFFFE003, lr  }
0x1b: {  	s9 =	sadd.s32 $0xFFFFFEF7, lr;
	s5 =	simm.s32 $0xFFFFFFFF;
	p2 =	slt.u32 s8, $0xFFFFF086  }
0x1c: {  	p1 =	slt.u32 s9, $0xF7A;
	s5 =	simm.s32 @!p2 $0x0  }
0x1d: {  	s5 =	simm.s32 @p1 $0x1;
	p0 =	seq.s32 s7, s2  }
0x1e: {  	s7 =	smul.u32 @!p0 $0xF7A, s2;
	p2 =	seq.s32 @!p0 s5, $0x0  }
0x1f: {  	s9 =	smul.u32 $0xF7A, s1;
	s8 =	simm.s32 @!p0 $0x1BF5;
	p2 =	por !p2, p0  }
0x20: {  	[sflag:s8] =	ssyncset.s32 @!p0 $0xFFFFF086;
	s6 =	sadd.s32 @!p0 s3, s7;
	s7 =	simm.s32 @!p0 $0x108  }
0x21: {  	s3 =	sadd.s32 s3, s9;
	s6 =	sadd.s32 @!p0 $0x88, s6;
	s7 =	simm.s32 @p2 $0x1082  }
0x22: {  	[simem:s7], [sflag:s8] =	dma.local @!p0 [hbm:s6], $0xF7A  }
0x23: {  	s9 =	sor.u32 $0xD0000000, s2;
	s6 =	simm.s32 $0x108;
	_ =	swait.ge @!p0 [sflag:s8], $0x0  }
0x24: {  	s3 =	sadd.s32 $0x88, s3;
	s6 =	simm.s32 @!p1 $0x1082;
	[sflag:s4] =	ssyncset.s32 $0xFFFFF086  }
0x25: {  	[simem:s6], [sflag:s4] =	dma.local [hbm:s3], $0xF7A  }
0x26: {  	[smem:$0x3F93] =	sst s1;
	(tag) =	ssettag s2;
	_ =	strace s9  }
0x27: {  	s1 =	sld [smem:$0x3FA3]  }
0x28: {  	s2 =	sld [smem:$0x3FA4]  }
0x29: {  	s4 =	sld [smem:$0x3FA6]  }
0x2a: {  	p0 =	seq.s32 s5, $0x0;
	s5 =	sld [smem:$0x3FA7]  }
0x2b: {  	s6 =	sld [smem:$0x3FA8]  }
0x2c: {  	s7 =	sld [smem:$0x3FA9]  }
0x2d: {  	s3 =	simm.s32 $0x108;
	s8 =	sld [smem:$0x3FAA]  }
0x2e: {  	s3 =	simm.s32 @!p0 $0x1082;
	s9 =	sld [smem:$0x3FAB]  }
0x2f: {  	lr =	sadd.s32 s0, s3;
	s0 =	sld [smem:$0x3FA2]  }
0x30: {  	s3 =	sld [smem:$0x3FA5]  }
0x31: {  	[smem:$0x3FAE] =	sst s10  }
0x32: {  	s10 =	sld [smem:$0x3FAC];
	_ =	sdelay $0x3  }
0x33: {  	p0 =	seq.s32 s10, $0x1;
	s10 =	sld [smem:$0x3FAE];
	_ =	sdelay $0x3  }
0x34: {  	[smem:$0x3FAE] =	sst s10  }
0x35: {  	s10 =	sld [smem:$0x3FAD];
	_ =	sdelay $0x3  }
0x36: {  	p1 =	seq.s32 s10, $0x1;
	s10 =	sld [smem:$0x3FAE];
	_ =	sdelay $0x3  }
0x37: {  	[smem:$0x3FAE] =	sst s10  }
0x38: {  	s10 =	sld [smem:$0x3FAF]  }
0x39: {  	_ = 	snop;
	(pc) =	sbr.ind lr, $3  }
0x3a: {  	_ = 	snop  }
0x3b: {  	_ = 	snop  }
0x3c: {  	p2 =	seq.s32 s10, $0x1;
	s10 =	sld [smem:$0x3FAE]  }
0x3d: {  	_ =	shalt  }
0x3e: {  	_ =	shalt  }
0x3f: {  	_ =	shalt  }
0x40: {  	_ =	shalt  }
0x41: {  	_ =	shalt  }
0x42: {  	_ =	shalt  }
0x43: {  	_ =	shalt  }
0x44: {  	_ =	shalt  }
0x45: {  	_ =	shalt  }
0x46: {  	_ =	shalt  }
0x47: {  	_ =	shalt  }
0x48: {  	_ =	shalt  }
0x49: {  	_ =	shalt  }
0x4a: {  	_ =	shalt  }
0x4b: {  	_ =	shalt  }
0x4c: {  	_ =	shalt  }
0x4d: {  	_ =	shalt  }
0x4e: {  	_ =	shalt  }
0x4f: {  	_ =	shalt  }
0x50: {  	_ =	shalt  }
0x51: {  	_ =	shalt  }
0x52: {  	_ =	shalt  }
0x53: {  	_ =	shalt  }
0x54: {  	_ =	shalt  }
0x55: {  	_ =	shalt  }
0x56: {  	_ =	shalt  }
0x57: {  	_ =	shalt  }
0x58: {  	_ =	shalt  }
0x59: {  	_ =	shalt  }
0x5a: {  	_ =	shalt  }
0x5b: {  	_ =	shalt  }
0x5c: {  	_ =	shalt  }
0x5d: {  	_ =	shalt  }
0x5e: {  	_ =	shalt  }
0x5f: {  	_ =	shalt  }
0x60: {  	_ =	shalt  }
0x61: {  	_ =	shalt  }
0x62: {  	_ =	shalt  }
0x63: {  	_ =	shalt  }
0x64: {  	_ =	shalt  }
0x65: {  	_ =	shalt  }
0x66: {  	_ =	shalt  }
0x67: {  	_ =	shalt  }
0x68: {  	_ =	shalt  }
0x69: {  	_ =	shalt  }
0x6a: {  	_ =	shalt  }
0x6b: {  	_ =	shalt  }
0x6c: {  	_ =	shalt  }
0x6d: {  	_ =	shalt  }
0x6e: {  	_ =	shalt  }
0x6f: {  	_ =	shalt  }
0x70: {  	_ =	shalt  }
0x71: {  	_ =	shalt  }
0x72: {  	_ =	shalt  }
0x73: {  	_ =	shalt  }
0x74: {  	_ =	shalt  }
0x75: {  	_ =	shalt  }
0x76: {  	_ =	shalt  }
0x77: {  	_ =	shalt  }
0x78: {  	_ =	shalt  }
0x79: {  	_ =	shalt  }
0x7a: {  	_ =	shalt  }
0x7b: {  	_ =	shalt  }
0x7c: {  	_ =	shalt  }
0x7d: {  	_ =	shalt  }
0x7e: {  	_ =	shalt  }
0x7f: {  	_ =	shalt  }
0x80: {  	_ =	shalt  }
0x81: {  	_ =	shalt  }
0x82: {  	_ =	shalt  }
0x83: {  	_ =	shalt  }
0x84: {  	_ =	shalt  }
0x85: {  	_ =	shalt  }
0x86: {  	_ =	shalt  }
0x87: {  	_ =	shalt  }
.Lfunc_end0:
.L_simem_size_0:
called_computation.1_lowered:
.L_overlay_start_0:
0x88: {  	s2 =	sld [smem:$0x3FD9]  }
0x89: {  	s3 =	sld [smem:$0x3FFE];
	_ =	sdelay $0x1  }
0x8a: {  	s1 =	srdreg.scid  }
0x8b: {  	s0 =	sand.u32 $0x1, s1  }
0x8c: {  	s17 =	sshll.u32 s0, $0xA;
	s2 =	sadd.s32 s3, s2  }
0x8d: {  	s2 =	sadd.s32 s2, s17  }
0x8e: {  	[smem:$0x3FBA] =	sst s2  }
0x8f: {  	_ = 	snop  }
0x90: {  	(tm) =	ssettm $0x1  }
0x91: {  	s18 =	sld [smem:$0x3FFB];
	_ =	sdelay $0x3  }
0x92: {  	_ =	strace s18  }
0x93: {  	s2 =	sld [smem:$0x3FFC];
	_ =	sdelay $0x3  }
0x94: {  	_ =	strace s2  }
0x95: {  	s2 =	sld [smem:$0x3FFD];
	_ =	sdelay $0x3  }
0x96: {  	_ =	strace s2  }
0x97: {  	_ =	strace $0x8FFFFFFF  }
0x98: {  	s19 =	sld [smem:$0x3FDB];
	_ =	sdelay $0x1  }
0x99: {  	s20 =	simm.s32 $_scs_section_size  }
0x9a: {  	s4 =	simm.s32 $_size__tile_overlayer_lowered;
	s5 =	simm.s32 $_tile_overlayer_lowered  }
0x9b: {  	s6 =	simm.s32 $0x1BFF;
	s21 =	sshll.u32 s5, $0x1;
	s3 =	sadd.s32 s20, s19  }
0x9c: {  	s22 =	simm.s32 $0x0;
	s4 =	sshll.u32 s4, $0x1;
	s5 =	sadd.s32 s21, s3  }
0x9d: {  	[timem:s22], [sflag:s6] =	dma.local [hbm:s5], s4  }
0x9e: {  	_ =	swait.ge [sflag:s6], s4  }
0x9f: {  	s4 =	ssub.s32 $0x0, s4;
	[sflag:s6] =	ssyncset.done $0x0  }
0xa0: {  	[sflag:s6] =	ssyncadd.s32 s4;
	_ =	sdelay $0x1  }
0xa1: {  	s23 =	simm.s32 $0x1B8B  }
0xa2: {  	_ =	swait.ge [sflag:s23], $0x1  }
0xa3: {  	[sflag:s23] =	ssyncset.done $0x0  }
0xa4: {  	[sflag:s23] =	ssyncadd.s32 $0xFFFFFFFF  }
0xa5: {  	s4 =	sld [smem:$0x0]  }
0xa6: {  	s5 =	sand.u32 $0xFFFFFFFE, s1  }
0xa7: {  	p0 =	sne.s32 s1, s5  }
0xa8: {  	s5 =	sshll.u32 @p0 s5, $0xE  }
0xa9: {  	s5 =	sadd.s32 @p0 $0x11B8D, s5;
	s6 =	sshll.u32 @p0 s4, $0x11  }
0xaa: {  	s5 =	sor.u32 @p0 s6, s5  }
0xab: {  	[sflag:s5] =	ssyncadd.remote.s32 @p0 $0x1;
	_ =	sdelay $0x1  }
0xac: {  	s5 =	simm.s32 @p0 $0x1B8D  }
0xad: {  	_ =	swait.eq @p0 [sflag:s5], $0x1  }
0xae: {  	[sflag:s5] =	ssyncadd.s32 @p0 $0xFFFFFFFF  }
0xaf: {  	s6 =	sshll.u32 @!p0 s1, $0xE  }
0xb0: {  	s6 =	sor.u32 @!p0 $0x4000, s6;
	s5 =	simm.s32 @!p0 $0x1B8D  }
0xb1: {  	s4 =	sshll.u32 @!p0 s4, $0x11;
	s6 =	sadd.s32 @!p0 $0x11B8D, s6;
	_ =	swait.eq @!p0 [sflag:s5], $0x1  }
0xb2: {  	s4 =	sor.u32 @!p0 s4, s6;
	[sflag:s5] =	ssyncadd.s32 @!p0 $0xFFFFFFFF  }
0xb3: {  	s25 =	simm.s32 $0x1B8E;
	s24 =	sld [smem:$0x3FFE];
	[sflag:s4] =	ssyncadd.remote.s32 @!p0 $0x1  }
0xb4: {  	s26 =	simm.s32 $execute0_lowered;
	[smem:$0x3FD2] =	sst s25  }
0xb5: {  	s5 =	sshll.u32 s26, $0x1;
	_ =	strace $0x8000004C;
	[dreg:$0x1] =	wrdreg $0xFFFFFFFF  }
0xb6: {  	s28 =	simm.s32 $_size_execute0_lowered;
	s3 =	sadd.s32 s3, s5;
	[dreg:$0x0] =	wrdreg $0x0  }
0xb7: {  	s5 =	sshll.u32 s28, $0x1;
	[dreg:$0x2] =	wrdreg s3  }
0xb8: {  	[dreg:$0x3] =	wrdreg s5  }
0xb9: {  	[dreg:$0x4] =	wrdreg $0xC0  }
0xba: {  	_ =	task [dreg:s22], $0x5FFFF  }
0xbb: {  	[dreg:$0x1] =	wrdreg $0xFFFFFFFF  }
0xbc: {  	[dreg:$0x0] =	wrdreg $0x60  }
0xbd: {  	[dreg:$0x2] =	wrdreg s24  }
0xbe: {  	[dreg:$0x3] =	wrdreg $0x9  }
0xbf: {  	_ =	task.clear_ibuf [dreg:s22], $0x4FFFF;
	_ =	strace $0x9000004C  }
0xc0: {  	s29 =	simm.s32 $0x9;
	_ =	strace $0x8000004E  }
0xc1: {  	_ =	swait.ge [sflag:s29], $0x1  }
0xc2: {  	[sflag:s29] =	ssyncadd.s32 $0xFFFFFFFF  }
0xc3: {  	_ =	strace $0x9000004E  }
0xc4: {  	_ =	sfence  }
0xc5: {  	s30 =	sld [smem:$0x0];
	_ =	sdelay $0x2  }
0xc6: {  	s31 =	sshll.u32 s1, $0xD;
	s1 =	sshrl.u32 s1, $0x2  }
0xc7: {  	s4 =	sand.u32 $0x4000, s31;
	s1 =	sadd.s32 s1, s30  }
0xc8: {  	s0 =	sor.u32 s4, s0;
	s1 =	sshll.u32 s1, $0x11  }
0xc9: {  	s0 =	sor.u32 s1, s0  }
0xca: {  	s0 =	sadd.s32 $0x8F2B, s0  }
0xcb: {  	[sflag:s0] =	ssyncadd.remote.s32 $0x1  }
0xcc: {  	_ =	sfence.sel $0xFFFF  }
0xcd: {  	[dreg:$0x0] =	wrdreg $0xFFFFFFFF;
	(pc) =	sbr.abs _section_cstart, $3  }
0xce: {  	[dreg:$0x1] =	wrdreg $0xFFFFFFFF  }
0xcf: {  	_ =	task.clear_ibuf [dreg:s22], $0x2FFFF;
	_ =	strace $0x9FFFFFFF  }
0xd0: {  	(tm) =	ssettm $0x7FFFFFFF  }
0xd1: {  	_ =	shalt  }
tec
execute0_lowered:
.L_overlay_start_1:
0x0: {  	(tag) =	ssettag $0x1  }
0x1: {  	s4 =	rddreg [dreg:$0x0]  }
0x2: {  	s0 =	rddreg [dreg:$0x1]  }
0x3: {  	s2 =	simm.s32 $0x0;
	s3 =	srdreg.scid;
	s1 =	stileid.u32  }
0x4: {  	s15 =	simm.s32 $0x4200;
	s16 =	simm.s32 $0x1;
	s17 =	simm.s32 $0x100  }
0x5: {  	s18 =	simm.s32 $0x8200;
	s19 =	simm.s32 $0x180;
	s20 =	simm.s32 $0xC200  }
0x6: {  	s21 =	simm.s32 $0x2;
	s22 =	simm.s32 $0x3;
	s23 =	simm.s32 $0x0  }
0x7: {  	[smem:$0x7FF] =	sst s2;
	s9 =	sand.u32 $0x1, s3;
	s12 =	smul.u32 $0x2800, s1  }
0x8: {  	s26 =	sshll.u32 s1, $0x1;
	s3 =	sadd.s32 $0x67600, s4;
	s14 =	smul.u32 $0x28000, s1  }
0x9: {  	s11 =	sadd.s32 $0x17600, s4;
	s10 =	sadd.s32 $0x571600, s4;
	s13 =	smul.u32 $0x1400, s9  }
0xa: {  	s5 =	ssub.s32 $0x2, s9;
	s6 =	sor.u32 s9, s26;
	s9 =	smul.u32 $0x14000, s9  }
0xb: {  	_ =	strace $0x8000004D;
	s7 =	sshrl.u32 s5, $0x1;
	s8 =	smul.u32 $0x1400, s6  }
0xc: {  	s6 =	smul.u32 $0x14000, s6;
	s28 =	ssub.s32 s5, s7;
	s12 =	sadd.s32 s13, s12  }
0xd: {  	s4 =	smax.u32 s28, $0x1;
	s29 =	sshrl.u32 s8, $0x3;
	s8 =	sor.u32 $0x100, s8  }
0xe: {  	s6 =	sadd.s32 s10, s6;
	s13 =	sor.u32 $0x300, s12;
	s12 =	sor.u32 $0x200, s12  }
0xf: {  	s5 =	sadd.s32 s11, s29;
	s30 =	sshrl.u32 s8, $0x3;
	s8 =	sshll.u32 s8, $0x4  }
0x10: {  	s31 =	sshrl.u32 s13, $0x3;
	s12 =	sshrl.u32 s12, $0x3;
	s13 =	simm.s32 $0x80  }
0x11: {  	s7 =	sadd.s32 s11, s30;
	s8 =	sadd.s32 s10, s8;
	s10 =	sadd.s32 s14, s10  }
0x12: {  	s14 =	simm.s32 $0x200;
	s9 =	sadd.s32 s9, s10;
	s10 =	sadd.s32 s31, s11  }
0x13: {  	s11 =	sadd.s32 s12, s11;
	s12 =	simm.s32 $0x4;
	s9 =	sadd.s32 $0x3000, s9  }
.LBB2_1:
0x14: {  	[tilespmem:s2], [sflag:$0x4] =	stream.linear.gather [hbm4b:s5+s2], $0x100, $0x38;
	[tilespmem:$0x10200] =	vst v63  }
0x15: {  	_ =	swait.ge [sflag:s12], $0x100  }
0x16: {  	[sflag:s12] =	ssyncset.done $0x0  }
0x17: {  	[sflag:s12] =	ssyncadd.s32 $0xFFFFFF00  }
0x18: {  	[tilespmem:s14], [sflag:$0x1] =	stream.indirect.gather [hbm4b:s3+s13], $0x80, s2, s13, $0xb8;
	[tilespmem:$0x10200] =	vst v63  }
0x19: {  	_ = 	snop  }
0x1a: {  	[tilespmem:s15], [sflag:$0x1] =	stream.indirect.gather [hbm4b:s3+s13], $0x80, s13, s13, $0xb8;
	[tilespmem:$0x10200] =	vst v63  }
0x1b: {  	_ =	swait.ge [sflag:s16], $0x4000  }
0x1c: {  	[sflag:s16] =	ssyncset.done $0x0  }
0x1d: {  	[sflag:s16] =	ssyncadd.s32 $0xFFFFC000  }
0x1e: {  	_ =	swait.ge [sflag:s16], $0x4000  }
0x1f: {  	[sflag:s16] =	ssyncset.done $0x0  }
0x20: {  	[sflag:s16] =	ssyncadd.s32 $0xFFFFC000  }
0x21: {  	[hbm4b:s6+s2] =	stream.linear.scatter [tilespmem:s14], [sflag:$0x2], $0x8000, $0x38;
	[tilespmem:$0x10200] =	vst v63  }
0x22: {  	_ = 	snop  }
0x23: {  	[tilespmem:s17], [sflag:$0x4] =	stream.linear.gather [hbm4b:s7+s2], $0x100, $0x38;
	[tilespmem:$0x10200] =	vst v63  }
0x24: {  	_ =	swait.ge [sflag:s12], $0x100  }
0x25: {  	[sflag:s12] =	ssyncset.done $0x0  }
0x26: {  	[sflag:s12] =	ssyncadd.s32 $0xFFFFFF00  }
0x27: {  	[tilespmem:s18], [sflag:$0x1] =	stream.indirect.gather [hbm4b:s3+s13], $0x80, s17, s13, $0xb8;
	[tilespmem:$0x10200] =	vst v63  }
0x28: {  	_ = 	snop  }
0x29: {  	[tilespmem:s20], [sflag:$0x1] =	stream.indirect.gather [hbm4b:s3+s13], $0x80, s19, s13, $0xb8;
	[tilespmem:$0x10200] =	vst v63  }
0x2a: {  	_ =	swait.ge [sflag:s16], $0x4000  }
0x2b: {  	[sflag:s16] =	ssyncset.done $0x0  }
0x2c: {  	[sflag:s16] =	ssyncadd.s32 $0xFFFFC000  }
0x2d: {  	_ =	swait.ge [sflag:s16], $0x4000  }
0x2e: {  	[sflag:s16] =	ssyncset.done $0x0  }
0x2f: {  	[sflag:s16] =	ssyncadd.s32 $0xFFFFC000  }
0x30: {  	[hbm4b:s8+s2] =	stream.linear.scatter [tilespmem:s18], [sflag:$0x3], $0x8000, $0x38;
	[tilespmem:$0x10200] =	vst v63  }
0x31: {  	_ =	swait.ge [sflag:s21], $0x8000  }
0x32: {  	[sflag:s21] =	ssyncset.done $0x0  }
0x33: {  	s24 =	sadd.s32 $0x0, s11;
	[sflag:s21] =	ssyncadd.s32 $0xFFFF8000  }
0x34: {  	[tilespmem:s2], [sflag:$0x4] =	stream.linear.gather [hbm4b:s24+s2], $0x100, $0x38;
	[tilespmem:$0x10200] =	vst v63  }
0x35: {  	_ =	swait.ge [sflag:s12], $0x100  }
0x36: {  	[sflag:s12] =	ssyncset.done $0x0  }
0x37: {  	[sflag:s12] =	ssyncadd.s32 $0xFFFFFF00  }
0x38: {  	[tilespmem:s14], [sflag:$0x1] =	stream.indirect.gather [hbm4b:s3+s13], $0x80, s2, s13, $0xb8;
	[tilespmem:$0x10200] =	vst v63  }
0x39: {  	_ = 	snop  }
0x3a: {  	[tilespmem:s15], [sflag:$0x1] =	stream.indirect.gather [hbm4b:s3+s13], $0x80, s13, s13, $0xb8;
	[tilespmem:$0x10200] =	vst v63  }
0x3b: {  	_ =	swait.ge [sflag:s16], $0x4000  }
0x3c: {  	[sflag:s16] =	ssyncset.done $0x0  }
0x3d: {  	[sflag:s16] =	ssyncadd.s32 $0xFFFFC000  }
0x3e: {  	_ =	swait.ge [sflag:s16], $0x4000  }
0x3f: {  	[sflag:s16] =	ssyncset.done $0x0  }
0x40: {  	s30 =	sadd.s32 $0xFFFFF000, s9;
	[sflag:s16] =	ssyncadd.s32 $0xFFFFC000  }
0x41: {  	[hbm4b:s30+s2] =	stream.linear.scatter [tilespmem:s14], [sflag:$0x2], $0x8000, $0x38;
	[tilespmem:$0x10200] =	vst v63  }
0x42: {  	_ =	swait.ge [sflag:s22], $0x8000  }
0x43: {  	[sflag:s22] =	ssyncset.done $0x0  }
0x44: {  	s31 =	sadd.s32 $0x0, s10;
	[sflag:s22] =	ssyncadd.s32 $0xFFFF8000  }
0x45: {  	[tilespmem:s17], [sflag:$0x4] =	stream.linear.gather [hbm4b:s31+s2], $0x100, $0x38;
	[tilespmem:$0x10200] =	vst v63  }
0x46: {  	_ =	swait.ge [sflag:s12], $0x100  }
0x47: {  	[sflag:s12] =	ssyncset.done $0x0  }
0x48: {  	[sflag:s12] =	ssyncadd.s32 $0xFFFFFF00  }
0x49: {  	[tilespmem:s18], [sflag:$0x1] =	stream.indirect.gather [hbm4b:s3+s13], $0x80, s17, s13, $0xb8;
	[tilespmem:$0x10200] =	vst v63  }
0x4a: {  	_ = 	snop  }
0x4b: {  	[tilespmem:s20], [sflag:$0x1] =	stream.indirect.gather [hbm4b:s3+s13], $0x80, s19, s13, $0xb8;
	[tilespmem:$0x10200] =	vst v63  }
0x4c: {  	_ =	swait.ge [sflag:s16], $0x4000  }
0x4d: {  	[sflag:s16] =	ssyncset.done $0x0  }
0x4e: {  	[sflag:s16] =	ssyncadd.s32 $0xFFFFC000  }
0x4f: {  	_ =	swait.ge [sflag:s16], $0x4000  }
0x50: {  	s25 =	sadd.s32 $0x2000, s9;
	[sflag:s16] =	ssyncset.done $0x0  }
0x51: {  	s26 =	smov.u32 s9;
	s24 =	simm.s32 $0x40;
	[sflag:s16] =	ssyncadd.s32 $0xFFFFC000  }
.LBB2_2:
0x52: {  	[hbm4b:s26+s2] =	stream.linear.scatter [tilespmem:s18], [sflag:$0x3], $0x8000, $0x38;
	[tilespmem:$0x10200] =	vst v63  }
0x53: {  	s28 =	smov.u32 s24;
	s26 =	smov.u32 s25  }
0x54: {  	p0 =	sne.s32 s24, $0x200;
	s24 =	sadd.s32 $0x40, s24;
	_ =	swait.ge [sflag:s21], $0x8000  }
0x55: {  	[sflag:s21] =	ssyncset.done $0x0  }
0x56: {  	s29 =	sadd.s32 s28, s11;
	[sflag:s21] =	ssyncadd.s32 $0xFFFF8000  }
0x57: {  	[tilespmem:s2], [sflag:$0x4] =	stream.linear.gather [hbm4b:s29+s2], $0x100, $0x38;
	[tilespmem:$0x10200] =	vst v63  }
0x58: {  	_ =	swait.ge [sflag:s12], $0x100  }
0x59: {  	[sflag:s12] =	ssyncset.done $0x0  }
0x5a: {  	[sflag:s12] =	ssyncadd.s32 $0xFFFFFF00  }
0x5b: {  	[tilespmem:s14], [sflag:$0x1] =	stream.indirect.gather [hbm4b:s3+s13], $0x80, s2, s13, $0xb8;
	[tilespmem:$0x10200] =	vst v63  }
0x5c: {  	_ = 	snop  }
0x5d: {  	[tilespmem:s15], [sflag:$0x1] =	stream.indirect.gather [hbm4b:s3+s13], $0x80, s13, s13, $0xb8;
	[tilespmem:$0x10200] =	vst v63  }
0x5e: {  	_ =	swait.ge [sflag:s16], $0x4000  }
0x5f: {  	[sflag:s16] =	ssyncset.done $0x0  }
0x60: {  	[sflag:s16] =	ssyncadd.s32 $0xFFFFC000  }
0x61: {  	_ =	swait.ge [sflag:s16], $0x4000  }
0x62: {  	[sflag:s16] =	ssyncset.done $0x0  }
0x63: {  	s29 =	sadd.s32 $0xFFFFF000, s25;
	[sflag:s16] =	ssyncadd.s32 $0xFFFFC000  }
0x64: {  	[hbm4b:s29+s2] =	stream.linear.scatter [tilespmem:s14], [sflag:$0x2], $0x8000, $0x38;
	[tilespmem:$0x10200] =	vst v63  }
0x65: {  	_ =	swait.ge [sflag:s22], $0x8000  }
0x66: {  	[sflag:s22] =	ssyncset.done $0x0  }
0x67: {  	s28 =	sadd.s32 s28, s10;
	[sflag:s22] =	ssyncadd.s32 $0xFFFF8000  }
0x68: {  	[tilespmem:s17], [sflag:$0x4] =	stream.linear.gather [hbm4b:s28+s2], $0x100, $0x38;
	[tilespmem:$0x10200] =	vst v63  }
0x69: {  	_ =	swait.ge [sflag:s12], $0x100  }
0x6a: {  	[sflag:s12] =	ssyncset.done $0x0  }
0x6b: {  	[sflag:s12] =	ssyncadd.s32 $0xFFFFFF00  }
0x6c: {  	[tilespmem:s18], [sflag:$0x1] =	stream.indirect.gather [hbm4b:s3+s13], $0x80, s17, s13, $0xb8;
	[tilespmem:$0x10200] =	vst v63  }
0x6d: {  	_ = 	snop  }
0x6e: {  	[tilespmem:s20], [sflag:$0x1] =	stream.indirect.gather [hbm4b:s3+s13], $0x80, s19, s13, $0xb8;
	[tilespmem:$0x10200] =	vst v63  }
0x6f: {  	_ =	swait.ge [sflag:s16], $0x4000  }
.Ltmp0:
0x70: {  	[sflag:s16] =	ssyncset.done $0x0;
	(pc) =	sbr.rel @p0 .LBB2_2-.Ltmp0, $4  }
0x71: {  	[sflag:s16] =	ssyncadd.s32 $0xFFFFC000  }
0x72: {  	_ =	swait.ge [sflag:s16], $0x4000  }
0x73: {  	[sflag:s16] =	ssyncset.done $0x0  }
0x74: {  	s25 =	sadd.s32 $0x2000, s25;
	[sflag:s16] =	ssyncadd.s32 $0xFFFFC000  }
0x75: {  	[hbm4b:s26+s2] =	stream.linear.scatter [tilespmem:s18], [sflag:$0x3], $0x8000, $0x38;
	[tilespmem:$0x10200] =	vst v63  }
0x76: {  	s23 =	sadd.s32 $0x1, s23  }
0x77: {  	_ =	swait.ge [sflag:s21], $0x8000;
	p0 =	sne.s32 s23, s4  }
.Ltmp1:
0x78: {  	[sflag:s21] =	ssyncset.done $0x0;
	(pc) =	sbr.rel @p0 .LBB2_1-.Ltmp1, $4  }
0x79: {  	[sflag:s21] =	ssyncadd.s32 $0xFFFF8000  }
0x7a: {  	_ =	swait.ge [sflag:s22], $0x8000  }
0x7b: {  	[sflag:s22] =	ssyncset.done $0x0  }
0x7c: {  	[sflag:s22] =	ssyncadd.s32 $0xFFFF8000  }
0x7d: {  	_ =	sfence.sel $0x180000  }
0x7e: {  	[bflag:$0x0] =	sbarrier.arrive $0xFFFF  }
0x7f: {  	p0 =	sne.s32 s1, $0x0;
	_ =	strace $0x9000004D  }
0x80: {  	s0 =	sadd.s32 @!p0 $0x100000, s0;
	[bflag:$0x2] =	sbarrier.arrive $0xFFFF  }
0x81: {  	[sflag:s0] =	ssyncadd.tile.s32 @!p0 $0x1;
	_ =	shalt  }
.Lfunc_end2:
_tile_overlayer_lowered:
.L_overlay_start_2:
0x82: {  	(tag) =	ssettag $0x2  }
0x83: {  	s0 =	rddreg [dreg:$0x0];
	s2 =	stileid.u32  }
0x84: {  	s1 =	rddreg [dreg:$0x1];
	p0 =	sne.s32 s2, $0x0  }
0x85: {  	s3 =	rddreg [dreg:$0x2];
	[bflag:$0x3] =	sbarrier.arrive $0xFFFF;
	s2 =	simm.s32 @!p0 $0x1C04  }
0x86: {  	[timem:s3], [sflag:s2] =	dma.local @!p0 [hbm:s0], s1  }
0x87: {  	s0 =	simm.s32 @!p0 $0x4  }
0x88: {  	_ =	swait.ge @!p0 [sflag:s0], s1  }
0x89: {  	s1 =	ssub.s32 @!p0 $0x0, s1;
	[sflag:s0] =	ssyncset.done @!p0 $0x0  }
0x8a: {  	[sflag:s0] =	ssyncadd.s32 @!p0 s1  }
0x8b: {  	[bflag:$0x3] =	sbarrier.arrive $0xFFFF  }
0x8c: {  	_ =	shalt  }

// kernel: kernel.34.cloned.1.call-start
scs
__scs_entry_jumppad:
0x0: {  	(pc) =	sbr.rel $0x88, $3  }
0x1: {  	(tag) =	ssettag $0x0;
	lr =	simm.s32 $0x1  }
0x2: {  	[smem:$0x3F93] =	sst lr;
	_ =	strace $0xD0000000  }
0x3: {  	_ = 	snop  }
0x4: {  	_ = 	snop  }
0x5: {  	_ = 	snop  }
0x6: {  	_ = 	snop  }
0x7: {  	_ = 	snop  }
__scs_overlays_trampoline_lowered:
0x8: {  	[smem:$0x3FA2] =	sst s0  }
0x9: {  	[smem:$0x3FA3] =	sst s1  }
0xa: {  	[smem:$0x3FA4] =	sst s2  }
0xb: {  	[smem:$0x3FA5] =	sst s3  }
0xc: {  	[smem:$0x3FA6] =	sst s4  }
0xd: {  	[smem:$0x3FA7] =	sst s5  }
0xe: {  	[smem:$0x3FA8] =	sst s6  }
0xf: {  	[smem:$0x3FA9] =	sst s7  }
0x10: {  	[smem:$0x3FAA] =	sst s8  }
0x11: {  	[smem:$0x3FAB] =	sst s9;
	s0 =	simm.s32 @!p0 $0x0  }
0x12: {  	s1 =	sld [smem:$0x3F91];
	s0 =	simm.s32 @p0 $0x1  }
0x13: {  	[smem:$0x3FAC] =	sst s0;
	s0 =	simm.s32 @!p1 $0x0  }
0x14: {  	s2 =	sld [smem:$0x3F90];
	s0 =	simm.s32 @p1 $0x1  }
0x15: {  	[smem:$0x3FAD] =	sst s0;
	s0 =	simm.s32 @!p2 $0x0  }
0x16: {  	s3 =	sld [smem:$0x3FDB];
	s0 =	simm.s32 @p2 $0x1  }
0x17: {  	s4 =	simm.s32 $0x1BF5;
	[smem:$0x3FAF] =	sst s0  }
0x18: {  	s0 =	sld [smem:$0x3F92];
	_ =	swait.ge [sflag:s4], $0x0  }
0x19: {  	s7 =	sld [smem:$0x3F93]  }
0x1a: {  	s8 =	sadd.s32 $0xFFFFE003, lr  }
0x1b: {  	s9 =	sadd.s32 $0xFFFFFEF7, lr;
	s5 =	simm.s32 $0xFFFFFFFF;
	p2 =	slt.u32 s8, $0xFFFFF086  }
0x1c: {  	p1 =	slt.u32 s9, $0xF7A;
	s5 =	simm.s32 @!p2 $0x0  }
0x1d: {  	s5 =	simm.s32 @p1 $0x1;
	p0 =	seq.s32 s7, s2  }
0x1e: {  	s7 =	smul.u32 @!p0 $0xF7A, s2;
	p2 =	seq.s32 @!p0 s5, $0x0  }
0x1f: {  	s9 =	smul.u32 $0xF7A, s1;
	s8 =	simm.s32 @!p0 $0x1BF5;
	p2 =	por !p2, p0  }
0x20: {  	[sflag:s8] =	ssyncset.s32 @!p0 $0xFFFFF086;
	s6 =	sadd.s32 @!p0 s3, s7;
	s7 =	simm.s32 @!p0 $0x108  }
0x21: {  	s3 =	sadd.s32 s3, s9;
	s6 =	sadd.s32 @!p0 $0x88, s6;
	s7 =	simm.s32 @p2 $0x1082  }
0x22: {  	[simem:s7], [sflag:s8] =	dma.local @!p0 [hbm:s6], $0xF7A  }
0x23: {  	s9 =	sor.u32 $0xD0000000, s2;
	s6 =	simm.s32 $0x108;
	_ =	swait.ge @!p0 [sflag:s8], $0x0  }
0x24: {  	s3 =	sadd.s32 $0x88, s3;
	s6 =	simm.s32 @!p1 $0x1082;
	[sflag:s4] =	ssyncset.s32 $0xFFFFF086  }
0x25: {  	[simem:s6], [sflag:s4] =	dma.local [hbm:s3], $0xF7A  }
0x26: {  	[smem:$0x3F93] =	sst s1;
	(tag) =	ssettag s2;
	_ =	strace s9  }
0x27: {  	s1 =	sld [smem:$0x3FA3]  }
0x28: {  	s2 =	sld [smem:$0x3FA4]  }
0x29: {  	s4 =	sld [smem:$0x3FA6]  }
0x2a: {  	p0 =	seq.s32 s5, $0x0;
	s5 =	sld [smem:$0x3FA7]  }
0x2b: {  	s6 =	sld [smem:$0x3FA8]  }
0x2c: {  	s7 =	sld [smem:$0x3FA9]  }
0x2d: {  	s3 =	simm.s32 $0x108;
	s8 =	sld [smem:$0x3FAA]  }
0x2e: {  	s3 =	simm.s32 @!p0 $0x1082;
	s9 =	sld [smem:$0x3FAB]  }
0x2f: {  	lr =	sadd.s32 s0, s3;
	s0 =	sld [smem:$0x3FA2]  }
0x30: {  	s3 =	sld [smem:$0x3FA5]  }
0x31: {  	[smem:$0x3FAE] =	sst s10  }
0x32: {  	s10 =	sld [smem:$0x3FAC];
	_ =	sdelay $0x3  }
0x33: {  	p0 =	seq.s32 s10, $0x1;
	s10 =	sld [smem:$0x3FAE];
	_ =	sdelay $0x3  }
0x34: {  	[smem:$0x3FAE] =	sst s10  }
0x35: {  	s10 =	sld [smem:$0x3FAD];
	_ =	sdelay $0x3  }
0x36: {  	p1 =	seq.s32 s10, $0x1;
	s10 =	sld [smem:$0x3FAE];
	_ =	sdelay $0x3  }
0x37: {  	[smem:$0x3FAE] =	sst s10  }
0x38: {  	s10 =	sld [smem:$0x3FAF]  }
0x39: {  	_ = 	snop;
	(pc) =	sbr.ind lr, $3  }
0x3a: {  	_ = 	snop  }
0x3b: {  	_ = 	snop  }
0x3c: {  	p2 =	seq.s32 s10, $0x1;
	s10 =	sld [smem:$0x3FAE]  }
0x3d: {  	_ =	shalt  }
0x3e: {  	_ =	shalt  }
0x3f: {  	_ =	shalt  }
0x40: {  	_ =	shalt  }
0x41: {  	_ =	shalt  }
0x42: {  	_ =	shalt  }
0x43: {  	_ =	shalt  }
0x44: {  	_ =	shalt  }
0x45: {  	_ =	shalt  }
0x46: {  	_ =	shalt  }
0x47: {  	_ =	shalt  }
0x48: {  	_ =	shalt  }
0x49: {  	_ =	shalt  }
0x4a: {  	_ =	shalt  }
0x4b: {  	_ =	shalt  }
0x4c: {  	_ =	shalt  }
0x4d: {  	_ =	shalt  }
0x4e: {  	_ =	shalt  }
0x4f: {  	_ =	shalt  }
0x50: {  	_ =	shalt  }
0x51: {  	_ =	shalt  }
0x52: {  	_ =	shalt  }
0x53: {  	_ =	shalt  }
0x54: {  	_ =	shalt  }
0x55: {  	_ =	shalt  }
0x56: {  	_ =	shalt  }
0x57: {  	_ =	shalt  }
0x58: {  	_ =	shalt  }
0x59: {  	_ =	shalt  }
0x5a: {  	_ =	shalt  }
0x5b: {  	_ =	shalt  }
0x5c: {  	_ =	shalt  }
0x5d: {  	_ =	shalt  }
0x5e: {  	_ =	shalt  }
0x5f: {  	_ =	shalt  }
0x60: {  	_ =	shalt  }
0x61: {  	_ =	shalt  }
0x62: {  	_ =	shalt  }
0x63: {  	_ =	shalt  }
0x64: {  	_ =	shalt  }
0x65: {  	_ =	shalt  }
0x66: {  	_ =	shalt  }
0x67: {  	_ =	shalt  }
0x68: {  	_ =	shalt  }
0x69: {  	_ =	shalt  }
0x6a: {  	_ =	shalt  }
0x6b: {  	_ =	shalt  }
0x6c: {  	_ =	shalt  }
0x6d: {  	_ =	shalt  }
0x6e: {  	_ =	shalt  }
0x6f: {  	_ =	shalt  }
0x70: {  	_ =	shalt  }
0x71: {  	_ =	shalt  }
0x72: {  	_ =	shalt  }
0x73: {  	_ =	shalt  }
0x74: {  	_ =	shalt  }
0x75: {  	_ =	shalt  }
0x76: {  	_ =	shalt  }
0x77: {  	_ =	shalt  }
0x78: {  	_ =	shalt  }
0x79: {  	_ =	shalt  }
0x7a: {  	_ =	shalt  }
0x7b: {  	_ =	shalt  }
0x7c: {  	_ =	shalt  }
0x7d: {  	_ =	shalt  }
0x7e: {  	_ =	shalt  }
0x7f: {  	_ =	shalt  }
0x80: {  	_ =	shalt  }
0x81: {  	_ =	shalt  }
0x82: {  	_ =	shalt  }
0x83: {  	_ =	shalt  }
0x84: {  	_ =	shalt  }
0x85: {  	_ =	shalt  }
0x86: {  	_ =	shalt  }
0x87: {  	_ =	shalt  }
.Lfunc_end0:
.L_simem_size_0:
called_computation.2_lowered:
.L_overlay_start_0:
0x88: {  	s2 =	sld [smem:$0x3FD9]  }
0x89: {  	s3 =	sld [smem:$0x3FFE];
	_ =	sdelay $0x1  }
0x8a: {  	s1 =	srdreg.scid  }
0x8b: {  	s0 =	sand.u32 $0x1, s1  }
0x8c: {  	s17 =	sshll.u32 s0, $0xA;
	s2 =	sadd.s32 s3, s2  }
0x8d: {  	s2 =	sadd.s32 s2, s17  }
0x8e: {  	[smem:$0x3FBA] =	sst s2  }
0x8f: {  	_ = 	snop  }
0x90: {  	(tm) =	ssettm $0x1  }
0x91: {  	s18 =	sld [smem:$0x3FFB];
	_ =	sdelay $0x3  }
0x92: {  	_ =	strace s18  }
0x93: {  	s2 =	sld [smem:$0x3FFC];
	_ =	sdelay $0x3  }
0x94: {  	_ =	strace s2  }
0x95: {  	s2 =	sld [smem:$0x3FFD];
	_ =	sdelay $0x3  }
0x96: {  	_ =	strace s2  }
0x97: {  	_ =	strace $0x8FFFFFFF  }
0x98: {  	s19 =	sld [smem:$0x3FDB];
	_ =	sdelay $0x1  }
0x99: {  	s20 =	simm.s32 $_scs_section_size  }
0x9a: {  	s4 =	simm.s32 $_size__tile_overlayer_lowered;
	s5 =	simm.s32 $_tile_overlayer_lowered  }
0x9b: {  	s6 =	simm.s32 $0x1BFF;
	s21 =	sshll.u32 s5, $0x1;
	s3 =	sadd.s32 s20, s19  }
0x9c: {  	s22 =	simm.s32 $0x0;
	s4 =	sshll.u32 s4, $0x1;
	s5 =	sadd.s32 s21, s3  }
0x9d: {  	[timem:s22], [sflag:s6] =	dma.local [hbm:s5], s4  }
0x9e: {  	_ =	swait.ge [sflag:s6], s4  }
0x9f: {  	s4 =	ssub.s32 $0x0, s4;
	[sflag:s6] =	ssyncset.done $0x0  }
0xa0: {  	[sflag:s6] =	ssyncadd.s32 s4;
	_ =	sdelay $0x1  }
0xa1: {  	s23 =	simm.s32 $0x1B8B  }
0xa2: {  	_ =	swait.ge [sflag:s23], $0x1  }
0xa3: {  	[sflag:s23] =	ssyncset.done $0x0  }
0xa4: {  	[sflag:s23] =	ssyncadd.s32 $0xFFFFFFFF  }
0xa5: {  	s4 =	sld [smem:$0x0]  }
0xa6: {  	s5 =	sand.u32 $0xFFFFFFFE, s1  }
0xa7: {  	p0 =	sne.s32 s1, s5  }
0xa8: {  	s5 =	sshll.u32 @p0 s5, $0xE  }
0xa9: {  	s5 =	sadd.s32 @p0 $0x11B8D, s5;
	s6 =	sshll.u32 @p0 s4, $0x11  }
0xaa: {  	s5 =	sor.u32 @p0 s6, s5  }
0xab: {  	[sflag:s5] =	ssyncadd.remote.s32 @p0 $0x1;
	_ =	sdelay $0x1  }
0xac: {  	s5 =	simm.s32 @p0 $0x1B8D  }
0xad: {  	_ =	swait.eq @p0 [sflag:s5], $0x1  }
0xae: {  	[sflag:s5] =	ssyncadd.s32 @p0 $0xFFFFFFFF  }
0xaf: {  	s6 =	sshll.u32 @!p0 s1, $0xE  }
0xb0: {  	s6 =	sor.u32 @!p0 $0x4000, s6;
	s5 =	simm.s32 @!p0 $0x1B8D  }
0xb1: {  	s4 =	sshll.u32 @!p0 s4, $0x11;
	s6 =	sadd.s32 @!p0 $0x11B8D, s6;
	_ =	swait.eq @!p0 [sflag:s5], $0x1  }
0xb2: {  	s4 =	sor.u32 @!p0 s4, s6;
	[sflag:s5] =	ssyncadd.s32 @!p0 $0xFFFFFFFF  }
0xb3: {  	s25 =	simm.s32 $0x1B8E;
	s24 =	sld [smem:$0x3FFE];
	[sflag:s4] =	ssyncadd.remote.s32 @!p0 $0x1  }
0xb4: {  	s26 =	simm.s32 $execute0_lowered;
	[smem:$0x3FD2] =	sst s25  }
0xb5: {  	s5 =	sshll.u32 s26, $0x1;
	_ =	strace $0x80000052;
	[dreg:$0x1] =	wrdreg $0xFFFFFFFF  }
0xb6: {  	s28 =	simm.s32 $_size_execute0_lowered;
	s3 =	sadd.s32 s3, s5;
	[dreg:$0x0] =	wrdreg $0x0  }
0xb7: {  	s5 =	sshll.u32 s28, $0x1;
	[dreg:$0x2] =	wrdreg s3  }
0xb8: {  	[dreg:$0x3] =	wrdreg s5  }
0xb9: {  	[dreg:$0x4] =	wrdreg $0xC0  }
0xba: {  	_ =	task [dreg:s22], $0x5FFFF  }
0xbb: {  	[dreg:$0x1] =	wrdreg $0xFFFFFFFF  }
0xbc: {  	[dreg:$0x0] =	wrdreg $0x60  }
0xbd: {  	[dreg:$0x2] =	wrdreg s24  }
0xbe: {  	[dreg:$0x3] =	wrdreg $0x9  }
0xbf: {  	_ =	task.clear_ibuf [dreg:s22], $0x4FFFF;
	_ =	strace $0x90000052  }
0xc0: {  	s29 =	simm.s32 $0x9;
	_ =	strace $0x80000054  }
0xc1: {  	_ =	swait.ge [sflag:s29], $0x1  }
0xc2: {  	[sflag:s29] =	ssyncadd.s32 $0xFFFFFFFF  }
0xc3: {  	_ =	strace $0x90000054  }
0xc4: {  	_ =	sfence  }
0xc5: {  	s30 =	sld [smem:$0x0];
	_ =	sdelay $0x2  }
0xc6: {  	s31 =	sshll.u32 s1, $0xD;
	s1 =	sshrl.u32 s1, $0x2  }
0xc7: {  	s4 =	sand.u32 $0x4000, s31;
	s1 =	sadd.s32 s1, s30  }
0xc8: {  	s0 =	sor.u32 s4, s0;
	s1 =	sshll.u32 s1, $0x11  }
0xc9: {  	s0 =	sor.u32 s1, s0  }
0xca: {  	s0 =	sadd.s32 $0x8F2B, s0  }
0xcb: {  	[sflag:s0] =	ssyncadd.remote.s32 $0x1  }
0xcc: {  	_ =	sfence.sel $0xFFFF  }
0xcd: {  	[dreg:$0x0] =	wrdreg $0xFFFFFFFF;
	(pc) =	sbr.abs _section_cstart, $3  }
0xce: {  	[dreg:$0x1] =	wrdreg $0xFFFFFFFF  }
0xcf: {  	_ =	task.clear_ibuf [dreg:s22], $0x2FFFF;
	_ =	strace $0x9FFFFFFF  }
0xd0: {  	(tm) =	ssettm $0x7FFFFFFF  }
0xd1: {  	_ =	shalt  }
tec
execute0_lowered:
.L_overlay_start_1:
0x0: {  	(tag) =	ssettag $0x1  }
0x1: {  	s4 =	rddreg [dreg:$0x0]  }
0x2: {  	s0 =	rddreg [dreg:$0x1]  }
0x3: {  	s2 =	simm.s32 $0x0;
	s3 =	srdreg.scid;
	s1 =	stileid.u32  }
0x4: {  	s15 =	simm.s32 $0x4200;
	s16 =	simm.s32 $0x1;
	s17 =	simm.s32 $0x100  }
0x5: {  	s18 =	simm.s32 $0x8200;
	s19 =	simm.s32 $0x180;
	s20 =	simm.s32 $0xC200  }
0x6: {  	s21 =	simm.s32 $0x2;
	s22 =	simm.s32 $0x3;
	s23 =	simm.s32 $0x0  }
0x7: {  	[smem:$0x7FF] =	sst s2;
	s9 =	sand.u32 $0x1, s3;
	s12 =	smul.u32 $0x2800, s1  }
0x8: {  	s26 =	sshll.u32 s1, $0x1;
	s3 =	sadd.s32 $0x61600, s4;
	s14 =	smul.u32 $0x28000, s1  }
0x9: {  	s11 =	sadd.s32 $0x17600, s4;
	s10 =	sadd.s32 $0x327600, s4;
	s13 =	smul.u32 $0x1400, s9  }
0xa: {  	s5 =	ssub.s32 $0x2, s9;
	s6 =	sor.u32 s9, s26;
	s9 =	smul.u32 $0x14000, s9  }
0xb: {  	_ =	strace $0x80000053;
	s7 =	sshrl.u32 s5, $0x1;
	s8 =	smul.u32 $0x1400, s6  }
0xc: {  	s6 =	smul.u32 $0x14000, s6;
	s28 =	ssub.s32 s5, s7;
	s12 =	sadd.s32 s13, s12  }
0xd: {  	s4 =	smax.u32 s28, $0x1;
	s29 =	sshrl.u32 s8, $0x3;
	s8 =	sor.u32 $0x100, s8  }
0xe: {  	s6 =	sadd.s32 s10, s6;
	s13 =	sor.u32 $0x300, s12;
	s12 =	sor.u32 $0x200, s12  }
0xf: {  	s5 =	sadd.s32 s11, s29;
	s30 =	sshrl.u32 s8, $0x3;
	s8 =	sshll.u32 s8, $0x4  }
0x10: {  	s31 =	sshrl.u32 s13, $0x3;
	s12 =	sshrl.u32 s12, $0x3;
	s13 =	simm.s32 $0x80  }
0x11: {  	s7 =	sadd.s32 s11, s30;
	s8 =	sadd.s32 s10, s8;
	s10 =	sadd.s32 s14, s10  }
0x12: {  	s14 =	simm.s32 $0x200;
	s9 =	sadd.s32 s9, s10;
	s10 =	sadd.s32 s31, s11  }
0x13: {  	s11 =	sadd.s32 s12, s11;
	s12 =	simm.s32 $0x4;
	s9 =	sadd.s32 $0x3000, s9  }
.LBB2_1:
0x14: {  	[tilespmem:s2], [sflag:$0x4] =	stream.linear.gather [hbm4b:s5+s2], $0x100, $0x38;
	[tilespmem:$0x10200] =	vst v63  }
0x15: {  	_ =	swait.ge [sflag:s12], $0x100  }
0x16: {  	[sflag:s12] =	ssyncset.done $0x0  }
0x17: {  	[sflag:s12] =	ssyncadd.s32 $0xFFFFFF00  }
0x18: {  	[tilespmem:s14], [sflag:$0x1] =	stream.indirect.gather [hbm4b:s3+s13], $0x80, s2, s13, $0xb8;
	[tilespmem:$0x10200] =	vst v63  }
0x19: {  	_ = 	snop  }
0x1a: {  	[tilespmem:s15], [sflag:$0x1] =	stream.indirect.gather [hbm4b:s3+s13], $0x80, s13, s13, $0xb8;
	[tilespmem:$0x10200] =	vst v63  }
0x1b: {  	_ =	swait.ge [sflag:s16], $0x4000  }
0x1c: {  	[sflag:s16] =	ssyncset.done $0x0  }
0x1d: {  	[sflag:s16] =	ssyncadd.s32 $0xFFFFC000  }
0x1e: {  	_ =	swait.ge [sflag:s16], $0x4000  }
0x1f: {  	[sflag:s16] =	ssyncset.done $0x0  }
0x20: {  	[sflag:s16] =	ssyncadd.s32 $0xFFFFC000  }
0x21: {  	[hbm4b:s6+s2] =	stream.linear.scatter [tilespmem:s14], [sflag:$0x2], $0x8000, $0x38;
	[tilespmem:$0x10200] =	vst v63  }
0x22: {  	_ = 	snop  }
0x23: {  	[tilespmem:s17], [sflag:$0x4] =	stream.linear.gather [hbm4b:s7+s2], $0x100, $0x38;
	[tilespmem:$0x10200] =	vst v63  }
0x24: {  	_ =	swait.ge [sflag:s12], $0x100  }
0x25: {  	[sflag:s12] =	ssyncset.done $0x0  }
0x26: {  	[sflag:s12] =	ssyncadd.s32 $0xFFFFFF00  }
0x27: {  	[tilespmem:s18], [sflag:$0x1] =	stream.indirect.gather [hbm4b:s3+s13], $0x80, s17, s13, $0xb8;
	[tilespmem:$0x10200] =	vst v63  }
0x28: {  	_ = 	snop  }
0x29: {  	[tilespmem:s20], [sflag:$0x1] =	stream.indirect.gather [hbm4b:s3+s13], $0x80, s19, s13, $0xb8;
	[tilespmem:$0x10200] =	vst v63  }
0x2a: {  	_ =	swait.ge [sflag:s16], $0x4000  }
0x2b: {  	[sflag:s16] =	ssyncset.done $0x0  }
0x2c: {  	[sflag:s16] =	ssyncadd.s32 $0xFFFFC000  }
0x2d: {  	_ =	swait.ge [sflag:s16], $0x4000  }
0x2e: {  	[sflag:s16] =	ssyncset.done $0x0  }
0x2f: {  	[sflag:s16] =	ssyncadd.s32 $0xFFFFC000  }
0x30: {  	[hbm4b:s8+s2] =	stream.linear.scatter [tilespmem:s18], [sflag:$0x3], $0x8000, $0x38;
	[tilespmem:$0x10200] =	vst v63  }
0x31: {  	_ =	swait.ge [sflag:s21], $0x8000  }
0x32: {  	[sflag:s21] =	ssyncset.done $0x0  }
0x33: {  	s24 =	sadd.s32 $0x0, s11;
	[sflag:s21] =	ssyncadd.s32 $0xFFFF8000  }
0x34: {  	[tilespmem:s2], [sflag:$0x4] =	stream.linear.gather [hbm4b:s24+s2], $0x100, $0x38;
	[tilespmem:$0x10200] =	vst v63  }
0x35: {  	_ =	swait.ge [sflag:s12], $0x100  }
0x36: {  	[sflag:s12] =	ssyncset.done $0x0  }
0x37: {  	[sflag:s12] =	ssyncadd.s32 $0xFFFFFF00  }
0x38: {  	[tilespmem:s14], [sflag:$0x1] =	stream.indirect.gather [hbm4b:s3+s13], $0x80, s2, s13, $0xb8;
	[tilespmem:$0x10200] =	vst v63  }
0x39: {  	_ = 	snop  }
0x3a: {  	[tilespmem:s15], [sflag:$0x1] =	stream.indirect.gather [hbm4b:s3+s13], $0x80, s13, s13, $0xb8;
	[tilespmem:$0x10200] =	vst v63  }
0x3b: {  	_ =	swait.ge [sflag:s16], $0x4000  }
0x3c: {  	[sflag:s16] =	ssyncset.done $0x0  }
0x3d: {  	[sflag:s16] =	ssyncadd.s32 $0xFFFFC000  }
0x3e: {  	_ =	swait.ge [sflag:s16], $0x4000  }
0x3f: {  	[sflag:s16] =	ssyncset.done $0x0  }
0x40: {  	s30 =	sadd.s32 $0xFFFFF000, s9;
	[sflag:s16] =	ssyncadd.s32 $0xFFFFC000  }
0x41: {  	[hbm4b:s30+s2] =	stream.linear.scatter [tilespmem:s14], [sflag:$0x2], $0x8000, $0x38;
	[tilespmem:$0x10200] =	vst v63  }
0x42: {  	_ =	swait.ge [sflag:s22], $0x8000  }
0x43: {  	[sflag:s22] =	ssyncset.done $0x0  }
0x44: {  	s31 =	sadd.s32 $0x0, s10;
	[sflag:s22] =	ssyncadd.s32 $0xFFFF8000  }
0x45: {  	[tilespmem:s17], [sflag:$0x4] =	stream.linear.gather [hbm4b:s31+s2], $0x100, $0x38;
	[tilespmem:$0x10200] =	vst v63  }
0x46: {  	_ =	swait.ge [sflag:s12], $0x100  }
0x47: {  	[sflag:s12] =	ssyncset.done $0x0  }
0x48: {  	[sflag:s12] =	ssyncadd.s32 $0xFFFFFF00  }
0x49: {  	[tilespmem:s18], [sflag:$0x1] =	stream.indirect.gather [hbm4b:s3+s13], $0x80, s17, s13, $0xb8;
	[tilespmem:$0x10200] =	vst v63  }
0x4a: {  	_ = 	snop  }
0x4b: {  	[tilespmem:s20], [sflag:$0x1] =	stream.indirect.gather [hbm4b:s3+s13], $0x80, s19, s13, $0xb8;
	[tilespmem:$0x10200] =	vst v63  }
0x4c: {  	_ =	swait.ge [sflag:s16], $0x4000  }
0x4d: {  	[sflag:s16] =	ssyncset.done $0x0  }
0x4e: {  	[sflag:s16] =	ssyncadd.s32 $0xFFFFC000  }
0x4f: {  	_ =	swait.ge [sflag:s16], $0x4000  }
0x50: {  	s25 =	sadd.s32 $0x2000, s9;
	[sflag:s16] =	ssyncset.done $0x0  }
0x51: {  	s26 =	smov.u32 s9;
	s24 =	simm.s32 $0x40;
	[sflag:s16] =	ssyncadd.s32 $0xFFFFC000  }
.LBB2_2:
0x52: {  	[hbm4b:s26+s2] =	stream.linear.scatter [tilespmem:s18], [sflag:$0x3], $0x8000, $0x38;
	[tilespmem:$0x10200] =	vst v63  }
0x53: {  	s28 =	smov.u32 s24;
	s26 =	smov.u32 s25  }
0x54: {  	p0 =	sne.s32 s24, $0x200;
	s24 =	sadd.s32 $0x40, s24;
	_ =	swait.ge [sflag:s21], $0x8000  }
0x55: {  	[sflag:s21] =	ssyncset.done $0x0  }
0x56: {  	s29 =	sadd.s32 s28, s11;
	[sflag:s21] =	ssyncadd.s32 $0xFFFF8000  }
0x57: {  	[tilespmem:s2], [sflag:$0x4] =	stream.linear.gather [hbm4b:s29+s2], $0x100, $0x38;
	[tilespmem:$0x10200] =	vst v63  }
0x58: {  	_ =	swait.ge [sflag:s12], $0x100  }
0x59: {  	[sflag:s12] =	ssyncset.done $0x0  }
0x5a: {  	[sflag:s12] =	ssyncadd.s32 $0xFFFFFF00  }
0x5b: {  	[tilespmem:s14], [sflag:$0x1] =	stream.indirect.gather [hbm4b:s3+s13], $0x80, s2, s13, $0xb8;
	[tilespmem:$0x10200] =	vst v63  }
0x5c: {  	_ = 	snop  }
0x5d: {  	[tilespmem:s15], [sflag:$0x1] =	stream.indirect.gather [hbm4b:s3+s13], $0x80, s13, s13, $0xb8;
	[tilespmem:$0x10200] =	vst v63  }
0x5e: {  	_ =	swait.ge [sflag:s16], $0x4000  }
0x5f: {  	[sflag:s16] =	ssyncset.done $0x0  }
0x60: {  	[sflag:s16] =	ssyncadd.s32 $0xFFFFC000  }
0x61: {  	_ =	swait.ge [sflag:s16], $0x4000  }
0x62: {  	[sflag:s16] =	ssyncset.done $0x0  }
0x63: {  	s29 =	sadd.s32 $0xFFFFF000, s25;
	[sflag:s16] =	ssyncadd.s32 $0xFFFFC000  }
0x64: {  	[hbm4b:s29+s2] =	stream.linear.scatter [tilespmem:s14], [sflag:$0x2], $0x8000, $0x38;
	[tilespmem:$0x10200] =	vst v63  }
0x65: {  	_ =	swait.ge [sflag:s22], $0x8000  }
0x66: {  	[sflag:s22] =	ssyncset.done $0x0  }
0x67: {  	s28 =	sadd.s32 s28, s10;
	[sflag:s22] =	ssyncadd.s32 $0xFFFF8000  }
0x68: {  	[tilespmem:s17], [sflag:$0x4] =	stream.linear.gather [hbm4b:s28+s2], $0x100, $0x38;
	[tilespmem:$0x10200] =	vst v63  }
0x69: {  	_ =	swait.ge [sflag:s12], $0x100  }
0x6a: {  	[sflag:s12] =	ssyncset.done $0x0  }
0x6b: {  	[sflag:s12] =	ssyncadd.s32 $0xFFFFFF00  }
0x6c: {  	[tilespmem:s18], [sflag:$0x1] =	stream.indirect.gather [hbm4b:s3+s13], $0x80, s17, s13, $0xb8;
	[tilespmem:$0x10200] =	vst v63  }
0x6d: {  	_ = 	snop  }
0x6e: {  	[tilespmem:s20], [sflag:$0x1] =	stream.indirect.gather [hbm4b:s3+s13], $0x80, s19, s13, $0xb8;
	[tilespmem:$0x10200] =	vst v63  }
0x6f: {  	_ =	swait.ge [sflag:s16], $0x4000  }
.Ltmp0:
0x70: {  	[sflag:s16] =	ssyncset.done $0x0;
	(pc) =	sbr.rel @p0 .LBB2_2-.Ltmp0, $4  }
0x71: {  	[sflag:s16] =	ssyncadd.s32 $0xFFFFC000  }
0x72: {  	_ =	swait.ge [sflag:s16], $0x4000  }
0x73: {  	[sflag:s16] =	ssyncset.done $0x0  }
0x74: {  	s25 =	sadd.s32 $0x2000, s25;
	[sflag:s16] =	ssyncadd.s32 $0xFFFFC000  }
0x75: {  	[hbm4b:s26+s2] =	stream.linear.scatter [tilespmem:s18], [sflag:$0x3], $0x8000, $0x38;
	[tilespmem:$0x10200] =	vst v63  }
0x76: {  	s23 =	sadd.s32 $0x1, s23  }
0x77: {  	_ =	swait.ge [sflag:s21], $0x8000;
	p0 =	sne.s32 s23, s4  }
.Ltmp1:
0x78: {  	[sflag:s21] =	ssyncset.done $0x0;
	(pc) =	sbr.rel @p0 .LBB2_1-.Ltmp1, $4  }
0x79: {  	[sflag:s21] =	ssyncadd.s32 $0xFFFF8000  }
0x7a: {  	_ =	swait.ge [sflag:s22], $0x8000  }
0x7b: {  	[sflag:s22] =	ssyncset.done $0x0  }
0x7c: {  	[sflag:s22] =	ssyncadd.s32 $0xFFFF8000  }
0x7d: {  	_ =	sfence.sel $0x180000  }
0x7e: {  	[bflag:$0x0] =	sbarrier.arrive $0xFFFF  }
0x7f: {  	p0 =	sne.s32 s1, $0x0;
	_ =	strace $0x90000053  }
0x80: {  	s0 =	sadd.s32 @!p0 $0x100000, s0;
	[bflag:$0x2] =	sbarrier.arrive $0xFFFF  }
0x81: {  	[sflag:s0] =	ssyncadd.tile.s32 @!p0 $0x1;
	_ =	shalt  }
.Lfunc_end2:
_tile_overlayer_lowered:
.L_overlay_start_2:
0x82: {  	(tag) =	ssettag $0x2  }
0x83: {  	s0 =	rddreg [dreg:$0x0];
	s2 =	stileid.u32  }
0x84: {  	s1 =	rddreg [dreg:$0x1];
	p0 =	sne.s32 s2, $0x0  }
0x85: {  	s3 =	rddreg [dreg:$0x2];
	[bflag:$0x3] =	sbarrier.arrive $0xFFFF;
	s2 =	simm.s32 @!p0 $0x1C04  }
0x86: {  	[timem:s3], [sflag:s2] =	dma.local @!p0 [hbm:s0], s1  }
0x87: {  	s0 =	simm.s32 @!p0 $0x4  }
0x88: {  	_ =	swait.ge @!p0 [sflag:s0], s1  }
0x89: {  	s1 =	ssub.s32 @!p0 $0x0, s1;
	[sflag:s0] =	ssyncset.done @!p0 $0x0  }
0x8a: {  	[sflag:s0] =	ssyncadd.s32 @!p0 s1  }
0x8b: {  	[bflag:$0x3] =	sbarrier.arrive $0xFFFF  }
0x8c: {  	_ =	shalt  }

// kernel: kernel.37.cloned.1.call-start
scs
__scs_entry_jumppad:
0x0: {  	(pc) =	sbr.rel $0x88, $3  }
0x1: {  	(tag) =	ssettag $0x0;
	lr =	simm.s32 $0x1  }
0x2: {  	[smem:$0x3F93] =	sst lr;
	_ =	strace $0xD0000000  }
0x3: {  	_ = 	snop  }
0x4: {  	_ = 	snop  }
0x5: {  	_ = 	snop  }
0x6: {  	_ = 	snop  }
0x7: {  	_ = 	snop  }
__scs_overlays_trampoline_lowered:
0x8: {  	[smem:$0x3FA2] =	sst s0  }
0x9: {  	[smem:$0x3FA3] =	sst s1  }
0xa: {  	[smem:$0x3FA4] =	sst s2  }
0xb: {  	[smem:$0x3FA5] =	sst s3  }
0xc: {  	[smem:$0x3FA6] =	sst s4  }
0xd: {  	[smem:$0x3FA7] =	sst s5  }
0xe: {  	[smem:$0x3FA8] =	sst s6  }
0xf: {  	[smem:$0x3FA9] =	sst s7  }
0x10: {  	[smem:$0x3FAA] =	sst s8  }
0x11: {  	[smem:$0x3FAB] =	sst s9;
	s0 =	simm.s32 @!p0 $0x0  }
0x12: {  	s1 =	sld [smem:$0x3F91];
	s0 =	simm.s32 @p0 $0x1  }
0x13: {  	[smem:$0x3FAC] =	sst s0;
	s0 =	simm.s32 @!p1 $0x0  }
0x14: {  	s2 =	sld [smem:$0x3F90];
	s0 =	simm.s32 @p1 $0x1  }
0x15: {  	[smem:$0x3FAD] =	sst s0;
	s0 =	simm.s32 @!p2 $0x0  }
0x16: {  	s3 =	sld [smem:$0x3FDB];
	s0 =	simm.s32 @p2 $0x1  }
0x17: {  	s4 =	simm.s32 $0x1BF5;
	[smem:$0x3FAF] =	sst s0  }
0x18: {  	s0 =	sld [smem:$0x3F92];
	_ =	swait.ge [sflag:s4], $0x0  }
0x19: {  	s7 =	sld [smem:$0x3F93]  }
0x1a: {  	s8 =	sadd.s32 $0xFFFFE003, lr  }
0x1b: {  	s9 =	sadd.s32 $0xFFFFFEF7, lr;
	s5 =	simm.s32 $0xFFFFFFFF;
	p2 =	slt.u32 s8, $0xFFFFF086  }
0x1c: {  	p1 =	slt.u32 s9, $0xF7A;
	s5 =	simm.s32 @!p2 $0x0  }
0x1d: {  	s5 =	simm.s32 @p1 $0x1;
	p0 =	seq.s32 s7, s2  }
0x1e: {  	s7 =	smul.u32 @!p0 $0xF7A, s2;
	p2 =	seq.s32 @!p0 s5, $0x0  }
0x1f: {  	s9 =	smul.u32 $0xF7A, s1;
	s8 =	simm.s32 @!p0 $0x1BF5;
	p2 =	por !p2, p0  }
0x20: {  	[sflag:s8] =	ssyncset.s32 @!p0 $0xFFFFF086;
	s6 =	sadd.s32 @!p0 s3, s7;
	s7 =	simm.s32 @!p0 $0x108  }
0x21: {  	s3 =	sadd.s32 s3, s9;
	s6 =	sadd.s32 @!p0 $0x88, s6;
	s7 =	simm.s32 @p2 $0x1082  }
0x22: {  	[simem:s7], [sflag:s8] =	dma.local @!p0 [hbm:s6], $0xF7A  }
0x23: {  	s9 =	sor.u32 $0xD0000000, s2;
	s6 =	simm.s32 $0x108;
	_ =	swait.ge @!p0 [sflag:s8], $0x0  }
0x24: {  	s3 =	sadd.s32 $0x88, s3;
	s6 =	simm.s32 @!p1 $0x1082;
	[sflag:s4] =	ssyncset.s32 $0xFFFFF086  }
0x25: {  	[simem:s6], [sflag:s4] =	dma.local [hbm:s3], $0xF7A  }
0x26: {  	[smem:$0x3F93] =	sst s1;
	(tag) =	ssettag s2;
	_ =	strace s9  }
0x27: {  	s1 =	sld [smem:$0x3FA3]  }
0x28: {  	s2 =	sld [smem:$0x3FA4]  }
0x29: {  	s4 =	sld [smem:$0x3FA6]  }
0x2a: {  	p0 =	seq.s32 s5, $0x0;
	s5 =	sld [smem:$0x3FA7]  }
0x2b: {  	s6 =	sld [smem:$0x3FA8]  }
0x2c: {  	s7 =	sld [smem:$0x3FA9]  }
0x2d: {  	s3 =	simm.s32 $0x108;
	s8 =	sld [smem:$0x3FAA]  }
0x2e: {  	s3 =	simm.s32 @!p0 $0x1082;
	s9 =	sld [smem:$0x3FAB]  }
0x2f: {  	lr =	sadd.s32 s0, s3;
	s0 =	sld [smem:$0x3FA2]  }
0x30: {  	s3 =	sld [smem:$0x3FA5]  }
0x31: {  	[smem:$0x3FAE] =	sst s10  }
0x32: {  	s10 =	sld [smem:$0x3FAC];
	_ =	sdelay $0x3  }
0x33: {  	p0 =	seq.s32 s10, $0x1;
	s10 =	sld [smem:$0x3FAE];
	_ =	sdelay $0x3  }
0x34: {  	[smem:$0x3FAE] =	sst s10  }
0x35: {  	s10 =	sld [smem:$0x3FAD];
	_ =	sdelay $0x3  }
0x36: {  	p1 =	seq.s32 s10, $0x1;
	s10 =	sld [smem:$0x3FAE];
	_ =	sdelay $0x3  }
0x37: {  	[smem:$0x3FAE] =	sst s10  }
0x38: {  	s10 =	sld [smem:$0x3FAF]  }
0x39: {  	_ = 	snop;
	(pc) =	sbr.ind lr, $3  }
0x3a: {  	_ = 	snop  }
0x3b: {  	_ = 	snop  }
0x3c: {  	p2 =	seq.s32 s10, $0x1;
	s10 =	sld [smem:$0x3FAE]  }
0x3d: {  	_ =	shalt  }
0x3e: {  	_ =	shalt  }
0x3f: {  	_ =	shalt  }
0x40: {  	_ =	shalt  }
0x41: {  	_ =	shalt  }
0x42: {  	_ =	shalt  }
0x43: {  	_ =	shalt  }
0x44: {  	_ =	shalt  }
0x45: {  	_ =	shalt  }
0x46: {  	_ =	shalt  }
0x47: {  	_ =	shalt  }
0x48: {  	_ =	shalt  }
0x49: {  	_ =	shalt  }
0x4a: {  	_ =	shalt  }
0x4b: {  	_ =	shalt  }
0x4c: {  	_ =	shalt  }
0x4d: {  	_ =	shalt  }
0x4e: {  	_ =	shalt  }
0x4f: {  	_ =	shalt  }
0x50: {  	_ =	shalt  }
0x51: {  	_ =	shalt  }
0x52: {  	_ =	shalt  }
0x53: {  	_ =	shalt  }
0x54: {  	_ =	shalt  }
0x55: {  	_ =	shalt  }
0x56: {  	_ =	shalt  }
0x57: {  	_ =	shalt  }
0x58: {  	_ =	shalt  }
0x59: {  	_ =	shalt  }
0x5a: {  	_ =	shalt  }
0x5b: {  	_ =	shalt  }
0x5c: {  	_ =	shalt  }
0x5d: {  	_ =	shalt  }
0x5e: {  	_ =	shalt  }
0x5f: {  	_ =	shalt  }
0x60: {  	_ =	shalt  }
0x61: {  	_ =	shalt  }
0x62: {  	_ =	shalt  }
0x63: {  	_ =	shalt  }
0x64: {  	_ =	shalt  }
0x65: {  	_ =	shalt  }
0x66: {  	_ =	shalt  }
0x67: {  	_ =	shalt  }
0x68: {  	_ =	shalt  }
0x69: {  	_ =	shalt  }
0x6a: {  	_ =	shalt  }
0x6b: {  	_ =	shalt  }
0x6c: {  	_ =	shalt  }
0x6d: {  	_ =	shalt  }
0x6e: {  	_ =	shalt  }
0x6f: {  	_ =	shalt  }
0x70: {  	_ =	shalt  }
0x71: {  	_ =	shalt  }
0x72: {  	_ =	shalt  }
0x73: {  	_ =	shalt  }
0x74: {  	_ =	shalt  }
0x75: {  	_ =	shalt  }
0x76: {  	_ =	shalt  }
0x77: {  	_ =	shalt  }
0x78: {  	_ =	shalt  }
0x79: {  	_ =	shalt  }
0x7a: {  	_ =	shalt  }
0x7b: {  	_ =	shalt  }
0x7c: {  	_ =	shalt  }
0x7d: {  	_ =	shalt  }
0x7e: {  	_ =	shalt  }
0x7f: {  	_ =	shalt  }
0x80: {  	_ =	shalt  }
0x81: {  	_ =	shalt  }
0x82: {  	_ =	shalt  }
0x83: {  	_ =	shalt  }
0x84: {  	_ =	shalt  }
0x85: {  	_ =	shalt  }
0x86: {  	_ =	shalt  }
0x87: {  	_ =	shalt  }
.Lfunc_end0:
.L_simem_size_0:
called_computation.3_lowered:
.L_overlay_start_0:
0x88: {  	s2 =	sld [smem:$0x3FD9]  }
0x89: {  	s3 =	sld [smem:$0x3FFE];
	_ =	sdelay $0x1  }
0x8a: {  	s1 =	srdreg.scid  }
0x8b: {  	s0 =	sand.u32 $0x1, s1  }
0x8c: {  	s15 =	sshll.u32 s0, $0xA;
	s2 =	sadd.s32 s3, s2  }
0x8d: {  	s2 =	sadd.s32 s2, s15  }
0x8e: {  	[smem:$0x3FBA] =	sst s2  }
0x8f: {  	_ = 	snop  }
0x90: {  	s2 =	sld [smem:$0x3FD0];
	_ =	sdelay $0x2  }
0x91: {  	s16 =	simm.s32 $0xB;
	s4 =	simm.s32 $0x10  }
0x92: {  	[smem:s4], [sflag:s16] =	dma.local [hbm:s2], $0x1  }
0x93: {  	_ =	swait.eq [sflag:s16], $0x1  }
0x94: {  	[sflag:s16] =	ssyncset.done $0x0  }
0x95: {  	[sflag:s16] =	ssyncadd.s32 $0xFFFFFFFF  }
0x96: {  	s17 =	sld [smem:$0x11];
	(tm) =	ssettm $0x1  }
0x97: {  	s18 =	sld [smem:$0x3FFB];
	_ =	sdelay $0x3  }
0x98: {  	_ =	strace s18  }
0x99: {  	s2 =	sld [smem:$0x3FFC];
	_ =	sdelay $0x3  }
0x9a: {  	_ =	strace s2  }
0x9b: {  	s2 =	sld [smem:$0x3FFD];
	_ =	sdelay $0x3  }
0x9c: {  	_ =	strace s2  }
0x9d: {  	_ =	strace $0x8FFFFFFF  }
0x9e: {  	s19 =	sld [smem:$0x3FDB];
	_ =	sdelay $0x1  }
0x9f: {  	s20 =	simm.s32 $_scs_section_size  }
0xa0: {  	s5 =	simm.s32 $_size__tile_overlayer_lowered;
	s6 =	simm.s32 $_tile_overlayer_lowered  }
0xa1: {  	s7 =	simm.s32 $0x1BFF;
	s21 =	sshll.u32 s6, $0x1;
	s4 =	sadd.s32 s20, s19  }
0xa2: {  	s22 =	simm.s32 $0x0;
	s5 =	sshll.u32 s5, $0x1;
	s6 =	sadd.s32 s21, s4  }
0xa3: {  	[timem:s22], [sflag:s7] =	dma.local [hbm:s6], s5  }
0xa4: {  	_ =	swait.ge [sflag:s7], s5  }
0xa5: {  	s5 =	ssub.s32 $0x0, s5;
	[sflag:s7] =	ssyncset.done $0x0  }
0xa6: {  	[sflag:s7] =	ssyncadd.s32 s5;
	_ =	sdelay $0x1  }
0xa7: {  	s23 =	simm.s32 $0x1B8B  }
0xa8: {  	_ =	swait.ge [sflag:s23], $0x1  }
0xa9: {  	[sflag:s23] =	ssyncset.done $0x0  }
0xaa: {  	[sflag:s23] =	ssyncadd.s32 $0xFFFFFFFF  }
0xab: {  	s5 =	sld [smem:$0x0]  }
0xac: {  	s6 =	sand.u32 $0xFFFFFFFE, s1  }
0xad: {  	p0 =	sne.s32 s1, s6  }
0xae: {  	s6 =	sshll.u32 @p0 s6, $0xE  }
0xaf: {  	s6 =	sadd.s32 @p0 $0x11B8D, s6;
	s7 =	sshll.u32 @p0 s5, $0x11  }
0xb0: {  	s6 =	sor.u32 @p0 s7, s6  }
0xb1: {  	[sflag:s6] =	ssyncadd.remote.s32 @p0 $0x1;
	_ =	sdelay $0x1  }
0xb2: {  	s6 =	simm.s32 @p0 $0x1B8D  }
0xb3: {  	_ =	swait.eq @p0 [sflag:s6], $0x1  }
0xb4: {  	[sflag:s6] =	ssyncadd.s32 @p0 $0xFFFFFFFF  }
0xb5: {  	s7 =	sshll.u32 @!p0 s1, $0xE  }
0xb6: {  	s7 =	sor.u32 @!p0 $0x4000, s7;
	s6 =	simm.s32 @!p0 $0x1B8D  }
0xb7: {  	s5 =	sshll.u32 @!p0 s5, $0x11;
	s7 =	sadd.s32 @!p0 $0x11B8D, s7;
	_ =	swait.eq @!p0 [sflag:s6], $0x1  }
0xb8: {  	s5 =	sor.u32 @!p0 s5, s7;
	[sflag:s6] =	ssyncadd.s32 @!p0 $0xFFFFFFFF  }
0xb9: {  	s25 =	simm.s32 $0x1B8E;
	s24 =	sld [smem:$0x3FFE];
	[sflag:s5] =	ssyncadd.remote.s32 @!p0 $0x1  }
0xba: {  	s26 =	simm.s32 $execute0_lowered;
	[smem:$0x3FD2] =	sst s25  }
0xbb: {  	s6 =	sshll.u32 s26, $0x1;
	_ =	strace $0x80000049;
	[dreg:$0x1] =	wrdreg $0xFFFFFFFF  }
0xbc: {  	s28 =	simm.s32 $_size_execute0_lowered;
	s4 =	sadd.s32 s4, s6;
	[dreg:$0x0] =	wrdreg $0x0  }
0xbd: {  	s6 =	sshll.u32 s28, $0x1;
	[dreg:$0x2] =	wrdreg s4  }
0xbe: {  	[dreg:$0x3] =	wrdreg s6  }
0xbf: {  	[dreg:$0x4] =	wrdreg $0xC0  }
0xc0: {  	_ =	task [dreg:s22], $0x5FFFF  }
0xc1: {  	[dreg:$0x1] =	wrdreg $0xFFFFFFFF  }
0xc2: {  	[dreg:$0x0] =	wrdreg $0x60  }
0xc3: {  	[dreg:$0x2] =	wrdreg s17  }
0xc4: {  	[dreg:$0x3] =	wrdreg s24  }
0xc5: {  	[dreg:$0x4] =	wrdreg $0xA  }
0xc6: {  	_ =	task.clear_ibuf [dreg:s22], $0x5FFFF;
	_ =	strace $0x90000049  }
0xc7: {  	s29 =	simm.s32 $0xA;
	_ =	strace $0x8000004B  }
0xc8: {  	_ =	swait.ge [sflag:s29], $0x1  }
0xc9: {  	[sflag:s29] =	ssyncadd.s32 $0xFFFFFFFF  }
0xca: {  	_ =	strace $0x9000004B  }
0xcb: {  	_ =	sfence  }
0xcc: {  	s30 =	sld [smem:$0x0];
	_ =	sdelay $0x2  }
0xcd: {  	s31 =	sshll.u32 s1, $0xD;
	s1 =	sshrl.u32 s1, $0x2  }
0xce: {  	s4 =	sand.u32 $0x4000, s31;
	s1 =	sadd.s32 s1, s30  }
0xcf: {  	s0 =	sor.u32 s4, s0;
	s1 =	sshll.u32 s1, $0x11  }
0xd0: {  	s0 =	sor.u32 s1, s0  }
0xd1: {  	s0 =	sadd.s32 $0x8F2B, s0  }
0xd2: {  	[sflag:s0] =	ssyncadd.remote.s32 $0x1  }
0xd3: {  	_ =	sfence.sel $0xFFFF  }
0xd4: {  	[dreg:$0x0] =	wrdreg $0xFFFFFFFF;
	(pc) =	sbr.abs _section_cstart, $3  }
0xd5: {  	[dreg:$0x1] =	wrdreg $0xFFFFFFFF  }
0xd6: {  	_ =	task.clear_ibuf [dreg:s22], $0x2FFFF;
	_ =	strace $0x9FFFFFFF  }
0xd7: {  	(tm) =	ssettm $0x7FFFFFFF  }
tec
execute0_lowered:
.L_overlay_start_1:
0x0: {  	(tag) =	ssettag $0x1  }
0x1: {  	s2 =	rddreg [dreg:$0x0]  }
0x2: {  	s4 =	rddreg [dreg:$0x1]  }
0x3: {  	s0 =	rddreg [dreg:$0x2]  }
0x4: {  	s5 =	srdreg.scid;
	s1 =	stileid.u32  }
0x5: {  	s3 =	simm.s32 $0x0;
	s15 =	simm.s32 $0x4200;
	s16 =	simm.s32 $0x1  }
0x6: {  	s17 =	simm.s32 $0x100;
	s18 =	simm.s32 $0x8200;
	s19 =	simm.s32 $0x180  }
0x7: {  	s20 =	simm.s32 $0xC200;
	s21 =	simm.s32 $0x2;
	s22 =	simm.s32 $0x3  }
0x8: {  	s23 =	simm.s32 $0x0;
	s9 =	sand.u32 $0x1, s5;
	s12 =	smul.u32 $0x2800, s1  }
0x9: {  	s25 =	sshll.u32 s1, $0x1;
	s11 =	sadd.s32 $0x2EC600, s4;
	s14 =	smul.u32 $0x28000, s1  }
0xa: {  	[smem:$0x7FF] =	sst s3;
	s10 =	sadd.s32 $0x2F1600, s4;
	s13 =	smul.u32 $0x1400, s9  }
0xb: {  	s6 =	ssub.s32 $0x2, s9;
	s5 =	sor.u32 s9, s25;
	s9 =	smul.u32 $0x14000, s9  }
0xc: {  	_ =	strace $0x8000004A;
	s7 =	sshrl.u32 s6, $0x1;
	s8 =	smul.u32 $0x1400, s5  }
0xd: {  	s29 =	smul.u32 $0x14000, s5;
	s26 =	ssub.s32 s6, s7;
	s12 =	sadd.s32 s13, s12  }
0xe: {  	s4 =	smax.u32 s26, $0x1;
	s28 =	sshrl.u32 s8, $0x3;
	s8 =	sor.u32 $0x100, s8  }
0xf: {  	s6 =	sadd.s32 s10, s29;
	s13 =	sor.u32 $0x300, s12;
	s12 =	sor.u32 $0x200, s12  }
0x10: {  	s5 =	sadd.s32 s11, s28;
	s30 =	sshrl.u32 s8, $0x3;
	s8 =	sshll.u32 s8, $0x4  }
0x11: {  	s31 =	sshrl.u32 s13, $0x3;
	s12 =	sshrl.u32 s12, $0x3;
	s13 =	simm.s32 $0x80  }
0x12: {  	s7 =	sadd.s32 s11, s30;
	s8 =	sadd.s32 s10, s8;
	s10 =	sadd.s32 s14, s10  }
0x13: {  	s14 =	simm.s32 $0x200;
	s9 =	sadd.s32 s9, s10;
	s10 =	sadd.s32 s31, s11  }
0x14: {  	s11 =	sadd.s32 s12, s11;
	s12 =	simm.s32 $0x4;
	s9 =	sadd.s32 $0x3000, s9  }
.LBB2_1:
0x15: {  	[tilespmem:s3], [sflag:$0x4] =	stream.linear.gather [hbm4b:s5+s3], $0x100, $0x38;
	[tilespmem:$0x10200] =	vst v63  }
0x16: {  	_ =	swait.ge [sflag:s12], $0x100  }
0x17: {  	[sflag:s12] =	ssyncset.done $0x0  }
0x18: {  	[sflag:s12] =	ssyncadd.s32 $0xFFFFFF00  }
0x19: {  	[tilespmem:s14], [sflag:$0x1] =	stream.indirect.gather [hbm4b:s2+s13], $0x80, s3, s13, $0xb8;
	[tilespmem:$0x10200] =	vst v63  }
0x1a: {  	_ = 	snop  }
0x1b: {  	[tilespmem:s15], [sflag:$0x1] =	stream.indirect.gather [hbm4b:s2+s13], $0x80, s13, s13, $0xb8;
	[tilespmem:$0x10200] =	vst v63  }
0x1c: {  	_ =	swait.ge [sflag:s16], $0x4000  }
0x1d: {  	[sflag:s16] =	ssyncset.done $0x0  }
0x1e: {  	[sflag:s16] =	ssyncadd.s32 $0xFFFFC000  }
0x1f: {  	_ =	swait.ge [sflag:s16], $0x4000  }
0x20: {  	[sflag:s16] =	ssyncset.done $0x0  }
0x21: {  	[sflag:s16] =	ssyncadd.s32 $0xFFFFC000  }
0x22: {  	[hbm4b:s6+s3] =	stream.linear.scatter [tilespmem:s14], [sflag:$0x2], $0x8000, $0x38;
	[tilespmem:$0x10200] =	vst v63  }
0x23: {  	_ = 	snop  }
0x24: {  	[tilespmem:s17], [sflag:$0x4] =	stream.linear.gather [hbm4b:s7+s3], $0x100, $0x38;
	[tilespmem:$0x10200] =	vst v63  }
0x25: {  	_ =	swait.ge [sflag:s12], $0x100  }
0x26: {  	[sflag:s12] =	ssyncset.done $0x0  }
0x27: {  	[sflag:s12] =	ssyncadd.s32 $0xFFFFFF00  }
0x28: {  	[tilespmem:s18], [sflag:$0x1] =	stream.indirect.gather [hbm4b:s2+s13], $0x80, s17, s13, $0xb8;
	[tilespmem:$0x10200] =	vst v63  }
0x29: {  	_ = 	snop  }
0x2a: {  	[tilespmem:s20], [sflag:$0x1] =	stream.indirect.gather [hbm4b:s2+s13], $0x80, s19, s13, $0xb8;
	[tilespmem:$0x10200] =	vst v63  }
0x2b: {  	_ =	swait.ge [sflag:s16], $0x4000  }
0x2c: {  	[sflag:s16] =	ssyncset.done $0x0  }
0x2d: {  	[sflag:s16] =	ssyncadd.s32 $0xFFFFC000  }
0x2e: {  	_ =	swait.ge [sflag:s16], $0x4000  }
0x2f: {  	[sflag:s16] =	ssyncset.done $0x0  }
0x30: {  	[sflag:s16] =	ssyncadd.s32 $0xFFFFC000  }
0x31: {  	[hbm4b:s8+s3] =	stream.linear.scatter [tilespmem:s18], [sflag:$0x3], $0x8000, $0x38;
	[tilespmem:$0x10200] =	vst v63  }
0x32: {  	_ =	swait.ge [sflag:s21], $0x8000  }
0x33: {  	[sflag:s21] =	ssyncset.done $0x0  }
0x34: {  	s24 =	sadd.s32 $0x0, s11;
	[sflag:s21] =	ssyncadd.s32 $0xFFFF8000  }
0x35: {  	[tilespmem:s3], [sflag:$0x4] =	stream.linear.gather [hbm4b:s24+s3], $0x100, $0x38;
	[tilespmem:$0x10200] =	vst v63  }
0x36: {  	_ =	swait.ge [sflag:s12], $0x100  }
0x37: {  	[sflag:s12] =	ssyncset.done $0x0  }
0x38: {  	[sflag:s12] =	ssyncadd.s32 $0xFFFFFF00  }
0x39: {  	[tilespmem:s14], [sflag:$0x1] =	stream.indirect.gather [hbm4b:s2+s13], $0x80, s3, s13, $0xb8;
	[tilespmem:$0x10200] =	vst v63  }
0x3a: {  	_ = 	snop  }
0x3b: {  	[tilespmem:s15], [sflag:$0x1] =	stream.indirect.gather [hbm4b:s2+s13], $0x80, s13, s13, $0xb8;
	[tilespmem:$0x10200] =	vst v63  }
0x3c: {  	_ =	swait.ge [sflag:s16], $0x4000  }
0x3d: {  	[sflag:s16] =	ssyncset.done $0x0  }
0x3e: {  	[sflag:s16] =	ssyncadd.s32 $0xFFFFC000  }
0x3f: {  	_ =	swait.ge [sflag:s16], $0x4000  }
0x40: {  	[sflag:s16] =	ssyncset.done $0x0  }
0x41: {  	s30 =	sadd.s32 $0xFFFFF000, s9;
	[sflag:s16] =	ssyncadd.s32 $0xFFFFC000  }
0x42: {  	[hbm4b:s30+s3] =	stream.linear.scatter [tilespmem:s14], [sflag:$0x2], $0x8000, $0x38;
	[tilespmem:$0x10200] =	vst v63  }
0x43: {  	_ =	swait.ge [sflag:s22], $0x8000  }
0x44: {  	[sflag:s22] =	ssyncset.done $0x0  }
0x45: {  	s31 =	sadd.s32 $0x0, s10;
	[sflag:s22] =	ssyncadd.s32 $0xFFFF8000  }
0x46: {  	[tilespmem:s17], [sflag:$0x4] =	stream.linear.gather [hbm4b:s31+s3], $0x100, $0x38;
	[tilespmem:$0x10200] =	vst v63  }
0x47: {  	_ =	swait.ge [sflag:s12], $0x100  }
0x48: {  	[sflag:s12] =	ssyncset.done $0x0  }
0x49: {  	[sflag:s12] =	ssyncadd.s32 $0xFFFFFF00  }
0x4a: {  	[tilespmem:s18], [sflag:$0x1] =	stream.indirect.gather [hbm4b:s2+s13], $0x80, s17, s13, $0xb8;
	[tilespmem:$0x10200] =	vst v63  }
0x4b: {  	_ = 	snop  }
0x4c: {  	[tilespmem:s20], [sflag:$0x1] =	stream.indirect.gather [hbm4b:s2+s13], $0x80, s19, s13, $0xb8;
	[tilespmem:$0x10200] =	vst v63  }
0x4d: {  	_ =	swait.ge [sflag:s16], $0x4000  }
0x4e: {  	[sflag:s16] =	ssyncset.done $0x0  }
0x4f: {  	[sflag:s16] =	ssyncadd.s32 $0xFFFFC000  }
0x50: {  	_ =	swait.ge [sflag:s16], $0x4000  }
0x51: {  	s25 =	sadd.s32 $0x2000, s9;
	[sflag:s16] =	ssyncset.done $0x0  }
0x52: {  	s26 =	smov.u32 s9;
	s24 =	simm.s32 $0x40;
	[sflag:s16] =	ssyncadd.s32 $0xFFFFC000  }
.LBB2_2:
0x53: {  	[hbm4b:s26+s3] =	stream.linear.scatter [tilespmem:s18], [sflag:$0x3], $0x8000, $0x38;
	[tilespmem:$0x10200] =	vst v63  }
0x54: {  	s28 =	smov.u32 s24;
	s26 =	smov.u32 s25  }
0x55: {  	p0 =	sne.s32 s24, $0x200;
	s24 =	sadd.s32 $0x40, s24;
	_ =	swait.ge [sflag:s21], $0x8000  }
0x56: {  	[sflag:s21] =	ssyncset.done $0x0  }
0x57: {  	s29 =	sadd.s32 s28, s11;
	[sflag:s21] =	ssyncadd.s32 $0xFFFF8000  }
0x58: {  	[tilespmem:s3], [sflag:$0x4] =	stream.linear.gather [hbm4b:s29+s3], $0x100, $0x38;
	[tilespmem:$0x10200] =	vst v63  }
0x59: {  	_ =	swait.ge [sflag:s12], $0x100  }
0x5a: {  	[sflag:s12] =	ssyncset.done $0x0  }
0x5b: {  	[sflag:s12] =	ssyncadd.s32 $0xFFFFFF00  }
0x5c: {  	[tilespmem:s14], [sflag:$0x1] =	stream.indirect.gather [hbm4b:s2+s13], $0x80, s3, s13, $0xb8;
	[tilespmem:$0x10200] =	vst v63  }
0x5d: {  	_ = 	snop  }
0x5e: {  	[tilespmem:s15], [sflag:$0x1] =	stream.indirect.gather [hbm4b:s2+s13], $0x80, s13, s13, $0xb8;
	[tilespmem:$0x10200] =	vst v63  }
0x5f: {  	_ =	swait.ge [sflag:s16], $0x4000  }
0x60: {  	[sflag:s16] =	ssyncset.done $0x0  }
0x61: {  	[sflag:s16] =	ssyncadd.s32 $0xFFFFC000  }
0x62: {  	_ =	swait.ge [sflag:s16], $0x4000  }
0x63: {  	[sflag:s16] =	ssyncset.done $0x0  }
0x64: {  	s29 =	sadd.s32 $0xFFFFF000, s25;
	[sflag:s16] =	ssyncadd.s32 $0xFFFFC000  }
0x65: {  	[hbm4b:s29+s3] =	stream.linear.scatter [tilespmem:s14], [sflag:$0x2], $0x8000, $0x38;
	[tilespmem:$0x10200] =	vst v63  }
0x66: {  	_ =	swait.ge [sflag:s22], $0x8000  }
0x67: {  	[sflag:s22] =	ssyncset.done $0x0  }
0x68: {  	s28 =	sadd.s32 s28, s10;
	[sflag:s22] =	ssyncadd.s32 $0xFFFF8000  }
0x69: {  	[tilespmem:s17], [sflag:$0x4] =	stream.linear.gather [hbm4b:s28+s3], $0x100, $0x38;
	[tilespmem:$0x10200] =	vst v63  }
0x6a: {  	_ =	swait.ge [sflag:s12], $0x100  }
0x6b: {  	[sflag:s12] =	ssyncset.done $0x0  }
0x6c: {  	[sflag:s12] =	ssyncadd.s32 $0xFFFFFF00  }
0x6d: {  	[tilespmem:s18], [sflag:$0x1] =	stream.indirect.gather [hbm4b:s2+s13], $0x80, s17, s13, $0xb8;
	[tilespmem:$0x10200] =	vst v63  }
0x6e: {  	_ = 	snop  }
0x6f: {  	[tilespmem:s20], [sflag:$0x1] =	stream.indirect.gather [hbm4b:s2+s13], $0x80, s19, s13, $0xb8;
	[tilespmem:$0x10200] =	vst v63  }
0x70: {  	_ =	swait.ge [sflag:s16], $0x4000  }
.Ltmp0:
0x71: {  	[sflag:s16] =	ssyncset.done $0x0;
	(pc) =	sbr.rel @p0 .LBB2_2-.Ltmp0, $4  }
0x72: {  	[sflag:s16] =	ssyncadd.s32 $0xFFFFC000  }
0x73: {  	_ =	swait.ge [sflag:s16], $0x4000  }
0x74: {  	[sflag:s16] =	ssyncset.done $0x0  }
0x75: {  	s25 =	sadd.s32 $0x2000, s25;
	[sflag:s16] =	ssyncadd.s32 $0xFFFFC000  }
0x76: {  	[hbm4b:s26+s3] =	stream.linear.scatter [tilespmem:s18], [sflag:$0x3], $0x8000, $0x38;
	[tilespmem:$0x10200] =	vst v63  }
0x77: {  	s23 =	sadd.s32 $0x1, s23  }
0x78: {  	_ =	swait.ge [sflag:s21], $0x8000;
	p0 =	sne.s32 s23, s4  }
.Ltmp1:
0x79: {  	[sflag:s21] =	ssyncset.done $0x0;
	(pc) =	sbr.rel @p0 .LBB2_1-.Ltmp1, $4  }
0x7a: {  	[sflag:s21] =	ssyncadd.s32 $0xFFFF8000  }
0x7b: {  	_ =	swait.ge [sflag:s22], $0x8000  }
0x7c: {  	[sflag:s22] =	ssyncset.done $0x0  }
0x7d: {  	[sflag:s22] =	ssyncadd.s32 $0xFFFF8000  }
0x7e: {  	_ =	sfence.sel $0x180000  }
0x7f: {  	[bflag:$0x0] =	sbarrier.arrive $0xFFFF  }
0x80: {  	p0 =	sne.s32 s1, $0x0;
	_ =	strace $0x9000004A  }
0x81: {  	s0 =	sadd.s32 @!p0 $0x100000, s0;
	[bflag:$0x2] =	sbarrier.arrive $0xFFFF  }
0x82: {  	[sflag:s0] =	ssyncadd.tile.s32 @!p0 $0x1;
	_ =	shalt  }
.Lfunc_end2:
_tile_overlayer_lowered:
.L_overlay_start_2:
0x83: {  	(tag) =	ssettag $0x2  }
0x84: {  	s0 =	rddreg [dreg:$0x0];
	s2 =	stileid.u32  }
0x85: {  	s1 =	rddreg [dreg:$0x1];
	p0 =	sne.s32 s2, $0x0  }
0x86: {  	s3 =	rddreg [dreg:$0x2];
	[bflag:$0x3] =	sbarrier.arrive $0xFFFF;
	s2 =	simm.s32 @!p0 $0x1C04  }
0x87: {  	[timem:s3], [sflag:s2] =	dma.local @!p0 [hbm:s0], s1  }
0x88: {  	s0 =	simm.s32 @!p0 $0x4  }
0x89: {  	_ =	swait.ge @!p0 [sflag:s0], s1  }
0x8a: {  	s1 =	ssub.s32 @!p0 $0x0, s1;
	[sflag:s0] =	ssyncset.done @!p0 $0x0  }
0x8b: {  	[sflag:s0] =	ssyncadd.s32 @!p0 s1  }
0x8c: {  	[bflag:$0x3] =	sbarrier.arrive $0xFFFF  }
0x8d: {  	_ =	shalt  }

// kernel: kernel.40.cloned.1.call-start
scs
__scs_entry_jumppad:
0x0: {  	(pc) =	sbr.rel $0x88, $3  }
0x1: {  	(tag) =	ssettag $0x0;
	lr =	simm.s32 $0x1  }
0x2: {  	[smem:$0x3F93] =	sst lr;
	_ =	strace $0xD0000000  }
0x3: {  	_ = 	snop  }
0x4: {  	_ = 	snop  }
0x5: {  	_ = 	snop  }
0x6: {  	_ = 	snop  }
0x7: {  	_ = 	snop  }
__scs_overlays_trampoline_lowered:
0x8: {  	[smem:$0x3FA2] =	sst s0  }
0x9: {  	[smem:$0x3FA3] =	sst s1  }
0xa: {  	[smem:$0x3FA4] =	sst s2  }
0xb: {  	[smem:$0x3FA5] =	sst s3  }
0xc: {  	[smem:$0x3FA6] =	sst s4  }
0xd: {  	[smem:$0x3FA7] =	sst s5  }
0xe: {  	[smem:$0x3FA8] =	sst s6  }
0xf: {  	[smem:$0x3FA9] =	sst s7  }
0x10: {  	[smem:$0x3FAA] =	sst s8  }
0x11: {  	[smem:$0x3FAB] =	sst s9;
	s0 =	simm.s32 @!p0 $0x0  }
0x12: {  	s1 =	sld [smem:$0x3F91];
	s0 =	simm.s32 @p0 $0x1  }
0x13: {  	[smem:$0x3FAC] =	sst s0;
	s0 =	simm.s32 @!p1 $0x0  }
0x14: {  	s2 =	sld [smem:$0x3F90];
	s0 =	simm.s32 @p1 $0x1  }
0x15: {  	[smem:$0x3FAD] =	sst s0;
	s0 =	simm.s32 @!p2 $0x0  }
0x16: {  	s3 =	sld [smem:$0x3FDB];
	s0 =	simm.s32 @p2 $0x1  }
0x17: {  	s4 =	simm.s32 $0x1BF5;
	[smem:$0x3FAF] =	sst s0  }
0x18: {  	s0 =	sld [smem:$0x3F92];
	_ =	swait.ge [sflag:s4], $0x0  }
0x19: {  	s7 =	sld [smem:$0x3F93]  }
0x1a: {  	s8 =	sadd.s32 $0xFFFFE003, lr  }
0x1b: {  	s9 =	sadd.s32 $0xFFFFFEF7, lr;
	s5 =	simm.s32 $0xFFFFFFFF;
	p2 =	slt.u32 s8, $0xFFFFF086  }
0x1c: {  	p1 =	slt.u32 s9, $0xF7A;
	s5 =	simm.s32 @!p2 $0x0  }
0x1d: {  	s5 =	simm.s32 @p1 $0x1;
	p0 =	seq.s32 s7, s2  }
0x1e: {  	s7 =	smul.u32 @!p0 $0xF7A, s2;
	p2 =	seq.s32 @!p0 s5, $0x0  }
0x1f: {  	s9 =	smul.u32 $0xF7A, s1;
	s8 =	simm.s32 @!p0 $0x1BF5;
	p2 =	por !p2, p0  }
0x20: {  	[sflag:s8] =	ssyncset.s32 @!p0 $0xFFFFF086;
	s6 =	sadd.s32 @!p0 s3, s7;
	s7 =	simm.s32 @!p0 $0x108  }
0x21: {  	s3 =	sadd.s32 s3, s9;
	s6 =	sadd.s32 @!p0 $0x88, s6;
	s7 =	simm.s32 @p2 $0x1082  }
0x22: {  	[simem:s7], [sflag:s8] =	dma.local @!p0 [hbm:s6], $0xF7A  }
0x23: {  	s9 =	sor.u32 $0xD0000000, s2;
	s6 =	simm.s32 $0x108;
	_ =	swait.ge @!p0 [sflag:s8], $0x0  }
0x24: {  	s3 =	sadd.s32 $0x88, s3;
	s6 =	simm.s32 @!p1 $0x1082;
	[sflag:s4] =	ssyncset.s32 $0xFFFFF086  }
0x25: {  	[simem:s6], [sflag:s4] =	dma.local [hbm:s3], $0xF7A  }
0x26: {  	[smem:$0x3F93] =	sst s1;
	(tag) =	ssettag s2;
	_ =	strace s9  }
0x27: {  	s1 =	sld [smem:$0x3FA3]  }
0x28: {  	s2 =	sld [smem:$0x3FA4]  }
0x29: {  	s4 =	sld [smem:$0x3FA6]  }
0x2a: {  	p0 =	seq.s32 s5, $0x0;
	s5 =	sld [smem:$0x3FA7]  }
0x2b: {  	s6 =	sld [smem:$0x3FA8]  }
0x2c: {  	s7 =	sld [smem:$0x3FA9]  }
0x2d: {  	s3 =	simm.s32 $0x108;
	s8 =	sld [smem:$0x3FAA]  }
0x2e: {  	s3 =	simm.s32 @!p0 $0x1082;
	s9 =	sld [smem:$0x3FAB]  }
0x2f: {  	lr =	sadd.s32 s0, s3;
	s0 =	sld [smem:$0x3FA2]  }
0x30: {  	s3 =	sld [smem:$0x3FA5]  }
0x31: {  	[smem:$0x3FAE] =	sst s10  }
0x32: {  	s10 =	sld [smem:$0x3FAC];
	_ =	sdelay $0x3  }
0x33: {  	p0 =	seq.s32 s10, $0x1;
	s10 =	sld [smem:$0x3FAE];
	_ =	sdelay $0x3  }
0x34: {  	[smem:$0x3FAE] =	sst s10  }
0x35: {  	s10 =	sld [smem:$0x3FAD];
	_ =	sdelay $0x3  }
0x36: {  	p1 =	seq.s32 s10, $0x1;
	s10 =	sld [smem:$0x3FAE];
	_ =	sdelay $0x3  }
0x37: {  	[smem:$0x3FAE] =	sst s10  }
0x38: {  	s10 =	sld [smem:$0x3FAF]  }
0x39: {  	_ = 	snop;
	(pc) =	sbr.ind lr, $3  }
0x3a: {  	_ = 	snop  }
0x3b: {  	_ = 	snop  }
0x3c: {  	p2 =	seq.s32 s10, $0x1;
	s10 =	sld [smem:$0x3FAE]  }
0x3d: {  	_ =	shalt  }
0x3e: {  	_ =	shalt  }
0x3f: {  	_ =	shalt  }
0x40: {  	_ =	shalt  }
0x41: {  	_ =	shalt  }
0x42: {  	_ =	shalt  }
0x43: {  	_ =	shalt  }
0x44: {  	_ =	shalt  }
0x45: {  	_ =	shalt  }
0x46: {  	_ =	shalt  }
0x47: {  	_ =	shalt  }
0x48: {  	_ =	shalt  }
0x49: {  	_ =	shalt  }
0x4a: {  	_ =	shalt  }
0x4b: {  	_ =	shalt  }
0x4c: {  	_ =	shalt  }
0x4d: {  	_ =	shalt  }
0x4e: {  	_ =	shalt  }
0x4f: {  	_ =	shalt  }
0x50: {  	_ =	shalt  }
0x51: {  	_ =	shalt  }
0x52: {  	_ =	shalt  }
0x53: {  	_ =	shalt  }
0x54: {  	_ =	shalt  }
0x55: {  	_ =	shalt  }
0x56: {  	_ =	shalt  }
0x57: {  	_ =	shalt  }
0x58: {  	_ =	shalt  }
0x59: {  	_ =	shalt  }
0x5a: {  	_ =	shalt  }
0x5b: {  	_ =	shalt  }
0x5c: {  	_ =	shalt  }
0x5d: {  	_ =	shalt  }
0x5e: {  	_ =	shalt  }
0x5f: {  	_ =	shalt  }
0x60: {  	_ =	shalt  }
0x61: {  	_ =	shalt  }
0x62: {  	_ =	shalt  }
0x63: {  	_ =	shalt  }
0x64: {  	_ =	shalt  }
0x65: {  	_ =	shalt  }
0x66: {  	_ =	shalt  }
0x67: {  	_ =	shalt  }
0x68: {  	_ =	shalt  }
0x69: {  	_ =	shalt  }
0x6a: {  	_ =	shalt  }
0x6b: {  	_ =	shalt  }
0x6c: {  	_ =	shalt  }
0x6d: {  	_ =	shalt  }
0x6e: {  	_ =	shalt  }
0x6f: {  	_ =	shalt  }
0x70: {  	_ =	shalt  }
0x71: {  	_ =	shalt  }
0x72: {  	_ =	shalt  }
0x73: {  	_ =	shalt  }
0x74: {  	_ =	shalt  }
0x75: {  	_ =	shalt  }
0x76: {  	_ =	shalt  }
0x77: {  	_ =	shalt  }
0x78: {  	_ =	shalt  }
0x79: {  	_ =	shalt  }
0x7a: {  	_ =	shalt  }
0x7b: {  	_ =	shalt  }
0x7c: {  	_ =	shalt  }
0x7d: {  	_ =	shalt  }
0x7e: {  	_ =	shalt  }
0x7f: {  	_ =	shalt  }
0x80: {  	_ =	shalt  }
0x81: {  	_ =	shalt  }
0x82: {  	_ =	shalt  }
0x83: {  	_ =	shalt  }
0x84: {  	_ =	shalt  }
0x85: {  	_ =	shalt  }
0x86: {  	_ =	shalt  }
0x87: {  	_ =	shalt  }
.Lfunc_end0:
.L_simem_size_0:
called_computation.4_lowered:
.L_overlay_start_0:
0x88: {  	s2 =	sld [smem:$0x3FD9]  }
0x89: {  	s3 =	sld [smem:$0x3FFE];
	_ =	sdelay $0x1  }
0x8a: {  	s1 =	srdreg.scid  }
0x8b: {  	s0 =	sand.u32 $0x1, s1  }
0x8c: {  	s15 =	sshll.u32 s0, $0xA;
	s2 =	sadd.s32 s3, s2  }
0x8d: {  	s2 =	sadd.s32 s2, s15  }
0x8e: {  	[smem:$0x3FBA] =	sst s2  }
0x8f: {  	_ = 	snop  }
0x90: {  	s2 =	sld [smem:$0x3FD0];
	_ =	sdelay $0x2  }
0x91: {  	s16 =	simm.s32 $0xB;
	s4 =	simm.s32 $0x10  }
0x92: {  	[smem:s4], [sflag:s16] =	dma.local [hbm:s2], $0x1  }
0x93: {  	_ =	swait.eq [sflag:s16], $0x1  }
0x94: {  	[sflag:s16] =	ssyncset.done $0x0  }
0x95: {  	[sflag:s16] =	ssyncadd.s32 $0xFFFFFFFF  }
0x96: {  	s17 =	sld [smem:$0x11];
	(tm) =	ssettm $0x1  }
0x97: {  	s18 =	sld [smem:$0x3FFB];
	_ =	sdelay $0x3  }
0x98: {  	_ =	strace s18  }
0x99: {  	s2 =	sld [smem:$0x3FFC];
	_ =	sdelay $0x3  }
0x9a: {  	_ =	strace s2  }
0x9b: {  	s2 =	sld [smem:$0x3FFD];
	_ =	sdelay $0x3  }
0x9c: {  	_ =	strace s2  }
0x9d: {  	_ =	strace $0x8FFFFFFF  }
0x9e: {  	s19 =	sld [smem:$0x3FDB];
	_ =	sdelay $0x1  }
0x9f: {  	s20 =	simm.s32 $_scs_section_size  }
0xa0: {  	s5 =	simm.s32 $_size__tile_overlayer_lowered;
	s6 =	simm.s32 $_tile_overlayer_lowered  }
0xa1: {  	s7 =	simm.s32 $0x1BFF;
	s21 =	sshll.u32 s6, $0x1;
	s4 =	sadd.s32 s20, s19  }
0xa2: {  	s22 =	simm.s32 $0x0;
	s5 =	sshll.u32 s5, $0x1;
	s6 =	sadd.s32 s21, s4  }
0xa3: {  	[timem:s22], [sflag:s7] =	dma.local [hbm:s6], s5  }
0xa4: {  	_ =	swait.ge [sflag:s7], s5  }
0xa5: {  	s5 =	ssub.s32 $0x0, s5;
	[sflag:s7] =	ssyncset.done $0x0  }
0xa6: {  	[sflag:s7] =	ssyncadd.s32 s5;
	_ =	sdelay $0x1  }
0xa7: {  	s23 =	simm.s32 $0x1B8B  }
0xa8: {  	_ =	swait.ge [sflag:s23], $0x1  }
0xa9: {  	[sflag:s23] =	ssyncset.done $0x0  }
0xaa: {  	[sflag:s23] =	ssyncadd.s32 $0xFFFFFFFF  }
0xab: {  	s5 =	sld [smem:$0x0]  }
0xac: {  	s6 =	sand.u32 $0xFFFFFFFE, s1  }
0xad: {  	p0 =	sne.s32 s1, s6  }
0xae: {  	s6 =	sshll.u32 @p0 s6, $0xE  }
0xaf: {  	s6 =	sadd.s32 @p0 $0x11B8D, s6;
	s7 =	sshll.u32 @p0 s5, $0x11  }
0xb0: {  	s6 =	sor.u32 @p0 s7, s6  }
0xb1: {  	[sflag:s6] =	ssyncadd.remote.s32 @p0 $0x1;
	_ =	sdelay $0x1  }
0xb2: {  	s6 =	simm.s32 @p0 $0x1B8D  }
0xb3: {  	_ =	swait.eq @p0 [sflag:s6], $0x1  }
0xb4: {  	[sflag:s6] =	ssyncadd.s32 @p0 $0xFFFFFFFF  }
0xb5: {  	s7 =	sshll.u32 @!p0 s1, $0xE  }
0xb6: {  	s7 =	sor.u32 @!p0 $0x4000, s7;
	s6 =	simm.s32 @!p0 $0x1B8D  }
0xb7: {  	s5 =	sshll.u32 @!p0 s5, $0x11;
	s7 =	sadd.s32 @!p0 $0x11B8D, s7;
	_ =	swait.eq @!p0 [sflag:s6], $0x1  }
0xb8: {  	s5 =	sor.u32 @!p0 s5, s7;
	[sflag:s6] =	ssyncadd.s32 @!p0 $0xFFFFFFFF  }
0xb9: {  	s25 =	simm.s32 $0x1B8E;
	s24 =	sld [smem:$0x3FFE];
	[sflag:s5] =	ssyncadd.remote.s32 @!p0 $0x1  }
0xba: {  	s26 =	simm.s32 $execute0_lowered;
	[smem:$0x3FD2] =	sst s25  }
0xbb: {  	s6 =	sshll.u32 s26, $0x1;
	_ =	strace $0x8000004F;
	[dreg:$0x1] =	wrdreg $0xFFFFFFFF  }
0xbc: {  	s28 =	simm.s32 $_size_execute0_lowered;
	s4 =	sadd.s32 s4, s6;
	[dreg:$0x0] =	wrdreg $0x0  }
0xbd: {  	s6 =	sshll.u32 s28, $0x1;
	[dreg:$0x2] =	wrdreg s4  }
0xbe: {  	[dreg:$0x3] =	wrdreg s6  }
0xbf: {  	[dreg:$0x4] =	wrdreg $0xC0  }
0xc0: {  	_ =	task [dreg:s22], $0x5FFFF  }
0xc1: {  	[dreg:$0x1] =	wrdreg $0xFFFFFFFF  }
0xc2: {  	[dreg:$0x0] =	wrdreg $0x60  }
0xc3: {  	[dreg:$0x2] =	wrdreg s17  }
0xc4: {  	[dreg:$0x3] =	wrdreg s24  }
0xc5: {  	[dreg:$0x4] =	wrdreg $0xA  }
0xc6: {  	_ =	task.clear_ibuf [dreg:s22], $0x5FFFF;
	_ =	strace $0x9000004F  }
0xc7: {  	s29 =	simm.s32 $0xA;
	_ =	strace $0x80000051  }
0xc8: {  	_ =	swait.ge [sflag:s29], $0x1  }
0xc9: {  	[sflag:s29] =	ssyncadd.s32 $0xFFFFFFFF  }
0xca: {  	_ =	strace $0x90000051  }
0xcb: {  	_ =	sfence  }
0xcc: {  	s30 =	sld [smem:$0x0];
	_ =	sdelay $0x2  }
0xcd: {  	s31 =	sshll.u32 s1, $0xD;
	s1 =	sshrl.u32 s1, $0x2  }
0xce: {  	s4 =	sand.u32 $0x4000, s31;
	s1 =	sadd.s32 s1, s30  }
0xcf: {  	s0 =	sor.u32 s4, s0;
	s1 =	sshll.u32 s1, $0x11  }
0xd0: {  	s0 =	sor.u32 s1, s0  }
0xd1: {  	s0 =	sadd.s32 $0x8F2B, s0  }
0xd2: {  	[sflag:s0] =	ssyncadd.remote.s32 $0x1  }
0xd3: {  	_ =	sfence.sel $0xFFFF  }
0xd4: {  	[dreg:$0x0] =	wrdreg $0xFFFFFFFF;
	(pc) =	sbr.abs _section_cstart, $3  }
0xd5: {  	[dreg:$0x1] =	wrdreg $0xFFFFFFFF  }
0xd6: {  	_ =	task.clear_ibuf [dreg:s22], $0x2FFFF;
	_ =	strace $0x9FFFFFFF  }
0xd7: {  	(tm) =	ssettm $0x7FFFFFFF  }
tec
execute0_lowered:
.L_overlay_start_1:
0x0: {  	(tag) =	ssettag $0x1  }
0x1: {  	s2 =	rddreg [dreg:$0x0]  }
0x2: {  	s4 =	rddreg [dreg:$0x1]  }
0x3: {  	s0 =	rddreg [dreg:$0x2]  }
0x4: {  	s5 =	srdreg.scid;
	s1 =	stileid.u32  }
0x5: {  	s3 =	simm.s32 $0x0;
	s15 =	simm.s32 $0x4200;
	s16 =	simm.s32 $0x1  }
0x6: {  	s17 =	simm.s32 $0x100;
	s18 =	simm.s32 $0x8200;
	s19 =	simm.s32 $0x180  }
0x7: {  	s20 =	simm.s32 $0xC200;
	s21 =	simm.s32 $0x2;
	s22 =	simm.s32 $0x3  }
0x8: {  	s23 =	simm.s32 $0x0;
	s9 =	sand.u32 $0x1, s5;
	s12 =	smul.u32 $0x2800, s1  }
0x9: {  	s25 =	sshll.u32 s1, $0x1;
	[smem:$0x7FF] =	sst s3;
	s14 =	smul.u32 $0x28000, s1  }
0xa: {  	s11 =	sadd.s32 $0x2C600, s4;
	s10 =	sadd.s32 $0xA7600, s4;
	s13 =	smul.u32 $0x1400, s9  }
0xb: {  	s6 =	ssub.s32 $0x2, s9;
	s5 =	sor.u32 s9, s25;
	s9 =	smul.u32 $0x14000, s9  }
0xc: {  	_ =	strace $0x80000050;
	s7 =	sshrl.u32 s6, $0x1;
	s8 =	smul.u32 $0x1400, s5  }
0xd: {  	s29 =	smul.u32 $0x14000, s5;
	s26 =	ssub.s32 s6, s7;
	s12 =	sadd.s32 s13, s12  }
0xe: {  	s4 =	smax.u32 s26, $0x1;
	s28 =	sshrl.u32 s8, $0x3;
	s8 =	sor.u32 $0x100, s8  }
0xf: {  	s6 =	sadd.s32 s10, s29;
	s13 =	sor.u32 $0x300, s12;
	s12 =	sor.u32 $0x200, s12  }
0x10: {  	s5 =	sadd.s32 s11, s28;
	s30 =	sshrl.u32 s8, $0x3;
	s8 =	sshll.u32 s8, $0x4  }
0x11: {  	s31 =	sshrl.u32 s13, $0x3;
	s12 =	sshrl.u32 s12, $0x3;
	s13 =	simm.s32 $0x80  }
0x12: {  	s7 =	sadd.s32 s11, s30;
	s8 =	sadd.s32 s10, s8;
	s10 =	sadd.s32 s14, s10  }
0x13: {  	s14 =	simm.s32 $0x200;
	s9 =	sadd.s32 s9, s10;
	s10 =	sadd.s32 s31, s11  }
0x14: {  	s11 =	sadd.s32 s12, s11;
	s12 =	simm.s32 $0x4;
	s9 =	sadd.s32 $0x3000, s9  }
.LBB2_1:
0x15: {  	[tilespmem:s3], [sflag:$0x4] =	stream.linear.gather [hbm4b:s5+s3], $0x100, $0x38;
	[tilespmem:$0x10200] =	vst v63  }
0x16: {  	_ =	swait.ge [sflag:s12], $0x100  }
0x17: {  	[sflag:s12] =	ssyncset.done $0x0  }
0x18: {  	[sflag:s12] =	ssyncadd.s32 $0xFFFFFF00  }
0x19: {  	[tilespmem:s14], [sflag:$0x1] =	stream.indirect.gather [hbm4b:s2+s13], $0x80, s3, s13, $0xb8;
	[tilespmem:$0x10200] =	vst v63  }
0x1a: {  	_ = 	snop  }
0x1b: {  	[tilespmem:s15], [sflag:$0x1] =	stream.indirect.gather [hbm4b:s2+s13], $0x80, s13, s13, $0xb8;
	[tilespmem:$0x10200] =	vst v63  }
0x1c: {  	_ =	swait.ge [sflag:s16], $0x4000  }
0x1d: {  	[sflag:s16] =	ssyncset.done $0x0  }
0x1e: {  	[sflag:s16] =	ssyncadd.s32 $0xFFFFC000  }
0x1f: {  	_ =	swait.ge [sflag:s16], $0x4000  }
0x20: {  	[sflag:s16] =	ssyncset.done $0x0  }
0x21: {  	[sflag:s16] =	ssyncadd.s32 $0xFFFFC000  }
0x22: {  	[hbm4b:s6+s3] =	stream.linear.scatter [tilespmem:s14], [sflag:$0x2], $0x8000, $0x38;
	[tilespmem:$0x10200] =	vst v63  }
0x23: {  	_ = 	snop  }
0x24: {  	[tilespmem:s17], [sflag:$0x4] =	stream.linear.gather [hbm4b:s7+s3], $0x100, $0x38;
	[tilespmem:$0x10200] =	vst v63  }
0x25: {  	_ =	swait.ge [sflag:s12], $0x100  }
0x26: {  	[sflag:s12] =	ssyncset.done $0x0  }
0x27: {  	[sflag:s12] =	ssyncadd.s32 $0xFFFFFF00  }
0x28: {  	[tilespmem:s18], [sflag:$0x1] =	stream.indirect.gather [hbm4b:s2+s13], $0x80, s17, s13, $0xb8;
	[tilespmem:$0x10200] =	vst v63  }
0x29: {  	_ = 	snop  }
0x2a: {  	[tilespmem:s20], [sflag:$0x1] =	stream.indirect.gather [hbm4b:s2+s13], $0x80, s19, s13, $0xb8;
	[tilespmem:$0x10200] =	vst v63  }
0x2b: {  	_ =	swait.ge [sflag:s16], $0x4000  }
0x2c: {  	[sflag:s16] =	ssyncset.done $0x0  }
0x2d: {  	[sflag:s16] =	ssyncadd.s32 $0xFFFFC000  }
0x2e: {  	_ =	swait.ge [sflag:s16], $0x4000  }
0x2f: {  	[sflag:s16] =	ssyncset.done $0x0  }
0x30: {  	[sflag:s16] =	ssyncadd.s32 $0xFFFFC000  }
0x31: {  	[hbm4b:s8+s3] =	stream.linear.scatter [tilespmem:s18], [sflag:$0x3], $0x8000, $0x38;
	[tilespmem:$0x10200] =	vst v63  }
0x32: {  	_ =	swait.ge [sflag:s21], $0x8000  }
0x33: {  	[sflag:s21] =	ssyncset.done $0x0  }
0x34: {  	s24 =	sadd.s32 $0x0, s11;
	[sflag:s21] =	ssyncadd.s32 $0xFFFF8000  }
0x35: {  	[tilespmem:s3], [sflag:$0x4] =	stream.linear.gather [hbm4b:s24+s3], $0x100, $0x38;
	[tilespmem:$0x10200] =	vst v63  }
0x36: {  	_ =	swait.ge [sflag:s12], $0x100  }
0x37: {  	[sflag:s12] =	ssyncset.done $0x0  }
0x38: {  	[sflag:s12] =	ssyncadd.s32 $0xFFFFFF00  }
0x39: {  	[tilespmem:s14], [sflag:$0x1] =	stream.indirect.gather [hbm4b:s2+s13], $0x80, s3, s13, $0xb8;
	[tilespmem:$0x10200] =	vst v63  }
0x3a: {  	_ = 	snop  }
0x3b: {  	[tilespmem:s15], [sflag:$0x1] =	stream.indirect.gather [hbm4b:s2+s13], $0x80, s13, s13, $0xb8;
	[tilespmem:$0x10200] =	vst v63  }
0x3c: {  	_ =	swait.ge [sflag:s16], $0x4000  }
0x3d: {  	[sflag:s16] =	ssyncset.done $0x0  }
0x3e: {  	[sflag:s16] =	ssyncadd.s32 $0xFFFFC000  }
0x3f: {  	_ =	swait.ge [sflag:s16], $0x4000  }
0x40: {  	[sflag:s16] =	ssyncset.done $0x0  }
0x41: {  	s30 =	sadd.s32 $0xFFFFF000, s9;
	[sflag:s16] =	ssyncadd.s32 $0xFFFFC000  }
0x42: {  	[hbm4b:s30+s3] =	stream.linear.scatter [tilespmem:s14], [sflag:$0x2], $0x8000, $0x38;
	[tilespmem:$0x10200] =	vst v63  }
0x43: {  	_ =	swait.ge [sflag:s22], $0x8000  }
0x44: {  	[sflag:s22] =	ssyncset.done $0x0  }
0x45: {  	s31 =	sadd.s32 $0x0, s10;
	[sflag:s22] =	ssyncadd.s32 $0xFFFF8000  }
0x46: {  	[tilespmem:s17], [sflag:$0x4] =	stream.linear.gather [hbm4b:s31+s3], $0x100, $0x38;
	[tilespmem:$0x10200] =	vst v63  }
0x47: {  	_ =	swait.ge [sflag:s12], $0x100  }
0x48: {  	[sflag:s12] =	ssyncset.done $0x0  }
0x49: {  	[sflag:s12] =	ssyncadd.s32 $0xFFFFFF00  }
0x4a: {  	[tilespmem:s18], [sflag:$0x1] =	stream.indirect.gather [hbm4b:s2+s13], $0x80, s17, s13, $0xb8;
	[tilespmem:$0x10200] =	vst v63  }
0x4b: {  	_ = 	snop  }
0x4c: {  	[tilespmem:s20], [sflag:$0x1] =	stream.indirect.gather [hbm4b:s2+s13], $0x80, s19, s13, $0xb8;
	[tilespmem:$0x10200] =	vst v63  }
0x4d: {  	_ =	swait.ge [sflag:s16], $0x4000  }
0x4e: {  	[sflag:s16] =	ssyncset.done $0x0  }
0x4f: {  	[sflag:s16] =	ssyncadd.s32 $0xFFFFC000  }
0x50: {  	_ =	swait.ge [sflag:s16], $0x4000  }
0x51: {  	s25 =	sadd.s32 $0x2000, s9;
	[sflag:s16] =	ssyncset.done $0x0  }
0x52: {  	s26 =	smov.u32 s9;
	s24 =	simm.s32 $0x40;
	[sflag:s16] =	ssyncadd.s32 $0xFFFFC000  }
.LBB2_2:
0x53: {  	[hbm4b:s26+s3] =	stream.linear.scatter [tilespmem:s18], [sflag:$0x3], $0x8000, $0x38;
	[tilespmem:$0x10200] =	vst v63  }
0x54: {  	s28 =	smov.u32 s24;
	s26 =	smov.u32 s25  }
0x55: {  	p0 =	sne.s32 s24, $0x200;
	s24 =	sadd.s32 $0x40, s24;
	_ =	swait.ge [sflag:s21], $0x8000  }
0x56: {  	[sflag:s21] =	ssyncset.done $0x0  }
0x57: {  	s29 =	sadd.s32 s28, s11;
	[sflag:s21] =	ssyncadd.s32 $0xFFFF8000  }
0x58: {  	[tilespmem:s3], [sflag:$0x4] =	stream.linear.gather [hbm4b:s29+s3], $0x100, $0x38;
	[tilespmem:$0x10200] =	vst v63  }
0x59: {  	_ =	swait.ge [sflag:s12], $0x100  }
0x5a: {  	[sflag:s12] =	ssyncset.done $0x0  }
0x5b: {  	[sflag:s12] =	ssyncadd.s32 $0xFFFFFF00  }
0x5c: {  	[tilespmem:s14], [sflag:$0x1] =	stream.indirect.gather [hbm4b:s2+s13], $0x80, s3, s13, $0xb8;
	[tilespmem:$0x10200] =	vst v63  }
0x5d: {  	_ = 	snop  }
0x5e: {  	[tilespmem:s15], [sflag:$0x1] =	stream.indirect.gather [hbm4b:s2+s13], $0x80, s13, s13, $0xb8;
	[tilespmem:$0x10200] =	vst v63  }
0x5f: {  	_ =	swait.ge [sflag:s16], $0x4000  }
0x60: {  	[sflag:s16] =	ssyncset.done $0x0  }
0x61: {  	[sflag:s16] =	ssyncadd.s32 $0xFFFFC000  }
0x62: {  	_ =	swait.ge [sflag:s16], $0x4000  }
0x63: {  	[sflag:s16] =	ssyncset.done $0x0  }
0x64: {  	s29 =	sadd.s32 $0xFFFFF000, s25;
	[sflag:s16] =	ssyncadd.s32 $0xFFFFC000  }
0x65: {  	[hbm4b:s29+s3] =	stream.linear.scatter [tilespmem:s14], [sflag:$0x2], $0x8000, $0x38;
	[tilespmem:$0x10200] =	vst v63  }
0x66: {  	_ =	swait.ge [sflag:s22], $0x8000  }
0x67: {  	[sflag:s22] =	ssyncset.done $0x0  }
0x68: {  	s28 =	sadd.s32 s28, s10;
	[sflag:s22] =	ssyncadd.s32 $0xFFFF8000  }
0x69: {  	[tilespmem:s17], [sflag:$0x4] =	stream.linear.gather [hbm4b:s28+s3], $0x100, $0x38;
	[tilespmem:$0x10200] =	vst v63  }
0x6a: {  	_ =	swait.ge [sflag:s12], $0x100  }
0x6b: {  	[sflag:s12] =	ssyncset.done $0x0  }
0x6c: {  	[sflag:s12] =	ssyncadd.s32 $0xFFFFFF00  }
0x6d: {  	[tilespmem:s18], [sflag:$0x1] =	stream.indirect.gather [hbm4b:s2+s13], $0x80, s17, s13, $0xb8;
	[tilespmem:$0x10200] =	vst v63  }
0x6e: {  	_ = 	snop  }
0x6f: {  	[tilespmem:s20], [sflag:$0x1] =	stream.indirect.gather [hbm4b:s2+s13], $0x80, s19, s13, $0xb8;
	[tilespmem:$0x10200] =	vst v63  }
0x70: {  	_ =	swait.ge [sflag:s16], $0x4000  }
.Ltmp0:
0x71: {  	[sflag:s16] =	ssyncset.done $0x0;
	(pc) =	sbr.rel @p0 .LBB2_2-.Ltmp0, $4  }
0x72: {  	[sflag:s16] =	ssyncadd.s32 $0xFFFFC000  }
0x73: {  	_ =	swait.ge [sflag:s16], $0x4000  }
0x74: {  	[sflag:s16] =	ssyncset.done $0x0  }
0x75: {  	s25 =	sadd.s32 $0x2000, s25;
	[sflag:s16] =	ssyncadd.s32 $0xFFFFC000  }
0x76: {  	[hbm4b:s26+s3] =	stream.linear.scatter [tilespmem:s18], [sflag:$0x3], $0x8000, $0x38;
	[tilespmem:$0x10200] =	vst v63  }
0x77: {  	s23 =	sadd.s32 $0x1, s23  }
0x78: {  	_ =	swait.ge [sflag:s21], $0x8000;
	p0 =	sne.s32 s23, s4  }
.Ltmp1:
0x79: {  	[sflag:s21] =	ssyncset.done $0x0;
	(pc) =	sbr.rel @p0 .LBB2_1-.Ltmp1, $4  }
0x7a: {  	[sflag:s21] =	ssyncadd.s32 $0xFFFF8000  }
0x7b: {  	_ =	swait.ge [sflag:s22], $0x8000  }
0x7c: {  	[sflag:s22] =	ssyncset.done $0x0  }
0x7d: {  	[sflag:s22] =	ssyncadd.s32 $0xFFFF8000  }
0x7e: {  	_ =	sfence.sel $0x180000  }
0x7f: {  	[bflag:$0x0] =	sbarrier.arrive $0xFFFF  }
0x80: {  	p0 =	sne.s32 s1, $0x0;
	_ =	strace $0x90000050  }
0x81: {  	s0 =	sadd.s32 @!p0 $0x100000, s0;
	[bflag:$0x2] =	sbarrier.arrive $0xFFFF  }
0x82: {  	[sflag:s0] =	ssyncadd.tile.s32 @!p0 $0x1;
	_ =	shalt  }
.Lfunc_end2:
_tile_overlayer_lowered:
.L_overlay_start_2:
0x83: {  	(tag) =	ssettag $0x2  }
0x84: {  	s0 =	rddreg [dreg:$0x0];
	s2 =	stileid.u32  }
0x85: {  	s1 =	rddreg [dreg:$0x1];
	p0 =	sne.s32 s2, $0x0  }
0x86: {  	s3 =	rddreg [dreg:$0x2];
	[bflag:$0x3] =	sbarrier.arrive $0xFFFF;
	s2 =	simm.s32 @!p0 $0x1C04  }
0x87: {  	[timem:s3], [sflag:s2] =	dma.local @!p0 [hbm:s0], s1  }
0x88: {  	s0 =	simm.s32 @!p0 $0x4  }
0x89: {  	_ =	swait.ge @!p0 [sflag:s0], s1  }
0x8a: {  	s1 =	ssub.s32 @!p0 $0x0, s1;
	[sflag:s0] =	ssyncset.done @!p0 $0x0  }
0x8b: {  	[sflag:s0] =	ssyncadd.s32 @!p0 s1  }
0x8c: {  	[bflag:$0x3] =	sbarrier.arrive $0xFFFF  }
0x8d: {  	_ =	shalt  }

// kernel: kernel.43.cloned.1.call-start
scs
__scs_entry_jumppad:
0x0: {  	(pc) =	sbr.rel $0x88, $3  }
0x1: {  	(tag) =	ssettag $0x0;
	lr =	simm.s32 $0x1  }
0x2: {  	[smem:$0x3F93] =	sst lr;
	_ =	strace $0xD0000000  }
0x3: {  	_ = 	snop  }
0x4: {  	_ = 	snop  }
0x5: {  	_ = 	snop  }
0x6: {  	_ = 	snop  }
0x7: {  	_ = 	snop  }
__scs_overlays_trampoline_lowered:
0x8: {  	[smem:$0x3FA2] =	sst s0  }
0x9: {  	[smem:$0x3FA3] =	sst s1  }
0xa: {  	[smem:$0x3FA4] =	sst s2  }
0xb: {  	[smem:$0x3FA5] =	sst s3  }
0xc: {  	[smem:$0x3FA6] =	sst s4  }
0xd: {  	[smem:$0x3FA7] =	sst s5  }
0xe: {  	[smem:$0x3FA8] =	sst s6  }
0xf: {  	[smem:$0x3FA9] =	sst s7  }
0x10: {  	[smem:$0x3FAA] =	sst s8  }
0x11: {  	[smem:$0x3FAB] =	sst s9;
	s0 =	simm.s32 @!p0 $0x0  }
0x12: {  	s1 =	sld [smem:$0x3F91];
	s0 =	simm.s32 @p0 $0x1  }
0x13: {  	[smem:$0x3FAC] =	sst s0;
	s0 =	simm.s32 @!p1 $0x0  }
0x14: {  	s2 =	sld [smem:$0x3F90];
	s0 =	simm.s32 @p1 $0x1  }
0x15: {  	[smem:$0x3FAD] =	sst s0;
	s0 =	simm.s32 @!p2 $0x0  }
0x16: {  	s3 =	sld [smem:$0x3FDB];
	s0 =	simm.s32 @p2 $0x1  }
0x17: {  	s4 =	simm.s32 $0x1BF5;
	[smem:$0x3FAF] =	sst s0  }
0x18: {  	s0 =	sld [smem:$0x3F92];
	_ =	swait.ge [sflag:s4], $0x0  }
0x19: {  	s7 =	sld [smem:$0x3F93]  }
0x1a: {  	s8 =	sadd.s32 $0xFFFFE003, lr  }
0x1b: {  	s9 =	sadd.s32 $0xFFFFFEF7, lr;
	s5 =	simm.s32 $0xFFFFFFFF;
	p2 =	slt.u32 s8, $0xFFFFF086  }
0x1c: {  	p1 =	slt.u32 s9, $0xF7A;
	s5 =	simm.s32 @!p2 $0x0  }
0x1d: {  	s5 =	simm.s32 @p1 $0x1;
	p0 =	seq.s32 s7, s2  }
0x1e: {  	s7 =	smul.u32 @!p0 $0xF7A, s2;
	p2 =	seq.s32 @!p0 s5, $0x0  }
0x1f: {  	s9 =	smul.u32 $0xF7A, s1;
	s8 =	simm.s32 @!p0 $0x1BF5;
	p2 =	por !p2, p0  }
0x20: {  	[sflag:s8] =	ssyncset.s32 @!p0 $0xFFFFF086;
	s6 =	sadd.s32 @!p0 s3, s7;
	s7 =	simm.s32 @!p0 $0x108  }
0x21: {  	s3 =	sadd.s32 s3, s9;
	s6 =	sadd.s32 @!p0 $0x88, s6;
	s7 =	simm.s32 @p2 $0x1082  }
0x22: {  	[simem:s7], [sflag:s8] =	dma.local @!p0 [hbm:s6], $0xF7A  }
0x23: {  	s9 =	sor.u32 $0xD0000000, s2;
	s6 =	simm.s32 $0x108;
	_ =	swait.ge @!p0 [sflag:s8], $0x0  }
0x24: {  	s3 =	sadd.s32 $0x88, s3;
	s6 =	simm.s32 @!p1 $0x1082;
	[sflag:s4] =	ssyncset.s32 $0xFFFFF086  }
0x25: {  	[simem:s6], [sflag:s4] =	dma.local [hbm:s3], $0xF7A  }
0x26: {  	[smem:$0x3F93] =	sst s1;
	(tag) =	ssettag s2;
	_ =	strace s9  }
0x27: {  	s1 =	sld [smem:$0x3FA3]  }
0x28: {  	s2 =	sld [smem:$0x3FA4]  }
0x29: {  	s4 =	sld [smem:$0x3FA6]  }
0x2a: {  	p0 =	seq.s32 s5, $0x0;
	s5 =	sld [smem:$0x3FA7]  }
0x2b: {  	s6 =	sld [smem:$0x3FA8]  }
0x2c: {  	s7 =	sld [smem:$0x3FA9]  }
0x2d: {  	s3 =	simm.s32 $0x108;
	s8 =	sld [smem:$0x3FAA]  }
0x2e: {  	s3 =	simm.s32 @!p0 $0x1082;
	s9 =	sld [smem:$0x3FAB]  }
0x2f: {  	lr =	sadd.s32 s0, s3;
	s0 =	sld [smem:$0x3FA2]  }
0x30: {  	s3 =	sld [smem:$0x3FA5]  }
0x31: {  	[smem:$0x3FAE] =	sst s10  }
0x32: {  	s10 =	sld [smem:$0x3FAC];
	_ =	sdelay $0x3  }
0x33: {  	p0 =	seq.s32 s10, $0x1;
	s10 =	sld [smem:$0x3FAE];
	_ =	sdelay $0x3  }
0x34: {  	[smem:$0x3FAE] =	sst s10  }
0x35: {  	s10 =	sld [smem:$0x3FAD];
	_ =	sdelay $0x3  }
0x36: {  	p1 =	seq.s32 s10, $0x1;
	s10 =	sld [smem:$0x3FAE];
	_ =	sdelay $0x3  }
0x37: {  	[smem:$0x3FAE] =	sst s10  }
0x38: {  	s10 =	sld [smem:$0x3FAF]  }
0x39: {  	_ = 	snop;
	(pc) =	sbr.ind lr, $3  }
0x3a: {  	_ = 	snop  }
0x3b: {  	_ = 	snop  }
0x3c: {  	p2 =	seq.s32 s10, $0x1;
	s10 =	sld [smem:$0x3FAE]  }
0x3d: {  	_ =	shalt  }
0x3e: {  	_ =	shalt  }
0x3f: {  	_ =	shalt  }
0x40: {  	_ =	shalt  }
0x41: {  	_ =	shalt  }
0x42: {  	_ =	shalt  }
0x43: {  	_ =	shalt  }
0x44: {  	_ =	shalt  }
0x45: {  	_ =	shalt  }
0x46: {  	_ =	shalt  }
0x47: {  	_ =	shalt  }
0x48: {  	_ =	shalt  }
0x49: {  	_ =	shalt  }
0x4a: {  	_ =	shalt  }
0x4b: {  	_ =	shalt  }
0x4c: {  	_ =	shalt  }
0x4d: {  	_ =	shalt  }
0x4e: {  	_ =	shalt  }
0x4f: {  	_ =	shalt  }
0x50: {  	_ =	shalt  }
0x51: {  	_ =	shalt  }
0x52: {  	_ =	shalt  }
0x53: {  	_ =	shalt  }
0x54: {  	_ =	shalt  }
0x55: {  	_ =	shalt  }
0x56: {  	_ =	shalt  }
0x57: {  	_ =	shalt  }
0x58: {  	_ =	shalt  }
0x59: {  	_ =	shalt  }
0x5a: {  	_ =	shalt  }
0x5b: {  	_ =	shalt  }
0x5c: {  	_ =	shalt  }
0x5d: {  	_ =	shalt  }
0x5e: {  	_ =	shalt  }
0x5f: {  	_ =	shalt  }
0x60: {  	_ =	shalt  }
0x61: {  	_ =	shalt  }
0x62: {  	_ =	shalt  }
0x63: {  	_ =	shalt  }
0x64: {  	_ =	shalt  }
0x65: {  	_ =	shalt  }
0x66: {  	_ =	shalt  }
0x67: {  	_ =	shalt  }
0x68: {  	_ =	shalt  }
0x69: {  	_ =	shalt  }
0x6a: {  	_ =	shalt  }
0x6b: {  	_ =	shalt  }
0x6c: {  	_ =	shalt  }
0x6d: {  	_ =	shalt  }
0x6e: {  	_ =	shalt  }
0x6f: {  	_ =	shalt  }
0x70: {  	_ =	shalt  }
0x71: {  	_ =	shalt  }
0x72: {  	_ =	shalt  }
0x73: {  	_ =	shalt  }
0x74: {  	_ =	shalt  }
0x75: {  	_ =	shalt  }
0x76: {  	_ =	shalt  }
0x77: {  	_ =	shalt  }
0x78: {  	_ =	shalt  }
0x79: {  	_ =	shalt  }
0x7a: {  	_ =	shalt  }
0x7b: {  	_ =	shalt  }
0x7c: {  	_ =	shalt  }
0x7d: {  	_ =	shalt  }
0x7e: {  	_ =	shalt  }
0x7f: {  	_ =	shalt  }
0x80: {  	_ =	shalt  }
0x81: {  	_ =	shalt  }
0x82: {  	_ =	shalt  }
0x83: {  	_ =	shalt  }
0x84: {  	_ =	shalt  }
0x85: {  	_ =	shalt  }
0x86: {  	_ =	shalt  }
0x87: {  	_ =	shalt  }
.Lfunc_end0:
.L_simem_size_0:
called_computation.5_lowered:
.L_overlay_start_0:
0x88: {  	s2 =	sld [smem:$0x3FD9]  }
0x89: {  	s3 =	sld [smem:$0x3FFE];
	_ =	sdelay $0x1  }
0x8a: {  	s1 =	srdreg.scid  }
0x8b: {  	s0 =	sand.u32 $0x1, s1  }
0x8c: {  	s15 =	sshll.u32 s0, $0xA;
	s2 =	sadd.s32 s3, s2  }
0x8d: {  	s2 =	sadd.s32 s2, s15  }
0x8e: {  	[smem:$0x3FBA] =	sst s2  }
0x8f: {  	_ = 	snop  }
0x90: {  	s2 =	sld [smem:$0x3FD0];
	_ =	sdelay $0x2  }
0x91: {  	s16 =	simm.s32 $0xB;
	s4 =	simm.s32 $0x10  }
0x92: {  	[smem:s4], [sflag:s16] =	dma.local [hbm:s2], $0x1  }
0x93: {  	_ =	swait.eq [sflag:s16], $0x1  }
0x94: {  	[sflag:s16] =	ssyncset.done $0x0  }
0x95: {  	[sflag:s16] =	ssyncadd.s32 $0xFFFFFFFF  }
0x96: {  	s17 =	sld [smem:$0x11];
	(tm) =	ssettm $0x1  }
0x97: {  	s18 =	sld [smem:$0x3FFB];
	_ =	sdelay $0x3  }
0x98: {  	_ =	strace s18  }
0x99: {  	s2 =	sld [smem:$0x3FFC];
	_ =	sdelay $0x3  }
0x9a: {  	_ =	strace s2  }
0x9b: {  	s2 =	sld [smem:$0x3FFD];
	_ =	sdelay $0x3  }
0x9c: {  	_ =	strace s2  }
0x9d: {  	_ =	strace $0x8FFFFFFF  }
0x9e: {  	s19 =	sld [smem:$0x3FDB];
	_ =	sdelay $0x1  }
0x9f: {  	s20 =	simm.s32 $_scs_section_size  }
0xa0: {  	s5 =	simm.s32 $_size__tile_overlayer_lowered;
	s6 =	simm.s32 $_tile_overlayer_lowered  }
0xa1: {  	s7 =	simm.s32 $0x1BFF;
	s21 =	sshll.u32 s6, $0x1;
	s4 =	sadd.s32 s20, s19  }
0xa2: {  	s22 =	simm.s32 $0x0;
	s5 =	sshll.u32 s5, $0x1;
	s6 =	sadd.s32 s21, s4  }
0xa3: {  	[timem:s22], [sflag:s7] =	dma.local [hbm:s6], s5  }
0xa4: {  	_ =	swait.ge [sflag:s7], s5  }
0xa5: {  	s5 =	ssub.s32 $0x0, s5;
	[sflag:s7] =	ssyncset.done $0x0  }
0xa6: {  	[sflag:s7] =	ssyncadd.s32 s5;
	_ =	sdelay $0x1  }
0xa7: {  	s23 =	simm.s32 $0x1B8B  }
0xa8: {  	_ =	swait.ge [sflag:s23], $0x1  }
0xa9: {  	[sflag:s23] =	ssyncset.done $0x0  }
0xaa: {  	[sflag:s23] =	ssyncadd.s32 $0xFFFFFFFF  }
0xab: {  	s5 =	sld [smem:$0x0]  }
0xac: {  	s6 =	sand.u32 $0xFFFFFFFE, s1  }
0xad: {  	p0 =	sne.s32 s1, s6  }
0xae: {  	s6 =	sshll.u32 @p0 s6, $0xE  }
0xaf: {  	s6 =	sadd.s32 @p0 $0x11B8D, s6;
	s7 =	sshll.u32 @p0 s5, $0x11  }
0xb0: {  	s6 =	sor.u32 @p0 s7, s6  }
0xb1: {  	[sflag:s6] =	ssyncadd.remote.s32 @p0 $0x1;
	_ =	sdelay $0x1  }
0xb2: {  	s6 =	simm.s32 @p0 $0x1B8D  }
0xb3: {  	_ =	swait.eq @p0 [sflag:s6], $0x1  }
0xb4: {  	[sflag:s6] =	ssyncadd.s32 @p0 $0xFFFFFFFF  }
0xb5: {  	s7 =	sshll.u32 @!p0 s1, $0xE  }
0xb6: {  	s7 =	sor.u32 @!p0 $0x4000, s7;
	s6 =	simm.s32 @!p0 $0x1B8D  }
0xb7: {  	s5 =	sshll.u32 @!p0 s5, $0x11;
	s7 =	sadd.s32 @!p0 $0x11B8D, s7;
	_ =	swait.eq @!p0 [sflag:s6], $0x1  }
0xb8: {  	s5 =	sor.u32 @!p0 s5, s7;
	[sflag:s6] =	ssyncadd.s32 @!p0 $0xFFFFFFFF  }
0xb9: {  	s25 =	simm.s32 $0x1B8E;
	s24 =	sld [smem:$0x3FFE];
	[sflag:s5] =	ssyncadd.remote.s32 @!p0 $0x1  }
0xba: {  	s26 =	simm.s32 $execute0_lowered;
	[smem:$0x3FD2] =	sst s25  }
0xbb: {  	s6 =	sshll.u32 s26, $0x1;
	_ =	strace $0x80000055;
	[dreg:$0x1] =	wrdreg $0xFFFFFFFF  }
0xbc: {  	s28 =	simm.s32 $_size_execute0_lowered;
	s4 =	sadd.s32 s4, s6;
	[dreg:$0x0] =	wrdreg $0x0  }
0xbd: {  	s6 =	sshll.u32 s28, $0x1;
	[dreg:$0x2] =	wrdreg s4  }
0xbe: {  	[dreg:$0x3] =	wrdreg s6  }
0xbf: {  	[dreg:$0x4] =	wrdreg $0xC0  }
0xc0: {  	_ =	task [dreg:s22], $0x5FFFF  }
0xc1: {  	[dreg:$0x1] =	wrdreg $0xFFFFFFFF  }
0xc2: {  	[dreg:$0x0] =	wrdreg $0x60  }
0xc3: {  	[dreg:$0x2] =	wrdreg s17  }
0xc4: {  	[dreg:$0x3] =	wrdreg s24  }
0xc5: {  	[dreg:$0x4] =	wrdreg $0xA  }
0xc6: {  	_ =	task.clear_ibuf [dreg:s22], $0x5FFFF;
	_ =	strace $0x90000055  }
0xc7: {  	s29 =	simm.s32 $0xA;
	_ =	strace $0x80000057  }
0xc8: {  	_ =	swait.ge [sflag:s29], $0x1  }
0xc9: {  	[sflag:s29] =	ssyncadd.s32 $0xFFFFFFFF  }
0xca: {  	_ =	strace $0x90000057  }
0xcb: {  	_ =	sfence  }
0xcc: {  	s30 =	sld [smem:$0x0];
	_ =	sdelay $0x2  }
0xcd: {  	s31 =	sshll.u32 s1, $0xD;
	s1 =	sshrl.u32 s1, $0x2  }
0xce: {  	s4 =	sand.u32 $0x4000, s31;
	s1 =	sadd.s32 s1, s30  }
0xcf: {  	s0 =	sor.u32 s4, s0;
	s1 =	sshll.u32 s1, $0x11  }
0xd0: {  	s0 =	sor.u32 s1, s0  }
0xd1: {  	s0 =	sadd.s32 $0x8F2B, s0  }
0xd2: {  	[sflag:s0] =	ssyncadd.remote.s32 $0x1  }
0xd3: {  	_ =	sfence.sel $0xFFFF  }
0xd4: {  	[dreg:$0x0] =	wrdreg $0xFFFFFFFF;
	(pc) =	sbr.abs _section_cstart, $3  }
0xd5: {  	[dreg:$0x1] =	wrdreg $0xFFFFFFFF  }
0xd6: {  	_ =	task.clear_ibuf [dreg:s22], $0x2FFFF;
	_ =	strace $0x9FFFFFFF  }
0xd7: {  	(tm) =	ssettm $0x7FFFFFFF  }
tec
execute0_lowered:
.L_overlay_start_1:
0x0: {  	(tag) =	ssettag $0x1  }
0x1: {  	s2 =	rddreg [dreg:$0x0]  }
0x2: {  	s4 =	rddreg [dreg:$0x1]  }
0x3: {  	s0 =	rddreg [dreg:$0x2]  }
0x4: {  	s5 =	srdreg.scid;
	s1 =	stileid.u32  }
0x5: {  	s3 =	simm.s32 $0x0;
	s15 =	simm.s32 $0x4200;
	s16 =	simm.s32 $0x1  }
0x6: {  	s17 =	simm.s32 $0x100;
	s18 =	simm.s32 $0x8200;
	s19 =	simm.s32 $0x180  }
0x7: {  	s20 =	simm.s32 $0xC200;
	s21 =	simm.s32 $0x2;
	s22 =	simm.s32 $0x3  }
0x8: {  	s23 =	simm.s32 $0x0;
	s9 =	sand.u32 $0x1, s5;
	s12 =	smul.u32 $0x2800, s1  }
0x9: {  	s25 =	sshll.u32 s1, $0x1;
	[smem:$0x7FF] =	sst s3;
	s14 =	smul.u32 $0x28000, s1  }
0xa: {  	s11 =	sadd.s32 $0x2C600, s4;
	s10 =	sadd.s32 $0x81600, s4;
	s13 =	smul.u32 $0x1400, s9  }
0xb: {  	s6 =	ssub.s32 $0x2, s9;
	s5 =	sor.u32 s9, s25;
	s9 =	smul.u32 $0x14000, s9  }
0xc: {  	_ =	strace $0x80000056;
	s7 =	sshrl.u32 s6, $0x1;
	s8 =	smul.u32 $0x1400, s5  }
0xd: {  	s29 =	smul.u32 $0x14000, s5;
	s26 =	ssub.s32 s6, s7;
	s12 =	sadd.s32 s13, s12  }
0xe: {  	s4 =	smax.u32 s26, $0x1;
	s28 =	sshrl.u32 s8, $0x3;
	s8 =	sor.u32 $0x100, s8  }
0xf: {  	s6 =	sadd.s32 s10, s29;
	s13 =	sor.u32 $0x300, s12;
	s12 =	sor.u32 $0x200, s12  }
0x10: {  	s5 =	sadd.s32 s11, s28;
	s30 =	sshrl.u32 s8, $0x3;
	s8 =	sshll.u32 s8, $0x4  }
0x11: {  	s31 =	sshrl.u32 s13, $0x3;
	s12 =	sshrl.u32 s12, $0x3;
	s13 =	simm.s32 $0x80  }
0x12: {  	s7 =	sadd.s32 s11, s30;
	s8 =	sadd.s32 s10, s8;
	s10 =	sadd.s32 s14, s10  }
0x13: {  	s14 =	simm.s32 $0x200;
	s9 =	sadd.s32 s9, s10;
	s10 =	sadd.s32 s31, s11  }
0x14: {  	s11 =	sadd.s32 s12, s11;
	s12 =	simm.s32 $0x4;
	s9 =	sadd.s32 $0x3000, s9  }
.LBB2_1:
0x15: {  	[tilespmem:s3], [sflag:$0x4] =	stream.linear.gather [hbm4b:s5+s3], $0x100, $0x38;
	[tilespmem:$0x10200] =	vst v63  }
0x16: {  	_ =	swait.ge [sflag:s12], $0x100  }
0x17: {  	[sflag:s12] =	ssyncset.done $0x0  }
0x18: {  	[sflag:s12] =	ssyncadd.s32 $0xFFFFFF00  }
0x19: {  	[tilespmem:s14], [sflag:$0x1] =	stream.indirect.gather [hbm4b:s2+s13], $0x80, s3, s13, $0xb8;
	[tilespmem:$0x10200] =	vst v63  }
0x1a: {  	_ = 	snop  }
0x1b: {  	[tilespmem:s15], [sflag:$0x1] =	stream.indirect.gather [hbm4b:s2+s13], $0x80, s13, s13, $0xb8;
	[tilespmem:$0x10200] =	vst v63  }
0x1c: {  	_ =	swait.ge [sflag:s16], $0x4000  }
0x1d: {  	[sflag:s16] =	ssyncset.done $0x0  }
0x1e: {  	[sflag:s16] =	ssyncadd.s32 $0xFFFFC000  }
0x1f: {  	_ =	swait.ge [sflag:s16], $0x4000  }
0x20: {  	[sflag:s16] =	ssyncset.done $0x0  }
0x21: {  	[sflag:s16] =	ssyncadd.s32 $0xFFFFC000  }
0x22: {  	[hbm4b:s6+s3] =	stream.linear.scatter [tilespmem:s14], [sflag:$0x2], $0x8000, $0x38;
	[tilespmem:$0x10200] =	vst v63  }
0x23: {  	_ = 	snop  }
0x24: {  	[tilespmem:s17], [sflag:$0x4] =	stream.linear.gather [hbm4b:s7+s3], $0x100, $0x38;
	[tilespmem:$0x10200] =	vst v63  }
0x25: {  	_ =	swait.ge [sflag:s12], $0x100  }
0x26: {  	[sflag:s12] =	ssyncset.done $0x0  }
0x27: {  	[sflag:s12] =	ssyncadd.s32 $0xFFFFFF00  }
0x28: {  	[tilespmem:s18], [sflag:$0x1] =	stream.indirect.gather [hbm4b:s2+s13], $0x80, s17, s13, $0xb8;
	[tilespmem:$0x10200] =	vst v63  }
0x29: {  	_ = 	snop  }
0x2a: {  	[tilespmem:s20], [sflag:$0x1] =	stream.indirect.gather [hbm4b:s2+s13], $0x80, s19, s13, $0xb8;
	[tilespmem:$0x10200] =	vst v63  }
0x2b: {  	_ =	swait.ge [sflag:s16], $0x4000  }
0x2c: {  	[sflag:s16] =	ssyncset.done $0x0  }
0x2d: {  	[sflag:s16] =	ssyncadd.s32 $0xFFFFC000  }
0x2e: {  	_ =	swait.ge [sflag:s16], $0x4000  }
0x2f: {  	[sflag:s16] =	ssyncset.done $0x0  }
0x30: {  	[sflag:s16] =	ssyncadd.s32 $0xFFFFC000  }
0x31: {  	[hbm4b:s8+s3] =	stream.linear.scatter [tilespmem:s18], [sflag:$0x3], $0x8000, $0x38;
	[tilespmem:$0x10200] =	vst v63  }
0x32: {  	_ =	swait.ge [sflag:s21], $0x8000  }
0x33: {  	[sflag:s21] =	ssyncset.done $0x0  }
0x34: {  	s24 =	sadd.s32 $0x0, s11;
	[sflag:s21] =	ssyncadd.s32 $0xFFFF8000  }
0x35: {  	[tilespmem:s3], [sflag:$0x4] =	stream.linear.gather [hbm4b:s24+s3], $0x100, $0x38;
	[tilespmem:$0x10200] =	vst v63  }
0x36: {  	_ =	swait.ge [sflag:s12], $0x100  }
0x37: {  	[sflag:s12] =	ssyncset.done $0x0  }
0x38: {  	[sflag:s12] =	ssyncadd.s32 $0xFFFFFF00  }
0x39: {  	[tilespmem:s14], [sflag:$0x1] =	stream.indirect.gather [hbm4b:s2+s13], $0x80, s3, s13, $0xb8;
	[tilespmem:$0x10200] =	vst v63  }
0x3a: {  	_ = 	snop  }
0x3b: {  	[tilespmem:s15], [sflag:$0x1] =	stream.indirect.gather [hbm4b:s2+s13], $0x80, s13, s13, $0xb8;
	[tilespmem:$0x10200] =	vst v63  }
0x3c: {  	_ =	swait.ge [sflag:s16], $0x4000  }
0x3d: {  	[sflag:s16] =	ssyncset.done $0x0  }
0x3e: {  	[sflag:s16] =	ssyncadd.s32 $0xFFFFC000  }
0x3f: {  	_ =	swait.ge [sflag:s16], $0x4000  }
0x40: {  	[sflag:s16] =	ssyncset.done $0x0  }
0x41: {  	s30 =	sadd.s32 $0xFFFFF000, s9;
	[sflag:s16] =	ssyncadd.s32 $0xFFFFC000  }
0x42: {  	[hbm4b:s30+s3] =	stream.linear.scatter [tilespmem:s14], [sflag:$0x2], $0x8000, $0x38;
	[tilespmem:$0x10200] =	vst v63  }
0x43: {  	_ =	swait.ge [sflag:s22], $0x8000  }
0x44: {  	[sflag:s22] =	ssyncset.done $0x0  }
0x45: {  	s31 =	sadd.s32 $0x0, s10;
	[sflag:s22] =	ssyncadd.s32 $0xFFFF8000  }
0x46: {  	[tilespmem:s17], [sflag:$0x4] =	stream.linear.gather [hbm4b:s31+s3], $0x100, $0x38;
	[tilespmem:$0x10200] =	vst v63  }
0x47: {  	_ =	swait.ge [sflag:s12], $0x100  }
0x48: {  	[sflag:s12] =	ssyncset.done $0x0  }
0x49: {  	[sflag:s12] =	ssyncadd.s32 $0xFFFFFF00  }
0x4a: {  	[tilespmem:s18], [sflag:$0x1] =	stream.indirect.gather [hbm4b:s2+s13], $0x80, s17, s13, $0xb8;
	[tilespmem:$0x10200] =	vst v63  }
0x4b: {  	_ = 	snop  }
0x4c: {  	[tilespmem:s20], [sflag:$0x1] =	stream.indirect.gather [hbm4b:s2+s13], $0x80, s19, s13, $0xb8;
	[tilespmem:$0x10200] =	vst v63  }
0x4d: {  	_ =	swait.ge [sflag:s16], $0x4000  }
0x4e: {  	[sflag:s16] =	ssyncset.done $0x0  }
0x4f: {  	[sflag:s16] =	ssyncadd.s32 $0xFFFFC000  }
0x50: {  	_ =	swait.ge [sflag:s16], $0x4000  }
0x51: {  	s25 =	sadd.s32 $0x2000, s9;
	[sflag:s16] =	ssyncset.done $0x0  }
0x52: {  	s26 =	smov.u32 s9;
	s24 =	simm.s32 $0x40;
	[sflag:s16] =	ssyncadd.s32 $0xFFFFC000  }
.LBB2_2:
0x53: {  	[hbm4b:s26+s3] =	stream.linear.scatter [tilespmem:s18], [sflag:$0x3], $0x8000, $0x38;
	[tilespmem:$0x10200] =	vst v63  }
0x54: {  	s28 =	smov.u32 s24;
	s26 =	smov.u32 s25  }
0x55: {  	p0 =	sne.s32 s24, $0x200;
	s24 =	sadd.s32 $0x40, s24;
	_ =	swait.ge [sflag:s21], $0x8000  }
0x56: {  	[sflag:s21] =	ssyncset.done $0x0  }
0x57: {  	s29 =	sadd.s32 s28, s11;
	[sflag:s21] =	ssyncadd.s32 $0xFFFF8000  }
0x58: {  	[tilespmem:s3], [sflag:$0x4] =	stream.linear.gather [hbm4b:s29+s3], $0x100, $0x38;
	[tilespmem:$0x10200] =	vst v63  }
0x59: {  	_ =	swait.ge [sflag:s12], $0x100  }
0x5a: {  	[sflag:s12] =	ssyncset.done $0x0  }
0x5b: {  	[sflag:s12] =	ssyncadd.s32 $0xFFFFFF00  }
0x5c: {  	[tilespmem:s14], [sflag:$0x1] =	stream.indirect.gather [hbm4b:s2+s13], $0x80, s3, s13, $0xb8;
	[tilespmem:$0x10200] =	vst v63  }
0x5d: {  	_ = 	snop  }
0x5e: {  	[tilespmem:s15], [sflag:$0x1] =	stream.indirect.gather [hbm4b:s2+s13], $0x80, s13, s13, $0xb8;
	[tilespmem:$0x10200] =	vst v63  }
0x5f: {  	_ =	swait.ge [sflag:s16], $0x4000  }
0x60: {  	[sflag:s16] =	ssyncset.done $0x0  }
0x61: {  	[sflag:s16] =	ssyncadd.s32 $0xFFFFC000  }
0x62: {  	_ =	swait.ge [sflag:s16], $0x4000  }
0x63: {  	[sflag:s16] =	ssyncset.done $0x0  }
0x64: {  	s29 =	sadd.s32 $0xFFFFF000, s25;
	[sflag:s16] =	ssyncadd.s32 $0xFFFFC000  }
0x65: {  	[hbm4b:s29+s3] =	stream.linear.scatter [tilespmem:s14], [sflag:$0x2], $0x8000, $0x38;
	[tilespmem:$0x10200] =	vst v63  }
0x66: {  	_ =	swait.ge [sflag:s22], $0x8000  }
0x67: {  	[sflag:s22] =	ssyncset.done $0x0  }
0x68: {  	s28 =	sadd.s32 s28, s10;
	[sflag:s22] =	ssyncadd.s32 $0xFFFF8000  }
0x69: {  	[tilespmem:s17], [sflag:$0x4] =	stream.linear.gather [hbm4b:s28+s3], $0x100, $0x38;
	[tilespmem:$0x10200] =	vst v63  }
0x6a: {  	_ =	swait.ge [sflag:s12], $0x100  }
0x6b: {  	[sflag:s12] =	ssyncset.done $0x0  }
0x6c: {  	[sflag:s12] =	ssyncadd.s32 $0xFFFFFF00  }
0x6d: {  	[tilespmem:s18], [sflag:$0x1] =	stream.indirect.gather [hbm4b:s2+s13], $0x80, s17, s13, $0xb8;
	[tilespmem:$0x10200] =	vst v63  }
0x6e: {  	_ = 	snop  }
0x6f: {  	[tilespmem:s20], [sflag:$0x1] =	stream.indirect.gather [hbm4b:s2+s13], $0x80, s19, s13, $0xb8;
	[tilespmem:$0x10200] =	vst v63  }
0x70: {  	_ =	swait.ge [sflag:s16], $0x4000  }
.Ltmp0:
0x71: {  	[sflag:s16] =	ssyncset.done $0x0;
	(pc) =	sbr.rel @p0 .LBB2_2-.Ltmp0, $4  }
0x72: {  	[sflag:s16] =	ssyncadd.s32 $0xFFFFC000  }
0x73: {  	_ =	swait.ge [sflag:s16], $0x4000  }
0x74: {  	[sflag:s16] =	ssyncset.done $0x0  }
0x75: {  	s25 =	sadd.s32 $0x2000, s25;
	[sflag:s16] =	ssyncadd.s32 $0xFFFFC000  }
0x76: {  	[hbm4b:s26+s3] =	stream.linear.scatter [tilespmem:s18], [sflag:$0x3], $0x8000, $0x38;
	[tilespmem:$0x10200] =	vst v63  }
0x77: {  	s23 =	sadd.s32 $0x1, s23  }
0x78: {  	_ =	swait.ge [sflag:s21], $0x8000;
	p0 =	sne.s32 s23, s4  }
.Ltmp1:
0x79: {  	[sflag:s21] =	ssyncset.done $0x0;
	(pc) =	sbr.rel @p0 .LBB2_1-.Ltmp1, $4  }
0x7a: {  	[sflag:s21] =	ssyncadd.s32 $0xFFFF8000  }
0x7b: {  	_ =	swait.ge [sflag:s22], $0x8000  }
0x7c: {  	[sflag:s22] =	ssyncset.done $0x0  }
0x7d: {  	[sflag:s22] =	ssyncadd.s32 $0xFFFF8000  }
0x7e: {  	_ =	sfence.sel $0x180000  }
0x7f: {  	[bflag:$0x0] =	sbarrier.arrive $0xFFFF  }
0x80: {  	p0 =	sne.s32 s1, $0x0;
	_ =	strace $0x90000056  }
0x81: {  	s0 =	sadd.s32 @!p0 $0x100000, s0;
	[bflag:$0x2] =	sbarrier.arrive $0xFFFF  }
0x82: {  	[sflag:s0] =	ssyncadd.tile.s32 @!p0 $0x1;
	_ =	shalt  }
.Lfunc_end2:
_tile_overlayer_lowered:
.L_overlay_start_2:
0x83: {  	(tag) =	ssettag $0x2  }
0x84: {  	s0 =	rddreg [dreg:$0x0];
	s2 =	stileid.u32  }
0x85: {  	s1 =	rddreg [dreg:$0x1];
	p0 =	sne.s32 s2, $0x0  }
0x86: {  	s3 =	rddreg [dreg:$0x2];
	[bflag:$0x3] =	sbarrier.arrive $0xFFFF;
	s2 =	simm.s32 @!p0 $0x1C04  }
0x87: {  	[timem:s3], [sflag:s2] =	dma.local @!p0 [hbm:s0], s1  }
0x88: {  	s0 =	simm.s32 @!p0 $0x4  }
0x89: {  	_ =	swait.ge @!p0 [sflag:s0], s1  }
0x8a: {  	s1 =	ssub.s32 @!p0 $0x0, s1;
	[sflag:s0] =	ssyncset.done @!p0 $0x0  }
0x8b: {  	[sflag:s0] =	ssyncadd.s32 @!p0 s1  }
0x8c: {  	[bflag:$0x3] =	sbarrier.arrive $0xFFFF  }
0x8d: {  	_ =	shalt  }

</sc_bundles>
